<compile_context>
chip_gen: v7x
topology: tpu7x:2x2x1
jax: 0.10.2.dev20260603
libtpu: 0.0.44.dev20260713+nightly
codegen_flags: <defaults>
</compile_context>

<pallas_src>
import functools

import numpy as np

import jax
import jax.numpy as jnp
from jax import lax
from jax.experimental import pallas as pl
from jax.experimental.pallas import tpu as pltpu
from jax.experimental.pallas import tpu_sc as plsc

N = 10000
V = 2230
H = 128
SEL = 2
D = H + SEL
ET = 6
PMAX = 4096
C = 2
G = 64
T = 2
E_CTRL, E_DATA, E_CALL = 80000, 64000, 16000
E = 2 * (E_CTRL + E_DATA + E_CALL)

DP = 144
NP = 10112
NC, NS = 2, 16
NW = NC * NS
CHUNK = 64
GG = 18
NG0 = 9
NG1 = 9
CPT0 = NG0 * GG
CPT1 = NG1 * GG
TOTC = NS * (CPT0 + CPT1)
E_PAD = TOTC * CHUNK
ROWS_PT = NP // NS
ECH = 128

RB = 1264
NBLK = NP // RB

_ET_NP = np.concatenate([
    np.full(E_CTRL, 0), np.full(E_DATA, 1), np.full(E_CALL, 2),
    np.full(E_CTRL, 3), np.full(E_DATA, 4), np.full(E_CALL, 5),
]).astype(np.int32)



def _make_edge_pass():
  mesh = plsc.VectorSubcoreMesh(core_axis_name="c", subcore_axis_name="s")

  def body(table, gidx, dstidx, init, out, gbuf, dbuf, rbuf, acc,
           gs0, gs1, gs2, ss0, ss1, ss2, isem):
    c = lax.axis_index("c")
    s = lax.axis_index("s")
    ng = jnp.where(c == 0, NG0, NG1)
    cbase = jnp.where(c == 0, s * CPT0, NS * CPT0 + s * CPT1)
    gsems = [gs0, gs1, gs2]
    ssems = [ss0, ss1, ss2]
    r0 = s * ROWS_PT
    pltpu.sync_copy(init.at[c, pl.ds(r0, ROWS_PT)], acc.at[pl.ds(r0, ROWS_PT)])
    pltpu.sync_copy(gidx.at[pl.ds(cbase, GG)], gbuf.at[0])
    pltpu.sync_copy(dstidx.at[pl.ds(cbase, GG)], dbuf.at[0])
    pltpu.async_copy(table.at[gbuf.at[0].at[0]], rbuf.at[0], gs0)
    pltpu.async_copy(table.at[gbuf.at[0].at[1]], rbuf.at[1], gs1)
    plsc.subcore_barrier()

    def group(g, _):
      gq = lax.rem(g, 2)
      gn = 1 - gq

      @pl.when(g < ng - 1)
      def _():
        pltpu.async_copy(gidx.at[pl.ds(cbase + (g + 1) * GG, GG)],
                         gbuf.at[gn], isem)
        pltpu.async_copy(dstidx.at[pl.ds(cbase + (g + 1) * GG, GG)],
                         dbuf.at[gn], isem)

      def step(jj, _):
        for q in range(3):
          o = jj * 3 + q
          cg = g * GG + o
          nq = (q + 2) % 3
          pltpu.make_async_copy(table.at[gbuf.at[gq].at[o]],
                                rbuf.at[q], gsems[q]).wait()
          pltpu.async_copy(rbuf.at[q], acc.at[dbuf.at[gq].at[o]],
                           ssems[q], add=True)
          @pl.when(jj * 3 + q + 2 < GG if q else cg >= 0)
          def _():
            @pl.when(cg >= 1)
            def _():
              pltpu.make_async_copy(rbuf.at[nq],
                                    acc.at[dbuf.at[gq].at[o]],
                                    ssems[nq]).wait()
            pltpu.async_copy(table.at[gbuf.at[gq].at[o + 2]],
                             rbuf.at[nq], gsems[nq])
        return 0

      lax.fori_loop(0, GG // 3, step, 0)

      @pl.when(g < ng - 1)
      def _():
        pltpu.make_async_copy(gidx.at[pl.ds(cbase + (g + 1) * GG, GG)],
                              gbuf.at[gn], isem).wait()
        pltpu.make_async_copy(dstidx.at[pl.ds(cbase + (g + 1) * GG, GG)],
                              dbuf.at[gn], isem).wait()
        pltpu.make_async_copy(rbuf.at[0], acc.at[dbuf.at[gn].at[0]],
                              ssems[0]).wait()
        pltpu.async_copy(table.at[gbuf.at[gn].at[0]], rbuf.at[0], gs0)
        pltpu.make_async_copy(rbuf.at[1], acc.at[dbuf.at[gn].at[1]],
                              ssems[1]).wait()
        pltpu.async_copy(table.at[gbuf.at[gn].at[1]], rbuf.at[1], gs1)
      return 0

    lax.fori_loop(0, ng, group, 0)
    for q in range(3):
      pltpu.make_async_copy(rbuf.at[q], acc.at[dbuf.at[0].at[0]],
                            ssems[q]).wait()
    plsc.subcore_barrier()
    pltpu.sync_copy(acc.at[pl.ds(r0, ROWS_PT)], out.at[c, pl.ds(r0, ROWS_PT)])

  return pl.kernel(
      body,
      out_type=jax.ShapeDtypeStruct((NC, NP, DP), jnp.float32),
      mesh=mesh,
      scratch_types=[
          pltpu.VMEM((2, GG, CHUNK), jnp.int32),
          pltpu.VMEM((2, GG, CHUNK), jnp.int32),
          pltpu.VMEM((3, CHUNK, DP), jnp.float32),
          pltpu.VMEM_SHARED((NP, DP), jnp.float32),
          pltpu.SemaphoreType.DMA,
          pltpu.SemaphoreType.DMA,
          pltpu.SemaphoreType.DMA,
          pltpu.SemaphoreType.DMA,
          pltpu.SemaphoreType.DMA,
          pltpu.SemaphoreType.DMA,
          pltpu.SemaphoreType.DMA,
      ],
      compiler_params=pltpu.CompilerParams(use_tc_tiling_on_sc=False),
  )


def _make_emb_gather():
  mesh = plsc.VectorSubcoreMesh(core_axis_name="c", subcore_axis_name="s")
  nchunk = NP // ECH

  def body(emb, vid, out, ibuf, rbuf, sem):
    c = lax.axis_index("c")
    s = lax.axis_index("s")
    wid = s * NC + c

    def step(k, _):
      j = wid + k * NW

      @pl.when(j < nchunk)
      def _():
        pltpu.sync_copy(vid.at[j], ibuf)
        pltpu.async_copy(emb.at[ibuf.at[0]], rbuf, sem).wait()
        pltpu.sync_copy(rbuf, out.at[pl.ds(j * ECH, ECH)])
      return 0

    lax.fori_loop(0, (nchunk + NW - 1) // NW, step, 0)

  return pl.kernel(
      body,
      out_type=jax.ShapeDtypeStruct((NP, H), jnp.float32),
      mesh=mesh,
      scratch_types=[
          pltpu.VMEM((1, ECH), jnp.int32),
          pltpu.VMEM((ECH, H), jnp.float32),
          pltpu.SemaphoreType.DMA,
      ],
      compiler_params=pltpu.CompilerParams(use_tc_tiling_on_sc=False),
  )



def _h0_body(embp_ref, selid_ref, selp_ref, out_ref):
  mask = selid_ref[...] == 0
  row = jnp.where(mask, selp_ref[0:1, :], selp_ref[1:2, :])
  out_ref[...] = embp_ref[...] + row


def _h0_assemble(emb_pad, selid, selp):
  return pl.pallas_call(
      _h0_body,
      grid=(NBLK,),
      in_specs=[
          pl.BlockSpec((RB, DP), lambda i: (i, 0)),
          pl.BlockSpec((RB, 1), lambda i: (i, 0)),
          pl.BlockSpec((2, DP), lambda i: (0, 0)),
      ],
      out_specs=pl.BlockSpec((RB, DP), lambda i: (i, 0)),
      out_shape=jax.ShapeDtypeStruct((NP, DP), jnp.float32),
  )(emb_pad, selid, selp)


def _trans_body(h_ref, w_ref, b_ref, out_ref):
  out_ref[...] = (jnp.dot(h_ref[...], w_ref[0],
                          preferred_element_type=jnp.float32)
                  + b_ref[0])


def _trans(h, w_pad, b_pad):
  b_pad = b_pad.reshape(ET, 1, DP)
  return pl.pallas_call(
      _trans_body,
      grid=(ET, NBLK),
      in_specs=[
          pl.BlockSpec((RB, DP), lambda t, i: (i, 0)),
          pl.BlockSpec((1, DP, DP), lambda t, i: (t, 0, 0)),
          pl.BlockSpec((1, 1, DP), lambda t, i: (t, 0, 0)),
      ],
      out_specs=pl.BlockSpec((RB, DP), lambda t, i: (t * NBLK + i, 0)),
      out_shape=jax.ShapeDtypeStruct((ET * NP, DP), jnp.float32),
  )(h, w_pad, b_pad)


def _gru_body(ap_ref, h_ref, wir_ref, wiz_ref, win_ref, whr_ref, whz_ref,
              whn_ref, bir_ref, biz_ref, bin_ref, bhr_ref, bhz_ref, bhn_ref,
              out_ref):
  agg = ap_ref[0] + ap_ref[1]
  h = h_ref[...]
  dot = lambda a, b: jnp.dot(a, b, preferred_element_type=jnp.float32)
  r = jax.nn.sigmoid(dot(agg, wir_ref[...]) + bir_ref[...]
                     + dot(h, whr_ref[...]) + bhr_ref[...])
  z = jax.nn.sigmoid(dot(agg, wiz_ref[...]) + biz_ref[...]
                     + dot(h, whz_ref[...]) + bhz_ref[...])
  n = jnp.tanh(dot(agg, win_ref[...]) + bin_ref[...]
               + r * (dot(h, whn_ref[...]) + bhn_ref[...]))
  out_ref[...] = (1.0 - z) * n + z * h


def _gru(apart, h, wi3, wh3, bi3, bh3):
  mat = lambda: pl.BlockSpec((DP, DP), lambda i: (0, 0))
  vec = lambda: pl.BlockSpec((1, DP), lambda i: (0, 0))
  return pl.pallas_call(
      _gru_body,
      grid=(NBLK,),
      in_specs=[
          pl.BlockSpec((2, RB, DP), lambda i: (0, i, 0)),
          pl.BlockSpec((RB, DP), lambda i: (i, 0)),
          mat(), mat(), mat(), mat(), mat(), mat(),
          vec(), vec(), vec(), vec(), vec(), vec(),
      ],
      out_specs=pl.BlockSpec((RB, DP), lambda i: (i, 0)),
      out_shape=jax.ShapeDtypeStruct((NP, DP), jnp.float32),
  )(apart, h, wi3[0], wi3[1], wi3[2], wh3[0], wh3[1], wh3[2],
    bi3[0], bi3[1], bi3[2], bh3[0], bh3[1], bh3[2])


def _readout_body(h_ref, h0_ref, gb_ref, wi1_ref, wi2_ref, wj_ref, bi_ref,
                  bj_ref, out_ref):
  i = pl.program_id(0)
  dot = lambda a, b: jnp.dot(a, b, preferred_element_type=jnp.float32)
  gate = jax.nn.sigmoid(dot(h_ref[...], wi1_ref[...])
                        + dot(h0_ref[...], wi2_ref[...]) + bi_ref[...])
  val = dot(h_ref[...], wj_ref[...]) + bj_ref[...]
  gv = gate * val
  gidx = jax.lax.broadcasted_iota(jnp.int32, (RB, G), 1)
  oh = (gb_ref[...] == gidx).astype(jnp.float32)
  part = lax.dot_general(oh, gv, (((0,), (0,)), ((), ())),
                         preferred_element_type=jnp.float32)

  @pl.when(i == 0)
  def _():
    out_ref[...] = part

  @pl.when(i > 0)
  def _():
    out_ref[...] = out_ref[...] + part


def _readout(h, h0, gb, wi1, wi2, wj, bi, bj):
  return pl.pallas_call(
      _readout_body,
      grid=(NBLK,),
      in_specs=[
          pl.BlockSpec((RB, DP), lambda i: (i, 0)),
          pl.BlockSpec((RB, DP), lambda i: (i, 0)),
          pl.BlockSpec((RB, 1), lambda i: (i, 0)),
          pl.BlockSpec((DP, 128), lambda i: (0, 0)),
          pl.BlockSpec((DP, 128), lambda i: (0, 0)),
          pl.BlockSpec((DP, 128), lambda i: (0, 0)),
          pl.BlockSpec((1, 128), lambda i: (0, 0)),
          pl.BlockSpec((1, 128), lambda i: (0, 0)),
      ],
      out_specs=pl.BlockSpec((G, 128), lambda i: (0, 0)),
      out_shape=jax.ShapeDtypeStruct((G, 128), jnp.float32),
  )(h, h0, gb, wi1, wi2, wj, bi, bj)



def kernel(node_vocab_ids, node_selector_ids, control_edge_index,
           data_edge_index, call_edge_index, control_pos, data_pos,
           call_pos, graph_batch, params):
  f32 = jnp.float32
  i32 = jnp.int32

  src_f = jnp.concatenate([control_edge_index[0], data_edge_index[0],
                           call_edge_index[0]])
  dst_f = jnp.concatenate([control_edge_index[1], data_edge_index[1],
                           call_edge_index[1]])
  pos_f = jnp.concatenate([control_pos, data_pos, call_pos])
  src = jnp.concatenate([src_f, dst_f])
  dst = jnp.concatenate([dst_f, src_f])
  posa = jnp.concatenate([pos_f, pos_f])
  et = jnp.asarray(_ET_NP)

  gidx = src + et * NP
  pidx = posa
  npad = E_PAD - E
  padr = np.arange(npad, dtype=np.int32)
  pad_gidx = jnp.asarray(padr % (ET * PMAX))
  pad_pidx = jnp.asarray(padr % PMAX)
  pad_dst = jnp.asarray(N + padr % (NP - N))
  gidx2 = jnp.concatenate([gidx, pad_gidx]).reshape(TOTC, CHUNK)
  pidx2 = jnp.concatenate([pidx, pad_pidx]).reshape(TOTC, CHUNK)
  dst2 = jnp.concatenate([dst, pad_dst]).reshape(TOTC, CHUNK)

  vid = jnp.concatenate([node_vocab_ids,
                         jnp.zeros((NP - N,), i32)]).reshape(-1, 1, ECH)
  selid = jnp.concatenate([node_selector_ids,
                           jnp.zeros((NP - N,), i32)]).reshape(NP, 1)
  gb = jnp.concatenate([graph_batch,
                        jnp.full((NP - N,), G, i32)]).reshape(NP, 1)

  selp = jnp.zeros((2, DP), f32).at[:, H:H + SEL].set(params['sel'])
  pos_pad = jnp.pad(params['pos'], ((0, 0), (0, DP - D)))
  b_pad = jnp.pad(params['b'], ((0, 0), (0, DP - D)))
  w_pad = jnp.pad(params['W'], ((0, 0), (0, DP - D), (0, DP - D)))
  wih = params['Wih']
  whh = params['Whh']
  bih = params['bih']
  bhh = params['bhh']
  padm = lambda m: jnp.pad(m, ((0, DP - D), (0, DP - D)))
  padv = lambda v: jnp.pad(v, (0, DP - D)).reshape(1, DP)
  wi3 = [padm(wih[:, k * D:(k + 1) * D]) for k in range(3)]
  wh3 = [padm(whh[:, k * D:(k + 1) * D]) for k in range(3)]
  bi3 = [padv(bih[k * D:(k + 1) * D]) for k in range(3)]
  bh3 = [padv(bhh[k * D:(k + 1) * D]) for k in range(3)]
  wi1 = jnp.zeros((DP, 128), f32).at[:D, :C].set(params['Wi'][:D])
  wi2 = jnp.zeros((DP, 128), f32).at[:D, :C].set(params['Wi'][D:])
  wj = jnp.zeros((DP, 128), f32).at[:D, :C].set(params['Wj'])
  bi = jnp.zeros((1, 128), f32).at[0, :C].set(params['bi'])
  bj = jnp.zeros((1, 128), f32).at[0, :C].set(params['bj'])

  edge_pass = _make_edge_pass()
  emb_rows = _make_emb_gather()(params['emb'], vid)
  emb_pad = jnp.pad(emb_rows, ((0, 0), (0, DP - H)))
  h0 = _h0_assemble(emb_pad, selid, selp)

  zinit = jnp.zeros((NC, NP, DP), f32)
  ppart = edge_pass(pos_pad, pidx2, dst2, zinit)

  h = h0
  for _ in range(T):
    tr = _trans(h, w_pad, b_pad)
    apart = edge_pass(tr, gidx2, dst2, ppart)
    h = _gru(apart, h, wi3, wh3, bi3, bh3)

  logits = _readout(h, h0, gb, wi1, wi2, wj, bi, bj)
  return logits[:, :C]

# --- scband reference (transcript-rebuilt; emitter-appended) ---
"""Pipeline reference for scband-programl-dataflow-model-81965155877092 (READ-ONLY COPY).

The authoritative reference and input builder live on the scoring server;
editing this copy changes nothing except your own understanding.
"""

import jax, jax.numpy as jnp
import numpy as np

N = 10000
V = 2230
H = 128
SEL = 2
D = H + SEL
ET = 6  # 3 forward + 3 backward edge types
PMAX = 4096
C = 2
G = 64
T = 2  # num_message_passing_layers(1) * message_passing_timesteps(2)
E_CTRL, E_DATA, E_CALL = 80000, 64000, 16000


def setup_inputs(seed: int = 0) -> dict:
    key = jax.random.key(seed)
    ks = jax.random.split(key, 24)
    node_vocab_ids = jax.random.randint(ks[0], (N,), 0, V, dtype=jnp.int32)
    node_selector_ids = jax.random.randint(ks[1], (N,), 0, 2, dtype=jnp.int32)
    control_edge_index = jax.random.randint(ks[2], (2, E_CTRL), 0, N, dtype=jnp.int32)
    data_edge_index = jax.random.randint(ks[3], (2, E_DATA), 0, N, dtype=jnp.int32)
    call_edge_index = jax.random.randint(ks[4], (2, E_CALL), 0, N, dtype=jnp.int32)
    control_pos = jax.random.randint(ks[5], (E_CTRL,), 0, PMAX, dtype=jnp.int32)
    data_pos = jax.random.randint(ks[6], (E_DATA,), 0, PMAX, dtype=jnp.int32)
    call_pos = jax.random.randint(ks[7], (E_CALL,), 0, PMAX, dtype=jnp.int32)
    graph_batch = jnp.sort(jax.random.randint(ks[8], (N,), 0, G, dtype=jnp.int32))
    params = {
        'emb': jax.random.normal(ks[9], (V, H), dtype=jnp.float32) * 0.1,
        'sel': jnp.full((2, SEL), 50.0, dtype=jnp.float32),  # selector_embedding_value
        'W': jax.random.normal(ks[10], (ET, D, D), dtype=jnp.float32) * 0.05,
        'b': jnp.zeros((ET, D), dtype=jnp.float32),  # use_edge_bias=True
        'pos': jax.random.normal(ks[11], (PMAX, D), dtype=jnp.float32) * 0.02,
        'Wih': jax.random.normal(ks[12], (D, 3 * D), dtype=jnp.float32) * 0.05,
        'Whh': jax.random.normal(ks[13], (D, 3 * D), dtype=jnp.float32) * 0.05,
        'bih': jnp.zeros((3 * D,), dtype=jnp.float32),
        'bhh': jnp.zeros((3 * D,), dtype=jnp.float32),
        'Wi': jax.random.normal(ks[14], (2 * D, C), dtype=jnp.float32) * 0.05,
        'bi': jnp.zeros((C,), dtype=jnp.float32),
        'Wj': jax.random.normal(ks[15], (D, C), dtype=jnp.float32) * 0.05,
        'bj': jnp.zeros((C,), dtype=jnp.float32),
    }
    return {
        'node_vocab_ids': node_vocab_ids,
        'node_selector_ids': node_selector_ids,
        'control_edge_index': control_edge_index,
        'data_edge_index': data_edge_index,
        'call_edge_index': call_edge_index,
        'control_pos': control_pos,
        'data_pos': data_pos,
        'call_pos': call_pos,
        'graph_batch': graph_batch,
        'params': params,
    }


def _forward(params, node_vocab_ids, node_selector_ids, control_edge_index,
             data_edge_index, call_edge_index, control_pos, data_pos, call_pos,
             graph_batch):
    # NodeEmbeddings: vocab embedding concat selector embedding
    h0 = jnp.concatenate([params['emb'][node_vocab_ids],
                          params['sel'][node_selector_ids]], axis=1)
    # Concatenate edge types (control, data, call), then add reversed edges
    src_f = jnp.concatenate([control_edge_index[0], data_edge_index[0], call_edge_index[0]])
    dst_f = jnp.concatenate([control_edge_index[1], data_edge_index[1], call_edge_index[1]])
    et_f = jnp.concatenate([
        jnp.zeros((E_CTRL,), dtype=jnp.int32),
        jnp.ones((E_DATA,), dtype=jnp.int32),
        jnp.full((E_CALL,), 2, dtype=jnp.int32),
    ])
    pos_f = jnp.concatenate([control_pos, data_pos, call_pos])
    # use_forward_and_backward_edges=True -> 6 edge types
    src = jnp.concatenate([src_f, dst_f])
    dst = jnp.concatenate([dst_f, src_f])
    et = jnp.concatenate([et_f, et_f + 3])
    pos = jnp.concatenate([pos_f, pos_f])
    h = h0
    for _ in range(T):
        # Per-edge-type linear transform on all nodes, then single gather via
        # offset trick: row n*ET + t  (mirrors __get_edge_source + F.embedding)
        trans = jnp.einsum('nd,tdf->ntf', h, params['W']).reshape(N * ET, D)
        msgs = trans[src * ET + et] + params['pos'][pos] + params['b'][et]
        agg = jax.ops.segment_sum(msgs, dst, num_segments=N)
        # GRU update
        gi = agg @ params['Wih'] + params['bih']
        gh = h @ params['Whh'] + params['bhh']
        r = jax.nn.sigmoid(gi[:, :D] + gh[:, :D])
        z = jax.nn.sigmoid(gi[:, D:2 * D] + gh[:, D:2 * D])
        n = jnp.tanh(gi[:, 2 * D:] + r * gh[:, 2 * D:])
        h = (1.0 - z) * n + z * h
    # Readout: gated per-node logits from (final, initial) states, summed per graph
    gate = jax.nn.sigmoid(jnp.concatenate([h, h0], axis=1) @ params['Wi'] + params['bi'])
    val = h @ params['Wj'] + params['bj']
    logits = jax.ops.segment_sum(gate * val, graph_batch, num_segments=G)
    return logits


def reference(node_vocab_ids, node_selector_ids, control_edge_index,
              data_edge_index, call_edge_index, control_pos, data_pos,
              call_pos, graph_batch, params):
    return _forward(params, node_vocab_ids, node_selector_ids,
                    control_edge_index, data_edge_index, call_edge_index,
                    control_pos, data_pos, call_pos, graph_batch)

if __name__ == "__main__":
    import jax
    _d = setup_inputs()
    print(jax.jit(kernel)(*tuple(_d.values())))

</pallas_src>

<mosaic_0001>
#map = affine_map<(d0, d1) -> (0, 0)>
#map1 = affine_map<(d0, d1) -> (0, 0, 0)>
module attributes {stable_mosaic.version = 14 : i64} {
  func.func @body(%arg0: i32, %arg1: i32, %arg2: memref<2230x128xf32, #tpu.memory_space<hbm>>, %arg3: memref<79x1x128xi32, #tpu.memory_space<hbm>>, %arg4: memref<10112x128xf32, #tpu.memory_space<hbm>>, %arg5: memref<1x128xi32, #tpu.memory_space<vmem>>, %arg6: memref<128x128xf32, #tpu.memory_space<vmem>>, %arg7: memref<!tpu.dma_semaphore, #tpu.memory_space<semaphore_mem>>) attributes {dimension_semantics = [#tpu.dimension_semantics<core_parallel>, #tpu.dimension_semantics<subcore_parallel>], iteration_bounds = array<i64: 2, 16>, scalar_prefetch = 0 : i64, scratch_operands = 3 : i64, tpu.core_type = #tpu.core_type<sc_vector_subcore>, window_params = [{transform_indices = #map}, {transform_indices = #map1}, {transform_indices = #map}]} {
    %mul3A = arith.constant 2 : i32
    %mul3A_0 = arith.muli %arg1, %mul3A : i32
    %add3A = arith.addi %mul3A_0, %arg0 : i32
    %scan3A = arith.constant 0 : i32
    %scan3A_1 = arith.constant 0 : i32
    %scan3A_2 = arith.constant 3 : i32
    %scan3A_3 = arith.addi %scan3A_1, %scan3A_2 : i32
    %scan3A_4 = arith.constant 1 : i32
    %scan3A_5 = scf.for %scan3A_7 = %scan3A_1 to %scan3A_3 step %scan3A_4 iter_args(%scan3A_8 = %scan3A) -> (i32)  : i32 {
      %mul3A_9 = arith.constant 32 : i32
      %mul3A_10 = arith.muli %scan3A_7, %mul3A_9 : i32
      %add3A_11 = arith.addi %add3A, %mul3A_10 : i32
      %lt3A = arith.constant 79 : i32
      %lt3A_12 = arith.cmpi slt, %add3A_11, %lt3A : i32
      %convert_element_type3A = arith.extui %lt3A_12 : i1 to i32
      %cond3A = arith.constant 0 : i32
      %cond3A_13 = arith.cmpi ne, %convert_element_type3A, %cond3A : i32
      scf.if %cond3A_13 {
        "tpu.region"() ({
          %run_scoped3A = tpu.sem_alloc : memref<!tpu.dma_semaphore, #tpu.memory_space<semaphore_mem>>
          %dma_start3A_29 = arith.constant 0 : i32
          %dma_start3A_30 = arith.constant 0 : i32
          %dma_start3A_31 = tpu.memref_slice %arg3[%add3A_11, %dma_start3A_29, %dma_start3A_30] : memref<79x1x128xi32, #tpu.memory_space<hbm>> -> memref<1x1x128xi32, #tpu.memory_space<hbm>>
          %dma_start3A_32 = tpu.memref_squeeze %dma_start3A_31 : memref<1x1x128xi32, #tpu.memory_space<hbm>> -> memref<1x128xi32, #tpu.memory_space<hbm>>
          %dma_start3A_33 = arith.constant 0 : i32
          %dma_start3A_34 = arith.constant 0 : i32
          %dma_start3A_35 = tpu.memref_slice %arg3[%add3A_11, %dma_start3A_33, %dma_start3A_34] : memref<79x1x128xi32, #tpu.memory_space<hbm>> -> memref<1x1x128xi32, #tpu.memory_space<hbm>>
          %dma_start3A_36 = tpu.memref_squeeze %dma_start3A_35 : memref<1x1x128xi32, #tpu.memory_space<hbm>> -> memref<1x128xi32, #tpu.memory_space<hbm>>
          tpu.enqueue_dma source(%dma_start3A_36 : memref<1x128xi32, #tpu.memory_space<hbm>>) target(%arg5 : memref<1x128xi32, #tpu.memory_space<vmem>>) target_semaphore(%run_scoped3A : memref<!tpu.dma_semaphore, #tpu.memory_space<semaphore_mem>>)
          %dma_wait3A_37 = arith.constant 0 : i32
          %dma_wait3A_38 = arith.constant 0 : i32
          %dma_wait3A_39 = tpu.memref_slice %arg3[%add3A_11, %dma_wait3A_37, %dma_wait3A_38] : memref<79x1x128xi32, #tpu.memory_space<hbm>> -> memref<1x1x128xi32, #tpu.memory_space<hbm>>
          %dma_wait3A_40 = tpu.memref_squeeze %dma_wait3A_39 : memref<1x1x128xi32, #tpu.memory_space<hbm>> -> memref<1x128xi32, #tpu.memory_space<hbm>>
          %dma_wait3A_41 = arith.constant 0 : i32
          %dma_wait3A_42 = arith.constant 0 : i32
          %dma_wait3A_43 = tpu.memref_slice %arg3[%add3A_11, %dma_wait3A_41, %dma_wait3A_42] : memref<79x1x128xi32, #tpu.memory_space<hbm>> -> memref<1x1x128xi32, #tpu.memory_space<hbm>>
          %dma_wait3A_44 = tpu.memref_squeeze %dma_wait3A_43 : memref<1x1x128xi32, #tpu.memory_space<hbm>> -> memref<1x128xi32, #tpu.memory_space<hbm>>
          tpu.wait_dma2 semaphore(%run_scoped3A : memref<!tpu.dma_semaphore, #tpu.memory_space<semaphore_mem>>) src(%dma_wait3A_44 : memref<1x128xi32, #tpu.memory_space<hbm>>) dst(%arg5 : memref<1x128xi32, #tpu.memory_space<vmem>>)
          tpu.yield
        }) : () -> ()
        %dma_start3A = arith.constant 0 : i32
        %dma_start3A_15 = arith.constant 0 : i32
        %dma_start3A_16 = tpu.memref_slice %arg5[%dma_start3A, %dma_start3A_15] : memref<1x128xi32, #tpu.memory_space<vmem>> -> memref<1x128xi32, #tpu.memory_space<vmem>>
        %dma_start3A_17 = tpu.memref_squeeze %dma_start3A_16 : memref<1x128xi32, #tpu.memory_space<vmem>> -> memref<128xi32, #tpu.memory_space<vmem>>
        %dma_start3A_18 = arith.constant 0 : i32
        %dma_start3A_19 = arith.constant 0 : i32
        %dma_start3A_20 = tpu.memref_slice %arg2[%dma_start3A_18, %dma_start3A_19] : memref<2230x128xf32, #tpu.memory_space<hbm>> -> memref<2230x128xf32, #tpu.memory_space<hbm>>
        tpu.enqueue_indirect_dma source(%dma_start3A_20 : memref<2230x128xf32, #tpu.memory_space<hbm>>) target(%arg6 : memref<128x128xf32, #tpu.memory_space<vmem>>) offsets(%dma_start3A_17 : memref<128xi32, #tpu.memory_space<vmem>>) semaphore(%arg7 : memref<!tpu.dma_semaphore, #tpu.memory_space<semaphore_mem>>)
        %dma_wait3A = arith.constant 0 : i32
        %dma_wait3A_21 = arith.constant 0 : i32
        %dma_wait3A_22 = tpu.memref_slice %arg5[%dma_wait3A, %dma_wait3A_21] : memref<1x128xi32, #tpu.memory_space<vmem>> -> memref<1x128xi32, #tpu.memory_space<vmem>>
        %dma_wait3A_23 = tpu.memref_squeeze %dma_wait3A_22 : memref<1x128xi32, #tpu.memory_space<vmem>> -> memref<128xi32, #tpu.memory_space<vmem>>
        %dma_wait3A_24 = arith.constant 0 : i32
        %dma_wait3A_25 = arith.constant 0 : i32
        %dma_wait3A_26 = tpu.memref_slice %arg2[%dma_wait3A_24, %dma_wait3A_25] : memref<2230x128xf32, #tpu.memory_space<hbm>> -> memref<2230x128xf32, #tpu.memory_space<hbm>>
        tpu.wait_indirect_dma semaphore(%arg7 : memref<!tpu.dma_semaphore, #tpu.memory_space<semaphore_mem>>) src(%dma_wait3A_26 : memref<2230x128xf32, #tpu.memory_space<hbm>>) dst(%arg6 : memref<128x128xf32, #tpu.memory_space<vmem>>)
        %mul3A_27 = arith.constant 128 : i32
        %mul3A_28 = arith.muli %add3A_11, %mul3A_27 : i32
        "tpu.region"() ({
          %run_scoped3A = tpu.sem_alloc : memref<!tpu.dma_semaphore, #tpu.memory_space<semaphore_mem>>
          %dma_start3A_29 = arith.constant 0 : i32
          %dma_start3A_30 = tpu.memref_slice %arg4[%mul3A_28, %dma_start3A_29] : memref<10112x128xf32, #tpu.memory_space<hbm>> -> memref<128x128xf32, #tpu.memory_space<hbm>>
          %dma_start3A_31 = arith.constant 0 : i32
          %dma_start3A_32 = tpu.memref_slice %arg4[%mul3A_28, %dma_start3A_31] : memref<10112x128xf32, #tpu.memory_space<hbm>> -> memref<128x128xf32, #tpu.memory_space<hbm>>
          tpu.enqueue_dma source(%arg6 : memref<128x128xf32, #tpu.memory_space<vmem>>) target(%dma_start3A_32 : memref<128x128xf32, #tpu.memory_space<hbm>>) target_semaphore(%run_scoped3A : memref<!tpu.dma_semaphore, #tpu.memory_space<semaphore_mem>>)
          %dma_wait3A_33 = arith.constant 0 : i32
          %dma_wait3A_34 = tpu.memref_slice %arg4[%mul3A_28, %dma_wait3A_33] : memref<10112x128xf32, #tpu.memory_space<hbm>> -> memref<128x128xf32, #tpu.memory_space<hbm>>
          %dma_wait3A_35 = arith.constant 0 : i32
          %dma_wait3A_36 = tpu.memref_slice %arg4[%mul3A_28, %dma_wait3A_35] : memref<10112x128xf32, #tpu.memory_space<hbm>> -> memref<128x128xf32, #tpu.memory_space<hbm>>
          tpu.wait_dma2 semaphore(%run_scoped3A : memref<!tpu.dma_semaphore, #tpu.memory_space<semaphore_mem>>) src(%arg6 : memref<128x128xf32, #tpu.memory_space<vmem>>) dst(%dma_wait3A_36 : memref<128x128xf32, #tpu.memory_space<hbm>>)
          tpu.yield
        }) : () -> ()
      } else {
      }
      %scan3A_14 = arith.constant 0 : i32
      scf.yield %scan3A_14 : i32
    }
    %scan3A_6 = arith.constant 3 : i32
    return
  }
}

#map = affine_map<(d0, d1) -> (0, 0)>
#map1 = affine_map<(d0, d1) -> (0, 0, 0)>
module attributes {stable_mosaic.version = 14 : i64} {
  func.func @body(%arg0: i32, %arg1: i32, %arg2: memref<60672x144xf32, #tpu.memory_space<hbm>>, %arg3: memref<5184x64xi32, #tpu.memory_space<hbm>>, %arg4: memref<5184x64xi32, #tpu.memory_space<hbm>>, %arg5: memref<2x10112x144xf32, #tpu.memory_space<hbm>>, %arg6: memref<2x10112x144xf32, #tpu.memory_space<hbm>>, %arg7: memref<2x18x64xi32, #tpu.memory_space<vmem>>, %arg8: memref<2x18x64xi32, #tpu.memory_space<vmem>>, %arg9: memref<3x64x144xf32, #tpu.memory_space<vmem>>, %arg10: memref<10112x144xf32, #tpu.memory_space<vmem_shared>>, %arg11: memref<!tpu.dma_semaphore, #tpu.memory_space<semaphore_mem>>, %arg12: memref<!tpu.dma_semaphore, #tpu.memory_space<semaphore_mem>>, %arg13: memref<!tpu.dma_semaphore, #tpu.memory_space<semaphore_mem>>, %arg14: memref<!tpu.dma_semaphore, #tpu.memory_space<semaphore_mem>>, %arg15: memref<!tpu.dma_semaphore, #tpu.memory_space<semaphore_mem>>, %arg16: memref<!tpu.dma_semaphore, #tpu.memory_space<semaphore_mem>>, %arg17: memref<!tpu.dma_semaphore, #tpu.memory_space<semaphore_mem>>) attributes {dimension_semantics = [#tpu.dimension_semantics<core_parallel>, #tpu.dimension_semantics<subcore_parallel>], iteration_bounds = array<i64: 2, 16>, scalar_prefetch = 0 : i64, scratch_operands = 11 : i64, tpu.core_type = #tpu.core_type<sc_vector_subcore>, window_params = [{transform_indices = #map}, {transform_indices = #map}, {transform_indices = #map}, {transform_indices = #map1}, {transform_indices = #map1}]} {
    %eq3A = arith.constant 0 : i32
    %eq3A_0 = arith.cmpi eq, %arg0, %eq3A : i32
    %jit3A = arith.constant 9 : i32
    %jit3A_1 = arith.constant 9 : i32
    %select_n3A = arith.select %eq3A_0, %jit3A, %jit3A_1 : i32
    %eq3A_2 = arith.constant 0 : i32
    %eq3A_3 = arith.cmpi eq, %arg0, %eq3A_2 : i32
    %mul3A = arith.constant 162 : i32
    %mul3A_4 = arith.muli %arg1, %mul3A : i32
    %mul3A_5 = arith.constant 162 : i32
    %mul3A_6 = arith.muli %arg1, %mul3A_5 : i32
    %add3A = arith.constant 2592 : i32
    %add3A_7 = arith.addi %add3A, %mul3A_6 : i32
    %select_n3A_8 = arith.select %eq3A_3, %mul3A_4, %add3A_7 : i32
    %mul3A_9 = arith.constant 632 : i32
    %mul3A_10 = arith.muli %arg1, %mul3A_9 : i32
    "tpu.region"() ({
      %run_scoped3A_107 = tpu.sem_alloc : memref<!tpu.dma_semaphore, #tpu.memory_space<semaphore_mem>>
      %dma_start3A_108 = arith.constant 0 : i32
      %dma_start3A_109 = tpu.memref_slice %arg10[%mul3A_10, %dma_start3A_108] : memref<10112x144xf32, #tpu.memory_space<vmem_shared>> -> memref<632x144xf32, #tpu.memory_space<vmem_shared>>
      %dma_start3A_110 = arith.constant 0 : i32
      %dma_start3A_111 = tpu.memref_slice %arg5[%arg0, %mul3A_10, %dma_start3A_110] : memref<2x10112x144xf32, #tpu.memory_space<hbm>> -> memref<1x632x144xf32, #tpu.memory_space<hbm>>
      %dma_start3A_112 = tpu.memref_squeeze %dma_start3A_111 : memref<1x632x144xf32, #tpu.memory_space<hbm>> -> memref<632x144xf32, #tpu.memory_space<hbm>>
      tpu.enqueue_dma source(%dma_start3A_112 : memref<632x144xf32, #tpu.memory_space<hbm>>) target(%dma_start3A_109 : memref<632x144xf32, #tpu.memory_space<vmem_shared>>) target_semaphore(%run_scoped3A_107 : memref<!tpu.dma_semaphore, #tpu.memory_space<semaphore_mem>>)
      %dma_wait3A_113 = arith.constant 0 : i32
      %dma_wait3A_114 = tpu.memref_slice %arg10[%mul3A_10, %dma_wait3A_113] : memref<10112x144xf32, #tpu.memory_space<vmem_shared>> -> memref<632x144xf32, #tpu.memory_space<vmem_shared>>
      %dma_wait3A_115 = arith.constant 0 : i32
      %dma_wait3A_116 = tpu.memref_slice %arg5[%arg0, %mul3A_10, %dma_wait3A_115] : memref<2x10112x144xf32, #tpu.memory_space<hbm>> -> memref<1x632x144xf32, #tpu.memory_space<hbm>>
      %dma_wait3A_117 = tpu.memref_squeeze %dma_wait3A_116 : memref<1x632x144xf32, #tpu.memory_space<hbm>> -> memref<632x144xf32, #tpu.memory_space<hbm>>
      tpu.wait_dma2 semaphore(%run_scoped3A_107 : memref<!tpu.dma_semaphore, #tpu.memory_space<semaphore_mem>>) src(%dma_wait3A_117 : memref<632x144xf32, #tpu.memory_space<hbm>>) dst(%dma_wait3A_114 : memref<632x144xf32, #tpu.memory_space<vmem_shared>>)
      tpu.yield
    }) : () -> ()
    %run_scoped3A = arith.constant 0 : i32
    "tpu.region"() ({
      %run_scoped3A_107 = tpu.sem_alloc : memref<!tpu.dma_semaphore, #tpu.memory_space<semaphore_mem>>
      %dma_start3A_108 = arith.constant 0 : i32
      %dma_start3A_109 = arith.constant 0 : i32
      %dma_start3A_110 = tpu.memref_slice %arg7[%run_scoped3A, %dma_start3A_108, %dma_start3A_109] : memref<2x18x64xi32, #tpu.memory_space<vmem>> -> memref<1x18x64xi32, #tpu.memory_space<vmem>>
      %dma_start3A_111 = tpu.memref_squeeze %dma_start3A_110 : memref<1x18x64xi32, #tpu.memory_space<vmem>> -> memref<18x64xi32, #tpu.memory_space<vmem>>
      %dma_start3A_112 = arith.constant 0 : i32
      %dma_start3A_113 = tpu.memref_slice %arg3[%select_n3A_8, %dma_start3A_112] : memref<5184x64xi32, #tpu.memory_space<hbm>> -> memref<18x64xi32, #tpu.memory_space<hbm>>
      %dma_start3A_114 = arith.constant 0 : i32
      %dma_start3A_115 = arith.constant 0 : i32
      %dma_start3A_116 = tpu.memref_slice %arg7[%run_scoped3A, %dma_start3A_114, %dma_start3A_115] : memref<2x18x64xi32, #tpu.memory_space<vmem>> -> memref<1x18x64xi32, #tpu.memory_space<vmem>>
      %dma_start3A_117 = tpu.memref_squeeze %dma_start3A_116 : memref<1x18x64xi32, #tpu.memory_space<vmem>> -> memref<18x64xi32, #tpu.memory_space<vmem>>
      %dma_start3A_118 = arith.constant 0 : i32
      %dma_start3A_119 = tpu.memref_slice %arg3[%select_n3A_8, %dma_start3A_118] : memref<5184x64xi32, #tpu.memory_space<hbm>> -> memref<18x64xi32, #tpu.memory_space<hbm>>
      tpu.enqueue_dma source(%dma_start3A_119 : memref<18x64xi32, #tpu.memory_space<hbm>>) target(%dma_start3A_117 : memref<18x64xi32, #tpu.memory_space<vmem>>) target_semaphore(%run_scoped3A_107 : memref<!tpu.dma_semaphore, #tpu.memory_space<semaphore_mem>>)
      %dma_wait3A_120 = arith.constant 0 : i32
      %dma_wait3A_121 = arith.constant 0 : i32
      %dma_wait3A_122 = tpu.memref_slice %arg7[%run_scoped3A, %dma_wait3A_120, %dma_wait3A_121] : memref<2x18x64xi32, #tpu.memory_space<vmem>> -> memref<1x18x64xi32, #tpu.memory_space<vmem>>
      %dma_wait3A_123 = tpu.memref_squeeze %dma_wait3A_122 : memref<1x18x64xi32, #tpu.memory_space<vmem>> -> memref<18x64xi32, #tpu.memory_space<vmem>>
      %dma_wait3A_124 = arith.constant 0 : i32
      %dma_wait3A_125 = tpu.memref_slice %arg3[%select_n3A_8, %dma_wait3A_124] : memref<5184x64xi32, #tpu.memory_space<hbm>> -> memref<18x64xi32, #tpu.memory_space<hbm>>
      %dma_wait3A_126 = arith.constant 0 : i32
      %dma_wait3A_127 = arith.constant 0 : i32
      %dma_wait3A_128 = tpu.memref_slice %arg7[%run_scoped3A, %dma_wait3A_126, %dma_wait3A_127] : memref<2x18x64xi32, #tpu.memory_space<vmem>> -> memref<1x18x64xi32, #tpu.memory_space<vmem>>
      %dma_wait3A_129 = tpu.memref_squeeze %dma_wait3A_128 : memref<1x18x64xi32, #tpu.memory_space<vmem>> -> memref<18x64xi32, #tpu.memory_space<vmem>>
      %dma_wait3A_130 = arith.constant 0 : i32
      %dma_wait3A_131 = tpu.memref_slice %arg3[%select_n3A_8, %dma_wait3A_130] : memref<5184x64xi32, #tpu.memory_space<hbm>> -> memref<18x64xi32, #tpu.memory_space<hbm>>
      tpu.wait_dma2 semaphore(%run_scoped3A_107 : memref<!tpu.dma_semaphore, #tpu.memory_space<semaphore_mem>>) src(%dma_wait3A_131 : memref<18x64xi32, #tpu.memory_space<hbm>>) dst(%dma_wait3A_129 : memref<18x64xi32, #tpu.memory_space<vmem>>)
      tpu.yield
    }) : () -> ()
    %run_scoped3A_11 = arith.constant 0 : i32
    "tpu.region"() ({
      %run_scoped3A_107 = tpu.sem_alloc : memref<!tpu.dma_semaphore, #tpu.memory_space<semaphore_mem>>
      %dma_start3A_108 = arith.constant 0 : i32
      %dma_start3A_109 = arith.constant 0 : i32
      %dma_start3A_110 = tpu.memref_slice %arg8[%run_scoped3A_11, %dma_start3A_108, %dma_start3A_109] : memref<2x18x64xi32, #tpu.memory_space<vmem>> -> memref<1x18x64xi32, #tpu.memory_space<vmem>>
      %dma_start3A_111 = tpu.memref_squeeze %dma_start3A_110 : memref<1x18x64xi32, #tpu.memory_space<vmem>> -> memref<18x64xi32, #tpu.memory_space<vmem>>
      %dma_start3A_112 = arith.constant 0 : i32
      %dma_start3A_113 = tpu.memref_slice %arg4[%select_n3A_8, %dma_start3A_112] : memref<5184x64xi32, #tpu.memory_space<hbm>> -> memref<18x64xi32, #tpu.memory_space<hbm>>
      %dma_start3A_114 = arith.constant 0 : i32
      %dma_start3A_115 = arith.constant 0 : i32
      %dma_start3A_116 = tpu.memref_slice %arg8[%run_scoped3A_11, %dma_start3A_114, %dma_start3A_115] : memref<2x18x64xi32, #tpu.memory_space<vmem>> -> memref<1x18x64xi32, #tpu.memory_space<vmem>>
      %dma_start3A_117 = tpu.memref_squeeze %dma_start3A_116 : memref<1x18x64xi32, #tpu.memory_space<vmem>> -> memref<18x64xi32, #tpu.memory_space<vmem>>
      %dma_start3A_118 = arith.constant 0 : i32
      %dma_start3A_119 = tpu.memref_slice %arg4[%select_n3A_8, %dma_start3A_118] : memref<5184x64xi32, #tpu.memory_space<hbm>> -> memref<18x64xi32, #tpu.memory_space<hbm>>
      tpu.enqueue_dma source(%dma_start3A_119 : memref<18x64xi32, #tpu.memory_space<hbm>>) target(%dma_start3A_117 : memref<18x64xi32, #tpu.memory_space<vmem>>) target_semaphore(%run_scoped3A_107 : memref<!tpu.dma_semaphore, #tpu.memory_space<semaphore_mem>>)
      %dma_wait3A_120 = arith.constant 0 : i32
      %dma_wait3A_121 = arith.constant 0 : i32
      %dma_wait3A_122 = tpu.memref_slice %arg8[%run_scoped3A_11, %dma_wait3A_120, %dma_wait3A_121] : memref<2x18x64xi32, #tpu.memory_space<vmem>> -> memref<1x18x64xi32, #tpu.memory_space<vmem>>
      %dma_wait3A_123 = tpu.memref_squeeze %dma_wait3A_122 : memref<1x18x64xi32, #tpu.memory_space<vmem>> -> memref<18x64xi32, #tpu.memory_space<vmem>>
      %dma_wait3A_124 = arith.constant 0 : i32
      %dma_wait3A_125 = tpu.memref_slice %arg4[%select_n3A_8, %dma_wait3A_124] : memref<5184x64xi32, #tpu.memory_space<hbm>> -> memref<18x64xi32, #tpu.memory_space<hbm>>
      %dma_wait3A_126 = arith.constant 0 : i32
      %dma_wait3A_127 = arith.constant 0 : i32
      %dma_wait3A_128 = tpu.memref_slice %arg8[%run_scoped3A_11, %dma_wait3A_126, %dma_wait3A_127] : memref<2x18x64xi32, #tpu.memory_space<vmem>> -> memref<1x18x64xi32, #tpu.memory_space<vmem>>
      %dma_wait3A_129 = tpu.memref_squeeze %dma_wait3A_128 : memref<1x18x64xi32, #tpu.memory_space<vmem>> -> memref<18x64xi32, #tpu.memory_space<vmem>>
      %dma_wait3A_130 = arith.constant 0 : i32
      %dma_wait3A_131 = tpu.memref_slice %arg4[%select_n3A_8, %dma_wait3A_130] : memref<5184x64xi32, #tpu.memory_space<hbm>> -> memref<18x64xi32, #tpu.memory_space<hbm>>
      tpu.wait_dma2 semaphore(%run_scoped3A_107 : memref<!tpu.dma_semaphore, #tpu.memory_space<semaphore_mem>>) src(%dma_wait3A_131 : memref<18x64xi32, #tpu.memory_space<hbm>>) dst(%dma_wait3A_129 : memref<18x64xi32, #tpu.memory_space<vmem>>)
      tpu.yield
    }) : () -> ()
    %dma_start3A = arith.constant 0 : i32
    %dma_start3A_12 = arith.constant 0 : i32
    %dma_start3A_13 = arith.constant 0 : i32
    %dma_start3A_14 = arith.constant 0 : i32
    %dma_start3A_15 = arith.constant 0 : i32
    %dma_start3A_16 = tpu.memref_slice %arg9[%dma_start3A_13, %dma_start3A_14, %dma_start3A_15] : memref<3x64x144xf32, #tpu.memory_space<vmem>> -> memref<1x64x144xf32, #tpu.memory_space<vmem>>
    %dma_start3A_17 = tpu.memref_squeeze %dma_start3A_16 : memref<1x64x144xf32, #tpu.memory_space<vmem>> -> memref<64x144xf32, #tpu.memory_space<vmem>>
    %dma_start3A_18 = arith.constant 0 : i32
    %dma_start3A_19 = arith.constant 0 : i32
    %dma_start3A_20 = tpu.memref_slice %arg7[%dma_start3A, %dma_start3A_18, %dma_start3A_19] : memref<2x18x64xi32, #tpu.memory_space<vmem>> -> memref<1x18x64xi32, #tpu.memory_space<vmem>>
    %dma_start3A_21 = tpu.memref_squeeze %dma_start3A_20 : memref<1x18x64xi32, #tpu.memory_space<vmem>> -> memref<18x64xi32, #tpu.memory_space<vmem>>
    %dma_start3A_22 = arith.constant 0 : i32
    %dma_start3A_23 = tpu.memref_slice %dma_start3A_21[%dma_start3A_12, %dma_start3A_22] : memref<18x64xi32, #tpu.memory_space<vmem>> -> memref<1x64xi32, #tpu.memory_space<vmem>>
    %dma_start3A_24 = tpu.memref_squeeze %dma_start3A_23 : memref<1x64xi32, #tpu.memory_space<vmem>> -> memref<64xi32, #tpu.memory_space<vmem>>
    %dma_start3A_25 = arith.constant 0 : i32
    %dma_start3A_26 = arith.constant 0 : i32
    %dma_start3A_27 = tpu.memref_slice %arg2[%dma_start3A_25, %dma_start3A_26] : memref<60672x144xf32, #tpu.memory_space<hbm>> -> memref<60672x144xf32, #tpu.memory_space<hbm>>
    tpu.enqueue_indirect_dma source(%dma_start3A_27 : memref<60672x144xf32, #tpu.memory_space<hbm>>) target(%dma_start3A_17 : memref<64x144xf32, #tpu.memory_space<vmem>>) offsets(%dma_start3A_24 : memref<64xi32, #tpu.memory_space<vmem>>) semaphore(%arg11 : memref<!tpu.dma_semaphore, #tpu.memory_space<semaphore_mem>>)
    %dma_start3A_28 = arith.constant 0 : i32
    %dma_start3A_29 = arith.constant 1 : i32
    %dma_start3A_30 = arith.constant 1 : i32
    %dma_start3A_31 = arith.constant 0 : i32
    %dma_start3A_32 = arith.constant 0 : i32
    %dma_start3A_33 = tpu.memref_slice %arg9[%dma_start3A_30, %dma_start3A_31, %dma_start3A_32] : memref<3x64x144xf32, #tpu.memory_space<vmem>> -> memref<1x64x144xf32, #tpu.memory_space<vmem>>
    %dma_start3A_34 = tpu.memref_squeeze %dma_start3A_33 : memref<1x64x144xf32, #tpu.memory_space<vmem>> -> memref<64x144xf32, #tpu.memory_space<vmem>>
    %dma_start3A_35 = arith.constant 0 : i32
    %dma_start3A_36 = arith.constant 0 : i32
    %dma_start3A_37 = tpu.memref_slice %arg7[%dma_start3A_28, %dma_start3A_35, %dma_start3A_36] : memref<2x18x64xi32, #tpu.memory_space<vmem>> -> memref<1x18x64xi32, #tpu.memory_space<vmem>>
    %dma_start3A_38 = tpu.memref_squeeze %dma_start3A_37 : memref<1x18x64xi32, #tpu.memory_space<vmem>> -> memref<18x64xi32, #tpu.memory_space<vmem>>
    %dma_start3A_39 = arith.constant 0 : i32
    %dma_start3A_40 = tpu.memref_slice %dma_start3A_38[%dma_start3A_29, %dma_start3A_39] : memref<18x64xi32, #tpu.memory_space<vmem>> -> memref<1x64xi32, #tpu.memory_space<vmem>>
    %dma_start3A_41 = tpu.memref_squeeze %dma_start3A_40 : memref<1x64xi32, #tpu.memory_space<vmem>> -> memref<64xi32, #tpu.memory_space<vmem>>
    %dma_start3A_42 = arith.constant 0 : i32
    %dma_start3A_43 = arith.constant 0 : i32
    %dma_start3A_44 = tpu.memref_slice %arg2[%dma_start3A_42, %dma_start3A_43] : memref<60672x144xf32, #tpu.memory_space<hbm>> -> memref<60672x144xf32, #tpu.memory_space<hbm>>
    tpu.enqueue_indirect_dma source(%dma_start3A_44 : memref<60672x144xf32, #tpu.memory_space<hbm>>) target(%dma_start3A_34 : memref<64x144xf32, #tpu.memory_space<vmem>>) offsets(%dma_start3A_41 : memref<64xi32, #tpu.memory_space<vmem>>) semaphore(%arg12 : memref<!tpu.dma_semaphore, #tpu.memory_space<semaphore_mem>>)
    %barrier3A = arith.constant 0 : index
    tpu.barrier barrier_id(%barrier3A)
    %while3A = arith.constant 0 : i32
    %while3A_45 = arith.constant 0 : i32
    %while3A_46 = arith.subi %select_n3A, %while3A : i32
    %while3A_47 = arith.addi %while3A, %while3A_46 : i32
    %while3A_48 = arith.constant 1 : i32
    %while3A_49 = arith.divsi %while3A_46, %while3A_48 : i32
    %while3A_50 = arith.muli %while3A_49, %while3A_48 : i32
    %while3A_51 = arith.addi %while3A, %while3A_50 : i32
    %while3A_52 = arith.constant 1 : i32
    %while3A_53 = scf.for %while3A_107 = %while3A to %while3A_51 step %while3A_52 iter_args(%while3A_108 = %while3A_45) -> (i32)  : i32 {
      %rem3A = arith.constant 2 : i32
      %rem3A_109 = arith.remsi %while3A_107, %rem3A : i32
      %sub3A = arith.constant 1 : i32
      %sub3A_110 = arith.subi %sub3A, %rem3A_109 : i32
      %sub3A_111 = arith.constant 1 : i32
      %sub3A_112 = arith.subi %select_n3A, %sub3A_111 : i32
      %lt3A = arith.cmpi slt, %while3A_107, %sub3A_112 : i32
      %convert_element_type3A = arith.extui %lt3A : i1 to i32
      %cond3A = arith.constant 0 : i32
      %cond3A_113 = arith.cmpi ne, %convert_element_type3A, %cond3A : i32
      scf.if %cond3A_113 {
        %add3A_127 = arith.constant 1 : i32
        %add3A_128 = arith.addi %while3A_107, %add3A_127 : i32
        %mul3A_129 = arith.constant 18 : i32
        %mul3A_130 = arith.muli %add3A_128, %mul3A_129 : i32
        %add3A_131 = arith.addi %select_n3A_8, %mul3A_130 : i32
        %dma_start3A_132 = arith.constant 0 : i32
        %dma_start3A_133 = arith.constant 0 : i32
        %dma_start3A_134 = tpu.memref_slice %arg7[%sub3A_110, %dma_start3A_132, %dma_start3A_133] : memref<2x18x64xi32, #tpu.memory_space<vmem>> -> memref<1x18x64xi32, #tpu.memory_space<vmem>>
        %dma_start3A_135 = tpu.memref_squeeze %dma_start3A_134 : memref<1x18x64xi32, #tpu.memory_space<vmem>> -> memref<18x64xi32, #tpu.memory_space<vmem>>
        %dma_start3A_136 = arith.constant 0 : i32
        %dma_start3A_137 = tpu.memref_slice %arg3[%add3A_131, %dma_start3A_136] : memref<5184x64xi32, #tpu.memory_space<hbm>> -> memref<18x64xi32, #tpu.memory_space<hbm>>
        %dma_start3A_138 = arith.constant 0 : i32
        %dma_start3A_139 = arith.constant 0 : i32
        %dma_start3A_140 = tpu.memref_slice %arg7[%sub3A_110, %dma_start3A_138, %dma_start3A_139] : memref<2x18x64xi32, #tpu.memory_space<vmem>> -> memref<1x18x64xi32, #tpu.memory_space<vmem>>
        %dma_start3A_141 = tpu.memref_squeeze %dma_start3A_140 : memref<1x18x64xi32, #tpu.memory_space<vmem>> -> memref<18x64xi32, #tpu.memory_space<vmem>>
        %dma_start3A_142 = arith.constant 0 : i32
        %dma_start3A_143 = tpu.memref_slice %arg3[%add3A_131, %dma_start3A_142] : memref<5184x64xi32, #tpu.memory_space<hbm>> -> memref<18x64xi32, #tpu.memory_space<hbm>>
        tpu.enqueue_dma source(%dma_start3A_143 : memref<18x64xi32, #tpu.memory_space<hbm>>) target(%dma_start3A_141 : memref<18x64xi32, #tpu.memory_space<vmem>>) target_semaphore(%arg17 : memref<!tpu.dma_semaphore, #tpu.memory_space<semaphore_mem>>)
        %add3A_144 = arith.constant 1 : i32
        %add3A_145 = arith.addi %while3A_107, %add3A_144 : i32
        %mul3A_146 = arith.constant 18 : i32
        %mul3A_147 = arith.muli %add3A_145, %mul3A_146 : i32
        %add3A_148 = arith.addi %select_n3A_8, %mul3A_147 : i32
        %dma_start3A_149 = arith.constant 0 : i32
        %dma_start3A_150 = arith.constant 0 : i32
        %dma_start3A_151 = tpu.memref_slice %arg8[%sub3A_110, %dma_start3A_149, %dma_start3A_150] : memref<2x18x64xi32, #tpu.memory_space<vmem>> -> memref<1x18x64xi32, #tpu.memory_space<vmem>>
        %dma_start3A_152 = tpu.memref_squeeze %dma_start3A_151 : memref<1x18x64xi32, #tpu.memory_space<vmem>> -> memref<18x64xi32, #tpu.memory_space<vmem>>
        %dma_start3A_153 = arith.constant 0 : i32
        %dma_start3A_154 = tpu.memref_slice %arg4[%add3A_148, %dma_start3A_153] : memref<5184x64xi32, #tpu.memory_space<hbm>> -> memref<18x64xi32, #tpu.memory_space<hbm>>
        %dma_start3A_155 = arith.constant 0 : i32
        %dma_start3A_156 = arith.constant 0 : i32
        %dma_start3A_157 = tpu.memref_slice %arg8[%sub3A_110, %dma_start3A_155, %dma_start3A_156] : memref<2x18x64xi32, #tpu.memory_space<vmem>> -> memref<1x18x64xi32, #tpu.memory_space<vmem>>
        %dma_start3A_158 = tpu.memref_squeeze %dma_start3A_157 : memref<1x18x64xi32, #tpu.memory_space<vmem>> -> memref<18x64xi32, #tpu.memory_space<vmem>>
        %dma_start3A_159 = arith.constant 0 : i32
        %dma_start3A_160 = tpu.memref_slice %arg4[%add3A_148, %dma_start3A_159] : memref<5184x64xi32, #tpu.memory_space<hbm>> -> memref<18x64xi32, #tpu.memory_space<hbm>>
        tpu.enqueue_dma source(%dma_start3A_160 : memref<18x64xi32, #tpu.memory_space<hbm>>) target(%dma_start3A_158 : memref<18x64xi32, #tpu.memory_space<vmem>>) target_semaphore(%arg17 : memref<!tpu.dma_semaphore, #tpu.memory_space<semaphore_mem>>)
      } else {
      }
      %scan3A = arith.constant 0 : i32
      %scan3A_114 = arith.constant 0 : i32
      %scan3A_115 = arith.constant 6 : i32
      %scan3A_116 = arith.addi %scan3A_114, %scan3A_115 : i32
      %scan3A_117 = arith.constant 1 : i32
      %scan3A_118 = scf.for %scan3A_127 = %scan3A_114 to %scan3A_116 step %scan3A_117 iter_args(%scan3A_128 = %scan3A) -> (i32)  : i32 {
        %mul3A_129 = arith.constant 3 : i32
        %mul3A_130 = arith.muli %scan3A_127, %mul3A_129 : i32
        %add3A_131 = arith.constant 0 : i32
        %add3A_132 = arith.addi %mul3A_130, %add3A_131 : i32
        %mul3A_133 = arith.constant 18 : i32
        %mul3A_134 = arith.muli %while3A_107, %mul3A_133 : i32
        %add3A_135 = arith.addi %mul3A_134, %add3A_132 : i32
        %dma_wait3A_136 = arith.constant 0 : i32
        %dma_wait3A_137 = arith.constant 0 : i32
        %dma_wait3A_138 = arith.constant 0 : i32
        %dma_wait3A_139 = tpu.memref_slice %arg9[%dma_wait3A_136, %dma_wait3A_137, %dma_wait3A_138] : memref<3x64x144xf32, #tpu.memory_space<vmem>> -> memref<1x64x144xf32, #tpu.memory_space<vmem>>
        %dma_wait3A_140 = tpu.memref_squeeze %dma_wait3A_139 : memref<1x64x144xf32, #tpu.memory_space<vmem>> -> memref<64x144xf32, #tpu.memory_space<vmem>>
        %dma_wait3A_141 = arith.constant 0 : i32
        %dma_wait3A_142 = arith.constant 0 : i32
        %dma_wait3A_143 = tpu.memref_slice %arg7[%rem3A_109, %dma_wait3A_141, %dma_wait3A_142] : memref<2x18x64xi32, #tpu.memory_space<vmem>> -> memref<1x18x64xi32, #tpu.memory_space<vmem>>
        %dma_wait3A_144 = tpu.memref_squeeze %dma_wait3A_143 : memref<1x18x64xi32, #tpu.memory_space<vmem>> -> memref<18x64xi32, #tpu.memory_space<vmem>>
        %dma_wait3A_145 = arith.constant 0 : i32
        %dma_wait3A_146 = tpu.memref_slice %dma_wait3A_144[%add3A_132, %dma_wait3A_145] : memref<18x64xi32, #tpu.memory_space<vmem>> -> memref<1x64xi32, #tpu.memory_space<vmem>>
        %dma_wait3A_147 = tpu.memref_squeeze %dma_wait3A_146 : memref<1x64xi32, #tpu.memory_space<vmem>> -> memref<64xi32, #tpu.memory_space<vmem>>
        %dma_wait3A_148 = arith.constant 0 : i32
        %dma_wait3A_149 = arith.constant 0 : i32
        %dma_wait3A_150 = tpu.memref_slice %arg2[%dma_wait3A_148, %dma_wait3A_149] : memref<60672x144xf32, #tpu.memory_space<hbm>> -> memref<60672x144xf32, #tpu.memory_space<hbm>>
        tpu.wait_indirect_dma semaphore(%arg11 : memref<!tpu.dma_semaphore, #tpu.memory_space<semaphore_mem>>) src(%dma_wait3A_150 : memref<60672x144xf32, #tpu.memory_space<hbm>>) dst(%dma_wait3A_140 : memref<64x144xf32, #tpu.memory_space<vmem>>)
        %dma_start3A_151 = arith.constant 0 : i32
        %dma_start3A_152 = arith.constant 0 : i32
        %dma_start3A_153 = arith.constant 0 : i32
        %dma_start3A_154 = tpu.memref_slice %arg9[%dma_start3A_151, %dma_start3A_152, %dma_start3A_153] : memref<3x64x144xf32, #tpu.memory_space<vmem>> -> memref<1x64x144xf32, #tpu.memory_space<vmem>>
        %dma_start3A_155 = tpu.memref_squeeze %dma_start3A_154 : memref<1x64x144xf32, #tpu.memory_space<vmem>> -> memref<64x144xf32, #tpu.memory_space<vmem>>
        %dma_start3A_156 = arith.constant 0 : i32
        %dma_start3A_157 = arith.constant 0 : i32
        %dma_start3A_158 = tpu.memref_slice %arg8[%rem3A_109, %dma_start3A_156, %dma_start3A_157] : memref<2x18x64xi32, #tpu.memory_space<vmem>> -> memref<1x18x64xi32, #tpu.memory_space<vmem>>
        %dma_start3A_159 = tpu.memref_squeeze %dma_start3A_158 : memref<1x18x64xi32, #tpu.memory_space<vmem>> -> memref<18x64xi32, #tpu.memory_space<vmem>>
        %dma_start3A_160 = arith.constant 0 : i32
        %dma_start3A_161 = tpu.memref_slice %dma_start3A_159[%add3A_132, %dma_start3A_160] : memref<18x64xi32, #tpu.memory_space<vmem>> -> memref<1x64xi32, #tpu.memory_space<vmem>>
        %dma_start3A_162 = tpu.memref_squeeze %dma_start3A_161 : memref<1x64xi32, #tpu.memory_space<vmem>> -> memref<64xi32, #tpu.memory_space<vmem>>
        %dma_start3A_163 = arith.constant 0 : i32
        %dma_start3A_164 = arith.constant 0 : i32
        %dma_start3A_165 = tpu.memref_slice %arg10[%dma_start3A_163, %dma_start3A_164] : memref<10112x144xf32, #tpu.memory_space<vmem_shared>> -> memref<10112x144xf32, #tpu.memory_space<vmem_shared>>
        tpu.enqueue_indirect_dma source(%dma_start3A_155 : memref<64x144xf32, #tpu.memory_space<vmem>>) target(%dma_start3A_165 : memref<10112x144xf32, #tpu.memory_space<vmem_shared>>) offsets(%dma_start3A_162 : memref<64xi32, #tpu.memory_space<vmem>>) semaphore(%arg14 : memref<!tpu.dma_semaphore, #tpu.memory_space<semaphore_mem>>) {add = true}
        %ge3A = arith.constant 0 : i32
        %ge3A_166 = arith.cmpi sge, %add3A_135, %ge3A : i32
        %convert_element_type3A_167 = arith.extui %ge3A_166 : i1 to i32
        %cond3A_168 = arith.constant 0 : i32
        %cond3A_169 = arith.cmpi ne, %convert_element_type3A_167, %cond3A_168 : i32
        scf.if %cond3A_169 {
          %ge3A_267 = arith.constant 1 : i32
          %ge3A_268 = arith.cmpi sge, %add3A_135, %ge3A_267 : i32
          %convert_element_type3A_269 = arith.extui %ge3A_268 : i1 to i32
          %cond3A_270 = arith.constant 0 : i32
          %cond3A_271 = arith.cmpi ne, %convert_element_type3A_269, %cond3A_270 : i32
          scf.if %cond3A_271 {
            %dma_wait3A_289 = arith.constant 2 : i32
            %dma_wait3A_290 = arith.constant 0 : i32
            %dma_wait3A_291 = arith.constant 0 : i32
            %dma_wait3A_292 = tpu.memref_slice %arg9[%dma_wait3A_289, %dma_wait3A_290, %dma_wait3A_291] : memref<3x64x144xf32, #tpu.memory_space<vmem>> -> memref<1x64x144xf32, #tpu.memory_space<vmem>>
            %dma_wait3A_293 = tpu.memref_squeeze %dma_wait3A_292 : memref<1x64x144xf32, #tpu.memory_space<vmem>> -> memref<64x144xf32, #tpu.memory_space<vmem>>
            %dma_wait3A_294 = arith.constant 0 : i32
            %dma_wait3A_295 = arith.constant 0 : i32
            %dma_wait3A_296 = tpu.memref_slice %arg8[%rem3A_109, %dma_wait3A_294, %dma_wait3A_295] : memref<2x18x64xi32, #tpu.memory_space<vmem>> -> memref<1x18x64xi32, #tpu.memory_space<vmem>>
            %dma_wait3A_297 = tpu.memref_squeeze %dma_wait3A_296 : memref<1x18x64xi32, #tpu.memory_space<vmem>> -> memref<18x64xi32, #tpu.memory_space<vmem>>
            %dma_wait3A_298 = arith.constant 0 : i32
            %dma_wait3A_299 = tpu.memref_slice %dma_wait3A_297[%add3A_132, %dma_wait3A_298] : memref<18x64xi32, #tpu.memory_space<vmem>> -> memref<1x64xi32, #tpu.memory_space<vmem>>
            %dma_wait3A_300 = tpu.memref_squeeze %dma_wait3A_299 : memref<1x64xi32, #tpu.memory_space<vmem>> -> memref<64xi32, #tpu.memory_space<vmem>>
            %dma_wait3A_301 = arith.constant 0 : i32
            %dma_wait3A_302 = arith.constant 0 : i32
            %dma_wait3A_303 = tpu.memref_slice %arg10[%dma_wait3A_301, %dma_wait3A_302] : memref<10112x144xf32, #tpu.memory_space<vmem_shared>> -> memref<10112x144xf32, #tpu.memory_space<vmem_shared>>
            tpu.wait_indirect_dma semaphore(%arg16 : memref<!tpu.dma_semaphore, #tpu.memory_space<semaphore_mem>>) src(%dma_wait3A_293 : memref<64x144xf32, #tpu.memory_space<vmem>>) dst(%dma_wait3A_303 : memref<10112x144xf32, #tpu.memory_space<vmem_shared>>)
          } else {
          }
          %add3A_272 = arith.constant 2 : i32
          %add3A_273 = arith.addi %add3A_132, %add3A_272 : i32
          %dma_start3A_274 = arith.constant 2 : i32
          %dma_start3A_275 = arith.constant 0 : i32
          %dma_start3A_276 = arith.constant 0 : i32
          %dma_start3A_277 = tpu.memref_slice %arg9[%dma_start3A_274, %dma_start3A_275, %dma_start3A_276] : memref<3x64x144xf32, #tpu.memory_space<vmem>> -> memref<1x64x144xf32, #tpu.memory_space<vmem>>
          %dma_start3A_278 = tpu.memref_squeeze %dma_start3A_277 : memref<1x64x144xf32, #tpu.memory_space<vmem>> -> memref<64x144xf32, #tpu.memory_space<vmem>>
          %dma_start3A_279 = arith.constant 0 : i32
          %dma_start3A_280 = arith.constant 0 : i32
          %dma_start3A_281 = tpu.memref_slice %arg7[%rem3A_109, %dma_start3A_279, %dma_start3A_280] : memref<2x18x64xi32, #tpu.memory_space<vmem>> -> memref<1x18x64xi32, #tpu.memory_space<vmem>>
          %dma_start3A_282 = tpu.memref_squeeze %dma_start3A_281 : memref<1x18x64xi32, #tpu.memory_space<vmem>> -> memref<18x64xi32, #tpu.memory_space<vmem>>
          %dma_start3A_283 = arith.constant 0 : i32
          %dma_start3A_284 = tpu.memref_slice %dma_start3A_282[%add3A_273, %dma_start3A_283] : memref<18x64xi32, #tpu.memory_space<vmem>> -> memref<1x64xi32, #tpu.memory_space<vmem>>
          %dma_start3A_285 = tpu.memref_squeeze %dma_start3A_284 : memref<1x64xi32, #tpu.memory_space<vmem>> -> memref<64xi32, #tpu.memory_space<vmem>>
          %dma_start3A_286 = arith.constant 0 : i32
          %dma_start3A_287 = arith.constant 0 : i32
          %dma_start3A_288 = tpu.memref_slice %arg2[%dma_start3A_286, %dma_start3A_287] : memref<60672x144xf32, #tpu.memory_space<hbm>> -> memref<60672x144xf32, #tpu.memory_space<hbm>>
          tpu.enqueue_indirect_dma source(%dma_start3A_288 : memref<60672x144xf32, #tpu.memory_space<hbm>>) target(%dma_start3A_278 : memref<64x144xf32, #tpu.memory_space<vmem>>) offsets(%dma_start3A_285 : memref<64xi32, #tpu.memory_space<vmem>>) semaphore(%arg13 : memref<!tpu.dma_semaphore, #tpu.memory_space<semaphore_mem>>)
        } else {
        }
        %mul3A_170 = arith.constant 3 : i32
        %mul3A_171 = arith.muli %scan3A_127, %mul3A_170 : i32
        %add3A_172 = arith.constant 1 : i32
        %add3A_173 = arith.addi %mul3A_171, %add3A_172 : i32
        %mul3A_174 = arith.constant 18 : i32
        %mul3A_175 = arith.muli %while3A_107, %mul3A_174 : i32
        %add3A_176 = arith.addi %mul3A_175, %add3A_173 : i32
        %dma_wait3A_177 = arith.constant 1 : i32
        %dma_wait3A_178 = arith.constant 0 : i32
        %dma_wait3A_179 = arith.constant 0 : i32
        %dma_wait3A_180 = tpu.memref_slice %arg9[%dma_wait3A_177, %dma_wait3A_178, %dma_wait3A_179] : memref<3x64x144xf32, #tpu.memory_space<vmem>> -> memref<1x64x144xf32, #tpu.memory_space<vmem>>
        %dma_wait3A_181 = tpu.memref_squeeze %dma_wait3A_180 : memref<1x64x144xf32, #tpu.memory_space<vmem>> -> memref<64x144xf32, #tpu.memory_space<vmem>>
        %dma_wait3A_182 = arith.constant 0 : i32
        %dma_wait3A_183 = arith.constant 0 : i32
        %dma_wait3A_184 = tpu.memref_slice %arg7[%rem3A_109, %dma_wait3A_182, %dma_wait3A_183] : memref<2x18x64xi32, #tpu.memory_space<vmem>> -> memref<1x18x64xi32, #tpu.memory_space<vmem>>
        %dma_wait3A_185 = tpu.memref_squeeze %dma_wait3A_184 : memref<1x18x64xi32, #tpu.memory_space<vmem>> -> memref<18x64xi32, #tpu.memory_space<vmem>>
        %dma_wait3A_186 = arith.constant 0 : i32
        %dma_wait3A_187 = tpu.memref_slice %dma_wait3A_185[%add3A_173, %dma_wait3A_186] : memref<18x64xi32, #tpu.memory_space<vmem>> -> memref<1x64xi32, #tpu.memory_space<vmem>>
        %dma_wait3A_188 = tpu.memref_squeeze %dma_wait3A_187 : memref<1x64xi32, #tpu.memory_space<vmem>> -> memref<64xi32, #tpu.memory_space<vmem>>
        %dma_wait3A_189 = arith.constant 0 : i32
        %dma_wait3A_190 = arith.constant 0 : i32
        %dma_wait3A_191 = tpu.memref_slice %arg2[%dma_wait3A_189, %dma_wait3A_190] : memref<60672x144xf32, #tpu.memory_space<hbm>> -> memref<60672x144xf32, #tpu.memory_space<hbm>>
        tpu.wait_indirect_dma semaphore(%arg12 : memref<!tpu.dma_semaphore, #tpu.memory_space<semaphore_mem>>) src(%dma_wait3A_191 : memref<60672x144xf32, #tpu.memory_space<hbm>>) dst(%dma_wait3A_181 : memref<64x144xf32, #tpu.memory_space<vmem>>)
        %dma_start3A_192 = arith.constant 1 : i32
        %dma_start3A_193 = arith.constant 0 : i32
        %dma_start3A_194 = arith.constant 0 : i32
        %dma_start3A_195 = tpu.memref_slice %arg9[%dma_start3A_192, %dma_start3A_193, %dma_start3A_194] : memref<3x64x144xf32, #tpu.memory_space<vmem>> -> memref<1x64x144xf32, #tpu.memory_space<vmem>>
        %dma_start3A_196 = tpu.memref_squeeze %dma_start3A_195 : memref<1x64x144xf32, #tpu.memory_space<vmem>> -> memref<64x144xf32, #tpu.memory_space<vmem>>
        %dma_start3A_197 = arith.constant 0 : i32
        %dma_start3A_198 = arith.constant 0 : i32
        %dma_start3A_199 = tpu.memref_slice %arg8[%rem3A_109, %dma_start3A_197, %dma_start3A_198] : memref<2x18x64xi32, #tpu.memory_space<vmem>> -> memref<1x18x64xi32, #tpu.memory_space<vmem>>
        %dma_start3A_200 = tpu.memref_squeeze %dma_start3A_199 : memref<1x18x64xi32, #tpu.memory_space<vmem>> -> memref<18x64xi32, #tpu.memory_space<vmem>>
        %dma_start3A_201 = arith.constant 0 : i32
        %dma_start3A_202 = tpu.memref_slice %dma_start3A_200[%add3A_173, %dma_start3A_201] : memref<18x64xi32, #tpu.memory_space<vmem>> -> memref<1x64xi32, #tpu.memory_space<vmem>>
        %dma_start3A_203 = tpu.memref_squeeze %dma_start3A_202 : memref<1x64xi32, #tpu.memory_space<vmem>> -> memref<64xi32, #tpu.memory_space<vmem>>
        %dma_start3A_204 = arith.constant 0 : i32
        %dma_start3A_205 = arith.constant 0 : i32
        %dma_start3A_206 = tpu.memref_slice %arg10[%dma_start3A_204, %dma_start3A_205] : memref<10112x144xf32, #tpu.memory_space<vmem_shared>> -> memref<10112x144xf32, #tpu.memory_space<vmem_shared>>
        tpu.enqueue_indirect_dma source(%dma_start3A_196 : memref<64x144xf32, #tpu.memory_space<vmem>>) target(%dma_start3A_206 : memref<10112x144xf32, #tpu.memory_space<vmem_shared>>) offsets(%dma_start3A_203 : memref<64xi32, #tpu.memory_space<vmem>>) semaphore(%arg15 : memref<!tpu.dma_semaphore, #tpu.memory_space<semaphore_mem>>) {add = true}
        %mul3A_207 = arith.constant 3 : i32
        %mul3A_208 = arith.muli %scan3A_127, %mul3A_207 : i32
        %add3A_209 = arith.constant 1 : i32
        %add3A_210 = arith.addi %mul3A_208, %add3A_209 : i32
        %add3A_211 = arith.constant 2 : i32
        %add3A_212 = arith.addi %add3A_210, %add3A_211 : i32
        %lt3A_213 = arith.constant 18 : i32
        %lt3A_214 = arith.cmpi slt, %add3A_212, %lt3A_213 : i32
        %convert_element_type3A_215 = arith.extui %lt3A_214 : i1 to i32
        %cond3A_216 = arith.constant 0 : i32
        %cond3A_217 = arith.cmpi ne, %convert_element_type3A_215, %cond3A_216 : i32
        scf.if %cond3A_217 {
          %ge3A_267 = arith.constant 1 : i32
          %ge3A_268 = arith.cmpi sge, %add3A_176, %ge3A_267 : i32
          %convert_element_type3A_269 = arith.extui %ge3A_268 : i1 to i32
          %cond3A_270 = arith.constant 0 : i32
          %cond3A_271 = arith.cmpi ne, %convert_element_type3A_269, %cond3A_270 : i32
          scf.if %cond3A_271 {
            %dma_wait3A_289 = arith.constant 0 : i32
            %dma_wait3A_290 = arith.constant 0 : i32
            %dma_wait3A_291 = arith.constant 0 : i32
            %dma_wait3A_292 = tpu.memref_slice %arg9[%dma_wait3A_289, %dma_wait3A_290, %dma_wait3A_291] : memref<3x64x144xf32, #tpu.memory_space<vmem>> -> memref<1x64x144xf32, #tpu.memory_space<vmem>>
            %dma_wait3A_293 = tpu.memref_squeeze %dma_wait3A_292 : memref<1x64x144xf32, #tpu.memory_space<vmem>> -> memref<64x144xf32, #tpu.memory_space<vmem>>
            %dma_wait3A_294 = arith.constant 0 : i32
            %dma_wait3A_295 = arith.constant 0 : i32
            %dma_wait3A_296 = tpu.memref_slice %arg8[%rem3A_109, %dma_wait3A_294, %dma_wait3A_295] : memref<2x18x64xi32, #tpu.memory_space<vmem>> -> memref<1x18x64xi32, #tpu.memory_space<vmem>>
            %dma_wait3A_297 = tpu.memref_squeeze %dma_wait3A_296 : memref<1x18x64xi32, #tpu.memory_space<vmem>> -> memref<18x64xi32, #tpu.memory_space<vmem>>
            %dma_wait3A_298 = arith.constant 0 : i32
            %dma_wait3A_299 = tpu.memref_slice %dma_wait3A_297[%add3A_173, %dma_wait3A_298] : memref<18x64xi32, #tpu.memory_space<vmem>> -> memref<1x64xi32, #tpu.memory_space<vmem>>
            %dma_wait3A_300 = tpu.memref_squeeze %dma_wait3A_299 : memref<1x64xi32, #tpu.memory_space<vmem>> -> memref<64xi32, #tpu.memory_space<vmem>>
            %dma_wait3A_301 = arith.constant 0 : i32
            %dma_wait3A_302 = arith.constant 0 : i32
            %dma_wait3A_303 = tpu.memref_slice %arg10[%dma_wait3A_301, %dma_wait3A_302] : memref<10112x144xf32, #tpu.memory_space<vmem_shared>> -> memref<10112x144xf32, #tpu.memory_space<vmem_shared>>
            tpu.wait_indirect_dma semaphore(%arg14 : memref<!tpu.dma_semaphore, #tpu.memory_space<semaphore_mem>>) src(%dma_wait3A_293 : memref<64x144xf32, #tpu.memory_space<vmem>>) dst(%dma_wait3A_303 : memref<10112x144xf32, #tpu.memory_space<vmem_shared>>)
          } else {
          }
          %add3A_272 = arith.constant 2 : i32
          %add3A_273 = arith.addi %add3A_173, %add3A_272 : i32
          %dma_start3A_274 = arith.constant 0 : i32
          %dma_start3A_275 = arith.constant 0 : i32
          %dma_start3A_276 = arith.constant 0 : i32
          %dma_start3A_277 = tpu.memref_slice %arg9[%dma_start3A_274, %dma_start3A_275, %dma_start3A_276] : memref<3x64x144xf32, #tpu.memory_space<vmem>> -> memref<1x64x144xf32, #tpu.memory_space<vmem>>
          %dma_start3A_278 = tpu.memref_squeeze %dma_start3A_277 : memref<1x64x144xf32, #tpu.memory_space<vmem>> -> memref<64x144xf32, #tpu.memory_space<vmem>>
          %dma_start3A_279 = arith.constant 0 : i32
          %dma_start3A_280 = arith.constant 0 : i32
          %dma_start3A_281 = tpu.memref_slice %arg7[%rem3A_109, %dma_start3A_279, %dma_start3A_280] : memref<2x18x64xi32, #tpu.memory_space<vmem>> -> memref<1x18x64xi32, #tpu.memory_space<vmem>>
          %dma_start3A_282 = tpu.memref_squeeze %dma_start3A_281 : memref<1x18x64xi32, #tpu.memory_space<vmem>> -> memref<18x64xi32, #tpu.memory_space<vmem>>
          %dma_start3A_283 = arith.constant 0 : i32
          %dma_start3A_284 = tpu.memref_slice %dma_start3A_282[%add3A_273, %dma_start3A_283] : memref<18x64xi32, #tpu.memory_space<vmem>> -> memref<1x64xi32, #tpu.memory_space<vmem>>
          %dma_start3A_285 = tpu.memref_squeeze %dma_start3A_284 : memref<1x64xi32, #tpu.memory_space<vmem>> -> memref<64xi32, #tpu.memory_space<vmem>>
          %dma_start3A_286 = arith.constant 0 : i32
          %dma_start3A_287 = arith.constant 0 : i32
          %dma_start3A_288 = tpu.memref_slice %arg2[%dma_start3A_286, %dma_start3A_287] : memref<60672x144xf32, #tpu.memory_space<hbm>> -> memref<60672x144xf32, #tpu.memory_space<hbm>>
          tpu.enqueue_indirect_dma source(%dma_start3A_288 : memref<60672x144xf32, #tpu.memory_space<hbm>>) target(%dma_start3A_278 : memref<64x144xf32, #tpu.memory_space<vmem>>) offsets(%dma_start3A_285 : memref<64xi32, #tpu.memory_space<vmem>>) semaphore(%arg11 : memref<!tpu.dma_semaphore, #tpu.memory_space<semaphore_mem>>)
        } else {
        }
        %mul3A_218 = arith.constant 3 : i32
        %mul3A_219 = arith.muli %scan3A_127, %mul3A_218 : i32
        %add3A_220 = arith.constant 2 : i32
        %add3A_221 = arith.addi %mul3A_219, %add3A_220 : i32
        %mul3A_222 = arith.constant 18 : i32
        %mul3A_223 = arith.muli %while3A_107, %mul3A_222 : i32
        %add3A_224 = arith.addi %mul3A_223, %add3A_221 : i32
        %dma_wait3A_225 = arith.constant 2 : i32
        %dma_wait3A_226 = arith.constant 0 : i32
        %dma_wait3A_227 = arith.constant 0 : i32
        %dma_wait3A_228 = tpu.memref_slice %arg9[%dma_wait3A_225, %dma_wait3A_226, %dma_wait3A_227] : memref<3x64x144xf32, #tpu.memory_space<vmem>> -> memref<1x64x144xf32, #tpu.memory_space<vmem>>
        %dma_wait3A_229 = tpu.memref_squeeze %dma_wait3A_228 : memref<1x64x144xf32, #tpu.memory_space<vmem>> -> memref<64x144xf32, #tpu.memory_space<vmem>>
        %dma_wait3A_230 = arith.constant 0 : i32
        %dma_wait3A_231 = arith.constant 0 : i32
        %dma_wait3A_232 = tpu.memref_slice %arg7[%rem3A_109, %dma_wait3A_230, %dma_wait3A_231] : memref<2x18x64xi32, #tpu.memory_space<vmem>> -> memref<1x18x64xi32, #tpu.memory_space<vmem>>
        %dma_wait3A_233 = tpu.memref_squeeze %dma_wait3A_232 : memref<1x18x64xi32, #tpu.memory_space<vmem>> -> memref<18x64xi32, #tpu.memory_space<vmem>>
        %dma_wait3A_234 = arith.constant 0 : i32
        %dma_wait3A_235 = tpu.memref_slice %dma_wait3A_233[%add3A_221, %dma_wait3A_234] : memref<18x64xi32, #tpu.memory_space<vmem>> -> memref<1x64xi32, #tpu.memory_space<vmem>>
        %dma_wait3A_236 = tpu.memref_squeeze %dma_wait3A_235 : memref<1x64xi32, #tpu.memory_space<vmem>> -> memref<64xi32, #tpu.memory_space<vmem>>
        %dma_wait3A_237 = arith.constant 0 : i32
        %dma_wait3A_238 = arith.constant 0 : i32
        %dma_wait3A_239 = tpu.memref_slice %arg2[%dma_wait3A_237, %dma_wait3A_238] : memref<60672x144xf32, #tpu.memory_space<hbm>> -> memref<60672x144xf32, #tpu.memory_space<hbm>>
        tpu.wait_indirect_dma semaphore(%arg13 : memref<!tpu.dma_semaphore, #tpu.memory_space<semaphore_mem>>) src(%dma_wait3A_239 : memref<60672x144xf32, #tpu.memory_space<hbm>>) dst(%dma_wait3A_229 : memref<64x144xf32, #tpu.memory_space<vmem>>)
        %dma_start3A_240 = arith.constant 2 : i32
        %dma_start3A_241 = arith.constant 0 : i32
        %dma_start3A_242 = arith.constant 0 : i32
        %dma_start3A_243 = tpu.memref_slice %arg9[%dma_start3A_240, %dma_start3A_241, %dma_start3A_242] : memref<3x64x144xf32, #tpu.memory_space<vmem>> -> memref<1x64x144xf32, #tpu.memory_space<vmem>>
        %dma_start3A_244 = tpu.memref_squeeze %dma_start3A_243 : memref<1x64x144xf32, #tpu.memory_space<vmem>> -> memref<64x144xf32, #tpu.memory_space<vmem>>
        %dma_start3A_245 = arith.constant 0 : i32
        %dma_start3A_246 = arith.constant 0 : i32
        %dma_start3A_247 = tpu.memref_slice %arg8[%rem3A_109, %dma_start3A_245, %dma_start3A_246] : memref<2x18x64xi32, #tpu.memory_space<vmem>> -> memref<1x18x64xi32, #tpu.memory_space<vmem>>
        %dma_start3A_248 = tpu.memref_squeeze %dma_start3A_247 : memref<1x18x64xi32, #tpu.memory_space<vmem>> -> memref<18x64xi32, #tpu.memory_space<vmem>>
        %dma_start3A_249 = arith.constant 0 : i32
        %dma_start3A_250 = tpu.memref_slice %dma_start3A_248[%add3A_221, %dma_start3A_249] : memref<18x64xi32, #tpu.memory_space<vmem>> -> memref<1x64xi32, #tpu.memory_space<vmem>>
        %dma_start3A_251 = tpu.memref_squeeze %dma_start3A_250 : memref<1x64xi32, #tpu.memory_space<vmem>> -> memref<64xi32, #tpu.memory_space<vmem>>
        %dma_start3A_252 = arith.constant 0 : i32
        %dma_start3A_253 = arith.constant 0 : i32
        %dma_start3A_254 = tpu.memref_slice %arg10[%dma_start3A_252, %dma_start3A_253] : memref<10112x144xf32, #tpu.memory_space<vmem_shared>> -> memref<10112x144xf32, #tpu.memory_space<vmem_shared>>
        tpu.enqueue_indirect_dma source(%dma_start3A_244 : memref<64x144xf32, #tpu.memory_space<vmem>>) target(%dma_start3A_254 : memref<10112x144xf32, #tpu.memory_space<vmem_shared>>) offsets(%dma_start3A_251 : memref<64xi32, #tpu.memory_space<vmem>>) semaphore(%arg16 : memref<!tpu.dma_semaphore, #tpu.memory_space<semaphore_mem>>) {add = true}
        %mul3A_255 = arith.constant 3 : i32
        %mul3A_256 = arith.muli %scan3A_127, %mul3A_255 : i32
        %add3A_257 = arith.constant 2 : i32
        %add3A_258 = arith.addi %mul3A_256, %add3A_257 : i32
        %add3A_259 = arith.constant 2 : i32
        %add3A_260 = arith.addi %add3A_258, %add3A_259 : i32
        %lt3A_261 = arith.constant 18 : i32
        %lt3A_262 = arith.cmpi slt, %add3A_260, %lt3A_261 : i32
        %convert_element_type3A_263 = arith.extui %lt3A_262 : i1 to i32
        %cond3A_264 = arith.constant 0 : i32
        %cond3A_265 = arith.cmpi ne, %convert_element_type3A_263, %cond3A_264 : i32
        scf.if %cond3A_265 {
          %ge3A_267 = arith.constant 1 : i32
          %ge3A_268 = arith.cmpi sge, %add3A_224, %ge3A_267 : i32
          %convert_element_type3A_269 = arith.extui %ge3A_268 : i1 to i32
          %cond3A_270 = arith.constant 0 : i32
          %cond3A_271 = arith.cmpi ne, %convert_element_type3A_269, %cond3A_270 : i32
          scf.if %cond3A_271 {
            %dma_wait3A_289 = arith.constant 1 : i32
            %dma_wait3A_290 = arith.constant 0 : i32
            %dma_wait3A_291 = arith.constant 0 : i32
            %dma_wait3A_292 = tpu.memref_slice %arg9[%dma_wait3A_289, %dma_wait3A_290, %dma_wait3A_291] : memref<3x64x144xf32, #tpu.memory_space<vmem>> -> memref<1x64x144xf32, #tpu.memory_space<vmem>>
            %dma_wait3A_293 = tpu.memref_squeeze %dma_wait3A_292 : memref<1x64x144xf32, #tpu.memory_space<vmem>> -> memref<64x144xf32, #tpu.memory_space<vmem>>
            %dma_wait3A_294 = arith.constant 0 : i32
            %dma_wait3A_295 = arith.constant 0 : i32
            %dma_wait3A_296 = tpu.memref_slice %arg8[%rem3A_109, %dma_wait3A_294, %dma_wait3A_295] : memref<2x18x64xi32, #tpu.memory_space<vmem>> -> memref<1x18x64xi32, #tpu.memory_space<vmem>>
            %dma_wait3A_297 = tpu.memref_squeeze %dma_wait3A_296 : memref<1x18x64xi32, #tpu.memory_space<vmem>> -> memref<18x64xi32, #tpu.memory_space<vmem>>
            %dma_wait3A_298 = arith.constant 0 : i32
            %dma_wait3A_299 = tpu.memref_slice %dma_wait3A_297[%add3A_221, %dma_wait3A_298] : memref<18x64xi32, #tpu.memory_space<vmem>> -> memref<1x64xi32, #tpu.memory_space<vmem>>
            %dma_wait3A_300 = tpu.memref_squeeze %dma_wait3A_299 : memref<1x64xi32, #tpu.memory_space<vmem>> -> memref<64xi32, #tpu.memory_space<vmem>>
            %dma_wait3A_301 = arith.constant 0 : i32
            %dma_wait3A_302 = arith.constant 0 : i32
            %dma_wait3A_303 = tpu.memref_slice %arg10[%dma_wait3A_301, %dma_wait3A_302] : memref<10112x144xf32, #tpu.memory_space<vmem_shared>> -> memref<10112x144xf32, #tpu.memory_space<vmem_shared>>
            tpu.wait_indirect_dma semaphore(%arg15 : memref<!tpu.dma_semaphore, #tpu.memory_space<semaphore_mem>>) src(%dma_wait3A_293 : memref<64x144xf32, #tpu.memory_space<vmem>>) dst(%dma_wait3A_303 : memref<10112x144xf32, #tpu.memory_space<vmem_shared>>)
          } else {
          }
          %add3A_272 = arith.constant 2 : i32
          %add3A_273 = arith.addi %add3A_221, %add3A_272 : i32
          %dma_start3A_274 = arith.constant 1 : i32
          %dma_start3A_275 = arith.constant 0 : i32
          %dma_start3A_276 = arith.constant 0 : i32
          %dma_start3A_277 = tpu.memref_slice %arg9[%dma_start3A_274, %dma_start3A_275, %dma_start3A_276] : memref<3x64x144xf32, #tpu.memory_space<vmem>> -> memref<1x64x144xf32, #tpu.memory_space<vmem>>
          %dma_start3A_278 = tpu.memref_squeeze %dma_start3A_277 : memref<1x64x144xf32, #tpu.memory_space<vmem>> -> memref<64x144xf32, #tpu.memory_space<vmem>>
          %dma_start3A_279 = arith.constant 0 : i32
          %dma_start3A_280 = arith.constant 0 : i32
          %dma_start3A_281 = tpu.memref_slice %arg7[%rem3A_109, %dma_start3A_279, %dma_start3A_280] : memref<2x18x64xi32, #tpu.memory_space<vmem>> -> memref<1x18x64xi32, #tpu.memory_space<vmem>>
          %dma_start3A_282 = tpu.memref_squeeze %dma_start3A_281 : memref<1x18x64xi32, #tpu.memory_space<vmem>> -> memref<18x64xi32, #tpu.memory_space<vmem>>
          %dma_start3A_283 = arith.constant 0 : i32
          %dma_start3A_284 = tpu.memref_slice %dma_start3A_282[%add3A_273, %dma_start3A_283] : memref<18x64xi32, #tpu.memory_space<vmem>> -> memref<1x64xi32, #tpu.memory_space<vmem>>
          %dma_start3A_285 = tpu.memref_squeeze %dma_start3A_284 : memref<1x64xi32, #tpu.memory_space<vmem>> -> memref<64xi32, #tpu.memory_space<vmem>>
          %dma_start3A_286 = arith.constant 0 : i32
          %dma_start3A_287 = arith.constant 0 : i32
          %dma_start3A_288 = tpu.memref_slice %arg2[%dma_start3A_286, %dma_start3A_287] : memref<60672x144xf32, #tpu.memory_space<hbm>> -> memref<60672x144xf32, #tpu.memory_space<hbm>>
          tpu.enqueue_indirect_dma source(%dma_start3A_288 : memref<60672x144xf32, #tpu.memory_space<hbm>>) target(%dma_start3A_278 : memref<64x144xf32, #tpu.memory_space<vmem>>) offsets(%dma_start3A_285 : memref<64xi32, #tpu.memory_space<vmem>>) semaphore(%arg12 : memref<!tpu.dma_semaphore, #tpu.memory_space<semaphore_mem>>)
        } else {
        }
        %scan3A_266 = arith.constant 0 : i32
        scf.yield %scan3A_266 : i32
      }
      %scan3A_119 = arith.constant 6 : i32
      %sub3A_120 = arith.constant 1 : i32
      %sub3A_121 = arith.subi %select_n3A, %sub3A_120 : i32
      %lt3A_122 = arith.cmpi slt, %while3A_107, %sub3A_121 : i32
      %convert_element_type3A_123 = arith.extui %lt3A_122 : i1 to i32
      %cond3A_124 = arith.constant 0 : i32
      %cond3A_125 = arith.cmpi ne, %convert_element_type3A_123, %cond3A_124 : i32
      scf.if %cond3A_125 {
        %add3A_127 = arith.constant 1 : i32
        %add3A_128 = arith.addi %while3A_107, %add3A_127 : i32
        %mul3A_129 = arith.constant 18 : i32
        %mul3A_130 = arith.muli %add3A_128, %mul3A_129 : i32
        %add3A_131 = arith.addi %select_n3A_8, %mul3A_130 : i32
        %dma_wait3A_132 = arith.constant 0 : i32
        %dma_wait3A_133 = arith.constant 0 : i32
        %dma_wait3A_134 = tpu.memref_slice %arg7[%sub3A_110, %dma_wait3A_132, %dma_wait3A_133] : memref<2x18x64xi32, #tpu.memory_space<vmem>> -> memref<1x18x64xi32, #tpu.memory_space<vmem>>
        %dma_wait3A_135 = tpu.memref_squeeze %dma_wait3A_134 : memref<1x18x64xi32, #tpu.memory_space<vmem>> -> memref<18x64xi32, #tpu.memory_space<vmem>>
        %dma_wait3A_136 = arith.constant 0 : i32
        %dma_wait3A_137 = tpu.memref_slice %arg3[%add3A_131, %dma_wait3A_136] : memref<5184x64xi32, #tpu.memory_space<hbm>> -> memref<18x64xi32, #tpu.memory_space<hbm>>
        %dma_wait3A_138 = arith.constant 0 : i32
        %dma_wait3A_139 = arith.constant 0 : i32
        %dma_wait3A_140 = tpu.memref_slice %arg7[%sub3A_110, %dma_wait3A_138, %dma_wait3A_139] : memref<2x18x64xi32, #tpu.memory_space<vmem>> -> memref<1x18x64xi32, #tpu.memory_space<vmem>>
        %dma_wait3A_141 = tpu.memref_squeeze %dma_wait3A_140 : memref<1x18x64xi32, #tpu.memory_space<vmem>> -> memref<18x64xi32, #tpu.memory_space<vmem>>
        %dma_wait3A_142 = arith.constant 0 : i32
        %dma_wait3A_143 = tpu.memref_slice %arg3[%add3A_131, %dma_wait3A_142] : memref<5184x64xi32, #tpu.memory_space<hbm>> -> memref<18x64xi32, #tpu.memory_space<hbm>>
        tpu.wait_dma2 semaphore(%arg17 : memref<!tpu.dma_semaphore, #tpu.memory_space<semaphore_mem>>) src(%dma_wait3A_143 : memref<18x64xi32, #tpu.memory_space<hbm>>) dst(%dma_wait3A_141 : memref<18x64xi32, #tpu.memory_space<vmem>>)
        %add3A_144 = arith.constant 1 : i32
        %add3A_145 = arith.addi %while3A_107, %add3A_144 : i32
        %mul3A_146 = arith.constant 18 : i32
        %mul3A_147 = arith.muli %add3A_145, %mul3A_146 : i32
        %add3A_148 = arith.addi %select_n3A_8, %mul3A_147 : i32
        %dma_wait3A_149 = arith.constant 0 : i32
        %dma_wait3A_150 = arith.constant 0 : i32
        %dma_wait3A_151 = tpu.memref_slice %arg8[%sub3A_110, %dma_wait3A_149, %dma_wait3A_150] : memref<2x18x64xi32, #tpu.memory_space<vmem>> -> memref<1x18x64xi32, #tpu.memory_space<vmem>>
        %dma_wait3A_152 = tpu.memref_squeeze %dma_wait3A_151 : memref<1x18x64xi32, #tpu.memory_space<vmem>> -> memref<18x64xi32, #tpu.memory_space<vmem>>
        %dma_wait3A_153 = arith.constant 0 : i32
        %dma_wait3A_154 = tpu.memref_slice %arg4[%add3A_148, %dma_wait3A_153] : memref<5184x64xi32, #tpu.memory_space<hbm>> -> memref<18x64xi32, #tpu.memory_space<hbm>>
        %dma_wait3A_155 = arith.constant 0 : i32
        %dma_wait3A_156 = arith.constant 0 : i32
        %dma_wait3A_157 = tpu.memref_slice %arg8[%sub3A_110, %dma_wait3A_155, %dma_wait3A_156] : memref<2x18x64xi32, #tpu.memory_space<vmem>> -> memref<1x18x64xi32, #tpu.memory_space<vmem>>
        %dma_wait3A_158 = tpu.memref_squeeze %dma_wait3A_157 : memref<1x18x64xi32, #tpu.memory_space<vmem>> -> memref<18x64xi32, #tpu.memory_space<vmem>>
        %dma_wait3A_159 = arith.constant 0 : i32
        %dma_wait3A_160 = tpu.memref_slice %arg4[%add3A_148, %dma_wait3A_159] : memref<5184x64xi32, #tpu.memory_space<hbm>> -> memref<18x64xi32, #tpu.memory_space<hbm>>
        tpu.wait_dma2 semaphore(%arg17 : memref<!tpu.dma_semaphore, #tpu.memory_space<semaphore_mem>>) src(%dma_wait3A_160 : memref<18x64xi32, #tpu.memory_space<hbm>>) dst(%dma_wait3A_158 : memref<18x64xi32, #tpu.memory_space<vmem>>)
        %dma_wait3A_161 = arith.constant 0 : i32
        %dma_wait3A_162 = arith.constant 0 : i32
        %dma_wait3A_163 = arith.constant 0 : i32
        %dma_wait3A_164 = arith.constant 0 : i32
        %dma_wait3A_165 = tpu.memref_slice %arg9[%dma_wait3A_161, %dma_wait3A_163, %dma_wait3A_164] : memref<3x64x144xf32, #tpu.memory_space<vmem>> -> memref<1x64x144xf32, #tpu.memory_space<vmem>>
        %dma_wait3A_166 = tpu.memref_squeeze %dma_wait3A_165 : memref<1x64x144xf32, #tpu.memory_space<vmem>> -> memref<64x144xf32, #tpu.memory_space<vmem>>
        %dma_wait3A_167 = arith.constant 0 : i32
        %dma_wait3A_168 = arith.constant 0 : i32
        %dma_wait3A_169 = tpu.memref_slice %arg8[%sub3A_110, %dma_wait3A_167, %dma_wait3A_168] : memref<2x18x64xi32, #tpu.memory_space<vmem>> -> memref<1x18x64xi32, #tpu.memory_space<vmem>>
        %dma_wait3A_170 = tpu.memref_squeeze %dma_wait3A_169 : memref<1x18x64xi32, #tpu.memory_space<vmem>> -> memref<18x64xi32, #tpu.memory_space<vmem>>
        %dma_wait3A_171 = arith.constant 0 : i32
        %dma_wait3A_172 = tpu.memref_slice %dma_wait3A_170[%dma_wait3A_162, %dma_wait3A_171] : memref<18x64xi32, #tpu.memory_space<vmem>> -> memref<1x64xi32, #tpu.memory_space<vmem>>
        %dma_wait3A_173 = tpu.memref_squeeze %dma_wait3A_172 : memref<1x64xi32, #tpu.memory_space<vmem>> -> memref<64xi32, #tpu.memory_space<vmem>>
        %dma_wait3A_174 = arith.constant 0 : i32
        %dma_wait3A_175 = arith.constant 0 : i32
        %dma_wait3A_176 = tpu.memref_slice %arg10[%dma_wait3A_174, %dma_wait3A_175] : memref<10112x144xf32, #tpu.memory_space<vmem_shared>> -> memref<10112x144xf32, #tpu.memory_space<vmem_shared>>
        tpu.wait_indirect_dma semaphore(%arg14 : memref<!tpu.dma_semaphore, #tpu.memory_space<semaphore_mem>>) src(%dma_wait3A_166 : memref<64x144xf32, #tpu.memory_space<vmem>>) dst(%dma_wait3A_176 : memref<10112x144xf32, #tpu.memory_space<vmem_shared>>)
        %dma_start3A_177 = arith.constant 0 : i32
        %dma_start3A_178 = arith.constant 0 : i32
        %dma_start3A_179 = arith.constant 0 : i32
        %dma_start3A_180 = arith.constant 0 : i32
        %dma_start3A_181 = tpu.memref_slice %arg9[%dma_start3A_178, %dma_start3A_179, %dma_start3A_180] : memref<3x64x144xf32, #tpu.memory_space<vmem>> -> memref<1x64x144xf32, #tpu.memory_space<vmem>>
        %dma_start3A_182 = tpu.memref_squeeze %dma_start3A_181 : memref<1x64x144xf32, #tpu.memory_space<vmem>> -> memref<64x144xf32, #tpu.memory_space<vmem>>
        %dma_start3A_183 = arith.constant 0 : i32
        %dma_start3A_184 = arith.constant 0 : i32
        %dma_start3A_185 = tpu.memref_slice %arg7[%sub3A_110, %dma_start3A_183, %dma_start3A_184] : memref<2x18x64xi32, #tpu.memory_space<vmem>> -> memref<1x18x64xi32, #tpu.memory_space<vmem>>
        %dma_start3A_186 = tpu.memref_squeeze %dma_start3A_185 : memref<1x18x64xi32, #tpu.memory_space<vmem>> -> memref<18x64xi32, #tpu.memory_space<vmem>>
        %dma_start3A_187 = arith.constant 0 : i32
        %dma_start3A_188 = tpu.memref_slice %dma_start3A_186[%dma_start3A_177, %dma_start3A_187] : memref<18x64xi32, #tpu.memory_space<vmem>> -> memref<1x64xi32, #tpu.memory_space<vmem>>
        %dma_start3A_189 = tpu.memref_squeeze %dma_start3A_188 : memref<1x64xi32, #tpu.memory_space<vmem>> -> memref<64xi32, #tpu.memory_space<vmem>>
        %dma_start3A_190 = arith.constant 0 : i32
        %dma_start3A_191 = arith.constant 0 : i32
        %dma_start3A_192 = tpu.memref_slice %arg2[%dma_start3A_190, %dma_start3A_191] : memref<60672x144xf32, #tpu.memory_space<hbm>> -> memref<60672x144xf32, #tpu.memory_space<hbm>>
        tpu.enqueue_indirect_dma source(%dma_start3A_192 : memref<60672x144xf32, #tpu.memory_space<hbm>>) target(%dma_start3A_182 : memref<64x144xf32, #tpu.memory_space<vmem>>) offsets(%dma_start3A_189 : memref<64xi32, #tpu.memory_space<vmem>>) semaphore(%arg11 : memref<!tpu.dma_semaphore, #tpu.memory_space<semaphore_mem>>)
        %dma_wait3A_193 = arith.constant 1 : i32
        %dma_wait3A_194 = arith.constant 1 : i32
        %dma_wait3A_195 = arith.constant 0 : i32
        %dma_wait3A_196 = arith.constant 0 : i32
        %dma_wait3A_197 = tpu.memref_slice %arg9[%dma_wait3A_193, %dma_wait3A_195, %dma_wait3A_196] : memref<3x64x144xf32, #tpu.memory_space<vmem>> -> memref<1x64x144xf32, #tpu.memory_space<vmem>>
        %dma_wait3A_198 = tpu.memref_squeeze %dma_wait3A_197 : memref<1x64x144xf32, #tpu.memory_space<vmem>> -> memref<64x144xf32, #tpu.memory_space<vmem>>
        %dma_wait3A_199 = arith.constant 0 : i32
        %dma_wait3A_200 = arith.constant 0 : i32
        %dma_wait3A_201 = tpu.memref_slice %arg8[%sub3A_110, %dma_wait3A_199, %dma_wait3A_200] : memref<2x18x64xi32, #tpu.memory_space<vmem>> -> memref<1x18x64xi32, #tpu.memory_space<vmem>>
        %dma_wait3A_202 = tpu.memref_squeeze %dma_wait3A_201 : memref<1x18x64xi32, #tpu.memory_space<vmem>> -> memref<18x64xi32, #tpu.memory_space<vmem>>
        %dma_wait3A_203 = arith.constant 0 : i32
        %dma_wait3A_204 = tpu.memref_slice %dma_wait3A_202[%dma_wait3A_194, %dma_wait3A_203] : memref<18x64xi32, #tpu.memory_space<vmem>> -> memref<1x64xi32, #tpu.memory_space<vmem>>
        %dma_wait3A_205 = tpu.memref_squeeze %dma_wait3A_204 : memref<1x64xi32, #tpu.memory_space<vmem>> -> memref<64xi32, #tpu.memory_space<vmem>>
        %dma_wait3A_206 = arith.constant 0 : i32
        %dma_wait3A_207 = arith.constant 0 : i32
        %dma_wait3A_208 = tpu.memref_slice %arg10[%dma_wait3A_206, %dma_wait3A_207] : memref<10112x144xf32, #tpu.memory_space<vmem_shared>> -> memref<10112x144xf32, #tpu.memory_space<vmem_shared>>
        tpu.wait_indirect_dma semaphore(%arg15 : memref<!tpu.dma_semaphore, #tpu.memory_space<semaphore_mem>>) src(%dma_wait3A_198 : memref<64x144xf32, #tpu.memory_space<vmem>>) dst(%dma_wait3A_208 : memref<10112x144xf32, #tpu.memory_space<vmem_shared>>)
        %dma_start3A_209 = arith.constant 1 : i32
        %dma_start3A_210 = arith.constant 1 : i32
        %dma_start3A_211 = arith.constant 0 : i32
        %dma_start3A_212 = arith.constant 0 : i32
        %dma_start3A_213 = tpu.memref_slice %arg9[%dma_start3A_210, %dma_start3A_211, %dma_start3A_212] : memref<3x64x144xf32, #tpu.memory_space<vmem>> -> memref<1x64x144xf32, #tpu.memory_space<vmem>>
        %dma_start3A_214 = tpu.memref_squeeze %dma_start3A_213 : memref<1x64x144xf32, #tpu.memory_space<vmem>> -> memref<64x144xf32, #tpu.memory_space<vmem>>
        %dma_start3A_215 = arith.constant 0 : i32
        %dma_start3A_216 = arith.constant 0 : i32
        %dma_start3A_217 = tpu.memref_slice %arg7[%sub3A_110, %dma_start3A_215, %dma_start3A_216] : memref<2x18x64xi32, #tpu.memory_space<vmem>> -> memref<1x18x64xi32, #tpu.memory_space<vmem>>
        %dma_start3A_218 = tpu.memref_squeeze %dma_start3A_217 : memref<1x18x64xi32, #tpu.memory_space<vmem>> -> memref<18x64xi32, #tpu.memory_space<vmem>>
        %dma_start3A_219 = arith.constant 0 : i32
        %dma_start3A_220 = tpu.memref_slice %dma_start3A_218[%dma_start3A_209, %dma_start3A_219] : memref<18x64xi32, #tpu.memory_space<vmem>> -> memref<1x64xi32, #tpu.memory_space<vmem>>
        %dma_start3A_221 = tpu.memref_squeeze %dma_start3A_220 : memref<1x64xi32, #tpu.memory_space<vmem>> -> memref<64xi32, #tpu.memory_space<vmem>>
        %dma_start3A_222 = arith.constant 0 : i32
        %dma_start3A_223 = arith.constant 0 : i32
        %dma_start3A_224 = tpu.memref_slice %arg2[%dma_start3A_222, %dma_start3A_223] : memref<60672x144xf32, #tpu.memory_space<hbm>> -> memref<60672x144xf32, #tpu.memory_space<hbm>>
        tpu.enqueue_indirect_dma source(%dma_start3A_224 : memref<60672x144xf32, #tpu.memory_space<hbm>>) target(%dma_start3A_214 : memref<64x144xf32, #tpu.memory_space<vmem>>) offsets(%dma_start3A_221 : memref<64xi32, #tpu.memory_space<vmem>>) semaphore(%arg12 : memref<!tpu.dma_semaphore, #tpu.memory_space<semaphore_mem>>)
      } else {
      }
      %while3A_126 = arith.constant 0 : i32
      scf.yield %while3A_126 : i32
    }
    %while3A_54 = arith.constant 1 : i32
    %while3A_55 = scf.for %while3A_107 = %while3A_51 to %while3A_47 step %while3A_54 iter_args(%while3A_108 = %while3A_53) -> (i32)  : i32 {
      %rem3A = arith.constant 2 : i32
      %rem3A_109 = arith.remsi %while3A_107, %rem3A : i32
      %sub3A = arith.constant 1 : i32
      %sub3A_110 = arith.subi %sub3A, %rem3A_109 : i32
      %sub3A_111 = arith.constant 1 : i32
      %sub3A_112 = arith.subi %select_n3A, %sub3A_111 : i32
      %lt3A = arith.cmpi slt, %while3A_107, %sub3A_112 : i32
      %convert_element_type3A = arith.extui %lt3A : i1 to i32
      %cond3A = arith.constant 0 : i32
      %cond3A_113 = arith.cmpi ne, %convert_element_type3A, %cond3A : i32
      scf.if %cond3A_113 {
        %add3A_127 = arith.constant 1 : i32
        %add3A_128 = arith.addi %while3A_107, %add3A_127 : i32
        %mul3A_129 = arith.constant 18 : i32
        %mul3A_130 = arith.muli %add3A_128, %mul3A_129 : i32
        %add3A_131 = arith.addi %select_n3A_8, %mul3A_130 : i32
        %dma_start3A_132 = arith.constant 0 : i32
        %dma_start3A_133 = arith.constant 0 : i32
        %dma_start3A_134 = tpu.memref_slice %arg7[%sub3A_110, %dma_start3A_132, %dma_start3A_133] : memref<2x18x64xi32, #tpu.memory_space<vmem>> -> memref<1x18x64xi32, #tpu.memory_space<vmem>>
        %dma_start3A_135 = tpu.memref_squeeze %dma_start3A_134 : memref<1x18x64xi32, #tpu.memory_space<vmem>> -> memref<18x64xi32, #tpu.memory_space<vmem>>
        %dma_start3A_136 = arith.constant 0 : i32
        %dma_start3A_137 = tpu.memref_slice %arg3[%add3A_131, %dma_start3A_136] : memref<5184x64xi32, #tpu.memory_space<hbm>> -> memref<18x64xi32, #tpu.memory_space<hbm>>
        %dma_start3A_138 = arith.constant 0 : i32
        %dma_start3A_139 = arith.constant 0 : i32
        %dma_start3A_140 = tpu.memref_slice %arg7[%sub3A_110, %dma_start3A_138, %dma_start3A_139] : memref<2x18x64xi32, #tpu.memory_space<vmem>> -> memref<1x18x64xi32, #tpu.memory_space<vmem>>
        %dma_start3A_141 = tpu.memref_squeeze %dma_start3A_140 : memref<1x18x64xi32, #tpu.memory_space<vmem>> -> memref<18x64xi32, #tpu.memory_space<vmem>>
        %dma_start3A_142 = arith.constant 0 : i32
        %dma_start3A_143 = tpu.memref_slice %arg3[%add3A_131, %dma_start3A_142] : memref<5184x64xi32, #tpu.memory_space<hbm>> -> memref<18x64xi32, #tpu.memory_space<hbm>>
        tpu.enqueue_dma source(%dma_start3A_143 : memref<18x64xi32, #tpu.memory_space<hbm>>) target(%dma_start3A_141 : memref<18x64xi32, #tpu.memory_space<vmem>>) target_semaphore(%arg17 : memref<!tpu.dma_semaphore, #tpu.memory_space<semaphore_mem>>)
        %add3A_144 = arith.constant 1 : i32
        %add3A_145 = arith.addi %while3A_107, %add3A_144 : i32
        %mul3A_146 = arith.constant 18 : i32
        %mul3A_147 = arith.muli %add3A_145, %mul3A_146 : i32
        %add3A_148 = arith.addi %select_n3A_8, %mul3A_147 : i32
        %dma_start3A_149 = arith.constant 0 : i32
        %dma_start3A_150 = arith.constant 0 : i32
        %dma_start3A_151 = tpu.memref_slice %arg8[%sub3A_110, %dma_start3A_149, %dma_start3A_150] : memref<2x18x64xi32, #tpu.memory_space<vmem>> -> memref<1x18x64xi32, #tpu.memory_space<vmem>>
        %dma_start3A_152 = tpu.memref_squeeze %dma_start3A_151 : memref<1x18x64xi32, #tpu.memory_space<vmem>> -> memref<18x64xi32, #tpu.memory_space<vmem>>
        %dma_start3A_153 = arith.constant 0 : i32
        %dma_start3A_154 = tpu.memref_slice %arg4[%add3A_148, %dma_start3A_153] : memref<5184x64xi32, #tpu.memory_space<hbm>> -> memref<18x64xi32, #tpu.memory_space<hbm>>
        %dma_start3A_155 = arith.constant 0 : i32
        %dma_start3A_156 = arith.constant 0 : i32
        %dma_start3A_157 = tpu.memref_slice %arg8[%sub3A_110, %dma_start3A_155, %dma_start3A_156] : memref<2x18x64xi32, #tpu.memory_space<vmem>> -> memref<1x18x64xi32, #tpu.memory_space<vmem>>
        %dma_start3A_158 = tpu.memref_squeeze %dma_start3A_157 : memref<1x18x64xi32, #tpu.memory_space<vmem>> -> memref<18x64xi32, #tpu.memory_space<vmem>>
        %dma_start3A_159 = arith.constant 0 : i32
        %dma_start3A_160 = tpu.memref_slice %arg4[%add3A_148, %dma_start3A_159] : memref<5184x64xi32, #tpu.memory_space<hbm>> -> memref<18x64xi32, #tpu.memory_space<hbm>>
        tpu.enqueue_dma source(%dma_start3A_160 : memref<18x64xi32, #tpu.memory_space<hbm>>) target(%dma_start3A_158 : memref<18x64xi32, #tpu.memory_space<vmem>>) target_semaphore(%arg17 : memref<!tpu.dma_semaphore, #tpu.memory_space<semaphore_mem>>)
      } else {
      }
      %scan3A = arith.constant 0 : i32
      %scan3A_114 = arith.constant 0 : i32
      %scan3A_115 = arith.constant 6 : i32
      %scan3A_116 = arith.addi %scan3A_114, %scan3A_115 : i32
      %scan3A_117 = arith.constant 1 : i32
      %scan3A_118 = scf.for %scan3A_127 = %scan3A_114 to %scan3A_116 step %scan3A_117 iter_args(%scan3A_128 = %scan3A) -> (i32)  : i32 {
        %mul3A_129 = arith.constant 3 : i32
        %mul3A_130 = arith.muli %scan3A_127, %mul3A_129 : i32
        %add3A_131 = arith.constant 0 : i32
        %add3A_132 = arith.addi %mul3A_130, %add3A_131 : i32
        %mul3A_133 = arith.constant 18 : i32
        %mul3A_134 = arith.muli %while3A_107, %mul3A_133 : i32
        %add3A_135 = arith.addi %mul3A_134, %add3A_132 : i32
        %dma_wait3A_136 = arith.constant 0 : i32
        %dma_wait3A_137 = arith.constant 0 : i32
        %dma_wait3A_138 = arith.constant 0 : i32
        %dma_wait3A_139 = tpu.memref_slice %arg9[%dma_wait3A_136, %dma_wait3A_137, %dma_wait3A_138] : memref<3x64x144xf32, #tpu.memory_space<vmem>> -> memref<1x64x144xf32, #tpu.memory_space<vmem>>
        %dma_wait3A_140 = tpu.memref_squeeze %dma_wait3A_139 : memref<1x64x144xf32, #tpu.memory_space<vmem>> -> memref<64x144xf32, #tpu.memory_space<vmem>>
        %dma_wait3A_141 = arith.constant 0 : i32
        %dma_wait3A_142 = arith.constant 0 : i32
        %dma_wait3A_143 = tpu.memref_slice %arg7[%rem3A_109, %dma_wait3A_141, %dma_wait3A_142] : memref<2x18x64xi32, #tpu.memory_space<vmem>> -> memref<1x18x64xi32, #tpu.memory_space<vmem>>
        %dma_wait3A_144 = tpu.memref_squeeze %dma_wait3A_143 : memref<1x18x64xi32, #tpu.memory_space<vmem>> -> memref<18x64xi32, #tpu.memory_space<vmem>>
        %dma_wait3A_145 = arith.constant 0 : i32
        %dma_wait3A_146 = tpu.memref_slice %dma_wait3A_144[%add3A_132, %dma_wait3A_145] : memref<18x64xi32, #tpu.memory_space<vmem>> -> memref<1x64xi32, #tpu.memory_space<vmem>>
        %dma_wait3A_147 = tpu.memref_squeeze %dma_wait3A_146 : memref<1x64xi32, #tpu.memory_space<vmem>> -> memref<64xi32, #tpu.memory_space<vmem>>
        %dma_wait3A_148 = arith.constant 0 : i32
        %dma_wait3A_149 = arith.constant 0 : i32
        %dma_wait3A_150 = tpu.memref_slice %arg2[%dma_wait3A_148, %dma_wait3A_149] : memref<60672x144xf32, #tpu.memory_space<hbm>> -> memref<60672x144xf32, #tpu.memory_space<hbm>>
        tpu.wait_indirect_dma semaphore(%arg11 : memref<!tpu.dma_semaphore, #tpu.memory_space<semaphore_mem>>) src(%dma_wait3A_150 : memref<60672x144xf32, #tpu.memory_space<hbm>>) dst(%dma_wait3A_140 : memref<64x144xf32, #tpu.memory_space<vmem>>)
        %dma_start3A_151 = arith.constant 0 : i32
        %dma_start3A_152 = arith.constant 0 : i32
        %dma_start3A_153 = arith.constant 0 : i32
        %dma_start3A_154 = tpu.memref_slice %arg9[%dma_start3A_151, %dma_start3A_152, %dma_start3A_153] : memref<3x64x144xf32, #tpu.memory_space<vmem>> -> memref<1x64x144xf32, #tpu.memory_space<vmem>>
        %dma_start3A_155 = tpu.memref_squeeze %dma_start3A_154 : memref<1x64x144xf32, #tpu.memory_space<vmem>> -> memref<64x144xf32, #tpu.memory_space<vmem>>
        %dma_start3A_156 = arith.constant 0 : i32
        %dma_start3A_157 = arith.constant 0 : i32
        %dma_start3A_158 = tpu.memref_slice %arg8[%rem3A_109, %dma_start3A_156, %dma_start3A_157] : memref<2x18x64xi32, #tpu.memory_space<vmem>> -> memref<1x18x64xi32, #tpu.memory_space<vmem>>
        %dma_start3A_159 = tpu.memref_squeeze %dma_start3A_158 : memref<1x18x64xi32, #tpu.memory_space<vmem>> -> memref<18x64xi32, #tpu.memory_space<vmem>>
        %dma_start3A_160 = arith.constant 0 : i32
        %dma_start3A_161 = tpu.memref_slice %dma_start3A_159[%add3A_132, %dma_start3A_160] : memref<18x64xi32, #tpu.memory_space<vmem>> -> memref<1x64xi32, #tpu.memory_space<vmem>>
        %dma_start3A_162 = tpu.memref_squeeze %dma_start3A_161 : memref<1x64xi32, #tpu.memory_space<vmem>> -> memref<64xi32, #tpu.memory_space<vmem>>
        %dma_start3A_163 = arith.constant 0 : i32
        %dma_start3A_164 = arith.constant 0 : i32
        %dma_start3A_165 = tpu.memref_slice %arg10[%dma_start3A_163, %dma_start3A_164] : memref<10112x144xf32, #tpu.memory_space<vmem_shared>> -> memref<10112x144xf32, #tpu.memory_space<vmem_shared>>
        tpu.enqueue_indirect_dma source(%dma_start3A_155 : memref<64x144xf32, #tpu.memory_space<vmem>>) target(%dma_start3A_165 : memref<10112x144xf32, #tpu.memory_space<vmem_shared>>) offsets(%dma_start3A_162 : memref<64xi32, #tpu.memory_space<vmem>>) semaphore(%arg14 : memref<!tpu.dma_semaphore, #tpu.memory_space<semaphore_mem>>) {add = true}
        %ge3A = arith.constant 0 : i32
        %ge3A_166 = arith.cmpi sge, %add3A_135, %ge3A : i32
        %convert_element_type3A_167 = arith.extui %ge3A_166 : i1 to i32
        %cond3A_168 = arith.constant 0 : i32
        %cond3A_169 = arith.cmpi ne, %convert_element_type3A_167, %cond3A_168 : i32
        scf.if %cond3A_169 {
          %ge3A_267 = arith.constant 1 : i32
          %ge3A_268 = arith.cmpi sge, %add3A_135, %ge3A_267 : i32
          %convert_element_type3A_269 = arith.extui %ge3A_268 : i1 to i32
          %cond3A_270 = arith.constant 0 : i32
          %cond3A_271 = arith.cmpi ne, %convert_element_type3A_269, %cond3A_270 : i32
          scf.if %cond3A_271 {
            %dma_wait3A_289 = arith.constant 2 : i32
            %dma_wait3A_290 = arith.constant 0 : i32
            %dma_wait3A_291 = arith.constant 0 : i32
            %dma_wait3A_292 = tpu.memref_slice %arg9[%dma_wait3A_289, %dma_wait3A_290, %dma_wait3A_291] : memref<3x64x144xf32, #tpu.memory_space<vmem>> -> memref<1x64x144xf32, #tpu.memory_space<vmem>>
            %dma_wait3A_293 = tpu.memref_squeeze %dma_wait3A_292 : memref<1x64x144xf32, #tpu.memory_space<vmem>> -> memref<64x144xf32, #tpu.memory_space<vmem>>
            %dma_wait3A_294 = arith.constant 0 : i32
            %dma_wait3A_295 = arith.constant 0 : i32
            %dma_wait3A_296 = tpu.memref_slice %arg8[%rem3A_109, %dma_wait3A_294, %dma_wait3A_295] : memref<2x18x64xi32, #tpu.memory_space<vmem>> -> memref<1x18x64xi32, #tpu.memory_space<vmem>>
            %dma_wait3A_297 = tpu.memref_squeeze %dma_wait3A_296 : memref<1x18x64xi32, #tpu.memory_space<vmem>> -> memref<18x64xi32, #tpu.memory_space<vmem>>
            %dma_wait3A_298 = arith.constant 0 : i32
            %dma_wait3A_299 = tpu.memref_slice %dma_wait3A_297[%add3A_132, %dma_wait3A_298] : memref<18x64xi32, #tpu.memory_space<vmem>> -> memref<1x64xi32, #tpu.memory_space<vmem>>
            %dma_wait3A_300 = tpu.memref_squeeze %dma_wait3A_299 : memref<1x64xi32, #tpu.memory_space<vmem>> -> memref<64xi32, #tpu.memory_space<vmem>>
            %dma_wait3A_301 = arith.constant 0 : i32
            %dma_wait3A_302 = arith.constant 0 : i32
            %dma_wait3A_303 = tpu.memref_slice %arg10[%dma_wait3A_301, %dma_wait3A_302] : memref<10112x144xf32, #tpu.memory_space<vmem_shared>> -> memref<10112x144xf32, #tpu.memory_space<vmem_shared>>
            tpu.wait_indirect_dma semaphore(%arg16 : memref<!tpu.dma_semaphore, #tpu.memory_space<semaphore_mem>>) src(%dma_wait3A_293 : memref<64x144xf32, #tpu.memory_space<vmem>>) dst(%dma_wait3A_303 : memref<10112x144xf32, #tpu.memory_space<vmem_shared>>)
          } else {
          }
          %add3A_272 = arith.constant 2 : i32
          %add3A_273 = arith.addi %add3A_132, %add3A_272 : i32
          %dma_start3A_274 = arith.constant 2 : i32
          %dma_start3A_275 = arith.constant 0 : i32
          %dma_start3A_276 = arith.constant 0 : i32
          %dma_start3A_277 = tpu.memref_slice %arg9[%dma_start3A_274, %dma_start3A_275, %dma_start3A_276] : memref<3x64x144xf32, #tpu.memory_space<vmem>> -> memref<1x64x144xf32, #tpu.memory_space<vmem>>
          %dma_start3A_278 = tpu.memref_squeeze %dma_start3A_277 : memref<1x64x144xf32, #tpu.memory_space<vmem>> -> memref<64x144xf32, #tpu.memory_space<vmem>>
          %dma_start3A_279 = arith.constant 0 : i32
          %dma_start3A_280 = arith.constant 0 : i32
          %dma_start3A_281 = tpu.memref_slice %arg7[%rem3A_109, %dma_start3A_279, %dma_start3A_280] : memref<2x18x64xi32, #tpu.memory_space<vmem>> -> memref<1x18x64xi32, #tpu.memory_space<vmem>>
          %dma_start3A_282 = tpu.memref_squeeze %dma_start3A_281 : memref<1x18x64xi32, #tpu.memory_space<vmem>> -> memref<18x64xi32, #tpu.memory_space<vmem>>
          %dma_start3A_283 = arith.constant 0 : i32
          %dma_start3A_284 = tpu.memref_slice %dma_start3A_282[%add3A_273, %dma_start3A_283] : memref<18x64xi32, #tpu.memory_space<vmem>> -> memref<1x64xi32, #tpu.memory_space<vmem>>
          %dma_start3A_285 = tpu.memref_squeeze %dma_start3A_284 : memref<1x64xi32, #tpu.memory_space<vmem>> -> memref<64xi32, #tpu.memory_space<vmem>>
          %dma_start3A_286 = arith.constant 0 : i32
          %dma_start3A_287 = arith.constant 0 : i32
          %dma_start3A_288 = tpu.memref_slice %arg2[%dma_start3A_286, %dma_start3A_287] : memref<60672x144xf32, #tpu.memory_space<hbm>> -> memref<60672x144xf32, #tpu.memory_space<hbm>>
          tpu.enqueue_indirect_dma source(%dma_start3A_288 : memref<60672x144xf32, #tpu.memory_space<hbm>>) target(%dma_start3A_278 : memref<64x144xf32, #tpu.memory_space<vmem>>) offsets(%dma_start3A_285 : memref<64xi32, #tpu.memory_space<vmem>>) semaphore(%arg13 : memref<!tpu.dma_semaphore, #tpu.memory_space<semaphore_mem>>)
        } else {
        }
        %mul3A_170 = arith.constant 3 : i32
        %mul3A_171 = arith.muli %scan3A_127, %mul3A_170 : i32
        %add3A_172 = arith.constant 1 : i32
        %add3A_173 = arith.addi %mul3A_171, %add3A_172 : i32
        %mul3A_174 = arith.constant 18 : i32
        %mul3A_175 = arith.muli %while3A_107, %mul3A_174 : i32
        %add3A_176 = arith.addi %mul3A_175, %add3A_173 : i32
        %dma_wait3A_177 = arith.constant 1 : i32
        %dma_wait3A_178 = arith.constant 0 : i32
        %dma_wait3A_179 = arith.constant 0 : i32
        %dma_wait3A_180 = tpu.memref_slice %arg9[%dma_wait3A_177, %dma_wait3A_178, %dma_wait3A_179] : memref<3x64x144xf32, #tpu.memory_space<vmem>> -> memref<1x64x144xf32, #tpu.memory_space<vmem>>
        %dma_wait3A_181 = tpu.memref_squeeze %dma_wait3A_180 : memref<1x64x144xf32, #tpu.memory_space<vmem>> -> memref<64x144xf32, #tpu.memory_space<vmem>>
        %dma_wait3A_182 = arith.constant 0 : i32
        %dma_wait3A_183 = arith.constant 0 : i32
        %dma_wait3A_184 = tpu.memref_slice %arg7[%rem3A_109, %dma_wait3A_182, %dma_wait3A_183] : memref<2x18x64xi32, #tpu.memory_space<vmem>> -> memref<1x18x64xi32, #tpu.memory_space<vmem>>
        %dma_wait3A_185 = tpu.memref_squeeze %dma_wait3A_184 : memref<1x18x64xi32, #tpu.memory_space<vmem>> -> memref<18x64xi32, #tpu.memory_space<vmem>>
        %dma_wait3A_186 = arith.constant 0 : i32
        %dma_wait3A_187 = tpu.memref_slice %dma_wait3A_185[%add3A_173, %dma_wait3A_186] : memref<18x64xi32, #tpu.memory_space<vmem>> -> memref<1x64xi32, #tpu.memory_space<vmem>>
        %dma_wait3A_188 = tpu.memref_squeeze %dma_wait3A_187 : memref<1x64xi32, #tpu.memory_space<vmem>> -> memref<64xi32, #tpu.memory_space<vmem>>
        %dma_wait3A_189 = arith.constant 0 : i32
        %dma_wait3A_190 = arith.constant 0 : i32
        %dma_wait3A_191 = tpu.memref_slice %arg2[%dma_wait3A_189, %dma_wait3A_190] : memref<60672x144xf32, #tpu.memory_space<hbm>> -> memref<60672x144xf32, #tpu.memory_space<hbm>>
        tpu.wait_indirect_dma semaphore(%arg12 : memref<!tpu.dma_semaphore, #tpu.memory_space<semaphore_mem>>) src(%dma_wait3A_191 : memref<60672x144xf32, #tpu.memory_space<hbm>>) dst(%dma_wait3A_181 : memref<64x144xf32, #tpu.memory_space<vmem>>)
        %dma_start3A_192 = arith.constant 1 : i32
        %dma_start3A_193 = arith.constant 0 : i32
        %dma_start3A_194 = arith.constant 0 : i32
        %dma_start3A_195 = tpu.memref_slice %arg9[%dma_start3A_192, %dma_start3A_193, %dma_start3A_194] : memref<3x64x144xf32, #tpu.memory_space<vmem>> -> memref<1x64x144xf32, #tpu.memory_space<vmem>>
        %dma_start3A_196 = tpu.memref_squeeze %dma_start3A_195 : memref<1x64x144xf32, #tpu.memory_space<vmem>> -> memref<64x144xf32, #tpu.memory_space<vmem>>
        %dma_start3A_197 = arith.constant 0 : i32
        %dma_start3A_198 = arith.constant 0 : i32
        %dma_start3A_199 = tpu.memref_slice %arg8[%rem3A_109, %dma_start3A_197, %dma_start3A_198] : memref<2x18x64xi32, #tpu.memory_space<vmem>> -> memref<1x18x64xi32, #tpu.memory_space<vmem>>
        %dma_start3A_200 = tpu.memref_squeeze %dma_start3A_199 : memref<1x18x64xi32, #tpu.memory_space<vmem>> -> memref<18x64xi32, #tpu.memory_space<vmem>>
        %dma_start3A_201 = arith.constant 0 : i32
        %dma_start3A_202 = tpu.memref_slice %dma_start3A_200[%add3A_173, %dma_start3A_201] : memref<18x64xi32, #tpu.memory_space<vmem>> -> memref<1x64xi32, #tpu.memory_space<vmem>>
        %dma_start3A_203 = tpu.memref_squeeze %dma_start3A_202 : memref<1x64xi32, #tpu.memory_space<vmem>> -> memref<64xi32, #tpu.memory_space<vmem>>
        %dma_start3A_204 = arith.constant 0 : i32
        %dma_start3A_205 = arith.constant 0 : i32
        %dma_start3A_206 = tpu.memref_slice %arg10[%dma_start3A_204, %dma_start3A_205] : memref<10112x144xf32, #tpu.memory_space<vmem_shared>> -> memref<10112x144xf32, #tpu.memory_space<vmem_shared>>
        tpu.enqueue_indirect_dma source(%dma_start3A_196 : memref<64x144xf32, #tpu.memory_space<vmem>>) target(%dma_start3A_206 : memref<10112x144xf32, #tpu.memory_space<vmem_shared>>) offsets(%dma_start3A_203 : memref<64xi32, #tpu.memory_space<vmem>>) semaphore(%arg15 : memref<!tpu.dma_semaphore, #tpu.memory_space<semaphore_mem>>) {add = true}
        %mul3A_207 = arith.constant 3 : i32
        %mul3A_208 = arith.muli %scan3A_127, %mul3A_207 : i32
        %add3A_209 = arith.constant 1 : i32
        %add3A_210 = arith.addi %mul3A_208, %add3A_209 : i32
        %add3A_211 = arith.constant 2 : i32
        %add3A_212 = arith.addi %add3A_210, %add3A_211 : i32
        %lt3A_213 = arith.constant 18 : i32
        %lt3A_214 = arith.cmpi slt, %add3A_212, %lt3A_213 : i32
        %convert_element_type3A_215 = arith.extui %lt3A_214 : i1 to i32
        %cond3A_216 = arith.constant 0 : i32
        %cond3A_217 = arith.cmpi ne, %convert_element_type3A_215, %cond3A_216 : i32
        scf.if %cond3A_217 {
          %ge3A_267 = arith.constant 1 : i32
          %ge3A_268 = arith.cmpi sge, %add3A_176, %ge3A_267 : i32
          %convert_element_type3A_269 = arith.extui %ge3A_268 : i1 to i32
          %cond3A_270 = arith.constant 0 : i32
          %cond3A_271 = arith.cmpi ne, %convert_element_type3A_269, %cond3A_270 : i32
          scf.if %cond3A_271 {
            %dma_wait3A_289 = arith.constant 0 : i32
            %dma_wait3A_290 = arith.constant 0 : i32
            %dma_wait3A_291 = arith.constant 0 : i32
            %dma_wait3A_292 = tpu.memref_slice %arg9[%dma_wait3A_289, %dma_wait3A_290, %dma_wait3A_291] : memref<3x64x144xf32, #tpu.memory_space<vmem>> -> memref<1x64x144xf32, #tpu.memory_space<vmem>>
            %dma_wait3A_293 = tpu.memref_squeeze %dma_wait3A_292 : memref<1x64x144xf32, #tpu.memory_space<vmem>> -> memref<64x144xf32, #tpu.memory_space<vmem>>
            %dma_wait3A_294 = arith.constant 0 : i32
            %dma_wait3A_295 = arith.constant 0 : i32
            %dma_wait3A_296 = tpu.memref_slice %arg8[%rem3A_109, %dma_wait3A_294, %dma_wait3A_295] : memref<2x18x64xi32, #tpu.memory_space<vmem>> -> memref<1x18x64xi32, #tpu.memory_space<vmem>>
            %dma_wait3A_297 = tpu.memref_squeeze %dma_wait3A_296 : memref<1x18x64xi32, #tpu.memory_space<vmem>> -> memref<18x64xi32, #tpu.memory_space<vmem>>
            %dma_wait3A_298 = arith.constant 0 : i32
            %dma_wait3A_299 = tpu.memref_slice %dma_wait3A_297[%add3A_173, %dma_wait3A_298] : memref<18x64xi32, #tpu.memory_space<vmem>> -> memref<1x64xi32, #tpu.memory_space<vmem>>
            %dma_wait3A_300 = tpu.memref_squeeze %dma_wait3A_299 : memref<1x64xi32, #tpu.memory_space<vmem>> -> memref<64xi32, #tpu.memory_space<vmem>>
            %dma_wait3A_301 = arith.constant 0 : i32
            %dma_wait3A_302 = arith.constant 0 : i32
            %dma_wait3A_303 = tpu.memref_slice %arg10[%dma_wait3A_301, %dma_wait3A_302] : memref<10112x144xf32, #tpu.memory_space<vmem_shared>> -> memref<10112x144xf32, #tpu.memory_space<vmem_shared>>
            tpu.wait_indirect_dma semaphore(%arg14 : memref<!tpu.dma_semaphore, #tpu.memory_space<semaphore_mem>>) src(%dma_wait3A_293 : memref<64x144xf32, #tpu.memory_space<vmem>>) dst(%dma_wait3A_303 : memref<10112x144xf32, #tpu.memory_space<vmem_shared>>)
          } else {
          }
          %add3A_272 = arith.constant 2 : i32
          %add3A_273 = arith.addi %add3A_173, %add3A_272 : i32
          %dma_start3A_274 = arith.constant 0 : i32
          %dma_start3A_275 = arith.constant 0 : i32
          %dma_start3A_276 = arith.constant 0 : i32
          %dma_start3A_277 = tpu.memref_slice %arg9[%dma_start3A_274, %dma_start3A_275, %dma_start3A_276] : memref<3x64x144xf32, #tpu.memory_space<vmem>> -> memref<1x64x144xf32, #tpu.memory_space<vmem>>
          %dma_start3A_278 = tpu.memref_squeeze %dma_start3A_277 : memref<1x64x144xf32, #tpu.memory_space<vmem>> -> memref<64x144xf32, #tpu.memory_space<vmem>>
          %dma_start3A_279 = arith.constant 0 : i32
          %dma_start3A_280 = arith.constant 0 : i32
          %dma_start3A_281 = tpu.memref_slice %arg7[%rem3A_109, %dma_start3A_279, %dma_start3A_280] : memref<2x18x64xi32, #tpu.memory_space<vmem>> -> memref<1x18x64xi32, #tpu.memory_space<vmem>>
          %dma_start3A_282 = tpu.memref_squeeze %dma_start3A_281 : memref<1x18x64xi32, #tpu.memory_space<vmem>> -> memref<18x64xi32, #tpu.memory_space<vmem>>
          %dma_start3A_283 = arith.constant 0 : i32
          %dma_start3A_284 = tpu.memref_slice %dma_start3A_282[%add3A_273, %dma_start3A_283] : memref<18x64xi32, #tpu.memory_space<vmem>> -> memref<1x64xi32, #tpu.memory_space<vmem>>
          %dma_start3A_285 = tpu.memref_squeeze %dma_start3A_284 : memref<1x64xi32, #tpu.memory_space<vmem>> -> memref<64xi32, #tpu.memory_space<vmem>>
          %dma_start3A_286 = arith.constant 0 : i32
          %dma_start3A_287 = arith.constant 0 : i32
          %dma_start3A_288 = tpu.memref_slice %arg2[%dma_start3A_286, %dma_start3A_287] : memref<60672x144xf32, #tpu.memory_space<hbm>> -> memref<60672x144xf32, #tpu.memory_space<hbm>>
          tpu.enqueue_indirect_dma source(%dma_start3A_288 : memref<60672x144xf32, #tpu.memory_space<hbm>>) target(%dma_start3A_278 : memref<64x144xf32, #tpu.memory_space<vmem>>) offsets(%dma_start3A_285 : memref<64xi32, #tpu.memory_space<vmem>>) semaphore(%arg11 : memref<!tpu.dma_semaphore, #tpu.memory_space<semaphore_mem>>)
        } else {
        }
        %mul3A_218 = arith.constant 3 : i32
        %mul3A_219 = arith.muli %scan3A_127, %mul3A_218 : i32
        %add3A_220 = arith.constant 2 : i32
        %add3A_221 = arith.addi %mul3A_219, %add3A_220 : i32
        %mul3A_222 = arith.constant 18 : i32
        %mul3A_223 = arith.muli %while3A_107, %mul3A_222 : i32
        %add3A_224 = arith.addi %mul3A_223, %add3A_221 : i32
        %dma_wait3A_225 = arith.constant 2 : i32
        %dma_wait3A_226 = arith.constant 0 : i32
        %dma_wait3A_227 = arith.constant 0 : i32
        %dma_wait3A_228 = tpu.memref_slice %arg9[%dma_wait3A_225, %dma_wait3A_226, %dma_wait3A_227] : memref<3x64x144xf32, #tpu.memory_space<vmem>> -> memref<1x64x144xf32, #tpu.memory_space<vmem>>
        %dma_wait3A_229 = tpu.memref_squeeze %dma_wait3A_228 : memref<1x64x144xf32, #tpu.memory_space<vmem>> -> memref<64x144xf32, #tpu.memory_space<vmem>>
        %dma_wait3A_230 = arith.constant 0 : i32
        %dma_wait3A_231 = arith.constant 0 : i32
        %dma_wait3A_232 = tpu.memref_slice %arg7[%rem3A_109, %dma_wait3A_230, %dma_wait3A_231] : memref<2x18x64xi32, #tpu.memory_space<vmem>> -> memref<1x18x64xi32, #tpu.memory_space<vmem>>
        %dma_wait3A_233 = tpu.memref_squeeze %dma_wait3A_232 : memref<1x18x64xi32, #tpu.memory_space<vmem>> -> memref<18x64xi32, #tpu.memory_space<vmem>>
        %dma_wait3A_234 = arith.constant 0 : i32
        %dma_wait3A_235 = tpu.memref_slice %dma_wait3A_233[%add3A_221, %dma_wait3A_234] : memref<18x64xi32, #tpu.memory_space<vmem>> -> memref<1x64xi32, #tpu.memory_space<vmem>>
        %dma_wait3A_236 = tpu.memref_squeeze %dma_wait3A_235 : memref<1x64xi32, #tpu.memory_space<vmem>> -> memref<64xi32, #tpu.memory_space<vmem>>
        %dma_wait3A_237 = arith.constant 0 : i32
        %dma_wait3A_238 = arith.constant 0 : i32
        %dma_wait3A_239 = tpu.memref_slice %arg2[%dma_wait3A_237, %dma_wait3A_238] : memref<60672x144xf32, #tpu.memory_space<hbm>> -> memref<60672x144xf32, #tpu.memory_space<hbm>>
        tpu.wait_indirect_dma semaphore(%arg13 : memref<!tpu.dma_semaphore, #tpu.memory_space<semaphore_mem>>) src(%dma_wait3A_239 : memref<60672x144xf32, #tpu.memory_space<hbm>>) dst(%dma_wait3A_229 : memref<64x144xf32, #tpu.memory_space<vmem>>)
        %dma_start3A_240 = arith.constant 2 : i32
        %dma_start3A_241 = arith.constant 0 : i32
        %dma_start3A_242 = arith.constant 0 : i32
        %dma_start3A_243 = tpu.memref_slice %arg9[%dma_start3A_240, %dma_start3A_241, %dma_start3A_242] : memref<3x64x144xf32, #tpu.memory_space<vmem>> -> memref<1x64x144xf32, #tpu.memory_space<vmem>>
        %dma_start3A_244 = tpu.memref_squeeze %dma_start3A_243 : memref<1x64x144xf32, #tpu.memory_space<vmem>> -> memref<64x144xf32, #tpu.memory_space<vmem>>
        %dma_start3A_245 = arith.constant 0 : i32
        %dma_start3A_246 = arith.constant 0 : i32
        %dma_start3A_247 = tpu.memref_slice %arg8[%rem3A_109, %dma_start3A_245, %dma_start3A_246] : memref<2x18x64xi32, #tpu.memory_space<vmem>> -> memref<1x18x64xi32, #tpu.memory_space<vmem>>
        %dma_start3A_248 = tpu.memref_squeeze %dma_start3A_247 : memref<1x18x64xi32, #tpu.memory_space<vmem>> -> memref<18x64xi32, #tpu.memory_space<vmem>>
        %dma_start3A_249 = arith.constant 0 : i32
        %dma_start3A_250 = tpu.memref_slice %dma_start3A_248[%add3A_221, %dma_start3A_249] : memref<18x64xi32, #tpu.memory_space<vmem>> -> memref<1x64xi32, #tpu.memory_space<vmem>>
        %dma_start3A_251 = tpu.memref_squeeze %dma_start3A_250 : memref<1x64xi32, #tpu.memory_space<vmem>> -> memref<64xi32, #tpu.memory_space<vmem>>
        %dma_start3A_252 = arith.constant 0 : i32
        %dma_start3A_253 = arith.constant 0 : i32
        %dma_start3A_254 = tpu.memref_slice %arg10[%dma_start3A_252, %dma_start3A_253] : memref<10112x144xf32, #tpu.memory_space<vmem_shared>> -> memref<10112x144xf32, #tpu.memory_space<vmem_shared>>
        tpu.enqueue_indirect_dma source(%dma_start3A_244 : memref<64x144xf32, #tpu.memory_space<vmem>>) target(%dma_start3A_254 : memref<10112x144xf32, #tpu.memory_space<vmem_shared>>) offsets(%dma_start3A_251 : memref<64xi32, #tpu.memory_space<vmem>>) semaphore(%arg16 : memref<!tpu.dma_semaphore, #tpu.memory_space<semaphore_mem>>) {add = true}
        %mul3A_255 = arith.constant 3 : i32
        %mul3A_256 = arith.muli %scan3A_127, %mul3A_255 : i32
        %add3A_257 = arith.constant 2 : i32
        %add3A_258 = arith.addi %mul3A_256, %add3A_257 : i32
        %add3A_259 = arith.constant 2 : i32
        %add3A_260 = arith.addi %add3A_258, %add3A_259 : i32
        %lt3A_261 = arith.constant 18 : i32
        %lt3A_262 = arith.cmpi slt, %add3A_260, %lt3A_261 : i32
        %convert_element_type3A_263 = arith.extui %lt3A_262 : i1 to i32
        %cond3A_264 = arith.constant 0 : i32
        %cond3A_265 = arith.cmpi ne, %convert_element_type3A_263, %cond3A_264 : i32
        scf.if %cond3A_265 {
          %ge3A_267 = arith.constant 1 : i32
          %ge3A_268 = arith.cmpi sge, %add3A_224, %ge3A_267 : i32
          %convert_element_type3A_269 = arith.extui %ge3A_268 : i1 to i32
          %cond3A_270 = arith.constant 0 : i32
          %cond3A_271 = arith.cmpi ne, %convert_element_type3A_269, %cond3A_270 : i32
          scf.if %cond3A_271 {
            %dma_wait3A_289 = arith.constant 1 : i32
            %dma_wait3A_290 = arith.constant 0 : i32
            %dma_wait3A_291 = arith.constant 0 : i32
            %dma_wait3A_292 = tpu.memref_slice %arg9[%dma_wait3A_289, %dma_wait3A_290, %dma_wait3A_291] : memref<3x64x144xf32, #tpu.memory_space<vmem>> -> memref<1x64x144xf32, #tpu.memory_space<vmem>>
            %dma_wait3A_293 = tpu.memref_squeeze %dma_wait3A_292 : memref<1x64x144xf32, #tpu.memory_space<vmem>> -> memref<64x144xf32, #tpu.memory_space<vmem>>
            %dma_wait3A_294 = arith.constant 0 : i32
            %dma_wait3A_295 = arith.constant 0 : i32
            %dma_wait3A_296 = tpu.memref_slice %arg8[%rem3A_109, %dma_wait3A_294, %dma_wait3A_295] : memref<2x18x64xi32, #tpu.memory_space<vmem>> -> memref<1x18x64xi32, #tpu.memory_space<vmem>>
            %dma_wait3A_297 = tpu.memref_squeeze %dma_wait3A_296 : memref<1x18x64xi32, #tpu.memory_space<vmem>> -> memref<18x64xi32, #tpu.memory_space<vmem>>
            %dma_wait3A_298 = arith.constant 0 : i32
            %dma_wait3A_299 = tpu.memref_slice %dma_wait3A_297[%add3A_221, %dma_wait3A_298] : memref<18x64xi32, #tpu.memory_space<vmem>> -> memref<1x64xi32, #tpu.memory_space<vmem>>
            %dma_wait3A_300 = tpu.memref_squeeze %dma_wait3A_299 : memref<1x64xi32, #tpu.memory_space<vmem>> -> memref<64xi32, #tpu.memory_space<vmem>>
            %dma_wait3A_301 = arith.constant 0 : i32
            %dma_wait3A_302 = arith.constant 0 : i32
            %dma_wait3A_303 = tpu.memref_slice %arg10[%dma_wait3A_301, %dma_wait3A_302] : memref<10112x144xf32, #tpu.memory_space<vmem_shared>> -> memref<10112x144xf32, #tpu.memory_space<vmem_shared>>
            tpu.wait_indirect_dma semaphore(%arg15 : memref<!tpu.dma_semaphore, #tpu.memory_space<semaphore_mem>>) src(%dma_wait3A_293 : memref<64x144xf32, #tpu.memory_space<vmem>>) dst(%dma_wait3A_303 : memref<10112x144xf32, #tpu.memory_space<vmem_shared>>)
          } else {
          }
          %add3A_272 = arith.constant 2 : i32
          %add3A_273 = arith.addi %add3A_221, %add3A_272 : i32
          %dma_start3A_274 = arith.constant 1 : i32
          %dma_start3A_275 = arith.constant 0 : i32
          %dma_start3A_276 = arith.constant 0 : i32
          %dma_start3A_277 = tpu.memref_slice %arg9[%dma_start3A_274, %dma_start3A_275, %dma_start3A_276] : memref<3x64x144xf32, #tpu.memory_space<vmem>> -> memref<1x64x144xf32, #tpu.memory_space<vmem>>
          %dma_start3A_278 = tpu.memref_squeeze %dma_start3A_277 : memref<1x64x144xf32, #tpu.memory_space<vmem>> -> memref<64x144xf32, #tpu.memory_space<vmem>>
          %dma_start3A_279 = arith.constant 0 : i32
          %dma_start3A_280 = arith.constant 0 : i32
          %dma_start3A_281 = tpu.memref_slice %arg7[%rem3A_109, %dma_start3A_279, %dma_start3A_280] : memref<2x18x64xi32, #tpu.memory_space<vmem>> -> memref<1x18x64xi32, #tpu.memory_space<vmem>>
          %dma_start3A_282 = tpu.memref_squeeze %dma_start3A_281 : memref<1x18x64xi32, #tpu.memory_space<vmem>> -> memref<18x64xi32, #tpu.memory_space<vmem>>
          %dma_start3A_283 = arith.constant 0 : i32
          %dma_start3A_284 = tpu.memref_slice %dma_start3A_282[%add3A_273, %dma_start3A_283] : memref<18x64xi32, #tpu.memory_space<vmem>> -> memref<1x64xi32, #tpu.memory_space<vmem>>
          %dma_start3A_285 = tpu.memref_squeeze %dma_start3A_284 : memref<1x64xi32, #tpu.memory_space<vmem>> -> memref<64xi32, #tpu.memory_space<vmem>>
          %dma_start3A_286 = arith.constant 0 : i32
          %dma_start3A_287 = arith.constant 0 : i32
          %dma_start3A_288 = tpu.memref_slice %arg2[%dma_start3A_286, %dma_start3A_287] : memref<60672x144xf32, #tpu.memory_space<hbm>> -> memref<60672x144xf32, #tpu.memory_space<hbm>>
          tpu.enqueue_indirect_dma source(%dma_start3A_288 : memref<60672x144xf32, #tpu.memory_space<hbm>>) target(%dma_start3A_278 : memref<64x144xf32, #tpu.memory_space<vmem>>) offsets(%dma_start3A_285 : memref<64xi32, #tpu.memory_space<vmem>>) semaphore(%arg12 : memref<!tpu.dma_semaphore, #tpu.memory_space<semaphore_mem>>)
        } else {
        }
        %scan3A_266 = arith.constant 0 : i32
        scf.yield %scan3A_266 : i32
      }
      %scan3A_119 = arith.constant 6 : i32
      %sub3A_120 = arith.constant 1 : i32
      %sub3A_121 = arith.subi %select_n3A, %sub3A_120 : i32
      %lt3A_122 = arith.cmpi slt, %while3A_107, %sub3A_121 : i32
      %convert_element_type3A_123 = arith.extui %lt3A_122 : i1 to i32
      %cond3A_124 = arith.constant 0 : i32
      %cond3A_125 = arith.cmpi ne, %convert_element_type3A_123, %cond3A_124 : i32
      scf.if %cond3A_125 {
        %add3A_127 = arith.constant 1 : i32
        %add3A_128 = arith.addi %while3A_107, %add3A_127 : i32
        %mul3A_129 = arith.constant 18 : i32
        %mul3A_130 = arith.muli %add3A_128, %mul3A_129 : i32
        %add3A_131 = arith.addi %select_n3A_8, %mul3A_130 : i32
        %dma_wait3A_132 = arith.constant 0 : i32
        %dma_wait3A_133 = arith.constant 0 : i32
        %dma_wait3A_134 = tpu.memref_slice %arg7[%sub3A_110, %dma_wait3A_132, %dma_wait3A_133] : memref<2x18x64xi32, #tpu.memory_space<vmem>> -> memref<1x18x64xi32, #tpu.memory_space<vmem>>
        %dma_wait3A_135 = tpu.memref_squeeze %dma_wait3A_134 : memref<1x18x64xi32, #tpu.memory_space<vmem>> -> memref<18x64xi32, #tpu.memory_space<vmem>>
        %dma_wait3A_136 = arith.constant 0 : i32
        %dma_wait3A_137 = tpu.memref_slice %arg3[%add3A_131, %dma_wait3A_136] : memref<5184x64xi32, #tpu.memory_space<hbm>> -> memref<18x64xi32, #tpu.memory_space<hbm>>
        %dma_wait3A_138 = arith.constant 0 : i32
        %dma_wait3A_139 = arith.constant 0 : i32
        %dma_wait3A_140 = tpu.memref_slice %arg7[%sub3A_110, %dma_wait3A_138, %dma_wait3A_139] : memref<2x18x64xi32, #tpu.memory_space<vmem>> -> memref<1x18x64xi32, #tpu.memory_space<vmem>>
        %dma_wait3A_141 = tpu.memref_squeeze %dma_wait3A_140 : memref<1x18x64xi32, #tpu.memory_space<vmem>> -> memref<18x64xi32, #tpu.memory_space<vmem>>
        %dma_wait3A_142 = arith.constant 0 : i32
        %dma_wait3A_143 = tpu.memref_slice %arg3[%add3A_131, %dma_wait3A_142] : memref<5184x64xi32, #tpu.memory_space<hbm>> -> memref<18x64xi32, #tpu.memory_space<hbm>>
        tpu.wait_dma2 semaphore(%arg17 : memref<!tpu.dma_semaphore, #tpu.memory_space<semaphore_mem>>) src(%dma_wait3A_143 : memref<18x64xi32, #tpu.memory_space<hbm>>) dst(%dma_wait3A_141 : memref<18x64xi32, #tpu.memory_space<vmem>>)
        %add3A_144 = arith.constant 1 : i32
        %add3A_145 = arith.addi %while3A_107, %add3A_144 : i32
        %mul3A_146 = arith.constant 18 : i32
        %mul3A_147 = arith.muli %add3A_145, %mul3A_146 : i32
        %add3A_148 = arith.addi %select_n3A_8, %mul3A_147 : i32
        %dma_wait3A_149 = arith.constant 0 : i32
        %dma_wait3A_150 = arith.constant 0 : i32
        %dma_wait3A_151 = tpu.memref_slice %arg8[%sub3A_110, %dma_wait3A_149, %dma_wait3A_150] : memref<2x18x64xi32, #tpu.memory_space<vmem>> -> memref<1x18x64xi32, #tpu.memory_space<vmem>>
        %dma_wait3A_152 = tpu.memref_squeeze %dma_wait3A_151 : memref<1x18x64xi32, #tpu.memory_space<vmem>> -> memref<18x64xi32, #tpu.memory_space<vmem>>
        %dma_wait3A_153 = arith.constant 0 : i32
        %dma_wait3A_154 = tpu.memref_slice %arg4[%add3A_148, %dma_wait3A_153] : memref<5184x64xi32, #tpu.memory_space<hbm>> -> memref<18x64xi32, #tpu.memory_space<hbm>>
        %dma_wait3A_155 = arith.constant 0 : i32
        %dma_wait3A_156 = arith.constant 0 : i32
        %dma_wait3A_157 = tpu.memref_slice %arg8[%sub3A_110, %dma_wait3A_155, %dma_wait3A_156] : memref<2x18x64xi32, #tpu.memory_space<vmem>> -> memref<1x18x64xi32, #tpu.memory_space<vmem>>
        %dma_wait3A_158 = tpu.memref_squeeze %dma_wait3A_157 : memref<1x18x64xi32, #tpu.memory_space<vmem>> -> memref<18x64xi32, #tpu.memory_space<vmem>>
        %dma_wait3A_159 = arith.constant 0 : i32
        %dma_wait3A_160 = tpu.memref_slice %arg4[%add3A_148, %dma_wait3A_159] : memref<5184x64xi32, #tpu.memory_space<hbm>> -> memref<18x64xi32, #tpu.memory_space<hbm>>
        tpu.wait_dma2 semaphore(%arg17 : memref<!tpu.dma_semaphore, #tpu.memory_space<semaphore_mem>>) src(%dma_wait3A_160 : memref<18x64xi32, #tpu.memory_space<hbm>>) dst(%dma_wait3A_158 : memref<18x64xi32, #tpu.memory_space<vmem>>)
        %dma_wait3A_161 = arith.constant 0 : i32
        %dma_wait3A_162 = arith.constant 0 : i32
        %dma_wait3A_163 = arith.constant 0 : i32
        %dma_wait3A_164 = arith.constant 0 : i32
        %dma_wait3A_165 = tpu.memref_slice %arg9[%dma_wait3A_161, %dma_wait3A_163, %dma_wait3A_164] : memref<3x64x144xf32, #tpu.memory_space<vmem>> -> memref<1x64x144xf32, #tpu.memory_space<vmem>>
        %dma_wait3A_166 = tpu.memref_squeeze %dma_wait3A_165 : memref<1x64x144xf32, #tpu.memory_space<vmem>> -> memref<64x144xf32, #tpu.memory_space<vmem>>
        %dma_wait3A_167 = arith.constant 0 : i32
        %dma_wait3A_168 = arith.constant 0 : i32
        %dma_wait3A_169 = tpu.memref_slice %arg8[%sub3A_110, %dma_wait3A_167, %dma_wait3A_168] : memref<2x18x64xi32, #tpu.memory_space<vmem>> -> memref<1x18x64xi32, #tpu.memory_space<vmem>>
        %dma_wait3A_170 = tpu.memref_squeeze %dma_wait3A_169 : memref<1x18x64xi32, #tpu.memory_space<vmem>> -> memref<18x64xi32, #tpu.memory_space<vmem>>
        %dma_wait3A_171 = arith.constant 0 : i32
        %dma_wait3A_172 = tpu.memref_slice %dma_wait3A_170[%dma_wait3A_162, %dma_wait3A_171] : memref<18x64xi32, #tpu.memory_space<vmem>> -> memref<1x64xi32, #tpu.memory_space<vmem>>
        %dma_wait3A_173 = tpu.memref_squeeze %dma_wait3A_172 : memref<1x64xi32, #tpu.memory_space<vmem>> -> memref<64xi32, #tpu.memory_space<vmem>>
        %dma_wait3A_174 = arith.constant 0 : i32
        %dma_wait3A_175 = arith.constant 0 : i32
        %dma_wait3A_176 = tpu.memref_slice %arg10[%dma_wait3A_174, %dma_wait3A_175] : memref<10112x144xf32, #tpu.memory_space<vmem_shared>> -> memref<10112x144xf32, #tpu.memory_space<vmem_shared>>
        tpu.wait_indirect_dma semaphore(%arg14 : memref<!tpu.dma_semaphore, #tpu.memory_space<semaphore_mem>>) src(%dma_wait3A_166 : memref<64x144xf32, #tpu.memory_space<vmem>>) dst(%dma_wait3A_176 : memref<10112x144xf32, #tpu.memory_space<vmem_shared>>)
        %dma_start3A_177 = arith.constant 0 : i32
        %dma_start3A_178 = arith.constant 0 : i32
        %dma_start3A_179 = arith.constant 0 : i32
        %dma_start3A_180 = arith.constant 0 : i32
        %dma_start3A_181 = tpu.memref_slice %arg9[%dma_start3A_178, %dma_start3A_179, %dma_start3A_180] : memref<3x64x144xf32, #tpu.memory_space<vmem>> -> memref<1x64x144xf32, #tpu.memory_space<vmem>>
        %dma_start3A_182 = tpu.memref_squeeze %dma_start3A_181 : memref<1x64x144xf32, #tpu.memory_space<vmem>> -> memref<64x144xf32, #tpu.memory_space<vmem>>
        %dma_start3A_183 = arith.constant 0 : i32
        %dma_start3A_184 = arith.constant 0 : i32
        %dma_start3A_185 = tpu.memref_slice %arg7[%sub3A_110, %dma_start3A_183, %dma_start3A_184] : memref<2x18x64xi32, #tpu.memory_space<vmem>> -> memref<1x18x64xi32, #tpu.memory_space<vmem>>
        %dma_start3A_186 = tpu.memref_squeeze %dma_start3A_185 : memref<1x18x64xi32, #tpu.memory_space<vmem>> -> memref<18x64xi32, #tpu.memory_space<vmem>>
        %dma_start3A_187 = arith.constant 0 : i32
        %dma_start3A_188 = tpu.memref_slice %dma_start3A_186[%dma_start3A_177, %dma_start3A_187] : memref<18x64xi32, #tpu.memory_space<vmem>> -> memref<1x64xi32, #tpu.memory_space<vmem>>
        %dma_start3A_189 = tpu.memref_squeeze %dma_start3A_188 : memref<1x64xi32, #tpu.memory_space<vmem>> -> memref<64xi32, #tpu.memory_space<vmem>>
        %dma_start3A_190 = arith.constant 0 : i32
        %dma_start3A_191 = arith.constant 0 : i32
        %dma_start3A_192 = tpu.memref_slice %arg2[%dma_start3A_190, %dma_start3A_191] : memref<60672x144xf32, #tpu.memory_space<hbm>> -> memref<60672x144xf32, #tpu.memory_space<hbm>>
        tpu.enqueue_indirect_dma source(%dma_start3A_192 : memref<60672x144xf32, #tpu.memory_space<hbm>>) target(%dma_start3A_182 : memref<64x144xf32, #tpu.memory_space<vmem>>) offsets(%dma_start3A_189 : memref<64xi32, #tpu.memory_space<vmem>>) semaphore(%arg11 : memref<!tpu.dma_semaphore, #tpu.memory_space<semaphore_mem>>)
        %dma_wait3A_193 = arith.constant 1 : i32
        %dma_wait3A_194 = arith.constant 1 : i32
        %dma_wait3A_195 = arith.constant 0 : i32
        %dma_wait3A_196 = arith.constant 0 : i32
        %dma_wait3A_197 = tpu.memref_slice %arg9[%dma_wait3A_193, %dma_wait3A_195, %dma_wait3A_196] : memref<3x64x144xf32, #tpu.memory_space<vmem>> -> memref<1x64x144xf32, #tpu.memory_space<vmem>>
        %dma_wait3A_198 = tpu.memref_squeeze %dma_wait3A_197 : memref<1x64x144xf32, #tpu.memory_space<vmem>> -> memref<64x144xf32, #tpu.memory_space<vmem>>
        %dma_wait3A_199 = arith.constant 0 : i32
        %dma_wait3A_200 = arith.constant 0 : i32
        %dma_wait3A_201 = tpu.memref_slice %arg8[%sub3A_110, %dma_wait3A_199, %dma_wait3A_200] : memref<2x18x64xi32, #tpu.memory_space<vmem>> -> memref<1x18x64xi32, #tpu.memory_space<vmem>>
        %dma_wait3A_202 = tpu.memref_squeeze %dma_wait3A_201 : memref<1x18x64xi32, #tpu.memory_space<vmem>> -> memref<18x64xi32, #tpu.memory_space<vmem>>
        %dma_wait3A_203 = arith.constant 0 : i32
        %dma_wait3A_204 = tpu.memref_slice %dma_wait3A_202[%dma_wait3A_194, %dma_wait3A_203] : memref<18x64xi32, #tpu.memory_space<vmem>> -> memref<1x64xi32, #tpu.memory_space<vmem>>
        %dma_wait3A_205 = tpu.memref_squeeze %dma_wait3A_204 : memref<1x64xi32, #tpu.memory_space<vmem>> -> memref<64xi32, #tpu.memory_space<vmem>>
        %dma_wait3A_206 = arith.constant 0 : i32
        %dma_wait3A_207 = arith.constant 0 : i32
        %dma_wait3A_208 = tpu.memref_slice %arg10[%dma_wait3A_206, %dma_wait3A_207] : memref<10112x144xf32, #tpu.memory_space<vmem_shared>> -> memref<10112x144xf32, #tpu.memory_space<vmem_shared>>
        tpu.wait_indirect_dma semaphore(%arg15 : memref<!tpu.dma_semaphore, #tpu.memory_space<semaphore_mem>>) src(%dma_wait3A_198 : memref<64x144xf32, #tpu.memory_space<vmem>>) dst(%dma_wait3A_208 : memref<10112x144xf32, #tpu.memory_space<vmem_shared>>)
        %dma_start3A_209 = arith.constant 1 : i32
        %dma_start3A_210 = arith.constant 1 : i32
        %dma_start3A_211 = arith.constant 0 : i32
        %dma_start3A_212 = arith.constant 0 : i32
        %dma_start3A_213 = tpu.memref_slice %arg9[%dma_start3A_210, %dma_start3A_211, %dma_start3A_212] : memref<3x64x144xf32, #tpu.memory_space<vmem>> -> memref<1x64x144xf32, #tpu.memory_space<vmem>>
        %dma_start3A_214 = tpu.memref_squeeze %dma_start3A_213 : memref<1x64x144xf32, #tpu.memory_space<vmem>> -> memref<64x144xf32, #tpu.memory_space<vmem>>
        %dma_start3A_215 = arith.constant 0 : i32
        %dma_start3A_216 = arith.constant 0 : i32
        %dma_start3A_217 = tpu.memref_slice %arg7[%sub3A_110, %dma_start3A_215, %dma_start3A_216] : memref<2x18x64xi32, #tpu.memory_space<vmem>> -> memref<1x18x64xi32, #tpu.memory_space<vmem>>
        %dma_start3A_218 = tpu.memref_squeeze %dma_start3A_217 : memref<1x18x64xi32, #tpu.memory_space<vmem>> -> memref<18x64xi32, #tpu.memory_space<vmem>>
        %dma_start3A_219 = arith.constant 0 : i32
        %dma_start3A_220 = tpu.memref_slice %dma_start3A_218[%dma_start3A_209, %dma_start3A_219] : memref<18x64xi32, #tpu.memory_space<vmem>> -> memref<1x64xi32, #tpu.memory_space<vmem>>
        %dma_start3A_221 = tpu.memref_squeeze %dma_start3A_220 : memref<1x64xi32, #tpu.memory_space<vmem>> -> memref<64xi32, #tpu.memory_space<vmem>>
        %dma_start3A_222 = arith.constant 0 : i32
        %dma_start3A_223 = arith.constant 0 : i32
        %dma_start3A_224 = tpu.memref_slice %arg2[%dma_start3A_222, %dma_start3A_223] : memref<60672x144xf32, #tpu.memory_space<hbm>> -> memref<60672x144xf32, #tpu.memory_space<hbm>>
        tpu.enqueue_indirect_dma source(%dma_start3A_224 : memref<60672x144xf32, #tpu.memory_space<hbm>>) target(%dma_start3A_214 : memref<64x144xf32, #tpu.memory_space<vmem>>) offsets(%dma_start3A_221 : memref<64xi32, #tpu.memory_space<vmem>>) semaphore(%arg12 : memref<!tpu.dma_semaphore, #tpu.memory_space<semaphore_mem>>)
      } else {
      }
      %while3A_126 = arith.constant 0 : i32
      scf.yield %while3A_126 : i32
    }
    %dma_wait3A = arith.constant 0 : i32
    %dma_wait3A_56 = arith.constant 0 : i32
    %dma_wait3A_57 = arith.constant 0 : i32
    %dma_wait3A_58 = arith.constant 0 : i32
    %dma_wait3A_59 = arith.constant 0 : i32
    %dma_wait3A_60 = tpu.memref_slice %arg9[%dma_wait3A, %dma_wait3A_58, %dma_wait3A_59] : memref<3x64x144xf32, #tpu.memory_space<vmem>> -> memref<1x64x144xf32, #tpu.memory_space<vmem>>
    %dma_wait3A_61 = tpu.memref_squeeze %dma_wait3A_60 : memref<1x64x144xf32, #tpu.memory_space<vmem>> -> memref<64x144xf32, #tpu.memory_space<vmem>>
    %dma_wait3A_62 = arith.constant 0 : i32
    %dma_wait3A_63 = arith.constant 0 : i32
    %dma_wait3A_64 = tpu.memref_slice %arg8[%dma_wait3A_56, %dma_wait3A_62, %dma_wait3A_63] : memref<2x18x64xi32, #tpu.memory_space<vmem>> -> memref<1x18x64xi32, #tpu.memory_space<vmem>>
    %dma_wait3A_65 = tpu.memref_squeeze %dma_wait3A_64 : memref<1x18x64xi32, #tpu.memory_space<vmem>> -> memref<18x64xi32, #tpu.memory_space<vmem>>
    %dma_wait3A_66 = arith.constant 0 : i32
    %dma_wait3A_67 = tpu.memref_slice %dma_wait3A_65[%dma_wait3A_57, %dma_wait3A_66] : memref<18x64xi32, #tpu.memory_space<vmem>> -> memref<1x64xi32, #tpu.memory_space<vmem>>
    %dma_wait3A_68 = tpu.memref_squeeze %dma_wait3A_67 : memref<1x64xi32, #tpu.memory_space<vmem>> -> memref<64xi32, #tpu.memory_space<vmem>>
    %dma_wait3A_69 = arith.constant 0 : i32
    %dma_wait3A_70 = arith.constant 0 : i32
    %dma_wait3A_71 = tpu.memref_slice %arg10[%dma_wait3A_69, %dma_wait3A_70] : memref<10112x144xf32, #tpu.memory_space<vmem_shared>> -> memref<10112x144xf32, #tpu.memory_space<vmem_shared>>
    tpu.wait_indirect_dma semaphore(%arg14 : memref<!tpu.dma_semaphore, #tpu.memory_space<semaphore_mem>>) src(%dma_wait3A_61 : memref<64x144xf32, #tpu.memory_space<vmem>>) dst(%dma_wait3A_71 : memref<10112x144xf32, #tpu.memory_space<vmem_shared>>)
    %dma_wait3A_72 = arith.constant 1 : i32
    %dma_wait3A_73 = arith.constant 0 : i32
    %dma_wait3A_74 = arith.constant 0 : i32
    %dma_wait3A_75 = arith.constant 0 : i32
    %dma_wait3A_76 = arith.constant 0 : i32
    %dma_wait3A_77 = tpu.memref_slice %arg9[%dma_wait3A_72, %dma_wait3A_75, %dma_wait3A_76] : memref<3x64x144xf32, #tpu.memory_space<vmem>> -> memref<1x64x144xf32, #tpu.memory_space<vmem>>
    %dma_wait3A_78 = tpu.memref_squeeze %dma_wait3A_77 : memref<1x64x144xf32, #tpu.memory_space<vmem>> -> memref<64x144xf32, #tpu.memory_space<vmem>>
    %dma_wait3A_79 = arith.constant 0 : i32
    %dma_wait3A_80 = arith.constant 0 : i32
    %dma_wait3A_81 = tpu.memref_slice %arg8[%dma_wait3A_73, %dma_wait3A_79, %dma_wait3A_80] : memref<2x18x64xi32, #tpu.memory_space<vmem>> -> memref<1x18x64xi32, #tpu.memory_space<vmem>>
    %dma_wait3A_82 = tpu.memref_squeeze %dma_wait3A_81 : memref<1x18x64xi32, #tpu.memory_space<vmem>> -> memref<18x64xi32, #tpu.memory_space<vmem>>
    %dma_wait3A_83 = arith.constant 0 : i32
    %dma_wait3A_84 = tpu.memref_slice %dma_wait3A_82[%dma_wait3A_74, %dma_wait3A_83] : memref<18x64xi32, #tpu.memory_space<vmem>> -> memref<1x64xi32, #tpu.memory_space<vmem>>
    %dma_wait3A_85 = tpu.memref_squeeze %dma_wait3A_84 : memref<1x64xi32, #tpu.memory_space<vmem>> -> memref<64xi32, #tpu.memory_space<vmem>>
    %dma_wait3A_86 = arith.constant 0 : i32
    %dma_wait3A_87 = arith.constant 0 : i32
    %dma_wait3A_88 = tpu.memref_slice %arg10[%dma_wait3A_86, %dma_wait3A_87] : memref<10112x144xf32, #tpu.memory_space<vmem_shared>> -> memref<10112x144xf32, #tpu.memory_space<vmem_shared>>
    tpu.wait_indirect_dma semaphore(%arg15 : memref<!tpu.dma_semaphore, #tpu.memory_space<semaphore_mem>>) src(%dma_wait3A_78 : memref<64x144xf32, #tpu.memory_space<vmem>>) dst(%dma_wait3A_88 : memref<10112x144xf32, #tpu.memory_space<vmem_shared>>)
    %dma_wait3A_89 = arith.constant 2 : i32
    %dma_wait3A_90 = arith.constant 0 : i32
    %dma_wait3A_91 = arith.constant 0 : i32
    %dma_wait3A_92 = arith.constant 0 : i32
    %dma_wait3A_93 = arith.constant 0 : i32
    %dma_wait3A_94 = tpu.memref_slice %arg9[%dma_wait3A_89, %dma_wait3A_92, %dma_wait3A_93] : memref<3x64x144xf32, #tpu.memory_space<vmem>> -> memref<1x64x144xf32, #tpu.memory_space<vmem>>
    %dma_wait3A_95 = tpu.memref_squeeze %dma_wait3A_94 : memref<1x64x144xf32, #tpu.memory_space<vmem>> -> memref<64x144xf32, #tpu.memory_space<vmem>>
    %dma_wait3A_96 = arith.constant 0 : i32
    %dma_wait3A_97 = arith.constant 0 : i32
    %dma_wait3A_98 = tpu.memref_slice %arg8[%dma_wait3A_90, %dma_wait3A_96, %dma_wait3A_97] : memref<2x18x64xi32, #tpu.memory_space<vmem>> -> memref<1x18x64xi32, #tpu.memory_space<vmem>>
    %dma_wait3A_99 = tpu.memref_squeeze %dma_wait3A_98 : memref<1x18x64xi32, #tpu.memory_space<vmem>> -> memref<18x64xi32, #tpu.memory_space<vmem>>
    %dma_wait3A_100 = arith.constant 0 : i32
    %dma_wait3A_101 = tpu.memref_slice %dma_wait3A_99[%dma_wait3A_91, %dma_wait3A_100] : memref<18x64xi32, #tpu.memory_space<vmem>> -> memref<1x64xi32, #tpu.memory_space<vmem>>
    %dma_wait3A_102 = tpu.memref_squeeze %dma_wait3A_101 : memref<1x64xi32, #tpu.memory_space<vmem>> -> memref<64xi32, #tpu.memory_space<vmem>>
    %dma_wait3A_103 = arith.constant 0 : i32
    %dma_wait3A_104 = arith.constant 0 : i32
    %dma_wait3A_105 = tpu.memref_slice %arg10[%dma_wait3A_103, %dma_wait3A_104] : memref<10112x144xf32, #tpu.memory_space<vmem_shared>> -> memref<10112x144xf32, #tpu.memory_space<vmem_shared>>
    tpu.wait_indirect_dma semaphore(%arg16 : memref<!tpu.dma_semaphore, #tpu.memory_space<semaphore_mem>>) src(%dma_wait3A_95 : memref<64x144xf32, #tpu.memory_space<vmem>>) dst(%dma_wait3A_105 : memref<10112x144xf32, #tpu.memory_space<vmem_shared>>)
    %barrier3A_106 = arith.constant 0 : index
    tpu.barrier barrier_id(%barrier3A_106)
    "tpu.region"() ({
      %run_scoped3A_107 = tpu.sem_alloc : memref<!tpu.dma_semaphore, #tpu.memory_space<semaphore_mem>>
      %dma_start3A_108 = arith.constant 0 : i32
      %dma_start3A_109 = tpu.memref_slice %arg6[%arg0, %mul3A_10, %dma_start3A_108] : memref<2x10112x144xf32, #tpu.memory_space<hbm>> -> memref<1x632x144xf32, #tpu.memory_space<hbm>>
      %dma_start3A_110 = tpu.memref_squeeze %dma_start3A_109 : memref<1x632x144xf32, #tpu.memory_space<hbm>> -> memref<632x144xf32, #tpu.memory_space<hbm>>
      %dma_start3A_111 = arith.constant 0 : i32
      %dma_start3A_112 = tpu.memref_slice %arg10[%mul3A_10, %dma_start3A_111] : memref<10112x144xf32, #tpu.memory_space<vmem_shared>> -> memref<632x144xf32, #tpu.memory_space<vmem_shared>>
      tpu.enqueue_dma source(%dma_start3A_112 : memref<632x144xf32, #tpu.memory_space<vmem_shared>>) target(%dma_start3A_110 : memref<632x144xf32, #tpu.memory_space<hbm>>) target_semaphore(%run_scoped3A_107 : memref<!tpu.dma_semaphore, #tpu.memory_space<semaphore_mem>>)
      %dma_wait3A_113 = arith.constant 0 : i32
      %dma_wait3A_114 = tpu.memref_slice %arg6[%arg0, %mul3A_10, %dma_wait3A_113] : memref<2x10112x144xf32, #tpu.memory_space<hbm>> -> memref<1x632x144xf32, #tpu.memory_space<hbm>>
      %dma_wait3A_115 = tpu.memref_squeeze %dma_wait3A_114 : memref<1x632x144xf32, #tpu.memory_space<hbm>> -> memref<632x144xf32, #tpu.memory_space<hbm>>
      %dma_wait3A_116 = arith.constant 0 : i32
      %dma_wait3A_117 = tpu.memref_slice %arg10[%mul3A_10, %dma_wait3A_116] : memref<10112x144xf32, #tpu.memory_space<vmem_shared>> -> memref<632x144xf32, #tpu.memory_space<vmem_shared>>
      tpu.wait_dma2 semaphore(%run_scoped3A_107 : memref<!tpu.dma_semaphore, #tpu.memory_space<semaphore_mem>>) src(%dma_wait3A_117 : memref<632x144xf32, #tpu.memory_space<vmem_shared>>) dst(%dma_wait3A_115 : memref<632x144xf32, #tpu.memory_space<hbm>>)
      tpu.yield
    }) : () -> ()
    return
  }
}

#map = affine_map<(d0, d1) -> (0, 0)>
#map1 = affine_map<(d0, d1) -> (0, 0, 0)>
module attributes {stable_mosaic.version = 14 : i64} {
  func.func @body(%arg0: i32, %arg1: i32, %arg2: memref<60672x144xf32, #tpu.memory_space<hbm>>, %arg3: memref<5184x64xi32, #tpu.memory_space<hbm>>, %arg4: memref<5184x64xi32, #tpu.memory_space<hbm>>, %arg5: memref<2x10112x144xf32, #tpu.memory_space<hbm>>, %arg6: memref<2x10112x144xf32, #tpu.memory_space<hbm>>, %arg7: memref<2x18x64xi32, #tpu.memory_space<vmem>>, %arg8: memref<2x18x64xi32, #tpu.memory_space<vmem>>, %arg9: memref<3x64x144xf32, #tpu.memory_space<vmem>>, %arg10: memref<10112x144xf32, #tpu.memory_space<vmem_shared>>, %arg11: memref<!tpu.dma_semaphore, #tpu.memory_space<semaphore_mem>>, %arg12: memref<!tpu.dma_semaphore, #tpu.memory_space<semaphore_mem>>, %arg13: memref<!tpu.dma_semaphore, #tpu.memory_space<semaphore_mem>>, %arg14: memref<!tpu.dma_semaphore, #tpu.memory_space<semaphore_mem>>, %arg15: memref<!tpu.dma_semaphore, #tpu.memory_space<semaphore_mem>>, %arg16: memref<!tpu.dma_semaphore, #tpu.memory_space<semaphore_mem>>, %arg17: memref<!tpu.dma_semaphore, #tpu.memory_space<semaphore_mem>>) attributes {dimension_semantics = [#tpu.dimension_semantics<core_parallel>, #tpu.dimension_semantics<subcore_parallel>], iteration_bounds = array<i64: 2, 16>, scalar_prefetch = 0 : i64, scratch_operands = 11 : i64, tpu.core_type = #tpu.core_type<sc_vector_subcore>, window_params = [{transform_indices = #map}, {transform_indices = #map}, {transform_indices = #map}, {transform_indices = #map1}, {transform_indices = #map1}]} {
    %eq3A = arith.constant 0 : i32
    %eq3A_0 = arith.cmpi eq, %arg0, %eq3A : i32
    %jit3A = arith.constant 9 : i32
    %jit3A_1 = arith.constant 9 : i32
    %select_n3A = arith.select %eq3A_0, %jit3A, %jit3A_1 : i32
    %eq3A_2 = arith.constant 0 : i32
    %eq3A_3 = arith.cmpi eq, %arg0, %eq3A_2 : i32
    %mul3A = arith.constant 162 : i32
    %mul3A_4 = arith.muli %arg1, %mul3A : i32
    %mul3A_5 = arith.constant 162 : i32
    %mul3A_6 = arith.muli %arg1, %mul3A_5 : i32
    %add3A = arith.constant 2592 : i32
    %add3A_7 = arith.addi %add3A, %mul3A_6 : i32
    %select_n3A_8 = arith.select %eq3A_3, %mul3A_4, %add3A_7 : i32
    %mul3A_9 = arith.constant 632 : i32
    %mul3A_10 = arith.muli %arg1, %mul3A_9 : i32
    "tpu.region"() ({
      %run_scoped3A_107 = tpu.sem_alloc : memref<!tpu.dma_semaphore, #tpu.memory_space<semaphore_mem>>
      %dma_start3A_108 = arith.constant 0 : i32
      %dma_start3A_109 = tpu.memref_slice %arg10[%mul3A_10, %dma_start3A_108] : memref<10112x144xf32, #tpu.memory_space<vmem_shared>> -> memref<632x144xf32, #tpu.memory_space<vmem_shared>>
      %dma_start3A_110 = arith.constant 0 : i32
      %dma_start3A_111 = tpu.memref_slice %arg5[%arg0, %mul3A_10, %dma_start3A_110] : memref<2x10112x144xf32, #tpu.memory_space<hbm>> -> memref<1x632x144xf32, #tpu.memory_space<hbm>>
      %dma_start3A_112 = tpu.memref_squeeze %dma_start3A_111 : memref<1x632x144xf32, #tpu.memory_space<hbm>> -> memref<632x144xf32, #tpu.memory_space<hbm>>
      tpu.enqueue_dma source(%dma_start3A_112 : memref<632x144xf32, #tpu.memory_space<hbm>>) target(%dma_start3A_109 : memref<632x144xf32, #tpu.memory_space<vmem_shared>>) target_semaphore(%run_scoped3A_107 : memref<!tpu.dma_semaphore, #tpu.memory_space<semaphore_mem>>)
      %dma_wait3A_113 = arith.constant 0 : i32
      %dma_wait3A_114 = tpu.memref_slice %arg10[%mul3A_10, %dma_wait3A_113] : memref<10112x144xf32, #tpu.memory_space<vmem_shared>> -> memref<632x144xf32, #tpu.memory_space<vmem_shared>>
      %dma_wait3A_115 = arith.constant 0 : i32
      %dma_wait3A_116 = tpu.memref_slice %arg5[%arg0, %mul3A_10, %dma_wait3A_115] : memref<2x10112x144xf32, #tpu.memory_space<hbm>> -> memref<1x632x144xf32, #tpu.memory_space<hbm>>
      %dma_wait3A_117 = tpu.memref_squeeze %dma_wait3A_116 : memref<1x632x144xf32, #tpu.memory_space<hbm>> -> memref<632x144xf32, #tpu.memory_space<hbm>>
      tpu.wait_dma2 semaphore(%run_scoped3A_107 : memref<!tpu.dma_semaphore, #tpu.memory_space<semaphore_mem>>) src(%dma_wait3A_117 : memref<632x144xf32, #tpu.memory_space<hbm>>) dst(%dma_wait3A_114 : memref<632x144xf32, #tpu.memory_space<vmem_shared>>)
      tpu.yield
    }) : () -> ()
    %run_scoped3A = arith.constant 0 : i32
    "tpu.region"() ({
      %run_scoped3A_107 = tpu.sem_alloc : memref<!tpu.dma_semaphore, #tpu.memory_space<semaphore_mem>>
      %dma_start3A_108 = arith.constant 0 : i32
      %dma_start3A_109 = arith.constant 0 : i32
      %dma_start3A_110 = tpu.memref_slice %arg7[%run_scoped3A, %dma_start3A_108, %dma_start3A_109] : memref<2x18x64xi32, #tpu.memory_space<vmem>> -> memref<1x18x64xi32, #tpu.memory_space<vmem>>
      %dma_start3A_111 = tpu.memref_squeeze %dma_start3A_110 : memref<1x18x64xi32, #tpu.memory_space<vmem>> -> memref<18x64xi32, #tpu.memory_space<vmem>>
      %dma_start3A_112 = arith.constant 0 : i32
      %dma_start3A_113 = tpu.memref_slice %arg3[%select_n3A_8, %dma_start3A_112] : memref<5184x64xi32, #tpu.memory_space<hbm>> -> memref<18x64xi32, #tpu.memory_space<hbm>>
      %dma_start3A_114 = arith.constant 0 : i32
      %dma_start3A_115 = arith.constant 0 : i32
      %dma_start3A_116 = tpu.memref_slice %arg7[%run_scoped3A, %dma_start3A_114, %dma_start3A_115] : memref<2x18x64xi32, #tpu.memory_space<vmem>> -> memref<1x18x64xi32, #tpu.memory_space<vmem>>
      %dma_start3A_117 = tpu.memref_squeeze %dma_start3A_116 : memref<1x18x64xi32, #tpu.memory_space<vmem>> -> memref<18x64xi32, #tpu.memory_space<vmem>>
      %dma_start3A_118 = arith.constant 0 : i32
      %dma_start3A_119 = tpu.memref_slice %arg3[%select_n3A_8, %dma_start3A_118] : memref<5184x64xi32, #tpu.memory_space<hbm>> -> memref<18x64xi32, #tpu.memory_space<hbm>>
      tpu.enqueue_dma source(%dma_start3A_119 : memref<18x64xi32, #tpu.memory_space<hbm>>) target(%dma_start3A_117 : memref<18x64xi32, #tpu.memory_space<vmem>>) target_semaphore(%run_scoped3A_107 : memref<!tpu.dma_semaphore, #tpu.memory_space<semaphore_mem>>)
      %dma_wait3A_120 = arith.constant 0 : i32
      %dma_wait3A_121 = arith.constant 0 : i32
      %dma_wait3A_122 = tpu.memref_slice %arg7[%run_scoped3A, %dma_wait3A_120, %dma_wait3A_121] : memref<2x18x64xi32, #tpu.memory_space<vmem>> -> memref<1x18x64xi32, #tpu.memory_space<vmem>>
      %dma_wait3A_123 = tpu.memref_squeeze %dma_wait3A_122 : memref<1x18x64xi32, #tpu.memory_space<vmem>> -> memref<18x64xi32, #tpu.memory_space<vmem>>
      %dma_wait3A_124 = arith.constant 0 : i32
      %dma_wait3A_125 = tpu.memref_slice %arg3[%select_n3A_8, %dma_wait3A_124] : memref<5184x64xi32, #tpu.memory_space<hbm>> -> memref<18x64xi32, #tpu.memory_space<hbm>>
      %dma_wait3A_126 = arith.constant 0 : i32
      %dma_wait3A_127 = arith.constant 0 : i32
      %dma_wait3A_128 = tpu.memref_slice %arg7[%run_scoped3A, %dma_wait3A_126, %dma_wait3A_127] : memref<2x18x64xi32, #tpu.memory_space<vmem>> -> memref<1x18x64xi32, #tpu.memory_space<vmem>>
      %dma_wait3A_129 = tpu.memref_squeeze %dma_wait3A_128 : memref<1x18x64xi32, #tpu.memory_space<vmem>> -> memref<18x64xi32, #tpu.memory_space<vmem>>
      %dma_wait3A_130 = arith.constant 0 : i32
      %dma_wait3A_131 = tpu.memref_slice %arg3[%select_n3A_8, %dma_wait3A_130] : memref<5184x64xi32, #tpu.memory_space<hbm>> -> memref<18x64xi32, #tpu.memory_space<hbm>>
      tpu.wait_dma2 semaphore(%run_scoped3A_107 : memref<!tpu.dma_semaphore, #tpu.memory_space<semaphore_mem>>) src(%dma_wait3A_131 : memref<18x64xi32, #tpu.memory_space<hbm>>) dst(%dma_wait3A_129 : memref<18x64xi32, #tpu.memory_space<vmem>>)
      tpu.yield
    }) : () -> ()
    %run_scoped3A_11 = arith.constant 0 : i32
    "tpu.region"() ({
      %run_scoped3A_107 = tpu.sem_alloc : memref<!tpu.dma_semaphore, #tpu.memory_space<semaphore_mem>>
      %dma_start3A_108 = arith.constant 0 : i32
      %dma_start3A_109 = arith.constant 0 : i32
      %dma_start3A_110 = tpu.memref_slice %arg8[%run_scoped3A_11, %dma_start3A_108, %dma_start3A_109] : memref<2x18x64xi32, #tpu.memory_space<vmem>> -> memref<1x18x64xi32, #tpu.memory_space<vmem>>
      %dma_start3A_111 = tpu.memref_squeeze %dma_start3A_110 : memref<1x18x64xi32, #tpu.memory_space<vmem>> -> memref<18x64xi32, #tpu.memory_space<vmem>>
      %dma_start3A_112 = arith.constant 0 : i32
      %dma_start3A_113 = tpu.memref_slice %arg4[%select_n3A_8, %dma_start3A_112] : memref<5184x64xi32, #tpu.memory_space<hbm>> -> memref<18x64xi32, #tpu.memory_space<hbm>>
      %dma_start3A_114 = arith.constant 0 : i32
      %dma_start3A_115 = arith.constant 0 : i32
      %dma_start3A_116 = tpu.memref_slice %arg8[%run_scoped3A_11, %dma_start3A_114, %dma_start3A_115] : memref<2x18x64xi32, #tpu.memory_space<vmem>> -> memref<1x18x64xi32, #tpu.memory_space<vmem>>
      %dma_start3A_117 = tpu.memref_squeeze %dma_start3A_116 : memref<1x18x64xi32, #tpu.memory_space<vmem>> -> memref<18x64xi32, #tpu.memory_space<vmem>>
      %dma_start3A_118 = arith.constant 0 : i32
      %dma_start3A_119 = tpu.memref_slice %arg4[%select_n3A_8, %dma_start3A_118] : memref<5184x64xi32, #tpu.memory_space<hbm>> -> memref<18x64xi32, #tpu.memory_space<hbm>>
      tpu.enqueue_dma source(%dma_start3A_119 : memref<18x64xi32, #tpu.memory_space<hbm>>) target(%dma_start3A_117 : memref<18x64xi32, #tpu.memory_space<vmem>>) target_semaphore(%run_scoped3A_107 : memref<!tpu.dma_semaphore, #tpu.memory_space<semaphore_mem>>)
      %dma_wait3A_120 = arith.constant 0 : i32
      %dma_wait3A_121 = arith.constant 0 : i32
      %dma_wait3A_122 = tpu.memref_slice %arg8[%run_scoped3A_11, %dma_wait3A_120, %dma_wait3A_121] : memref<2x18x64xi32, #tpu.memory_space<vmem>> -> memref<1x18x64xi32, #tpu.memory_space<vmem>>
      %dma_wait3A_123 = tpu.memref_squeeze %dma_wait3A_122 : memref<1x18x64xi32, #tpu.memory_space<vmem>> -> memref<18x64xi32, #tpu.memory_space<vmem>>
      %dma_wait3A_124 = arith.constant 0 : i32
      %dma_wait3A_125 = tpu.memref_slice %arg4[%select_n3A_8, %dma_wait3A_124] : memref<5184x64xi32, #tpu.memory_space<hbm>> -> memref<18x64xi32, #tpu.memory_space<hbm>>
      %dma_wait3A_126 = arith.constant 0 : i32
      %dma_wait3A_127 = arith.constant 0 : i32
      %dma_wait3A_128 = tpu.memref_slice %arg8[%run_scoped3A_11, %dma_wait3A_126, %dma_wait3A_127] : memref<2x18x64xi32, #tpu.memory_space<vmem>> -> memref<1x18x64xi32, #tpu.memory_space<vmem>>
      %dma_wait3A_129 = tpu.memref_squeeze %dma_wait3A_128 : memref<1x18x64xi32, #tpu.memory_space<vmem>> -> memref<18x64xi32, #tpu.memory_space<vmem>>
      %dma_wait3A_130 = arith.constant 0 : i32
      %dma_wait3A_131 = tpu.memref_slice %arg4[%select_n3A_8, %dma_wait3A_130] : memref<5184x64xi32, #tpu.memory_space<hbm>> -> memref<18x64xi32, #tpu.memory_space<hbm>>
      tpu.wait_dma2 semaphore(%run_scoped3A_107 : memref<!tpu.dma_semaphore, #tpu.memory_space<semaphore_mem>>) src(%dma_wait3A_131 : memref<18x64xi32, #tpu.memory_space<hbm>>) dst(%dma_wait3A_129 : memref<18x64xi32, #tpu.memory_space<vmem>>)
      tpu.yield
    }) : () -> ()
    %dma_start3A = arith.constant 0 : i32
    %dma_start3A_12 = arith.constant 0 : i32
    %dma_start3A_13 = arith.constant 0 : i32
    %dma_start3A_14 = arith.constant 0 : i32
    %dma_start3A_15 = arith.constant 0 : i32
    %dma_start3A_16 = tpu.memref_slice %arg9[%dma_start3A_13, %dma_start3A_14, %dma_start3A_15] : memref<3x64x144xf32, #tpu.memory_space<vmem>> -> memref<1x64x144xf32, #tpu.memory_space<vmem>>
    %dma_start3A_17 = tpu.memref_squeeze %dma_start3A_16 : memref<1x64x144xf32, #tpu.memory_space<vmem>> -> memref<64x144xf32, #tpu.memory_space<vmem>>
    %dma_start3A_18 = arith.constant 0 : i32
    %dma_start3A_19 = arith.constant 0 : i32
    %dma_start3A_20 = tpu.memref_slice %arg7[%dma_start3A, %dma_start3A_18, %dma_start3A_19] : memref<2x18x64xi32, #tpu.memory_space<vmem>> -> memref<1x18x64xi32, #tpu.memory_space<vmem>>
    %dma_start3A_21 = tpu.memref_squeeze %dma_start3A_20 : memref<1x18x64xi32, #tpu.memory_space<vmem>> -> memref<18x64xi32, #tpu.memory_space<vmem>>
    %dma_start3A_22 = arith.constant 0 : i32
    %dma_start3A_23 = tpu.memref_slice %dma_start3A_21[%dma_start3A_12, %dma_start3A_22] : memref<18x64xi32, #tpu.memory_space<vmem>> -> memref<1x64xi32, #tpu.memory_space<vmem>>
    %dma_start3A_24 = tpu.memref_squeeze %dma_start3A_23 : memref<1x64xi32, #tpu.memory_space<vmem>> -> memref<64xi32, #tpu.memory_space<vmem>>
    %dma_start3A_25 = arith.constant 0 : i32
    %dma_start3A_26 = arith.constant 0 : i32
    %dma_start3A_27 = tpu.memref_slice %arg2[%dma_start3A_25, %dma_start3A_26] : memref<60672x144xf32, #tpu.memory_space<hbm>> -> memref<60672x144xf32, #tpu.memory_space<hbm>>
    tpu.enqueue_indirect_dma source(%dma_start3A_27 : memref<60672x144xf32, #tpu.memory_space<hbm>>) target(%dma_start3A_17 : memref<64x144xf32, #tpu.memory_space<vmem>>) offsets(%dma_start3A_24 : memref<64xi32, #tpu.memory_space<vmem>>) semaphore(%arg11 : memref<!tpu.dma_semaphore, #tpu.memory_space<semaphore_mem>>)
    %dma_start3A_28 = arith.constant 0 : i32
    %dma_start3A_29 = arith.constant 1 : i32
    %dma_start3A_30 = arith.constant 1 : i32
    %dma_start3A_31 = arith.constant 0 : i32
    %dma_start3A_32 = arith.constant 0 : i32
    %dma_start3A_33 = tpu.memref_slice %arg9[%dma_start3A_30, %dma_start3A_31, %dma_start3A_32] : memref<3x64x144xf32, #tpu.memory_space<vmem>> -> memref<1x64x144xf32, #tpu.memory_space<vmem>>
    %dma_start3A_34 = tpu.memref_squeeze %dma_start3A_33 : memref<1x64x144xf32, #tpu.memory_space<vmem>> -> memref<64x144xf32, #tpu.memory_space<vmem>>
    %dma_start3A_35 = arith.constant 0 : i32
    %dma_start3A_36 = arith.constant 0 : i32
    %dma_start3A_37 = tpu.memref_slice %arg7[%dma_start3A_28, %dma_start3A_35, %dma_start3A_36] : memref<2x18x64xi32, #tpu.memory_space<vmem>> -> memref<1x18x64xi32, #tpu.memory_space<vmem>>
    %dma_start3A_38 = tpu.memref_squeeze %dma_start3A_37 : memref<1x18x64xi32, #tpu.memory_space<vmem>> -> memref<18x64xi32, #tpu.memory_space<vmem>>
    %dma_start3A_39 = arith.constant 0 : i32
    %dma_start3A_40 = tpu.memref_slice %dma_start3A_38[%dma_start3A_29, %dma_start3A_39] : memref<18x64xi32, #tpu.memory_space<vmem>> -> memref<1x64xi32, #tpu.memory_space<vmem>>
    %dma_start3A_41 = tpu.memref_squeeze %dma_start3A_40 : memref<1x64xi32, #tpu.memory_space<vmem>> -> memref<64xi32, #tpu.memory_space<vmem>>
    %dma_start3A_42 = arith.constant 0 : i32
    %dma_start3A_43 = arith.constant 0 : i32
    %dma_start3A_44 = tpu.memref_slice %arg2[%dma_start3A_42, %dma_start3A_43] : memref<60672x144xf32, #tpu.memory_space<hbm>> -> memref<60672x144xf32, #tpu.memory_space<hbm>>
    tpu.enqueue_indirect_dma source(%dma_start3A_44 : memref<60672x144xf32, #tpu.memory_space<hbm>>) target(%dma_start3A_34 : memref<64x144xf32, #tpu.memory_space<vmem>>) offsets(%dma_start3A_41 : memref<64xi32, #tpu.memory_space<vmem>>) semaphore(%arg12 : memref<!tpu.dma_semaphore, #tpu.memory_space<semaphore_mem>>)
    %barrier3A = arith.constant 0 : index
    tpu.barrier barrier_id(%barrier3A)
    %while3A = arith.constant 0 : i32
    %while3A_45 = arith.constant 0 : i32
    %while3A_46 = arith.subi %select_n3A, %while3A : i32
    %while3A_47 = arith.addi %while3A, %while3A_46 : i32
    %while3A_48 = arith.constant 1 : i32
    %while3A_49 = arith.divsi %while3A_46, %while3A_48 : i32
    %while3A_50 = arith.muli %while3A_49, %while3A_48 : i32
    %while3A_51 = arith.addi %while3A, %while3A_50 : i32
    %while3A_52 = arith.constant 1 : i32
    %while3A_53 = scf.for %while3A_107 = %while3A to %while3A_51 step %while3A_52 iter_args(%while3A_108 = %while3A_45) -> (i32)  : i32 {
      %rem3A = arith.constant 2 : i32
      %rem3A_109 = arith.remsi %while3A_107, %rem3A : i32
      %sub3A = arith.constant 1 : i32
      %sub3A_110 = arith.subi %sub3A, %rem3A_109 : i32
      %sub3A_111 = arith.constant 1 : i32
      %sub3A_112 = arith.subi %select_n3A, %sub3A_111 : i32
      %lt3A = arith.cmpi slt, %while3A_107, %sub3A_112 : i32
      %convert_element_type3A = arith.extui %lt3A : i1 to i32
      %cond3A = arith.constant 0 : i32
      %cond3A_113 = arith.cmpi ne, %convert_element_type3A, %cond3A : i32
      scf.if %cond3A_113 {
        %add3A_127 = arith.constant 1 : i32
        %add3A_128 = arith.addi %while3A_107, %add3A_127 : i32
        %mul3A_129 = arith.constant 18 : i32
        %mul3A_130 = arith.muli %add3A_128, %mul3A_129 : i32
        %add3A_131 = arith.addi %select_n3A_8, %mul3A_130 : i32
        %dma_start3A_132 = arith.constant 0 : i32
        %dma_start3A_133 = arith.constant 0 : i32
        %dma_start3A_134 = tpu.memref_slice %arg7[%sub3A_110, %dma_start3A_132, %dma_start3A_133] : memref<2x18x64xi32, #tpu.memory_space<vmem>> -> memref<1x18x64xi32, #tpu.memory_space<vmem>>
        %dma_start3A_135 = tpu.memref_squeeze %dma_start3A_134 : memref<1x18x64xi32, #tpu.memory_space<vmem>> -> memref<18x64xi32, #tpu.memory_space<vmem>>
        %dma_start3A_136 = arith.constant 0 : i32
        %dma_start3A_137 = tpu.memref_slice %arg3[%add3A_131, %dma_start3A_136] : memref<5184x64xi32, #tpu.memory_space<hbm>> -> memref<18x64xi32, #tpu.memory_space<hbm>>
        %dma_start3A_138 = arith.constant 0 : i32
        %dma_start3A_139 = arith.constant 0 : i32
        %dma_start3A_140 = tpu.memref_slice %arg7[%sub3A_110, %dma_start3A_138, %dma_start3A_139] : memref<2x18x64xi32, #tpu.memory_space<vmem>> -> memref<1x18x64xi32, #tpu.memory_space<vmem>>
        %dma_start3A_141 = tpu.memref_squeeze %dma_start3A_140 : memref<1x18x64xi32, #tpu.memory_space<vmem>> -> memref<18x64xi32, #tpu.memory_space<vmem>>
        %dma_start3A_142 = arith.constant 0 : i32
        %dma_start3A_143 = tpu.memref_slice %arg3[%add3A_131, %dma_start3A_142] : memref<5184x64xi32, #tpu.memory_space<hbm>> -> memref<18x64xi32, #tpu.memory_space<hbm>>
        tpu.enqueue_dma source(%dma_start3A_143 : memref<18x64xi32, #tpu.memory_space<hbm>>) target(%dma_start3A_141 : memref<18x64xi32, #tpu.memory_space<vmem>>) target_semaphore(%arg17 : memref<!tpu.dma_semaphore, #tpu.memory_space<semaphore_mem>>)
        %add3A_144 = arith.constant 1 : i32
        %add3A_145 = arith.addi %while3A_107, %add3A_144 : i32
        %mul3A_146 = arith.constant 18 : i32
        %mul3A_147 = arith.muli %add3A_145, %mul3A_146 : i32
        %add3A_148 = arith.addi %select_n3A_8, %mul3A_147 : i32
        %dma_start3A_149 = arith.constant 0 : i32
        %dma_start3A_150 = arith.constant 0 : i32
        %dma_start3A_151 = tpu.memref_slice %arg8[%sub3A_110, %dma_start3A_149, %dma_start3A_150] : memref<2x18x64xi32, #tpu.memory_space<vmem>> -> memref<1x18x64xi32, #tpu.memory_space<vmem>>
        %dma_start3A_152 = tpu.memref_squeeze %dma_start3A_151 : memref<1x18x64xi32, #tpu.memory_space<vmem>> -> memref<18x64xi32, #tpu.memory_space<vmem>>
        %dma_start3A_153 = arith.constant 0 : i32
        %dma_start3A_154 = tpu.memref_slice %arg4[%add3A_148, %dma_start3A_153] : memref<5184x64xi32, #tpu.memory_space<hbm>> -> memref<18x64xi32, #tpu.memory_space<hbm>>
        %dma_start3A_155 = arith.constant 0 : i32
        %dma_start3A_156 = arith.constant 0 : i32
        %dma_start3A_157 = tpu.memref_slice %arg8[%sub3A_110, %dma_start3A_155, %dma_start3A_156] : memref<2x18x64xi32, #tpu.memory_space<vmem>> -> memref<1x18x64xi32, #tpu.memory_space<vmem>>
        %dma_start3A_158 = tpu.memref_squeeze %dma_start3A_157 : memref<1x18x64xi32, #tpu.memory_space<vmem>> -> memref<18x64xi32, #tpu.memory_space<vmem>>
        %dma_start3A_159 = arith.constant 0 : i32
        %dma_start3A_160 = tpu.memref_slice %arg4[%add3A_148, %dma_start3A_159] : memref<5184x64xi32, #tpu.memory_space<hbm>> -> memref<18x64xi32, #tpu.memory_space<hbm>>
        tpu.enqueue_dma source(%dma_start3A_160 : memref<18x64xi32, #tpu.memory_space<hbm>>) target(%dma_start3A_158 : memref<18x64xi32, #tpu.memory_space<vmem>>) target_semaphore(%arg17 : memref<!tpu.dma_semaphore, #tpu.memory_space<semaphore_mem>>)
      } else {
      }
      %scan3A = arith.constant 0 : i32
      %scan3A_114 = arith.constant 0 : i32
      %scan3A_115 = arith.constant 6 : i32
      %scan3A_116 = arith.addi %scan3A_114, %scan3A_115 : i32
      %scan3A_117 = arith.constant 1 : i32
      %scan3A_118 = scf.for %scan3A_127 = %scan3A_114 to %scan3A_116 step %scan3A_117 iter_args(%scan3A_128 = %scan3A) -> (i32)  : i32 {
        %mul3A_129 = arith.constant 3 : i32
        %mul3A_130 = arith.muli %scan3A_127, %mul3A_129 : i32
        %add3A_131 = arith.constant 0 : i32
        %add3A_132 = arith.addi %mul3A_130, %add3A_131 : i32
        %mul3A_133 = arith.constant 18 : i32
        %mul3A_134 = arith.muli %while3A_107, %mul3A_133 : i32
        %add3A_135 = arith.addi %mul3A_134, %add3A_132 : i32
        %dma_wait3A_136 = arith.constant 0 : i32
        %dma_wait3A_137 = arith.constant 0 : i32
        %dma_wait3A_138 = arith.constant 0 : i32
        %dma_wait3A_139 = tpu.memref_slice %arg9[%dma_wait3A_136, %dma_wait3A_137, %dma_wait3A_138] : memref<3x64x144xf32, #tpu.memory_space<vmem>> -> memref<1x64x144xf32, #tpu.memory_space<vmem>>
        %dma_wait3A_140 = tpu.memref_squeeze %dma_wait3A_139 : memref<1x64x144xf32, #tpu.memory_space<vmem>> -> memref<64x144xf32, #tpu.memory_space<vmem>>
        %dma_wait3A_141 = arith.constant 0 : i32
        %dma_wait3A_142 = arith.constant 0 : i32
        %dma_wait3A_143 = tpu.memref_slice %arg7[%rem3A_109, %dma_wait3A_141, %dma_wait3A_142] : memref<2x18x64xi32, #tpu.memory_space<vmem>> -> memref<1x18x64xi32, #tpu.memory_space<vmem>>
        %dma_wait3A_144 = tpu.memref_squeeze %dma_wait3A_143 : memref<1x18x64xi32, #tpu.memory_space<vmem>> -> memref<18x64xi32, #tpu.memory_space<vmem>>
        %dma_wait3A_145 = arith.constant 0 : i32
        %dma_wait3A_146 = tpu.memref_slice %dma_wait3A_144[%add3A_132, %dma_wait3A_145] : memref<18x64xi32, #tpu.memory_space<vmem>> -> memref<1x64xi32, #tpu.memory_space<vmem>>
        %dma_wait3A_147 = tpu.memref_squeeze %dma_wait3A_146 : memref<1x64xi32, #tpu.memory_space<vmem>> -> memref<64xi32, #tpu.memory_space<vmem>>
        %dma_wait3A_148 = arith.constant 0 : i32
        %dma_wait3A_149 = arith.constant 0 : i32
        %dma_wait3A_150 = tpu.memref_slice %arg2[%dma_wait3A_148, %dma_wait3A_149] : memref<60672x144xf32, #tpu.memory_space<hbm>> -> memref<60672x144xf32, #tpu.memory_space<hbm>>
        tpu.wait_indirect_dma semaphore(%arg11 : memref<!tpu.dma_semaphore, #tpu.memory_space<semaphore_mem>>) src(%dma_wait3A_150 : memref<60672x144xf32, #tpu.memory_space<hbm>>) dst(%dma_wait3A_140 : memref<64x144xf32, #tpu.memory_space<vmem>>)
        %dma_start3A_151 = arith.constant 0 : i32
        %dma_start3A_152 = arith.constant 0 : i32
        %dma_start3A_153 = arith.constant 0 : i32
        %dma_start3A_154 = tpu.memref_slice %arg9[%dma_start3A_151, %dma_start3A_152, %dma_start3A_153] : memref<3x64x144xf32, #tpu.memory_space<vmem>> -> memref<1x64x144xf32, #tpu.memory_space<vmem>>
        %dma_start3A_155 = tpu.memref_squeeze %dma_start3A_154 : memref<1x64x144xf32, #tpu.memory_space<vmem>> -> memref<64x144xf32, #tpu.memory_space<vmem>>
        %dma_start3A_156 = arith.constant 0 : i32
        %dma_start3A_157 = arith.constant 0 : i32
        %dma_start3A_158 = tpu.memref_slice %arg8[%rem3A_109, %dma_start3A_156, %dma_start3A_157] : memref<2x18x64xi32, #tpu.memory_space<vmem>> -> memref<1x18x64xi32, #tpu.memory_space<vmem>>
        %dma_start3A_159 = tpu.memref_squeeze %dma_start3A_158 : memref<1x18x64xi32, #tpu.memory_space<vmem>> -> memref<18x64xi32, #tpu.memory_space<vmem>>
        %dma_start3A_160 = arith.constant 0 : i32
        %dma_start3A_161 = tpu.memref_slice %dma_start3A_159[%add3A_132, %dma_start3A_160] : memref<18x64xi32, #tpu.memory_space<vmem>> -> memref<1x64xi32, #tpu.memory_space<vmem>>
        %dma_start3A_162 = tpu.memref_squeeze %dma_start3A_161 : memref<1x64xi32, #tpu.memory_space<vmem>> -> memref<64xi32, #tpu.memory_space<vmem>>
        %dma_start3A_163 = arith.constant 0 : i32
        %dma_start3A_164 = arith.constant 0 : i32
        %dma_start3A_165 = tpu.memref_slice %arg10[%dma_start3A_163, %dma_start3A_164] : memref<10112x144xf32, #tpu.memory_space<vmem_shared>> -> memref<10112x144xf32, #tpu.memory_space<vmem_shared>>
        tpu.enqueue_indirect_dma source(%dma_start3A_155 : memref<64x144xf32, #tpu.memory_space<vmem>>) target(%dma_start3A_165 : memref<10112x144xf32, #tpu.memory_space<vmem_shared>>) offsets(%dma_start3A_162 : memref<64xi32, #tpu.memory_space<vmem>>) semaphore(%arg14 : memref<!tpu.dma_semaphore, #tpu.memory_space<semaphore_mem>>) {add = true}
        %ge3A = arith.constant 0 : i32
        %ge3A_166 = arith.cmpi sge, %add3A_135, %ge3A : i32
        %convert_element_type3A_167 = arith.extui %ge3A_166 : i1 to i32
        %cond3A_168 = arith.constant 0 : i32
        %cond3A_169 = arith.cmpi ne, %convert_element_type3A_167, %cond3A_168 : i32
        scf.if %cond3A_169 {
          %ge3A_267 = arith.constant 1 : i32
          %ge3A_268 = arith.cmpi sge, %add3A_135, %ge3A_267 : i32
          %convert_element_type3A_269 = arith.extui %ge3A_268 : i1 to i32
          %cond3A_270 = arith.constant 0 : i32
          %cond3A_271 = arith.cmpi ne, %convert_element_type3A_269, %cond3A_270 : i32
          scf.if %cond3A_271 {
            %dma_wait3A_289 = arith.constant 2 : i32
            %dma_wait3A_290 = arith.constant 0 : i32
            %dma_wait3A_291 = arith.constant 0 : i32
            %dma_wait3A_292 = tpu.memref_slice %arg9[%dma_wait3A_289, %dma_wait3A_290, %dma_wait3A_291] : memref<3x64x144xf32, #tpu.memory_space<vmem>> -> memref<1x64x144xf32, #tpu.memory_space<vmem>>
            %dma_wait3A_293 = tpu.memref_squeeze %dma_wait3A_292 : memref<1x64x144xf32, #tpu.memory_space<vmem>> -> memref<64x144xf32, #tpu.memory_space<vmem>>
            %dma_wait3A_294 = arith.constant 0 : i32
            %dma_wait3A_295 = arith.constant 0 : i32
            %dma_wait3A_296 = tpu.memref_slice %arg8[%rem3A_109, %dma_wait3A_294, %dma_wait3A_295] : memref<2x18x64xi32, #tpu.memory_space<vmem>> -> memref<1x18x64xi32, #tpu.memory_space<vmem>>
            %dma_wait3A_297 = tpu.memref_squeeze %dma_wait3A_296 : memref<1x18x64xi32, #tpu.memory_space<vmem>> -> memref<18x64xi32, #tpu.memory_space<vmem>>
            %dma_wait3A_298 = arith.constant 0 : i32
            %dma_wait3A_299 = tpu.memref_slice %dma_wait3A_297[%add3A_132, %dma_wait3A_298] : memref<18x64xi32, #tpu.memory_space<vmem>> -> memref<1x64xi32, #tpu.memory_space<vmem>>
            %dma_wait3A_300 = tpu.memref_squeeze %dma_wait3A_299 : memref<1x64xi32, #tpu.memory_space<vmem>> -> memref<64xi32, #tpu.memory_space<vmem>>
            %dma_wait3A_301 = arith.constant 0 : i32
            %dma_wait3A_302 = arith.constant 0 : i32
            %dma_wait3A_303 = tpu.memref_slice %arg10[%dma_wait3A_301, %dma_wait3A_302] : memref<10112x144xf32, #tpu.memory_space<vmem_shared>> -> memref<10112x144xf32, #tpu.memory_space<vmem_shared>>
            tpu.wait_indirect_dma semaphore(%arg16 : memref<!tpu.dma_semaphore, #tpu.memory_space<semaphore_mem>>) src(%dma_wait3A_293 : memref<64x144xf32, #tpu.memory_space<vmem>>) dst(%dma_wait3A_303 : memref<10112x144xf32, #tpu.memory_space<vmem_shared>>)
          } else {
          }
          %add3A_272 = arith.constant 2 : i32
          %add3A_273 = arith.addi %add3A_132, %add3A_272 : i32
          %dma_start3A_274 = arith.constant 2 : i32
          %dma_start3A_275 = arith.constant 0 : i32
          %dma_start3A_276 = arith.constant 0 : i32
          %dma_start3A_277 = tpu.memref_slice %arg9[%dma_start3A_274, %dma_start3A_275, %dma_start3A_276] : memref<3x64x144xf32, #tpu.memory_space<vmem>> -> memref<1x64x144xf32, #tpu.memory_space<vmem>>
          %dma_start3A_278 = tpu.memref_squeeze %dma_start3A_277 : memref<1x64x144xf32, #tpu.memory_space<vmem>> -> memref<64x144xf32, #tpu.memory_space<vmem>>
          %dma_start3A_279 = arith.constant 0 : i32
          %dma_start3A_280 = arith.constant 0 : i32
          %dma_start3A_281 = tpu.memref_slice %arg7[%rem3A_109, %dma_start3A_279, %dma_start3A_280] : memref<2x18x64xi32, #tpu.memory_space<vmem>> -> memref<1x18x64xi32, #tpu.memory_space<vmem>>
          %dma_start3A_282 = tpu.memref_squeeze %dma_start3A_281 : memref<1x18x64xi32, #tpu.memory_space<vmem>> -> memref<18x64xi32, #tpu.memory_space<vmem>>
          %dma_start3A_283 = arith.constant 0 : i32
          %dma_start3A_284 = tpu.memref_slice %dma_start3A_282[%add3A_273, %dma_start3A_283] : memref<18x64xi32, #tpu.memory_space<vmem>> -> memref<1x64xi32, #tpu.memory_space<vmem>>
          %dma_start3A_285 = tpu.memref_squeeze %dma_start3A_284 : memref<1x64xi32, #tpu.memory_space<vmem>> -> memref<64xi32, #tpu.memory_space<vmem>>
          %dma_start3A_286 = arith.constant 0 : i32
          %dma_start3A_287 = arith.constant 0 : i32
          %dma_start3A_288 = tpu.memref_slice %arg2[%dma_start3A_286, %dma_start3A_287] : memref<60672x144xf32, #tpu.memory_space<hbm>> -> memref<60672x144xf32, #tpu.memory_space<hbm>>
          tpu.enqueue_indirect_dma source(%dma_start3A_288 : memref<60672x144xf32, #tpu.memory_space<hbm>>) target(%dma_start3A_278 : memref<64x144xf32, #tpu.memory_space<vmem>>) offsets(%dma_start3A_285 : memref<64xi32, #tpu.memory_space<vmem>>) semaphore(%arg13 : memref<!tpu.dma_semaphore, #tpu.memory_space<semaphore_mem>>)
        } else {
        }
        %mul3A_170 = arith.constant 3 : i32
        %mul3A_171 = arith.muli %scan3A_127, %mul3A_170 : i32
        %add3A_172 = arith.constant 1 : i32
        %add3A_173 = arith.addi %mul3A_171, %add3A_172 : i32
        %mul3A_174 = arith.constant 18 : i32
        %mul3A_175 = arith.muli %while3A_107, %mul3A_174 : i32
        %add3A_176 = arith.addi %mul3A_175, %add3A_173 : i32
        %dma_wait3A_177 = arith.constant 1 : i32
        %dma_wait3A_178 = arith.constant 0 : i32
        %dma_wait3A_179 = arith.constant 0 : i32
        %dma_wait3A_180 = tpu.memref_slice %arg9[%dma_wait3A_177, %dma_wait3A_178, %dma_wait3A_179] : memref<3x64x144xf32, #tpu.memory_space<vmem>> -> memref<1x64x144xf32, #tpu.memory_space<vmem>>
        %dma_wait3A_181 = tpu.memref_squeeze %dma_wait3A_180 : memref<1x64x144xf32, #tpu.memory_space<vmem>> -> memref<64x144xf32, #tpu.memory_space<vmem>>
        %dma_wait3A_182 = arith.constant 0 : i32
        %dma_wait3A_183 = arith.constant 0 : i32
        %dma_wait3A_184 = tpu.memref_slice %arg7[%rem3A_109, %dma_wait3A_182, %dma_wait3A_183] : memref<2x18x64xi32, #tpu.memory_space<vmem>> -> memref<1x18x64xi32, #tpu.memory_space<vmem>>
        %dma_wait3A_185 = tpu.memref_squeeze %dma_wait3A_184 : memref<1x18x64xi32, #tpu.memory_space<vmem>> -> memref<18x64xi32, #tpu.memory_space<vmem>>
        %dma_wait3A_186 = arith.constant 0 : i32
        %dma_wait3A_187 = tpu.memref_slice %dma_wait3A_185[%add3A_173, %dma_wait3A_186] : memref<18x64xi32, #tpu.memory_space<vmem>> -> memref<1x64xi32, #tpu.memory_space<vmem>>
        %dma_wait3A_188 = tpu.memref_squeeze %dma_wait3A_187 : memref<1x64xi32, #tpu.memory_space<vmem>> -> memref<64xi32, #tpu.memory_space<vmem>>
        %dma_wait3A_189 = arith.constant 0 : i32
        %dma_wait3A_190 = arith.constant 0 : i32
        %dma_wait3A_191 = tpu.memref_slice %arg2[%dma_wait3A_189, %dma_wait3A_190] : memref<60672x144xf32, #tpu.memory_space<hbm>> -> memref<60672x144xf32, #tpu.memory_space<hbm>>
        tpu.wait_indirect_dma semaphore(%arg12 : memref<!tpu.dma_semaphore, #tpu.memory_space<semaphore_mem>>) src(%dma_wait3A_191 : memref<60672x144xf32, #tpu.memory_space<hbm>>) dst(%dma_wait3A_181 : memref<64x144xf32, #tpu.memory_space<vmem>>)
        %dma_start3A_192 = arith.constant 1 : i32
        %dma_start3A_193 = arith.constant 0 : i32
        %dma_start3A_194 = arith.constant 0 : i32
        %dma_start3A_195 = tpu.memref_slice %arg9[%dma_start3A_192, %dma_start3A_193, %dma_start3A_194] : memref<3x64x144xf32, #tpu.memory_space<vmem>> -> memref<1x64x144xf32, #tpu.memory_space<vmem>>
        %dma_start3A_196 = tpu.memref_squeeze %dma_start3A_195 : memref<1x64x144xf32, #tpu.memory_space<vmem>> -> memref<64x144xf32, #tpu.memory_space<vmem>>
        %dma_start3A_197 = arith.constant 0 : i32
        %dma_start3A_198 = arith.constant 0 : i32
        %dma_start3A_199 = tpu.memref_slice %arg8[%rem3A_109, %dma_start3A_197, %dma_start3A_198] : memref<2x18x64xi32, #tpu.memory_space<vmem>> -> memref<1x18x64xi32, #tpu.memory_space<vmem>>
        %dma_start3A_200 = tpu.memref_squeeze %dma_start3A_199 : memref<1x18x64xi32, #tpu.memory_space<vmem>> -> memref<18x64xi32, #tpu.memory_space<vmem>>
        %dma_start3A_201 = arith.constant 0 : i32
        %dma_start3A_202 = tpu.memref_slice %dma_start3A_200[%add3A_173, %dma_start3A_201] : memref<18x64xi32, #tpu.memory_space<vmem>> -> memref<1x64xi32, #tpu.memory_space<vmem>>
        %dma_start3A_203 = tpu.memref_squeeze %dma_start3A_202 : memref<1x64xi32, #tpu.memory_space<vmem>> -> memref<64xi32, #tpu.memory_space<vmem>>
        %dma_start3A_204 = arith.constant 0 : i32
        %dma_start3A_205 = arith.constant 0 : i32
        %dma_start3A_206 = tpu.memref_slice %arg10[%dma_start3A_204, %dma_start3A_205] : memref<10112x144xf32, #tpu.memory_space<vmem_shared>> -> memref<10112x144xf32, #tpu.memory_space<vmem_shared>>
        tpu.enqueue_indirect_dma source(%dma_start3A_196 : memref<64x144xf32, #tpu.memory_space<vmem>>) target(%dma_start3A_206 : memref<10112x144xf32, #tpu.memory_space<vmem_shared>>) offsets(%dma_start3A_203 : memref<64xi32, #tpu.memory_space<vmem>>) semaphore(%arg15 : memref<!tpu.dma_semaphore, #tpu.memory_space<semaphore_mem>>) {add = true}
        %mul3A_207 = arith.constant 3 : i32
        %mul3A_208 = arith.muli %scan3A_127, %mul3A_207 : i32
        %add3A_209 = arith.constant 1 : i32
        %add3A_210 = arith.addi %mul3A_208, %add3A_209 : i32
        %add3A_211 = arith.constant 2 : i32
        %add3A_212 = arith.addi %add3A_210, %add3A_211 : i32
        %lt3A_213 = arith.constant 18 : i32
        %lt3A_214 = arith.cmpi slt, %add3A_212, %lt3A_213 : i32
        %convert_element_type3A_215 = arith.extui %lt3A_214 : i1 to i32
        %cond3A_216 = arith.constant 0 : i32
        %cond3A_217 = arith.cmpi ne, %convert_element_type3A_215, %cond3A_216 : i32
        scf.if %cond3A_217 {
          %ge3A_267 = arith.constant 1 : i32
          %ge3A_268 = arith.cmpi sge, %add3A_176, %ge3A_267 : i32
          %convert_element_type3A_269 = arith.extui %ge3A_268 : i1 to i32
          %cond3A_270 = arith.constant 0 : i32
          %cond3A_271 = arith.cmpi ne, %convert_element_type3A_269, %cond3A_270 : i32
          scf.if %cond3A_271 {
            %dma_wait3A_289 = arith.constant 0 : i32
            %dma_wait3A_290 = arith.constant 0 : i32
            %dma_wait3A_291 = arith.constant 0 : i32
            %dma_wait3A_292 = tpu.memref_slice %arg9[%dma_wait3A_289, %dma_wait3A_290, %dma_wait3A_291] : memref<3x64x144xf32, #tpu.memory_space<vmem>> -> memref<1x64x144xf32, #tpu.memory_space<vmem>>
            %dma_wait3A_293 = tpu.memref_squeeze %dma_wait3A_292 : memref<1x64x144xf32, #tpu.memory_space<vmem>> -> memref<64x144xf32, #tpu.memory_space<vmem>>
            %dma_wait3A_294 = arith.constant 0 : i32
            %dma_wait3A_295 = arith.constant 0 : i32
            %dma_wait3A_296 = tpu.memref_slice %arg8[%rem3A_109, %dma_wait3A_294, %dma_wait3A_295] : memref<2x18x64xi32, #tpu.memory_space<vmem>> -> memref<1x18x64xi32, #tpu.memory_space<vmem>>
            %dma_wait3A_297 = tpu.memref_squeeze %dma_wait3A_296 : memref<1x18x64xi32, #tpu.memory_space<vmem>> -> memref<18x64xi32, #tpu.memory_space<vmem>>
            %dma_wait3A_298 = arith.constant 0 : i32
            %dma_wait3A_299 = tpu.memref_slice %dma_wait3A_297[%add3A_173, %dma_wait3A_298] : memref<18x64xi32, #tpu.memory_space<vmem>> -> memref<1x64xi32, #tpu.memory_space<vmem>>
            %dma_wait3A_300 = tpu.memref_squeeze %dma_wait3A_299 : memref<1x64xi32, #tpu.memory_space<vmem>> -> memref<64xi32, #tpu.memory_space<vmem>>
            %dma_wait3A_301 = arith.constant 0 : i32
            %dma_wait3A_302 = arith.constant 0 : i32
            %dma_wait3A_303 = tpu.memref_slice %arg10[%dma_wait3A_301, %dma_wait3A_302] : memref<10112x144xf32, #tpu.memory_space<vmem_shared>> -> memref<10112x144xf32, #tpu.memory_space<vmem_shared>>
            tpu.wait_indirect_dma semaphore(%arg14 : memref<!tpu.dma_semaphore, #tpu.memory_space<semaphore_mem>>) src(%dma_wait3A_293 : memref<64x144xf32, #tpu.memory_space<vmem>>) dst(%dma_wait3A_303 : memref<10112x144xf32, #tpu.memory_space<vmem_shared>>)
          } else {
          }
          %add3A_272 = arith.constant 2 : i32
          %add3A_273 = arith.addi %add3A_173, %add3A_272 : i32
          %dma_start3A_274 = arith.constant 0 : i32
          %dma_start3A_275 = arith.constant 0 : i32
          %dma_start3A_276 = arith.constant 0 : i32
          %dma_start3A_277 = tpu.memref_slice %arg9[%dma_start3A_274, %dma_start3A_275, %dma_start3A_276] : memref<3x64x144xf32, #tpu.memory_space<vmem>> -> memref<1x64x144xf32, #tpu.memory_space<vmem>>
          %dma_start3A_278 = tpu.memref_squeeze %dma_start3A_277 : memref<1x64x144xf32, #tpu.memory_space<vmem>> -> memref<64x144xf32, #tpu.memory_space<vmem>>
          %dma_start3A_279 = arith.constant 0 : i32
          %dma_start3A_280 = arith.constant 0 : i32
          %dma_start3A_281 = tpu.memref_slice %arg7[%rem3A_109, %dma_start3A_279, %dma_start3A_280] : memref<2x18x64xi32, #tpu.memory_space<vmem>> -> memref<1x18x64xi32, #tpu.memory_space<vmem>>
          %dma_start3A_282 = tpu.memref_squeeze %dma_start3A_281 : memref<1x18x64xi32, #tpu.memory_space<vmem>> -> memref<18x64xi32, #tpu.memory_space<vmem>>
          %dma_start3A_283 = arith.constant 0 : i32
          %dma_start3A_284 = tpu.memref_slice %dma_start3A_282[%add3A_273, %dma_start3A_283] : memref<18x64xi32, #tpu.memory_space<vmem>> -> memref<1x64xi32, #tpu.memory_space<vmem>>
          %dma_start3A_285 = tpu.memref_squeeze %dma_start3A_284 : memref<1x64xi32, #tpu.memory_space<vmem>> -> memref<64xi32, #tpu.memory_space<vmem>>
          %dma_start3A_286 = arith.constant 0 : i32
          %dma_start3A_287 = arith.constant 0 : i32
          %dma_start3A_288 = tpu.memref_slice %arg2[%dma_start3A_286, %dma_start3A_287] : memref<60672x144xf32, #tpu.memory_space<hbm>> -> memref<60672x144xf32, #tpu.memory_space<hbm>>
          tpu.enqueue_indirect_dma source(%dma_start3A_288 : memref<60672x144xf32, #tpu.memory_space<hbm>>) target(%dma_start3A_278 : memref<64x144xf32, #tpu.memory_space<vmem>>) offsets(%dma_start3A_285 : memref<64xi32, #tpu.memory_space<vmem>>) semaphore(%arg11 : memref<!tpu.dma_semaphore, #tpu.memory_space<semaphore_mem>>)
        } else {
        }
        %mul3A_218 = arith.constant 3 : i32
        %mul3A_219 = arith.muli %scan3A_127, %mul3A_218 : i32
        %add3A_220 = arith.constant 2 : i32
        %add3A_221 = arith.addi %mul3A_219, %add3A_220 : i32
        %mul3A_222 = arith.constant 18 : i32
        %mul3A_223 = arith.muli %while3A_107, %mul3A_222 : i32
        %add3A_224 = arith.addi %mul3A_223, %add3A_221 : i32
        %dma_wait3A_225 = arith.constant 2 : i32
        %dma_wait3A_226 = arith.constant 0 : i32
        %dma_wait3A_227 = arith.constant 0 : i32
        %dma_wait3A_228 = tpu.memref_slice %arg9[%dma_wait3A_225, %dma_wait3A_226, %dma_wait3A_227] : memref<3x64x144xf32, #tpu.memory_space<vmem>> -> memref<1x64x144xf32, #tpu.memory_space<vmem>>
        %dma_wait3A_229 = tpu.memref_squeeze %dma_wait3A_228 : memref<1x64x144xf32, #tpu.memory_space<vmem>> -> memref<64x144xf32, #tpu.memory_space<vmem>>
        %dma_wait3A_230 = arith.constant 0 : i32
        %dma_wait3A_231 = arith.constant 0 : i32
        %dma_wait3A_232 = tpu.memref_slice %arg7[%rem3A_109, %dma_wait3A_230, %dma_wait3A_231] : memref<2x18x64xi32, #tpu.memory_space<vmem>> -> memref<1x18x64xi32, #tpu.memory_space<vmem>>
        %dma_wait3A_233 = tpu.memref_squeeze %dma_wait3A_232 : memref<1x18x64xi32, #tpu.memory_space<vmem>> -> memref<18x64xi32, #tpu.memory_space<vmem>>
        %dma_wait3A_234 = arith.constant 0 : i32
        %dma_wait3A_235 = tpu.memref_slice %dma_wait3A_233[%add3A_221, %dma_wait3A_234] : memref<18x64xi32, #tpu.memory_space<vmem>> -> memref<1x64xi32, #tpu.memory_space<vmem>>
        %dma_wait3A_236 = tpu.memref_squeeze %dma_wait3A_235 : memref<1x64xi32, #tpu.memory_space<vmem>> -> memref<64xi32, #tpu.memory_space<vmem>>
        %dma_wait3A_237 = arith.constant 0 : i32
        %dma_wait3A_238 = arith.constant 0 : i32
        %dma_wait3A_239 = tpu.memref_slice %arg2[%dma_wait3A_237, %dma_wait3A_238] : memref<60672x144xf32, #tpu.memory_space<hbm>> -> memref<60672x144xf32, #tpu.memory_space<hbm>>
        tpu.wait_indirect_dma semaphore(%arg13 : memref<!tpu.dma_semaphore, #tpu.memory_space<semaphore_mem>>) src(%dma_wait3A_239 : memref<60672x144xf32, #tpu.memory_space<hbm>>) dst(%dma_wait3A_229 : memref<64x144xf32, #tpu.memory_space<vmem>>)
        %dma_start3A_240 = arith.constant 2 : i32
        %dma_start3A_241 = arith.constant 0 : i32
        %dma_start3A_242 = arith.constant 0 : i32
        %dma_start3A_243 = tpu.memref_slice %arg9[%dma_start3A_240, %dma_start3A_241, %dma_start3A_242] : memref<3x64x144xf32, #tpu.memory_space<vmem>> -> memref<1x64x144xf32, #tpu.memory_space<vmem>>
        %dma_start3A_244 = tpu.memref_squeeze %dma_start3A_243 : memref<1x64x144xf32, #tpu.memory_space<vmem>> -> memref<64x144xf32, #tpu.memory_space<vmem>>
        %dma_start3A_245 = arith.constant 0 : i32
        %dma_start3A_246 = arith.constant 0 : i32
        %dma_start3A_247 = tpu.memref_slice %arg8[%rem3A_109, %dma_start3A_245, %dma_start3A_246] : memref<2x18x64xi32, #tpu.memory_space<vmem>> -> memref<1x18x64xi32, #tpu.memory_space<vmem>>
        %dma_start3A_248 = tpu.memref_squeeze %dma_start3A_247 : memref<1x18x64xi32, #tpu.memory_space<vmem>> -> memref<18x64xi32, #tpu.memory_space<vmem>>
        %dma_start3A_249 = arith.constant 0 : i32
        %dma_start3A_250 = tpu.memref_slice %dma_start3A_248[%add3A_221, %dma_start3A_249] : memref<18x64xi32, #tpu.memory_space<vmem>> -> memref<1x64xi32, #tpu.memory_space<vmem>>
        %dma_start3A_251 = tpu.memref_squeeze %dma_start3A_250 : memref<1x64xi32, #tpu.memory_space<vmem>> -> memref<64xi32, #tpu.memory_space<vmem>>
        %dma_start3A_252 = arith.constant 0 : i32
        %dma_start3A_253 = arith.constant 0 : i32
        %dma_start3A_254 = tpu.memref_slice %arg10[%dma_start3A_252, %dma_start3A_253] : memref<10112x144xf32, #tpu.memory_space<vmem_shared>> -> memref<10112x144xf32, #tpu.memory_space<vmem_shared>>
        tpu.enqueue_indirect_dma source(%dma_start3A_244 : memref<64x144xf32, #tpu.memory_space<vmem>>) target(%dma_start3A_254 : memref<10112x144xf32, #tpu.memory_space<vmem_shared>>) offsets(%dma_start3A_251 : memref<64xi32, #tpu.memory_space<vmem>>) semaphore(%arg16 : memref<!tpu.dma_semaphore, #tpu.memory_space<semaphore_mem>>) {add = true}
        %mul3A_255 = arith.constant 3 : i32
        %mul3A_256 = arith.muli %scan3A_127, %mul3A_255 : i32
        %add3A_257 = arith.constant 2 : i32
        %add3A_258 = arith.addi %mul3A_256, %add3A_257 : i32
        %add3A_259 = arith.constant 2 : i32
        %add3A_260 = arith.addi %add3A_258, %add3A_259 : i32
        %lt3A_261 = arith.constant 18 : i32
        %lt3A_262 = arith.cmpi slt, %add3A_260, %lt3A_261 : i32
        %convert_element_type3A_263 = arith.extui %lt3A_262 : i1 to i32
        %cond3A_264 = arith.constant 0 : i32
        %cond3A_265 = arith.cmpi ne, %convert_element_type3A_263, %cond3A_264 : i32
        scf.if %cond3A_265 {
          %ge3A_267 = arith.constant 1 : i32
          %ge3A_268 = arith.cmpi sge, %add3A_224, %ge3A_267 : i32
          %convert_element_type3A_269 = arith.extui %ge3A_268 : i1 to i32
          %cond3A_270 = arith.constant 0 : i32
          %cond3A_271 = arith.cmpi ne, %convert_element_type3A_269, %cond3A_270 : i32
          scf.if %cond3A_271 {
            %dma_wait3A_289 = arith.constant 1 : i32
            %dma_wait3A_290 = arith.constant 0 : i32
            %dma_wait3A_291 = arith.constant 0 : i32
            %dma_wait3A_292 = tpu.memref_slice %arg9[%dma_wait3A_289, %dma_wait3A_290, %dma_wait3A_291] : memref<3x64x144xf32, #tpu.memory_space<vmem>> -> memref<1x64x144xf32, #tpu.memory_space<vmem>>
            %dma_wait3A_293 = tpu.memref_squeeze %dma_wait3A_292 : memref<1x64x144xf32, #tpu.memory_space<vmem>> -> memref<64x144xf32, #tpu.memory_space<vmem>>
            %dma_wait3A_294 = arith.constant 0 : i32
            %dma_wait3A_295 = arith.constant 0 : i32
            %dma_wait3A_296 = tpu.memref_slice %arg8[%rem3A_109, %dma_wait3A_294, %dma_wait3A_295] : memref<2x18x64xi32, #tpu.memory_space<vmem>> -> memref<1x18x64xi32, #tpu.memory_space<vmem>>
            %dma_wait3A_297 = tpu.memref_squeeze %dma_wait3A_296 : memref<1x18x64xi32, #tpu.memory_space<vmem>> -> memref<18x64xi32, #tpu.memory_space<vmem>>
            %dma_wait3A_298 = arith.constant 0 : i32
            %dma_wait3A_299 = tpu.memref_slice %dma_wait3A_297[%add3A_221, %dma_wait3A_298] : memref<18x64xi32, #tpu.memory_space<vmem>> -> memref<1x64xi32, #tpu.memory_space<vmem>>
            %dma_wait3A_300 = tpu.memref_squeeze %dma_wait3A_299 : memref<1x64xi32, #tpu.memory_space<vmem>> -> memref<64xi32, #tpu.memory_space<vmem>>
            %dma_wait3A_301 = arith.constant 0 : i32
            %dma_wait3A_302 = arith.constant 0 : i32
            %dma_wait3A_303 = tpu.memref_slice %arg10[%dma_wait3A_301, %dma_wait3A_302] : memref<10112x144xf32, #tpu.memory_space<vmem_shared>> -> memref<10112x144xf32, #tpu.memory_space<vmem_shared>>
            tpu.wait_indirect_dma semaphore(%arg15 : memref<!tpu.dma_semaphore, #tpu.memory_space<semaphore_mem>>) src(%dma_wait3A_293 : memref<64x144xf32, #tpu.memory_space<vmem>>) dst(%dma_wait3A_303 : memref<10112x144xf32, #tpu.memory_space<vmem_shared>>)
          } else {
          }
          %add3A_272 = arith.constant 2 : i32
          %add3A_273 = arith.addi %add3A_221, %add3A_272 : i32
          %dma_start3A_274 = arith.constant 1 : i32
          %dma_start3A_275 = arith.constant 0 : i32
          %dma_start3A_276 = arith.constant 0 : i32
          %dma_start3A_277 = tpu.memref_slice %arg9[%dma_start3A_274, %dma_start3A_275, %dma_start3A_276] : memref<3x64x144xf32, #tpu.memory_space<vmem>> -> memref<1x64x144xf32, #tpu.memory_space<vmem>>
          %dma_start3A_278 = tpu.memref_squeeze %dma_start3A_277 : memref<1x64x144xf32, #tpu.memory_space<vmem>> -> memref<64x144xf32, #tpu.memory_space<vmem>>
          %dma_start3A_279 = arith.constant 0 : i32
          %dma_start3A_280 = arith.constant 0 : i32
          %dma_start3A_281 = tpu.memref_slice %arg7[%rem3A_109, %dma_start3A_279, %dma_start3A_280] : memref<2x18x64xi32, #tpu.memory_space<vmem>> -> memref<1x18x64xi32, #tpu.memory_space<vmem>>
          %dma_start3A_282 = tpu.memref_squeeze %dma_start3A_281 : memref<1x18x64xi32, #tpu.memory_space<vmem>> -> memref<18x64xi32, #tpu.memory_space<vmem>>
          %dma_start3A_283 = arith.constant 0 : i32
          %dma_start3A_284 = tpu.memref_slice %dma_start3A_282[%add3A_273, %dma_start3A_283] : memref<18x64xi32, #tpu.memory_space<vmem>> -> memref<1x64xi32, #tpu.memory_space<vmem>>
          %dma_start3A_285 = tpu.memref_squeeze %dma_start3A_284 : memref<1x64xi32, #tpu.memory_space<vmem>> -> memref<64xi32, #tpu.memory_space<vmem>>
          %dma_start3A_286 = arith.constant 0 : i32
          %dma_start3A_287 = arith.constant 0 : i32
          %dma_start3A_288 = tpu.memref_slice %arg2[%dma_start3A_286, %dma_start3A_287] : memref<60672x144xf32, #tpu.memory_space<hbm>> -> memref<60672x144xf32, #tpu.memory_space<hbm>>
          tpu.enqueue_indirect_dma source(%dma_start3A_288 : memref<60672x144xf32, #tpu.memory_space<hbm>>) target(%dma_start3A_278 : memref<64x144xf32, #tpu.memory_space<vmem>>) offsets(%dma_start3A_285 : memref<64xi32, #tpu.memory_space<vmem>>) semaphore(%arg12 : memref<!tpu.dma_semaphore, #tpu.memory_space<semaphore_mem>>)
        } else {
        }
        %scan3A_266 = arith.constant 0 : i32
        scf.yield %scan3A_266 : i32
      }
      %scan3A_119 = arith.constant 6 : i32
      %sub3A_120 = arith.constant 1 : i32
      %sub3A_121 = arith.subi %select_n3A, %sub3A_120 : i32
      %lt3A_122 = arith.cmpi slt, %while3A_107, %sub3A_121 : i32
      %convert_element_type3A_123 = arith.extui %lt3A_122 : i1 to i32
      %cond3A_124 = arith.constant 0 : i32
      %cond3A_125 = arith.cmpi ne, %convert_element_type3A_123, %cond3A_124 : i32
      scf.if %cond3A_125 {
        %add3A_127 = arith.constant 1 : i32
        %add3A_128 = arith.addi %while3A_107, %add3A_127 : i32
        %mul3A_129 = arith.constant 18 : i32
        %mul3A_130 = arith.muli %add3A_128, %mul3A_129 : i32
        %add3A_131 = arith.addi %select_n3A_8, %mul3A_130 : i32
        %dma_wait3A_132 = arith.constant 0 : i32
        %dma_wait3A_133 = arith.constant 0 : i32
        %dma_wait3A_134 = tpu.memref_slice %arg7[%sub3A_110, %dma_wait3A_132, %dma_wait3A_133] : memref<2x18x64xi32, #tpu.memory_space<vmem>> -> memref<1x18x64xi32, #tpu.memory_space<vmem>>
        %dma_wait3A_135 = tpu.memref_squeeze %dma_wait3A_134 : memref<1x18x64xi32, #tpu.memory_space<vmem>> -> memref<18x64xi32, #tpu.memory_space<vmem>>
        %dma_wait3A_136 = arith.constant 0 : i32
        %dma_wait3A_137 = tpu.memref_slice %arg3[%add3A_131, %dma_wait3A_136] : memref<5184x64xi32, #tpu.memory_space<hbm>> -> memref<18x64xi32, #tpu.memory_space<hbm>>
        %dma_wait3A_138 = arith.constant 0 : i32
        %dma_wait3A_139 = arith.constant 0 : i32
        %dma_wait3A_140 = tpu.memref_slice %arg7[%sub3A_110, %dma_wait3A_138, %dma_wait3A_139] : memref<2x18x64xi32, #tpu.memory_space<vmem>> -> memref<1x18x64xi32, #tpu.memory_space<vmem>>
        %dma_wait3A_141 = tpu.memref_squeeze %dma_wait3A_140 : memref<1x18x64xi32, #tpu.memory_space<vmem>> -> memref<18x64xi32, #tpu.memory_space<vmem>>
        %dma_wait3A_142 = arith.constant 0 : i32
        %dma_wait3A_143 = tpu.memref_slice %arg3[%add3A_131, %dma_wait3A_142] : memref<5184x64xi32, #tpu.memory_space<hbm>> -> memref<18x64xi32, #tpu.memory_space<hbm>>
        tpu.wait_dma2 semaphore(%arg17 : memref<!tpu.dma_semaphore, #tpu.memory_space<semaphore_mem>>) src(%dma_wait3A_143 : memref<18x64xi32, #tpu.memory_space<hbm>>) dst(%dma_wait3A_141 : memref<18x64xi32, #tpu.memory_space<vmem>>)
        %add3A_144 = arith.constant 1 : i32
        %add3A_145 = arith.addi %while3A_107, %add3A_144 : i32
        %mul3A_146 = arith.constant 18 : i32
        %mul3A_147 = arith.muli %add3A_145, %mul3A_146 : i32
        %add3A_148 = arith.addi %select_n3A_8, %mul3A_147 : i32
        %dma_wait3A_149 = arith.constant 0 : i32
        %dma_wait3A_150 = arith.constant 0 : i32
        %dma_wait3A_151 = tpu.memref_slice %arg8[%sub3A_110, %dma_wait3A_149, %dma_wait3A_150] : memref<2x18x64xi32, #tpu.memory_space<vmem>> -> memref<1x18x64xi32, #tpu.memory_space<vmem>>
        %dma_wait3A_152 = tpu.memref_squeeze %dma_wait3A_151 : memref<1x18x64xi32, #tpu.memory_space<vmem>> -> memref<18x64xi32, #tpu.memory_space<vmem>>
        %dma_wait3A_153 = arith.constant 0 : i32
        %dma_wait3A_154 = tpu.memref_slice %arg4[%add3A_148, %dma_wait3A_153] : memref<5184x64xi32, #tpu.memory_space<hbm>> -> memref<18x64xi32, #tpu.memory_space<hbm>>
        %dma_wait3A_155 = arith.constant 0 : i32
        %dma_wait3A_156 = arith.constant 0 : i32
        %dma_wait3A_157 = tpu.memref_slice %arg8[%sub3A_110, %dma_wait3A_155, %dma_wait3A_156] : memref<2x18x64xi32, #tpu.memory_space<vmem>> -> memref<1x18x64xi32, #tpu.memory_space<vmem>>
        %dma_wait3A_158 = tpu.memref_squeeze %dma_wait3A_157 : memref<1x18x64xi32, #tpu.memory_space<vmem>> -> memref<18x64xi32, #tpu.memory_space<vmem>>
        %dma_wait3A_159 = arith.constant 0 : i32
        %dma_wait3A_160 = tpu.memref_slice %arg4[%add3A_148, %dma_wait3A_159] : memref<5184x64xi32, #tpu.memory_space<hbm>> -> memref<18x64xi32, #tpu.memory_space<hbm>>
        tpu.wait_dma2 semaphore(%arg17 : memref<!tpu.dma_semaphore, #tpu.memory_space<semaphore_mem>>) src(%dma_wait3A_160 : memref<18x64xi32, #tpu.memory_space<hbm>>) dst(%dma_wait3A_158 : memref<18x64xi32, #tpu.memory_space<vmem>>)
        %dma_wait3A_161 = arith.constant 0 : i32
        %dma_wait3A_162 = arith.constant 0 : i32
        %dma_wait3A_163 = arith.constant 0 : i32
        %dma_wait3A_164 = arith.constant 0 : i32
        %dma_wait3A_165 = tpu.memref_slice %arg9[%dma_wait3A_161, %dma_wait3A_163, %dma_wait3A_164] : memref<3x64x144xf32, #tpu.memory_space<vmem>> -> memref<1x64x144xf32, #tpu.memory_space<vmem>>
        %dma_wait3A_166 = tpu.memref_squeeze %dma_wait3A_165 : memref<1x64x144xf32, #tpu.memory_space<vmem>> -> memref<64x144xf32, #tpu.memory_space<vmem>>
        %dma_wait3A_167 = arith.constant 0 : i32
        %dma_wait3A_168 = arith.constant 0 : i32
        %dma_wait3A_169 = tpu.memref_slice %arg8[%sub3A_110, %dma_wait3A_167, %dma_wait3A_168] : memref<2x18x64xi32, #tpu.memory_space<vmem>> -> memref<1x18x64xi32, #tpu.memory_space<vmem>>
        %dma_wait3A_170 = tpu.memref_squeeze %dma_wait3A_169 : memref<1x18x64xi32, #tpu.memory_space<vmem>> -> memref<18x64xi32, #tpu.memory_space<vmem>>
        %dma_wait3A_171 = arith.constant 0 : i32
        %dma_wait3A_172 = tpu.memref_slice %dma_wait3A_170[%dma_wait3A_162, %dma_wait3A_171] : memref<18x64xi32, #tpu.memory_space<vmem>> -> memref<1x64xi32, #tpu.memory_space<vmem>>
        %dma_wait3A_173 = tpu.memref_squeeze %dma_wait3A_172 : memref<1x64xi32, #tpu.memory_space<vmem>> -> memref<64xi32, #tpu.memory_space<vmem>>
        %dma_wait3A_174 = arith.constant 0 : i32
        %dma_wait3A_175 = arith.constant 0 : i32
        %dma_wait3A_176 = tpu.memref_slice %arg10[%dma_wait3A_174, %dma_wait3A_175] : memref<10112x144xf32, #tpu.memory_space<vmem_shared>> -> memref<10112x144xf32, #tpu.memory_space<vmem_shared>>
        tpu.wait_indirect_dma semaphore(%arg14 : memref<!tpu.dma_semaphore, #tpu.memory_space<semaphore_mem>>) src(%dma_wait3A_166 : memref<64x144xf32, #tpu.memory_space<vmem>>) dst(%dma_wait3A_176 : memref<10112x144xf32, #tpu.memory_space<vmem_shared>>)
        %dma_start3A_177 = arith.constant 0 : i32
        %dma_start3A_178 = arith.constant 0 : i32
        %dma_start3A_179 = arith.constant 0 : i32
        %dma_start3A_180 = arith.constant 0 : i32
        %dma_start3A_181 = tpu.memref_slice %arg9[%dma_start3A_178, %dma_start3A_179, %dma_start3A_180] : memref<3x64x144xf32, #tpu.memory_space<vmem>> -> memref<1x64x144xf32, #tpu.memory_space<vmem>>
        %dma_start3A_182 = tpu.memref_squeeze %dma_start3A_181 : memref<1x64x144xf32, #tpu.memory_space<vmem>> -> memref<64x144xf32, #tpu.memory_space<vmem>>
        %dma_start3A_183 = arith.constant 0 : i32
        %dma_start3A_184 = arith.constant 0 : i32
        %dma_start3A_185 = tpu.memref_slice %arg7[%sub3A_110, %dma_start3A_183, %dma_start3A_184] : memref<2x18x64xi32, #tpu.memory_space<vmem>> -> memref<1x18x64xi32, #tpu.memory_space<vmem>>
        %dma_start3A_186 = tpu.memref_squeeze %dma_start3A_185 : memref<1x18x64xi32, #tpu.memory_space<vmem>> -> memref<18x64xi32, #tpu.memory_space<vmem>>
        %dma_start3A_187 = arith.constant 0 : i32
        %dma_start3A_188 = tpu.memref_slice %dma_start3A_186[%dma_start3A_177, %dma_start3A_187] : memref<18x64xi32, #tpu.memory_space<vmem>> -> memref<1x64xi32, #tpu.memory_space<vmem>>
        %dma_start3A_189 = tpu.memref_squeeze %dma_start3A_188 : memref<1x64xi32, #tpu.memory_space<vmem>> -> memref<64xi32, #tpu.memory_space<vmem>>
        %dma_start3A_190 = arith.constant 0 : i32
        %dma_start3A_191 = arith.constant 0 : i32
        %dma_start3A_192 = tpu.memref_slice %arg2[%dma_start3A_190, %dma_start3A_191] : memref<60672x144xf32, #tpu.memory_space<hbm>> -> memref<60672x144xf32, #tpu.memory_space<hbm>>
        tpu.enqueue_indirect_dma source(%dma_start3A_192 : memref<60672x144xf32, #tpu.memory_space<hbm>>) target(%dma_start3A_182 : memref<64x144xf32, #tpu.memory_space<vmem>>) offsets(%dma_start3A_189 : memref<64xi32, #tpu.memory_space<vmem>>) semaphore(%arg11 : memref<!tpu.dma_semaphore, #tpu.memory_space<semaphore_mem>>)
        %dma_wait3A_193 = arith.constant 1 : i32
        %dma_wait3A_194 = arith.constant 1 : i32
        %dma_wait3A_195 = arith.constant 0 : i32
        %dma_wait3A_196 = arith.constant 0 : i32
        %dma_wait3A_197 = tpu.memref_slice %arg9[%dma_wait3A_193, %dma_wait3A_195, %dma_wait3A_196] : memref<3x64x144xf32, #tpu.memory_space<vmem>> -> memref<1x64x144xf32, #tpu.memory_space<vmem>>
        %dma_wait3A_198 = tpu.memref_squeeze %dma_wait3A_197 : memref<1x64x144xf32, #tpu.memory_space<vmem>> -> memref<64x144xf32, #tpu.memory_space<vmem>>
        %dma_wait3A_199 = arith.constant 0 : i32
        %dma_wait3A_200 = arith.constant 0 : i32
        %dma_wait3A_201 = tpu.memref_slice %arg8[%sub3A_110, %dma_wait3A_199, %dma_wait3A_200] : memref<2x18x64xi32, #tpu.memory_space<vmem>> -> memref<1x18x64xi32, #tpu.memory_space<vmem>>
        %dma_wait3A_202 = tpu.memref_squeeze %dma_wait3A_201 : memref<1x18x64xi32, #tpu.memory_space<vmem>> -> memref<18x64xi32, #tpu.memory_space<vmem>>
        %dma_wait3A_203 = arith.constant 0 : i32
        %dma_wait3A_204 = tpu.memref_slice %dma_wait3A_202[%dma_wait3A_194, %dma_wait3A_203] : memref<18x64xi32, #tpu.memory_space<vmem>> -> memref<1x64xi32, #tpu.memory_space<vmem>>
        %dma_wait3A_205 = tpu.memref_squeeze %dma_wait3A_204 : memref<1x64xi32, #tpu.memory_space<vmem>> -> memref<64xi32, #tpu.memory_space<vmem>>
        %dma_wait3A_206 = arith.constant 0 : i32
        %dma_wait3A_207 = arith.constant 0 : i32
        %dma_wait3A_208 = tpu.memref_slice %arg10[%dma_wait3A_206, %dma_wait3A_207] : memref<10112x144xf32, #tpu.memory_space<vmem_shared>> -> memref<10112x144xf32, #tpu.memory_space<vmem_shared>>
        tpu.wait_indirect_dma semaphore(%arg15 : memref<!tpu.dma_semaphore, #tpu.memory_space<semaphore_mem>>) src(%dma_wait3A_198 : memref<64x144xf32, #tpu.memory_space<vmem>>) dst(%dma_wait3A_208 : memref<10112x144xf32, #tpu.memory_space<vmem_shared>>)
        %dma_start3A_209 = arith.constant 1 : i32
        %dma_start3A_210 = arith.constant 1 : i32
        %dma_start3A_211 = arith.constant 0 : i32
        %dma_start3A_212 = arith.constant 0 : i32
        %dma_start3A_213 = tpu.memref_slice %arg9[%dma_start3A_210, %dma_start3A_211, %dma_start3A_212] : memref<3x64x144xf32, #tpu.memory_space<vmem>> -> memref<1x64x144xf32, #tpu.memory_space<vmem>>
        %dma_start3A_214 = tpu.memref_squeeze %dma_start3A_213 : memref<1x64x144xf32, #tpu.memory_space<vmem>> -> memref<64x144xf32, #tpu.memory_space<vmem>>
        %dma_start3A_215 = arith.constant 0 : i32
        %dma_start3A_216 = arith.constant 0 : i32
        %dma_start3A_217 = tpu.memref_slice %arg7[%sub3A_110, %dma_start3A_215, %dma_start3A_216] : memref<2x18x64xi32, #tpu.memory_space<vmem>> -> memref<1x18x64xi32, #tpu.memory_space<vmem>>
        %dma_start3A_218 = tpu.memref_squeeze %dma_start3A_217 : memref<1x18x64xi32, #tpu.memory_space<vmem>> -> memref<18x64xi32, #tpu.memory_space<vmem>>
        %dma_start3A_219 = arith.constant 0 : i32
        %dma_start3A_220 = tpu.memref_slice %dma_start3A_218[%dma_start3A_209, %dma_start3A_219] : memref<18x64xi32, #tpu.memory_space<vmem>> -> memref<1x64xi32, #tpu.memory_space<vmem>>
        %dma_start3A_221 = tpu.memref_squeeze %dma_start3A_220 : memref<1x64xi32, #tpu.memory_space<vmem>> -> memref<64xi32, #tpu.memory_space<vmem>>
        %dma_start3A_222 = arith.constant 0 : i32
        %dma_start3A_223 = arith.constant 0 : i32
        %dma_start3A_224 = tpu.memref_slice %arg2[%dma_start3A_222, %dma_start3A_223] : memref<60672x144xf32, #tpu.memory_space<hbm>> -> memref<60672x144xf32, #tpu.memory_space<hbm>>
        tpu.enqueue_indirect_dma source(%dma_start3A_224 : memref<60672x144xf32, #tpu.memory_space<hbm>>) target(%dma_start3A_214 : memref<64x144xf32, #tpu.memory_space<vmem>>) offsets(%dma_start3A_221 : memref<64xi32, #tpu.memory_space<vmem>>) semaphore(%arg12 : memref<!tpu.dma_semaphore, #tpu.memory_space<semaphore_mem>>)
      } else {
      }
      %while3A_126 = arith.constant 0 : i32
      scf.yield %while3A_126 : i32
    }
    %while3A_54 = arith.constant 1 : i32
    %while3A_55 = scf.for %while3A_107 = %while3A_51 to %while3A_47 step %while3A_54 iter_args(%while3A_108 = %while3A_53) -> (i32)  : i32 {
      %rem3A = arith.constant 2 : i32
      %rem3A_109 = arith.remsi %while3A_107, %rem3A : i32
      %sub3A = arith.constant 1 : i32
      %sub3A_110 = arith.subi %sub3A, %rem3A_109 : i32
      %sub3A_111 = arith.constant 1 : i32
      %sub3A_112 = arith.subi %select_n3A, %sub3A_111 : i32
      %lt3A = arith.cmpi slt, %while3A_107, %sub3A_112 : i32
      %convert_element_type3A = arith.extui %lt3A : i1 to i32
      %cond3A = arith.constant 0 : i32
      %cond3A_113 = arith.cmpi ne, %convert_element_type3A, %cond3A : i32
      scf.if %cond3A_113 {
        %add3A_127 = arith.constant 1 : i32
        %add3A_128 = arith.addi %while3A_107, %add3A_127 : i32
        %mul3A_129 = arith.constant 18 : i32
        %mul3A_130 = arith.muli %add3A_128, %mul3A_129 : i32
        %add3A_131 = arith.addi %select_n3A_8, %mul3A_130 : i32
        %dma_start3A_132 = arith.constant 0 : i32
        %dma_start3A_133 = arith.constant 0 : i32
        %dma_start3A_134 = tpu.memref_slice %arg7[%sub3A_110, %dma_start3A_132, %dma_start3A_133] : memref<2x18x64xi32, #tpu.memory_space<vmem>> -> memref<1x18x64xi32, #tpu.memory_space<vmem>>
        %dma_start3A_135 = tpu.memref_squeeze %dma_start3A_134 : memref<1x18x64xi32, #tpu.memory_space<vmem>> -> memref<18x64xi32, #tpu.memory_space<vmem>>
        %dma_start3A_136 = arith.constant 0 : i32
        %dma_start3A_137 = tpu.memref_slice %arg3[%add3A_131, %dma_start3A_136] : memref<5184x64xi32, #tpu.memory_space<hbm>> -> memref<18x64xi32, #tpu.memory_space<hbm>>
        %dma_start3A_138 = arith.constant 0 : i32
        %dma_start3A_139 = arith.constant 0 : i32
        %dma_start3A_140 = tpu.memref_slice %arg7[%sub3A_110, %dma_start3A_138, %dma_start3A_139] : memref<2x18x64xi32, #tpu.memory_space<vmem>> -> memref<1x18x64xi32, #tpu.memory_space<vmem>>
        %dma_start3A_141 = tpu.memref_squeeze %dma_start3A_140 : memref<1x18x64xi32, #tpu.memory_space<vmem>> -> memref<18x64xi32, #tpu.memory_space<vmem>>
        %dma_start3A_142 = arith.constant 0 : i32
        %dma_start3A_143 = tpu.memref_slice %arg3[%add3A_131, %dma_start3A_142] : memref<5184x64xi32, #tpu.memory_space<hbm>> -> memref<18x64xi32, #tpu.memory_space<hbm>>
        tpu.enqueue_dma source(%dma_start3A_143 : memref<18x64xi32, #tpu.memory_space<hbm>>) target(%dma_start3A_141 : memref<18x64xi32, #tpu.memory_space<vmem>>) target_semaphore(%arg17 : memref<!tpu.dma_semaphore, #tpu.memory_space<semaphore_mem>>)
        %add3A_144 = arith.constant 1 : i32
        %add3A_145 = arith.addi %while3A_107, %add3A_144 : i32
        %mul3A_146 = arith.constant 18 : i32
        %mul3A_147 = arith.muli %add3A_145, %mul3A_146 : i32
        %add3A_148 = arith.addi %select_n3A_8, %mul3A_147 : i32
        %dma_start3A_149 = arith.constant 0 : i32
        %dma_start3A_150 = arith.constant 0 : i32
        %dma_start3A_151 = tpu.memref_slice %arg8[%sub3A_110, %dma_start3A_149, %dma_start3A_150] : memref<2x18x64xi32, #tpu.memory_space<vmem>> -> memref<1x18x64xi32, #tpu.memory_space<vmem>>
        %dma_start3A_152 = tpu.memref_squeeze %dma_start3A_151 : memref<1x18x64xi32, #tpu.memory_space<vmem>> -> memref<18x64xi32, #tpu.memory_space<vmem>>
        %dma_start3A_153 = arith.constant 0 : i32
        %dma_start3A_154 = tpu.memref_slice %arg4[%add3A_148, %dma_start3A_153] : memref<5184x64xi32, #tpu.memory_space<hbm>> -> memref<18x64xi32, #tpu.memory_space<hbm>>
        %dma_start3A_155 = arith.constant 0 : i32
        %dma_start3A_156 = arith.constant 0 : i32
        %dma_start3A_157 = tpu.memref_slice %arg8[%sub3A_110, %dma_start3A_155, %dma_start3A_156] : memref<2x18x64xi32, #tpu.memory_space<vmem>> -> memref<1x18x64xi32, #tpu.memory_space<vmem>>
        %dma_start3A_158 = tpu.memref_squeeze %dma_start3A_157 : memref<1x18x64xi32, #tpu.memory_space<vmem>> -> memref<18x64xi32, #tpu.memory_space<vmem>>
        %dma_start3A_159 = arith.constant 0 : i32
        %dma_start3A_160 = tpu.memref_slice %arg4[%add3A_148, %dma_start3A_159] : memref<5184x64xi32, #tpu.memory_space<hbm>> -> memref<18x64xi32, #tpu.memory_space<hbm>>
        tpu.enqueue_dma source(%dma_start3A_160 : memref<18x64xi32, #tpu.memory_space<hbm>>) target(%dma_start3A_158 : memref<18x64xi32, #tpu.memory_space<vmem>>) target_semaphore(%arg17 : memref<!tpu.dma_semaphore, #tpu.memory_space<semaphore_mem>>)
      } else {
      }
      %scan3A = arith.constant 0 : i32
      %scan3A_114 = arith.constant 0 : i32
      %scan3A_115 = arith.constant 6 : i32
      %scan3A_116 = arith.addi %scan3A_114, %scan3A_115 : i32
      %scan3A_117 = arith.constant 1 : i32
      %scan3A_118 = scf.for %scan3A_127 = %scan3A_114 to %scan3A_116 step %scan3A_117 iter_args(%scan3A_128 = %scan3A) -> (i32)  : i32 {
        %mul3A_129 = arith.constant 3 : i32
        %mul3A_130 = arith.muli %scan3A_127, %mul3A_129 : i32
        %add3A_131 = arith.constant 0 : i32
        %add3A_132 = arith.addi %mul3A_130, %add3A_131 : i32
        %mul3A_133 = arith.constant 18 : i32
        %mul3A_134 = arith.muli %while3A_107, %mul3A_133 : i32
        %add3A_135 = arith.addi %mul3A_134, %add3A_132 : i32
        %dma_wait3A_136 = arith.constant 0 : i32
        %dma_wait3A_137 = arith.constant 0 : i32
        %dma_wait3A_138 = arith.constant 0 : i32
        %dma_wait3A_139 = tpu.memref_slice %arg9[%dma_wait3A_136, %dma_wait3A_137, %dma_wait3A_138] : memref<3x64x144xf32, #tpu.memory_space<vmem>> -> memref<1x64x144xf32, #tpu.memory_space<vmem>>
        %dma_wait3A_140 = tpu.memref_squeeze %dma_wait3A_139 : memref<1x64x144xf32, #tpu.memory_space<vmem>> -> memref<64x144xf32, #tpu.memory_space<vmem>>
        %dma_wait3A_141 = arith.constant 0 : i32
        %dma_wait3A_142 = arith.constant 0 : i32
        %dma_wait3A_143 = tpu.memref_slice %arg7[%rem3A_109, %dma_wait3A_141, %dma_wait3A_142] : memref<2x18x64xi32, #tpu.memory_space<vmem>> -> memref<1x18x64xi32, #tpu.memory_space<vmem>>
        %dma_wait3A_144 = tpu.memref_squeeze %dma_wait3A_143 : memref<1x18x64xi32, #tpu.memory_space<vmem>> -> memref<18x64xi32, #tpu.memory_space<vmem>>
        %dma_wait3A_145 = arith.constant 0 : i32
        %dma_wait3A_146 = tpu.memref_slice %dma_wait3A_144[%add3A_132, %dma_wait3A_145] : memref<18x64xi32, #tpu.memory_space<vmem>> -> memref<1x64xi32, #tpu.memory_space<vmem>>
        %dma_wait3A_147 = tpu.memref_squeeze %dma_wait3A_146 : memref<1x64xi32, #tpu.memory_space<vmem>> -> memref<64xi32, #tpu.memory_space<vmem>>
        %dma_wait3A_148 = arith.constant 0 : i32
        %dma_wait3A_149 = arith.constant 0 : i32
        %dma_wait3A_150 = tpu.memref_slice %arg2[%dma_wait3A_148, %dma_wait3A_149] : memref<60672x144xf32, #tpu.memory_space<hbm>> -> memref<60672x144xf32, #tpu.memory_space<hbm>>
        tpu.wait_indirect_dma semaphore(%arg11 : memref<!tpu.dma_semaphore, #tpu.memory_space<semaphore_mem>>) src(%dma_wait3A_150 : memref<60672x144xf32, #tpu.memory_space<hbm>>) dst(%dma_wait3A_140 : memref<64x144xf32, #tpu.memory_space<vmem>>)
        %dma_start3A_151 = arith.constant 0 : i32
        %dma_start3A_152 = arith.constant 0 : i32
        %dma_start3A_153 = arith.constant 0 : i32
        %dma_start3A_154 = tpu.memref_slice %arg9[%dma_start3A_151, %dma_start3A_152, %dma_start3A_153] : memref<3x64x144xf32, #tpu.memory_space<vmem>> -> memref<1x64x144xf32, #tpu.memory_space<vmem>>
        %dma_start3A_155 = tpu.memref_squeeze %dma_start3A_154 : memref<1x64x144xf32, #tpu.memory_space<vmem>> -> memref<64x144xf32, #tpu.memory_space<vmem>>
        %dma_start3A_156 = arith.constant 0 : i32
        %dma_start3A_157 = arith.constant 0 : i32
        %dma_start3A_158 = tpu.memref_slice %arg8[%rem3A_109, %dma_start3A_156, %dma_start3A_157] : memref<2x18x64xi32, #tpu.memory_space<vmem>> -> memref<1x18x64xi32, #tpu.memory_space<vmem>>
        %dma_start3A_159 = tpu.memref_squeeze %dma_start3A_158 : memref<1x18x64xi32, #tpu.memory_space<vmem>> -> memref<18x64xi32, #tpu.memory_space<vmem>>
        %dma_start3A_160 = arith.constant 0 : i32
        %dma_start3A_161 = tpu.memref_slice %dma_start3A_159[%add3A_132, %dma_start3A_160] : memref<18x64xi32, #tpu.memory_space<vmem>> -> memref<1x64xi32, #tpu.memory_space<vmem>>
        %dma_start3A_162 = tpu.memref_squeeze %dma_start3A_161 : memref<1x64xi32, #tpu.memory_space<vmem>> -> memref<64xi32, #tpu.memory_space<vmem>>
        %dma_start3A_163 = arith.constant 0 : i32
        %dma_start3A_164 = arith.constant 0 : i32
        %dma_start3A_165 = tpu.memref_slice %arg10[%dma_start3A_163, %dma_start3A_164] : memref<10112x144xf32, #tpu.memory_space<vmem_shared>> -> memref<10112x144xf32, #tpu.memory_space<vmem_shared>>
        tpu.enqueue_indirect_dma source(%dma_start3A_155 : memref<64x144xf32, #tpu.memory_space<vmem>>) target(%dma_start3A_165 : memref<10112x144xf32, #tpu.memory_space<vmem_shared>>) offsets(%dma_start3A_162 : memref<64xi32, #tpu.memory_space<vmem>>) semaphore(%arg14 : memref<!tpu.dma_semaphore, #tpu.memory_space<semaphore_mem>>) {add = true}
        %ge3A = arith.constant 0 : i32
        %ge3A_166 = arith.cmpi sge, %add3A_135, %ge3A : i32
        %convert_element_type3A_167 = arith.extui %ge3A_166 : i1 to i32
        %cond3A_168 = arith.constant 0 : i32
        %cond3A_169 = arith.cmpi ne, %convert_element_type3A_167, %cond3A_168 : i32
        scf.if %cond3A_169 {
          %ge3A_267 = arith.constant 1 : i32
          %ge3A_268 = arith.cmpi sge, %add3A_135, %ge3A_267 : i32
          %convert_element_type3A_269 = arith.extui %ge3A_268 : i1 to i32
          %cond3A_270 = arith.constant 0 : i32
          %cond3A_271 = arith.cmpi ne, %convert_element_type3A_269, %cond3A_270 : i32
          scf.if %cond3A_271 {
            %dma_wait3A_289 = arith.constant 2 : i32
            %dma_wait3A_290 = arith.constant 0 : i32
            %dma_wait3A_291 = arith.constant 0 : i32
            %dma_wait3A_292 = tpu.memref_slice %arg9[%dma_wait3A_289, %dma_wait3A_290, %dma_wait3A_291] : memref<3x64x144xf32, #tpu.memory_space<vmem>> -> memref<1x64x144xf32, #tpu.memory_space<vmem>>
            %dma_wait3A_293 = tpu.memref_squeeze %dma_wait3A_292 : memref<1x64x144xf32, #tpu.memory_space<vmem>> -> memref<64x144xf32, #tpu.memory_space<vmem>>
            %dma_wait3A_294 = arith.constant 0 : i32
            %dma_wait3A_295 = arith.constant 0 : i32
            %dma_wait3A_296 = tpu.memref_slice %arg8[%rem3A_109, %dma_wait3A_294, %dma_wait3A_295] : memref<2x18x64xi32, #tpu.memory_space<vmem>> -> memref<1x18x64xi32, #tpu.memory_space<vmem>>
            %dma_wait3A_297 = tpu.memref_squeeze %dma_wait3A_296 : memref<1x18x64xi32, #tpu.memory_space<vmem>> -> memref<18x64xi32, #tpu.memory_space<vmem>>
            %dma_wait3A_298 = arith.constant 0 : i32
            %dma_wait3A_299 = tpu.memref_slice %dma_wait3A_297[%add3A_132, %dma_wait3A_298] : memref<18x64xi32, #tpu.memory_space<vmem>> -> memref<1x64xi32, #tpu.memory_space<vmem>>
            %dma_wait3A_300 = tpu.memref_squeeze %dma_wait3A_299 : memref<1x64xi32, #tpu.memory_space<vmem>> -> memref<64xi32, #tpu.memory_space<vmem>>
            %dma_wait3A_301 = arith.constant 0 : i32
            %dma_wait3A_302 = arith.constant 0 : i32
            %dma_wait3A_303 = tpu.memref_slice %arg10[%dma_wait3A_301, %dma_wait3A_302] : memref<10112x144xf32, #tpu.memory_space<vmem_shared>> -> memref<10112x144xf32, #tpu.memory_space<vmem_shared>>
            tpu.wait_indirect_dma semaphore(%arg16 : memref<!tpu.dma_semaphore, #tpu.memory_space<semaphore_mem>>) src(%dma_wait3A_293 : memref<64x144xf32, #tpu.memory_space<vmem>>) dst(%dma_wait3A_303 : memref<10112x144xf32, #tpu.memory_space<vmem_shared>>)
          } else {
          }
          %add3A_272 = arith.constant 2 : i32
          %add3A_273 = arith.addi %add3A_132, %add3A_272 : i32
          %dma_start3A_274 = arith.constant 2 : i32
          %dma_start3A_275 = arith.constant 0 : i32
          %dma_start3A_276 = arith.constant 0 : i32
          %dma_start3A_277 = tpu.memref_slice %arg9[%dma_start3A_274, %dma_start3A_275, %dma_start3A_276] : memref<3x64x144xf32, #tpu.memory_space<vmem>> -> memref<1x64x144xf32, #tpu.memory_space<vmem>>
          %dma_start3A_278 = tpu.memref_squeeze %dma_start3A_277 : memref<1x64x144xf32, #tpu.memory_space<vmem>> -> memref<64x144xf32, #tpu.memory_space<vmem>>
          %dma_start3A_279 = arith.constant 0 : i32
          %dma_start3A_280 = arith.constant 0 : i32
          %dma_start3A_281 = tpu.memref_slice %arg7[%rem3A_109, %dma_start3A_279, %dma_start3A_280] : memref<2x18x64xi32, #tpu.memory_space<vmem>> -> memref<1x18x64xi32, #tpu.memory_space<vmem>>
          %dma_start3A_282 = tpu.memref_squeeze %dma_start3A_281 : memref<1x18x64xi32, #tpu.memory_space<vmem>> -> memref<18x64xi32, #tpu.memory_space<vmem>>
          %dma_start3A_283 = arith.constant 0 : i32
          %dma_start3A_284 = tpu.memref_slice %dma_start3A_282[%add3A_273, %dma_start3A_283] : memref<18x64xi32, #tpu.memory_space<vmem>> -> memref<1x64xi32, #tpu.memory_space<vmem>>
          %dma_start3A_285 = tpu.memref_squeeze %dma_start3A_284 : memref<1x64xi32, #tpu.memory_space<vmem>> -> memref<64xi32, #tpu.memory_space<vmem>>
          %dma_start3A_286 = arith.constant 0 : i32
          %dma_start3A_287 = arith.constant 0 : i32
          %dma_start3A_288 = tpu.memref_slice %arg2[%dma_start3A_286, %dma_start3A_287] : memref<60672x144xf32, #tpu.memory_space<hbm>> -> memref<60672x144xf32, #tpu.memory_space<hbm>>
          tpu.enqueue_indirect_dma source(%dma_start3A_288 : memref<60672x144xf32, #tpu.memory_space<hbm>>) target(%dma_start3A_278 : memref<64x144xf32, #tpu.memory_space<vmem>>) offsets(%dma_start3A_285 : memref<64xi32, #tpu.memory_space<vmem>>) semaphore(%arg13 : memref<!tpu.dma_semaphore, #tpu.memory_space<semaphore_mem>>)
        } else {
        }
        %mul3A_170 = arith.constant 3 : i32
        %mul3A_171 = arith.muli %scan3A_127, %mul3A_170 : i32
        %add3A_172 = arith.constant 1 : i32
        %add3A_173 = arith.addi %mul3A_171, %add3A_172 : i32
        %mul3A_174 = arith.constant 18 : i32
        %mul3A_175 = arith.muli %while3A_107, %mul3A_174 : i32
        %add3A_176 = arith.addi %mul3A_175, %add3A_173 : i32
        %dma_wait3A_177 = arith.constant 1 : i32
        %dma_wait3A_178 = arith.constant 0 : i32
        %dma_wait3A_179 = arith.constant 0 : i32
        %dma_wait3A_180 = tpu.memref_slice %arg9[%dma_wait3A_177, %dma_wait3A_178, %dma_wait3A_179] : memref<3x64x144xf32, #tpu.memory_space<vmem>> -> memref<1x64x144xf32, #tpu.memory_space<vmem>>
        %dma_wait3A_181 = tpu.memref_squeeze %dma_wait3A_180 : memref<1x64x144xf32, #tpu.memory_space<vmem>> -> memref<64x144xf32, #tpu.memory_space<vmem>>
        %dma_wait3A_182 = arith.constant 0 : i32
        %dma_wait3A_183 = arith.constant 0 : i32
        %dma_wait3A_184 = tpu.memref_slice %arg7[%rem3A_109, %dma_wait3A_182, %dma_wait3A_183] : memref<2x18x64xi32, #tpu.memory_space<vmem>> -> memref<1x18x64xi32, #tpu.memory_space<vmem>>
        %dma_wait3A_185 = tpu.memref_squeeze %dma_wait3A_184 : memref<1x18x64xi32, #tpu.memory_space<vmem>> -> memref<18x64xi32, #tpu.memory_space<vmem>>
        %dma_wait3A_186 = arith.constant 0 : i32
        %dma_wait3A_187 = tpu.memref_slice %dma_wait3A_185[%add3A_173, %dma_wait3A_186] : memref<18x64xi32, #tpu.memory_space<vmem>> -> memref<1x64xi32, #tpu.memory_space<vmem>>
        %dma_wait3A_188 = tpu.memref_squeeze %dma_wait3A_187 : memref<1x64xi32, #tpu.memory_space<vmem>> -> memref<64xi32, #tpu.memory_space<vmem>>
        %dma_wait3A_189 = arith.constant 0 : i32
        %dma_wait3A_190 = arith.constant 0 : i32
        %dma_wait3A_191 = tpu.memref_slice %arg2[%dma_wait3A_189, %dma_wait3A_190] : memref<60672x144xf32, #tpu.memory_space<hbm>> -> memref<60672x144xf32, #tpu.memory_space<hbm>>
        tpu.wait_indirect_dma semaphore(%arg12 : memref<!tpu.dma_semaphore, #tpu.memory_space<semaphore_mem>>) src(%dma_wait3A_191 : memref<60672x144xf32, #tpu.memory_space<hbm>>) dst(%dma_wait3A_181 : memref<64x144xf32, #tpu.memory_space<vmem>>)
        %dma_start3A_192 = arith.constant 1 : i32
        %dma_start3A_193 = arith.constant 0 : i32
        %dma_start3A_194 = arith.constant 0 : i32
        %dma_start3A_195 = tpu.memref_slice %arg9[%dma_start3A_192, %dma_start3A_193, %dma_start3A_194] : memref<3x64x144xf32, #tpu.memory_space<vmem>> -> memref<1x64x144xf32, #tpu.memory_space<vmem>>
        %dma_start3A_196 = tpu.memref_squeeze %dma_start3A_195 : memref<1x64x144xf32, #tpu.memory_space<vmem>> -> memref<64x144xf32, #tpu.memory_space<vmem>>
        %dma_start3A_197 = arith.constant 0 : i32
        %dma_start3A_198 = arith.constant 0 : i32
        %dma_start3A_199 = tpu.memref_slice %arg8[%rem3A_109, %dma_start3A_197, %dma_start3A_198] : memref<2x18x64xi32, #tpu.memory_space<vmem>> -> memref<1x18x64xi32, #tpu.memory_space<vmem>>
        %dma_start3A_200 = tpu.memref_squeeze %dma_start3A_199 : memref<1x18x64xi32, #tpu.memory_space<vmem>> -> memref<18x64xi32, #tpu.memory_space<vmem>>
        %dma_start3A_201 = arith.constant 0 : i32
        %dma_start3A_202 = tpu.memref_slice %dma_start3A_200[%add3A_173, %dma_start3A_201] : memref<18x64xi32, #tpu.memory_space<vmem>> -> memref<1x64xi32, #tpu.memory_space<vmem>>
        %dma_start3A_203 = tpu.memref_squeeze %dma_start3A_202 : memref<1x64xi32, #tpu.memory_space<vmem>> -> memref<64xi32, #tpu.memory_space<vmem>>
        %dma_start3A_204 = arith.constant 0 : i32
        %dma_start3A_205 = arith.constant 0 : i32
        %dma_start3A_206 = tpu.memref_slice %arg10[%dma_start3A_204, %dma_start3A_205] : memref<10112x144xf32, #tpu.memory_space<vmem_shared>> -> memref<10112x144xf32, #tpu.memory_space<vmem_shared>>
        tpu.enqueue_indirect_dma source(%dma_start3A_196 : memref<64x144xf32, #tpu.memory_space<vmem>>) target(%dma_start3A_206 : memref<10112x144xf32, #tpu.memory_space<vmem_shared>>) offsets(%dma_start3A_203 : memref<64xi32, #tpu.memory_space<vmem>>) semaphore(%arg15 : memref<!tpu.dma_semaphore, #tpu.memory_space<semaphore_mem>>) {add = true}
        %mul3A_207 = arith.constant 3 : i32
        %mul3A_208 = arith.muli %scan3A_127, %mul3A_207 : i32
        %add3A_209 = arith.constant 1 : i32
        %add3A_210 = arith.addi %mul3A_208, %add3A_209 : i32
        %add3A_211 = arith.constant 2 : i32
        %add3A_212 = arith.addi %add3A_210, %add3A_211 : i32
        %lt3A_213 = arith.constant 18 : i32
        %lt3A_214 = arith.cmpi slt, %add3A_212, %lt3A_213 : i32
        %convert_element_type3A_215 = arith.extui %lt3A_214 : i1 to i32
        %cond3A_216 = arith.constant 0 : i32
        %cond3A_217 = arith.cmpi ne, %convert_element_type3A_215, %cond3A_216 : i32
        scf.if %cond3A_217 {
          %ge3A_267 = arith.constant 1 : i32
          %ge3A_268 = arith.cmpi sge, %add3A_176, %ge3A_267 : i32
          %convert_element_type3A_269 = arith.extui %ge3A_268 : i1 to i32
          %cond3A_270 = arith.constant 0 : i32
          %cond3A_271 = arith.cmpi ne, %convert_element_type3A_269, %cond3A_270 : i32
          scf.if %cond3A_271 {
            %dma_wait3A_289 = arith.constant 0 : i32
            %dma_wait3A_290 = arith.constant 0 : i32
            %dma_wait3A_291 = arith.constant 0 : i32
            %dma_wait3A_292 = tpu.memref_slice %arg9[%dma_wait3A_289, %dma_wait3A_290, %dma_wait3A_291] : memref<3x64x144xf32, #tpu.memory_space<vmem>> -> memref<1x64x144xf32, #tpu.memory_space<vmem>>
            %dma_wait3A_293 = tpu.memref_squeeze %dma_wait3A_292 : memref<1x64x144xf32, #tpu.memory_space<vmem>> -> memref<64x144xf32, #tpu.memory_space<vmem>>
            %dma_wait3A_294 = arith.constant 0 : i32
            %dma_wait3A_295 = arith.constant 0 : i32
            %dma_wait3A_296 = tpu.memref_slice %arg8[%rem3A_109, %dma_wait3A_294, %dma_wait3A_295] : memref<2x18x64xi32, #tpu.memory_space<vmem>> -> memref<1x18x64xi32, #tpu.memory_space<vmem>>
            %dma_wait3A_297 = tpu.memref_squeeze %dma_wait3A_296 : memref<1x18x64xi32, #tpu.memory_space<vmem>> -> memref<18x64xi32, #tpu.memory_space<vmem>>
            %dma_wait3A_298 = arith.constant 0 : i32
            %dma_wait3A_299 = tpu.memref_slice %dma_wait3A_297[%add3A_173, %dma_wait3A_298] : memref<18x64xi32, #tpu.memory_space<vmem>> -> memref<1x64xi32, #tpu.memory_space<vmem>>
            %dma_wait3A_300 = tpu.memref_squeeze %dma_wait3A_299 : memref<1x64xi32, #tpu.memory_space<vmem>> -> memref<64xi32, #tpu.memory_space<vmem>>
            %dma_wait3A_301 = arith.constant 0 : i32
            %dma_wait3A_302 = arith.constant 0 : i32
            %dma_wait3A_303 = tpu.memref_slice %arg10[%dma_wait3A_301, %dma_wait3A_302] : memref<10112x144xf32, #tpu.memory_space<vmem_shared>> -> memref<10112x144xf32, #tpu.memory_space<vmem_shared>>
            tpu.wait_indirect_dma semaphore(%arg14 : memref<!tpu.dma_semaphore, #tpu.memory_space<semaphore_mem>>) src(%dma_wait3A_293 : memref<64x144xf32, #tpu.memory_space<vmem>>) dst(%dma_wait3A_303 : memref<10112x144xf32, #tpu.memory_space<vmem_shared>>)
          } else {
          }
          %add3A_272 = arith.constant 2 : i32
          %add3A_273 = arith.addi %add3A_173, %add3A_272 : i32
          %dma_start3A_274 = arith.constant 0 : i32
          %dma_start3A_275 = arith.constant 0 : i32
          %dma_start3A_276 = arith.constant 0 : i32
          %dma_start3A_277 = tpu.memref_slice %arg9[%dma_start3A_274, %dma_start3A_275, %dma_start3A_276] : memref<3x64x144xf32, #tpu.memory_space<vmem>> -> memref<1x64x144xf32, #tpu.memory_space<vmem>>
          %dma_start3A_278 = tpu.memref_squeeze %dma_start3A_277 : memref<1x64x144xf32, #tpu.memory_space<vmem>> -> memref<64x144xf32, #tpu.memory_space<vmem>>
          %dma_start3A_279 = arith.constant 0 : i32
          %dma_start3A_280 = arith.constant 0 : i32
          %dma_start3A_281 = tpu.memref_slice %arg7[%rem3A_109, %dma_start3A_279, %dma_start3A_280] : memref<2x18x64xi32, #tpu.memory_space<vmem>> -> memref<1x18x64xi32, #tpu.memory_space<vmem>>
          %dma_start3A_282 = tpu.memref_squeeze %dma_start3A_281 : memref<1x18x64xi32, #tpu.memory_space<vmem>> -> memref<18x64xi32, #tpu.memory_space<vmem>>
          %dma_start3A_283 = arith.constant 0 : i32
          %dma_start3A_284 = tpu.memref_slice %dma_start3A_282[%add3A_273, %dma_start3A_283] : memref<18x64xi32, #tpu.memory_space<vmem>> -> memref<1x64xi32, #tpu.memory_space<vmem>>
          %dma_start3A_285 = tpu.memref_squeeze %dma_start3A_284 : memref<1x64xi32, #tpu.memory_space<vmem>> -> memref<64xi32, #tpu.memory_space<vmem>>
          %dma_start3A_286 = arith.constant 0 : i32
          %dma_start3A_287 = arith.constant 0 : i32
          %dma_start3A_288 = tpu.memref_slice %arg2[%dma_start3A_286, %dma_start3A_287] : memref<60672x144xf32, #tpu.memory_space<hbm>> -> memref<60672x144xf32, #tpu.memory_space<hbm>>
          tpu.enqueue_indirect_dma source(%dma_start3A_288 : memref<60672x144xf32, #tpu.memory_space<hbm>>) target(%dma_start3A_278 : memref<64x144xf32, #tpu.memory_space<vmem>>) offsets(%dma_start3A_285 : memref<64xi32, #tpu.memory_space<vmem>>) semaphore(%arg11 : memref<!tpu.dma_semaphore, #tpu.memory_space<semaphore_mem>>)
        } else {
        }
        %mul3A_218 = arith.constant 3 : i32
        %mul3A_219 = arith.muli %scan3A_127, %mul3A_218 : i32
        %add3A_220 = arith.constant 2 : i32
        %add3A_221 = arith.addi %mul3A_219, %add3A_220 : i32
        %mul3A_222 = arith.constant 18 : i32
        %mul3A_223 = arith.muli %while3A_107, %mul3A_222 : i32
        %add3A_224 = arith.addi %mul3A_223, %add3A_221 : i32
        %dma_wait3A_225 = arith.constant 2 : i32
        %dma_wait3A_226 = arith.constant 0 : i32
        %dma_wait3A_227 = arith.constant 0 : i32
        %dma_wait3A_228 = tpu.memref_slice %arg9[%dma_wait3A_225, %dma_wait3A_226, %dma_wait3A_227] : memref<3x64x144xf32, #tpu.memory_space<vmem>> -> memref<1x64x144xf32, #tpu.memory_space<vmem>>
        %dma_wait3A_229 = tpu.memref_squeeze %dma_wait3A_228 : memref<1x64x144xf32, #tpu.memory_space<vmem>> -> memref<64x144xf32, #tpu.memory_space<vmem>>
        %dma_wait3A_230 = arith.constant 0 : i32
        %dma_wait3A_231 = arith.constant 0 : i32
        %dma_wait3A_232 = tpu.memref_slice %arg7[%rem3A_109, %dma_wait3A_230, %dma_wait3A_231] : memref<2x18x64xi32, #tpu.memory_space<vmem>> -> memref<1x18x64xi32, #tpu.memory_space<vmem>>
        %dma_wait3A_233 = tpu.memref_squeeze %dma_wait3A_232 : memref<1x18x64xi32, #tpu.memory_space<vmem>> -> memref<18x64xi32, #tpu.memory_space<vmem>>
        %dma_wait3A_234 = arith.constant 0 : i32
        %dma_wait3A_235 = tpu.memref_slice %dma_wait3A_233[%add3A_221, %dma_wait3A_234] : memref<18x64xi32, #tpu.memory_space<vmem>> -> memref<1x64xi32, #tpu.memory_space<vmem>>
        %dma_wait3A_236 = tpu.memref_squeeze %dma_wait3A_235 : memref<1x64xi32, #tpu.memory_space<vmem>> -> memref<64xi32, #tpu.memory_space<vmem>>
        %dma_wait3A_237 = arith.constant 0 : i32
        %dma_wait3A_238 = arith.constant 0 : i32
        %dma_wait3A_239 = tpu.memref_slice %arg2[%dma_wait3A_237, %dma_wait3A_238] : memref<60672x144xf32, #tpu.memory_space<hbm>> -> memref<60672x144xf32, #tpu.memory_space<hbm>>
        tpu.wait_indirect_dma semaphore(%arg13 : memref<!tpu.dma_semaphore, #tpu.memory_space<semaphore_mem>>) src(%dma_wait3A_239 : memref<60672x144xf32, #tpu.memory_space<hbm>>) dst(%dma_wait3A_229 : memref<64x144xf32, #tpu.memory_space<vmem>>)
        %dma_start3A_240 = arith.constant 2 : i32
        %dma_start3A_241 = arith.constant 0 : i32
        %dma_start3A_242 = arith.constant 0 : i32
        %dma_start3A_243 = tpu.memref_slice %arg9[%dma_start3A_240, %dma_start3A_241, %dma_start3A_242] : memref<3x64x144xf32, #tpu.memory_space<vmem>> -> memref<1x64x144xf32, #tpu.memory_space<vmem>>
        %dma_start3A_244 = tpu.memref_squeeze %dma_start3A_243 : memref<1x64x144xf32, #tpu.memory_space<vmem>> -> memref<64x144xf32, #tpu.memory_space<vmem>>
        %dma_start3A_245 = arith.constant 0 : i32
        %dma_start3A_246 = arith.constant 0 : i32
        %dma_start3A_247 = tpu.memref_slice %arg8[%rem3A_109, %dma_start3A_245, %dma_start3A_246] : memref<2x18x64xi32, #tpu.memory_space<vmem>> -> memref<1x18x64xi32, #tpu.memory_space<vmem>>
        %dma_start3A_248 = tpu.memref_squeeze %dma_start3A_247 : memref<1x18x64xi32, #tpu.memory_space<vmem>> -> memref<18x64xi32, #tpu.memory_space<vmem>>
        %dma_start3A_249 = arith.constant 0 : i32
        %dma_start3A_250 = tpu.memref_slice %dma_start3A_248[%add3A_221, %dma_start3A_249] : memref<18x64xi32, #tpu.memory_space<vmem>> -> memref<1x64xi32, #tpu.memory_space<vmem>>
        %dma_start3A_251 = tpu.memref_squeeze %dma_start3A_250 : memref<1x64xi32, #tpu.memory_space<vmem>> -> memref<64xi32, #tpu.memory_space<vmem>>
        %dma_start3A_252 = arith.constant 0 : i32
        %dma_start3A_253 = arith.constant 0 : i32
        %dma_start3A_254 = tpu.memref_slice %arg10[%dma_start3A_252, %dma_start3A_253] : memref<10112x144xf32, #tpu.memory_space<vmem_shared>> -> memref<10112x144xf32, #tpu.memory_space<vmem_shared>>
        tpu.enqueue_indirect_dma source(%dma_start3A_244 : memref<64x144xf32, #tpu.memory_space<vmem>>) target(%dma_start3A_254 : memref<10112x144xf32, #tpu.memory_space<vmem_shared>>) offsets(%dma_start3A_251 : memref<64xi32, #tpu.memory_space<vmem>>) semaphore(%arg16 : memref<!tpu.dma_semaphore, #tpu.memory_space<semaphore_mem>>) {add = true}
        %mul3A_255 = arith.constant 3 : i32
        %mul3A_256 = arith.muli %scan3A_127, %mul3A_255 : i32
        %add3A_257 = arith.constant 2 : i32
        %add3A_258 = arith.addi %mul3A_256, %add3A_257 : i32
        %add3A_259 = arith.constant 2 : i32
        %add3A_260 = arith.addi %add3A_258, %add3A_259 : i32
        %lt3A_261 = arith.constant 18 : i32
        %lt3A_262 = arith.cmpi slt, %add3A_260, %lt3A_261 : i32
        %convert_element_type3A_263 = arith.extui %lt3A_262 : i1 to i32
        %cond3A_264 = arith.constant 0 : i32
        %cond3A_265 = arith.cmpi ne, %convert_element_type3A_263, %cond3A_264 : i32
        scf.if %cond3A_265 {
          %ge3A_267 = arith.constant 1 : i32
          %ge3A_268 = arith.cmpi sge, %add3A_224, %ge3A_267 : i32
          %convert_element_type3A_269 = arith.extui %ge3A_268 : i1 to i32
          %cond3A_270 = arith.constant 0 : i32
          %cond3A_271 = arith.cmpi ne, %convert_element_type3A_269, %cond3A_270 : i32
          scf.if %cond3A_271 {
            %dma_wait3A_289 = arith.constant 1 : i32
            %dma_wait3A_290 = arith.constant 0 : i32
            %dma_wait3A_291 = arith.constant 0 : i32
            %dma_wait3A_292 = tpu.memref_slice %arg9[%dma_wait3A_289, %dma_wait3A_290, %dma_wait3A_291] : memref<3x64x144xf32, #tpu.memory_space<vmem>> -> memref<1x64x144xf32, #tpu.memory_space<vmem>>
            %dma_wait3A_293 = tpu.memref_squeeze %dma_wait3A_292 : memref<1x64x144xf32, #tpu.memory_space<vmem>> -> memref<64x144xf32, #tpu.memory_space<vmem>>
            %dma_wait3A_294 = arith.constant 0 : i32
            %dma_wait3A_295 = arith.constant 0 : i32
            %dma_wait3A_296 = tpu.memref_slice %arg8[%rem3A_109, %dma_wait3A_294, %dma_wait3A_295] : memref<2x18x64xi32, #tpu.memory_space<vmem>> -> memref<1x18x64xi32, #tpu.memory_space<vmem>>
            %dma_wait3A_297 = tpu.memref_squeeze %dma_wait3A_296 : memref<1x18x64xi32, #tpu.memory_space<vmem>> -> memref<18x64xi32, #tpu.memory_space<vmem>>
            %dma_wait3A_298 = arith.constant 0 : i32
            %dma_wait3A_299 = tpu.memref_slice %dma_wait3A_297[%add3A_221, %dma_wait3A_298] : memref<18x64xi32, #tpu.memory_space<vmem>> -> memref<1x64xi32, #tpu.memory_space<vmem>>
            %dma_wait3A_300 = tpu.memref_squeeze %dma_wait3A_299 : memref<1x64xi32, #tpu.memory_space<vmem>> -> memref<64xi32, #tpu.memory_space<vmem>>
            %dma_wait3A_301 = arith.constant 0 : i32
            %dma_wait3A_302 = arith.constant 0 : i32
            %dma_wait3A_303 = tpu.memref_slice %arg10[%dma_wait3A_301, %dma_wait3A_302] : memref<10112x144xf32, #tpu.memory_space<vmem_shared>> -> memref<10112x144xf32, #tpu.memory_space<vmem_shared>>
            tpu.wait_indirect_dma semaphore(%arg15 : memref<!tpu.dma_semaphore, #tpu.memory_space<semaphore_mem>>) src(%dma_wait3A_293 : memref<64x144xf32, #tpu.memory_space<vmem>>) dst(%dma_wait3A_303 : memref<10112x144xf32, #tpu.memory_space<vmem_shared>>)
          } else {
          }
          %add3A_272 = arith.constant 2 : i32
          %add3A_273 = arith.addi %add3A_221, %add3A_272 : i32
          %dma_start3A_274 = arith.constant 1 : i32
          %dma_start3A_275 = arith.constant 0 : i32
          %dma_start3A_276 = arith.constant 0 : i32
          %dma_start3A_277 = tpu.memref_slice %arg9[%dma_start3A_274, %dma_start3A_275, %dma_start3A_276] : memref<3x64x144xf32, #tpu.memory_space<vmem>> -> memref<1x64x144xf32, #tpu.memory_space<vmem>>
          %dma_start3A_278 = tpu.memref_squeeze %dma_start3A_277 : memref<1x64x144xf32, #tpu.memory_space<vmem>> -> memref<64x144xf32, #tpu.memory_space<vmem>>
          %dma_start3A_279 = arith.constant 0 : i32
          %dma_start3A_280 = arith.constant 0 : i32
          %dma_start3A_281 = tpu.memref_slice %arg7[%rem3A_109, %dma_start3A_279, %dma_start3A_280] : memref<2x18x64xi32, #tpu.memory_space<vmem>> -> memref<1x18x64xi32, #tpu.memory_space<vmem>>
          %dma_start3A_282 = tpu.memref_squeeze %dma_start3A_281 : memref<1x18x64xi32, #tpu.memory_space<vmem>> -> memref<18x64xi32, #tpu.memory_space<vmem>>
          %dma_start3A_283 = arith.constant 0 : i32
          %dma_start3A_284 = tpu.memref_slice %dma_start3A_282[%add3A_273, %dma_start3A_283] : memref<18x64xi32, #tpu.memory_space<vmem>> -> memref<1x64xi32, #tpu.memory_space<vmem>>
          %dma_start3A_285 = tpu.memref_squeeze %dma_start3A_284 : memref<1x64xi32, #tpu.memory_space<vmem>> -> memref<64xi32, #tpu.memory_space<vmem>>
          %dma_start3A_286 = arith.constant 0 : i32
          %dma_start3A_287 = arith.constant 0 : i32
          %dma_start3A_288 = tpu.memref_slice %arg2[%dma_start3A_286, %dma_start3A_287] : memref<60672x144xf32, #tpu.memory_space<hbm>> -> memref<60672x144xf32, #tpu.memory_space<hbm>>
          tpu.enqueue_indirect_dma source(%dma_start3A_288 : memref<60672x144xf32, #tpu.memory_space<hbm>>) target(%dma_start3A_278 : memref<64x144xf32, #tpu.memory_space<vmem>>) offsets(%dma_start3A_285 : memref<64xi32, #tpu.memory_space<vmem>>) semaphore(%arg12 : memref<!tpu.dma_semaphore, #tpu.memory_space<semaphore_mem>>)
        } else {
        }
        %scan3A_266 = arith.constant 0 : i32
        scf.yield %scan3A_266 : i32
      }
      %scan3A_119 = arith.constant 6 : i32
      %sub3A_120 = arith.constant 1 : i32
      %sub3A_121 = arith.subi %select_n3A, %sub3A_120 : i32
      %lt3A_122 = arith.cmpi slt, %while3A_107, %sub3A_121 : i32
      %convert_element_type3A_123 = arith.extui %lt3A_122 : i1 to i32
      %cond3A_124 = arith.constant 0 : i32
      %cond3A_125 = arith.cmpi ne, %convert_element_type3A_123, %cond3A_124 : i32
      scf.if %cond3A_125 {
        %add3A_127 = arith.constant 1 : i32
        %add3A_128 = arith.addi %while3A_107, %add3A_127 : i32
        %mul3A_129 = arith.constant 18 : i32
        %mul3A_130 = arith.muli %add3A_128, %mul3A_129 : i32
        %add3A_131 = arith.addi %select_n3A_8, %mul3A_130 : i32
        %dma_wait3A_132 = arith.constant 0 : i32
        %dma_wait3A_133 = arith.constant 0 : i32
        %dma_wait3A_134 = tpu.memref_slice %arg7[%sub3A_110, %dma_wait3A_132, %dma_wait3A_133] : memref<2x18x64xi32, #tpu.memory_space<vmem>> -> memref<1x18x64xi32, #tpu.memory_space<vmem>>
        %dma_wait3A_135 = tpu.memref_squeeze %dma_wait3A_134 : memref<1x18x64xi32, #tpu.memory_space<vmem>> -> memref<18x64xi32, #tpu.memory_space<vmem>>
        %dma_wait3A_136 = arith.constant 0 : i32
        %dma_wait3A_137 = tpu.memref_slice %arg3[%add3A_131, %dma_wait3A_136] : memref<5184x64xi32, #tpu.memory_space<hbm>> -> memref<18x64xi32, #tpu.memory_space<hbm>>
        %dma_wait3A_138 = arith.constant 0 : i32
        %dma_wait3A_139 = arith.constant 0 : i32
        %dma_wait3A_140 = tpu.memref_slice %arg7[%sub3A_110, %dma_wait3A_138, %dma_wait3A_139] : memref<2x18x64xi32, #tpu.memory_space<vmem>> -> memref<1x18x64xi32, #tpu.memory_space<vmem>>
        %dma_wait3A_141 = tpu.memref_squeeze %dma_wait3A_140 : memref<1x18x64xi32, #tpu.memory_space<vmem>> -> memref<18x64xi32, #tpu.memory_space<vmem>>
        %dma_wait3A_142 = arith.constant 0 : i32
        %dma_wait3A_143 = tpu.memref_slice %arg3[%add3A_131, %dma_wait3A_142] : memref<5184x64xi32, #tpu.memory_space<hbm>> -> memref<18x64xi32, #tpu.memory_space<hbm>>
        tpu.wait_dma2 semaphore(%arg17 : memref<!tpu.dma_semaphore, #tpu.memory_space<semaphore_mem>>) src(%dma_wait3A_143 : memref<18x64xi32, #tpu.memory_space<hbm>>) dst(%dma_wait3A_141 : memref<18x64xi32, #tpu.memory_space<vmem>>)
        %add3A_144 = arith.constant 1 : i32
        %add3A_145 = arith.addi %while3A_107, %add3A_144 : i32
        %mul3A_146 = arith.constant 18 : i32
        %mul3A_147 = arith.muli %add3A_145, %mul3A_146 : i32
        %add3A_148 = arith.addi %select_n3A_8, %mul3A_147 : i32
        %dma_wait3A_149 = arith.constant 0 : i32
        %dma_wait3A_150 = arith.constant 0 : i32
        %dma_wait3A_151 = tpu.memref_slice %arg8[%sub3A_110, %dma_wait3A_149, %dma_wait3A_150] : memref<2x18x64xi32, #tpu.memory_space<vmem>> -> memref<1x18x64xi32, #tpu.memory_space<vmem>>
        %dma_wait3A_152 = tpu.memref_squeeze %dma_wait3A_151 : memref<1x18x64xi32, #tpu.memory_space<vmem>> -> memref<18x64xi32, #tpu.memory_space<vmem>>
        %dma_wait3A_153 = arith.constant 0 : i32
        %dma_wait3A_154 = tpu.memref_slice %arg4[%add3A_148, %dma_wait3A_153] : memref<5184x64xi32, #tpu.memory_space<hbm>> -> memref<18x64xi32, #tpu.memory_space<hbm>>
        %dma_wait3A_155 = arith.constant 0 : i32
        %dma_wait3A_156 = arith.constant 0 : i32
        %dma_wait3A_157 = tpu.memref_slice %arg8[%sub3A_110, %dma_wait3A_155, %dma_wait3A_156] : memref<2x18x64xi32, #tpu.memory_space<vmem>> -> memref<1x18x64xi32, #tpu.memory_space<vmem>>
        %dma_wait3A_158 = tpu.memref_squeeze %dma_wait3A_157 : memref<1x18x64xi32, #tpu.memory_space<vmem>> -> memref<18x64xi32, #tpu.memory_space<vmem>>
        %dma_wait3A_159 = arith.constant 0 : i32
        %dma_wait3A_160 = tpu.memref_slice %arg4[%add3A_148, %dma_wait3A_159] : memref<5184x64xi32, #tpu.memory_space<hbm>> -> memref<18x64xi32, #tpu.memory_space<hbm>>
        tpu.wait_dma2 semaphore(%arg17 : memref<!tpu.dma_semaphore, #tpu.memory_space<semaphore_mem>>) src(%dma_wait3A_160 : memref<18x64xi32, #tpu.memory_space<hbm>>) dst(%dma_wait3A_158 : memref<18x64xi32, #tpu.memory_space<vmem>>)
        %dma_wait3A_161 = arith.constant 0 : i32
        %dma_wait3A_162 = arith.constant 0 : i32
        %dma_wait3A_163 = arith.constant 0 : i32
        %dma_wait3A_164 = arith.constant 0 : i32
        %dma_wait3A_165 = tpu.memref_slice %arg9[%dma_wait3A_161, %dma_wait3A_163, %dma_wait3A_164] : memref<3x64x144xf32, #tpu.memory_space<vmem>> -> memref<1x64x144xf32, #tpu.memory_space<vmem>>
        %dma_wait3A_166 = tpu.memref_squeeze %dma_wait3A_165 : memref<1x64x144xf32, #tpu.memory_space<vmem>> -> memref<64x144xf32, #tpu.memory_space<vmem>>
        %dma_wait3A_167 = arith.constant 0 : i32
        %dma_wait3A_168 = arith.constant 0 : i32
        %dma_wait3A_169 = tpu.memref_slice %arg8[%sub3A_110, %dma_wait3A_167, %dma_wait3A_168] : memref<2x18x64xi32, #tpu.memory_space<vmem>> -> memref<1x18x64xi32, #tpu.memory_space<vmem>>
        %dma_wait3A_170 = tpu.memref_squeeze %dma_wait3A_169 : memref<1x18x64xi32, #tpu.memory_space<vmem>> -> memref<18x64xi32, #tpu.memory_space<vmem>>
        %dma_wait3A_171 = arith.constant 0 : i32
        %dma_wait3A_172 = tpu.memref_slice %dma_wait3A_170[%dma_wait3A_162, %dma_wait3A_171] : memref<18x64xi32, #tpu.memory_space<vmem>> -> memref<1x64xi32, #tpu.memory_space<vmem>>
        %dma_wait3A_173 = tpu.memref_squeeze %dma_wait3A_172 : memref<1x64xi32, #tpu.memory_space<vmem>> -> memref<64xi32, #tpu.memory_space<vmem>>
        %dma_wait3A_174 = arith.constant 0 : i32
        %dma_wait3A_175 = arith.constant 0 : i32
        %dma_wait3A_176 = tpu.memref_slice %arg10[%dma_wait3A_174, %dma_wait3A_175] : memref<10112x144xf32, #tpu.memory_space<vmem_shared>> -> memref<10112x144xf32, #tpu.memory_space<vmem_shared>>
        tpu.wait_indirect_dma semaphore(%arg14 : memref<!tpu.dma_semaphore, #tpu.memory_space<semaphore_mem>>) src(%dma_wait3A_166 : memref<64x144xf32, #tpu.memory_space<vmem>>) dst(%dma_wait3A_176 : memref<10112x144xf32, #tpu.memory_space<vmem_shared>>)
        %dma_start3A_177 = arith.constant 0 : i32
        %dma_start3A_178 = arith.constant 0 : i32
        %dma_start3A_179 = arith.constant 0 : i32
        %dma_start3A_180 = arith.constant 0 : i32
        %dma_start3A_181 = tpu.memref_slice %arg9[%dma_start3A_178, %dma_start3A_179, %dma_start3A_180] : memref<3x64x144xf32, #tpu.memory_space<vmem>> -> memref<1x64x144xf32, #tpu.memory_space<vmem>>
        %dma_start3A_182 = tpu.memref_squeeze %dma_start3A_181 : memref<1x64x144xf32, #tpu.memory_space<vmem>> -> memref<64x144xf32, #tpu.memory_space<vmem>>
        %dma_start3A_183 = arith.constant 0 : i32
        %dma_start3A_184 = arith.constant 0 : i32
        %dma_start3A_185 = tpu.memref_slice %arg7[%sub3A_110, %dma_start3A_183, %dma_start3A_184] : memref<2x18x64xi32, #tpu.memory_space<vmem>> -> memref<1x18x64xi32, #tpu.memory_space<vmem>>
        %dma_start3A_186 = tpu.memref_squeeze %dma_start3A_185 : memref<1x18x64xi32, #tpu.memory_space<vmem>> -> memref<18x64xi32, #tpu.memory_space<vmem>>
        %dma_start3A_187 = arith.constant 0 : i32
        %dma_start3A_188 = tpu.memref_slice %dma_start3A_186[%dma_start3A_177, %dma_start3A_187] : memref<18x64xi32, #tpu.memory_space<vmem>> -> memref<1x64xi32, #tpu.memory_space<vmem>>
        %dma_start3A_189 = tpu.memref_squeeze %dma_start3A_188 : memref<1x64xi32, #tpu.memory_space<vmem>> -> memref<64xi32, #tpu.memory_space<vmem>>
        %dma_start3A_190 = arith.constant 0 : i32
        %dma_start3A_191 = arith.constant 0 : i32
        %dma_start3A_192 = tpu.memref_slice %arg2[%dma_start3A_190, %dma_start3A_191] : memref<60672x144xf32, #tpu.memory_space<hbm>> -> memref<60672x144xf32, #tpu.memory_space<hbm>>
        tpu.enqueue_indirect_dma source(%dma_start3A_192 : memref<60672x144xf32, #tpu.memory_space<hbm>>) target(%dma_start3A_182 : memref<64x144xf32, #tpu.memory_space<vmem>>) offsets(%dma_start3A_189 : memref<64xi32, #tpu.memory_space<vmem>>) semaphore(%arg11 : memref<!tpu.dma_semaphore, #tpu.memory_space<semaphore_mem>>)
        %dma_wait3A_193 = arith.constant 1 : i32
        %dma_wait3A_194 = arith.constant 1 : i32
        %dma_wait3A_195 = arith.constant 0 : i32
        %dma_wait3A_196 = arith.constant 0 : i32
        %dma_wait3A_197 = tpu.memref_slice %arg9[%dma_wait3A_193, %dma_wait3A_195, %dma_wait3A_196] : memref<3x64x144xf32, #tpu.memory_space<vmem>> -> memref<1x64x144xf32, #tpu.memory_space<vmem>>
        %dma_wait3A_198 = tpu.memref_squeeze %dma_wait3A_197 : memref<1x64x144xf32, #tpu.memory_space<vmem>> -> memref<64x144xf32, #tpu.memory_space<vmem>>
        %dma_wait3A_199 = arith.constant 0 : i32
        %dma_wait3A_200 = arith.constant 0 : i32
        %dma_wait3A_201 = tpu.memref_slice %arg8[%sub3A_110, %dma_wait3A_199, %dma_wait3A_200] : memref<2x18x64xi32, #tpu.memory_space<vmem>> -> memref<1x18x64xi32, #tpu.memory_space<vmem>>
        %dma_wait3A_202 = tpu.memref_squeeze %dma_wait3A_201 : memref<1x18x64xi32, #tpu.memory_space<vmem>> -> memref<18x64xi32, #tpu.memory_space<vmem>>
        %dma_wait3A_203 = arith.constant 0 : i32
        %dma_wait3A_204 = tpu.memref_slice %dma_wait3A_202[%dma_wait3A_194, %dma_wait3A_203] : memref<18x64xi32, #tpu.memory_space<vmem>> -> memref<1x64xi32, #tpu.memory_space<vmem>>
        %dma_wait3A_205 = tpu.memref_squeeze %dma_wait3A_204 : memref<1x64xi32, #tpu.memory_space<vmem>> -> memref<64xi32, #tpu.memory_space<vmem>>
        %dma_wait3A_206 = arith.constant 0 : i32
        %dma_wait3A_207 = arith.constant 0 : i32
        %dma_wait3A_208 = tpu.memref_slice %arg10[%dma_wait3A_206, %dma_wait3A_207] : memref<10112x144xf32, #tpu.memory_space<vmem_shared>> -> memref<10112x144xf32, #tpu.memory_space<vmem_shared>>
        tpu.wait_indirect_dma semaphore(%arg15 : memref<!tpu.dma_semaphore, #tpu.memory_space<semaphore_mem>>) src(%dma_wait3A_198 : memref<64x144xf32, #tpu.memory_space<vmem>>) dst(%dma_wait3A_208 : memref<10112x144xf32, #tpu.memory_space<vmem_shared>>)
        %dma_start3A_209 = arith.constant 1 : i32
        %dma_start3A_210 = arith.constant 1 : i32
        %dma_start3A_211 = arith.constant 0 : i32
        %dma_start3A_212 = arith.constant 0 : i32
        %dma_start3A_213 = tpu.memref_slice %arg9[%dma_start3A_210, %dma_start3A_211, %dma_start3A_212] : memref<3x64x144xf32, #tpu.memory_space<vmem>> -> memref<1x64x144xf32, #tpu.memory_space<vmem>>
        %dma_start3A_214 = tpu.memref_squeeze %dma_start3A_213 : memref<1x64x144xf32, #tpu.memory_space<vmem>> -> memref<64x144xf32, #tpu.memory_space<vmem>>
        %dma_start3A_215 = arith.constant 0 : i32
        %dma_start3A_216 = arith.constant 0 : i32
        %dma_start3A_217 = tpu.memref_slice %arg7[%sub3A_110, %dma_start3A_215, %dma_start3A_216] : memref<2x18x64xi32, #tpu.memory_space<vmem>> -> memref<1x18x64xi32, #tpu.memory_space<vmem>>
        %dma_start3A_218 = tpu.memref_squeeze %dma_start3A_217 : memref<1x18x64xi32, #tpu.memory_space<vmem>> -> memref<18x64xi32, #tpu.memory_space<vmem>>
        %dma_start3A_219 = arith.constant 0 : i32
        %dma_start3A_220 = tpu.memref_slice %dma_start3A_218[%dma_start3A_209, %dma_start3A_219] : memref<18x64xi32, #tpu.memory_space<vmem>> -> memref<1x64xi32, #tpu.memory_space<vmem>>
        %dma_start3A_221 = tpu.memref_squeeze %dma_start3A_220 : memref<1x64xi32, #tpu.memory_space<vmem>> -> memref<64xi32, #tpu.memory_space<vmem>>
        %dma_start3A_222 = arith.constant 0 : i32
        %dma_start3A_223 = arith.constant 0 : i32
        %dma_start3A_224 = tpu.memref_slice %arg2[%dma_start3A_222, %dma_start3A_223] : memref<60672x144xf32, #tpu.memory_space<hbm>> -> memref<60672x144xf32, #tpu.memory_space<hbm>>
        tpu.enqueue_indirect_dma source(%dma_start3A_224 : memref<60672x144xf32, #tpu.memory_space<hbm>>) target(%dma_start3A_214 : memref<64x144xf32, #tpu.memory_space<vmem>>) offsets(%dma_start3A_221 : memref<64xi32, #tpu.memory_space<vmem>>) semaphore(%arg12 : memref<!tpu.dma_semaphore, #tpu.memory_space<semaphore_mem>>)
      } else {
      }
      %while3A_126 = arith.constant 0 : i32
      scf.yield %while3A_126 : i32
    }
    %dma_wait3A = arith.constant 0 : i32
    %dma_wait3A_56 = arith.constant 0 : i32
    %dma_wait3A_57 = arith.constant 0 : i32
    %dma_wait3A_58 = arith.constant 0 : i32
    %dma_wait3A_59 = arith.constant 0 : i32
    %dma_wait3A_60 = tpu.memref_slice %arg9[%dma_wait3A, %dma_wait3A_58, %dma_wait3A_59] : memref<3x64x144xf32, #tpu.memory_space<vmem>> -> memref<1x64x144xf32, #tpu.memory_space<vmem>>
    %dma_wait3A_61 = tpu.memref_squeeze %dma_wait3A_60 : memref<1x64x144xf32, #tpu.memory_space<vmem>> -> memref<64x144xf32, #tpu.memory_space<vmem>>
    %dma_wait3A_62 = arith.constant 0 : i32
    %dma_wait3A_63 = arith.constant 0 : i32
    %dma_wait3A_64 = tpu.memref_slice %arg8[%dma_wait3A_56, %dma_wait3A_62, %dma_wait3A_63] : memref<2x18x64xi32, #tpu.memory_space<vmem>> -> memref<1x18x64xi32, #tpu.memory_space<vmem>>
    %dma_wait3A_65 = tpu.memref_squeeze %dma_wait3A_64 : memref<1x18x64xi32, #tpu.memory_space<vmem>> -> memref<18x64xi32, #tpu.memory_space<vmem>>
    %dma_wait3A_66 = arith.constant 0 : i32
    %dma_wait3A_67 = tpu.memref_slice %dma_wait3A_65[%dma_wait3A_57, %dma_wait3A_66] : memref<18x64xi32, #tpu.memory_space<vmem>> -> memref<1x64xi32, #tpu.memory_space<vmem>>
    %dma_wait3A_68 = tpu.memref_squeeze %dma_wait3A_67 : memref<1x64xi32, #tpu.memory_space<vmem>> -> memref<64xi32, #tpu.memory_space<vmem>>
    %dma_wait3A_69 = arith.constant 0 : i32
    %dma_wait3A_70 = arith.constant 0 : i32
    %dma_wait3A_71 = tpu.memref_slice %arg10[%dma_wait3A_69, %dma_wait3A_70] : memref<10112x144xf32, #tpu.memory_space<vmem_shared>> -> memref<10112x144xf32, #tpu.memory_space<vmem_shared>>
    tpu.wait_indirect_dma semaphore(%arg14 : memref<!tpu.dma_semaphore, #tpu.memory_space<semaphore_mem>>) src(%dma_wait3A_61 : memref<64x144xf32, #tpu.memory_space<vmem>>) dst(%dma_wait3A_71 : memref<10112x144xf32, #tpu.memory_space<vmem_shared>>)
    %dma_wait3A_72 = arith.constant 1 : i32
    %dma_wait3A_73 = arith.constant 0 : i32
    %dma_wait3A_74 = arith.constant 0 : i32
    %dma_wait3A_75 = arith.constant 0 : i32
    %dma_wait3A_76 = arith.constant 0 : i32
    %dma_wait3A_77 = tpu.memref_slice %arg9[%dma_wait3A_72, %dma_wait3A_75, %dma_wait3A_76] : memref<3x64x144xf32, #tpu.memory_space<vmem>> -> memref<1x64x144xf32, #tpu.memory_space<vmem>>
    %dma_wait3A_78 = tpu.memref_squeeze %dma_wait3A_77 : memref<1x64x144xf32, #tpu.memory_space<vmem>> -> memref<64x144xf32, #tpu.memory_space<vmem>>
    %dma_wait3A_79 = arith.constant 0 : i32
    %dma_wait3A_80 = arith.constant 0 : i32
    %dma_wait3A_81 = tpu.memref_slice %arg8[%dma_wait3A_73, %dma_wait3A_79, %dma_wait3A_80] : memref<2x18x64xi32, #tpu.memory_space<vmem>> -> memref<1x18x64xi32, #tpu.memory_space<vmem>>
    %dma_wait3A_82 = tpu.memref_squeeze %dma_wait3A_81 : memref<1x18x64xi32, #tpu.memory_space<vmem>> -> memref<18x64xi32, #tpu.memory_space<vmem>>
    %dma_wait3A_83 = arith.constant 0 : i32
    %dma_wait3A_84 = tpu.memref_slice %dma_wait3A_82[%dma_wait3A_74, %dma_wait3A_83] : memref<18x64xi32, #tpu.memory_space<vmem>> -> memref<1x64xi32, #tpu.memory_space<vmem>>
    %dma_wait3A_85 = tpu.memref_squeeze %dma_wait3A_84 : memref<1x64xi32, #tpu.memory_space<vmem>> -> memref<64xi32, #tpu.memory_space<vmem>>
    %dma_wait3A_86 = arith.constant 0 : i32
    %dma_wait3A_87 = arith.constant 0 : i32
    %dma_wait3A_88 = tpu.memref_slice %arg10[%dma_wait3A_86, %dma_wait3A_87] : memref<10112x144xf32, #tpu.memory_space<vmem_shared>> -> memref<10112x144xf32, #tpu.memory_space<vmem_shared>>
    tpu.wait_indirect_dma semaphore(%arg15 : memref<!tpu.dma_semaphore, #tpu.memory_space<semaphore_mem>>) src(%dma_wait3A_78 : memref<64x144xf32, #tpu.memory_space<vmem>>) dst(%dma_wait3A_88 : memref<10112x144xf32, #tpu.memory_space<vmem_shared>>)
    %dma_wait3A_89 = arith.constant 2 : i32
    %dma_wait3A_90 = arith.constant 0 : i32
    %dma_wait3A_91 = arith.constant 0 : i32
    %dma_wait3A_92 = arith.constant 0 : i32
    %dma_wait3A_93 = arith.constant 0 : i32
    %dma_wait3A_94 = tpu.memref_slice %arg9[%dma_wait3A_89, %dma_wait3A_92, %dma_wait3A_93] : memref<3x64x144xf32, #tpu.memory_space<vmem>> -> memref<1x64x144xf32, #tpu.memory_space<vmem>>
    %dma_wait3A_95 = tpu.memref_squeeze %dma_wait3A_94 : memref<1x64x144xf32, #tpu.memory_space<vmem>> -> memref<64x144xf32, #tpu.memory_space<vmem>>
    %dma_wait3A_96 = arith.constant 0 : i32
    %dma_wait3A_97 = arith.constant 0 : i32
    %dma_wait3A_98 = tpu.memref_slice %arg8[%dma_wait3A_90, %dma_wait3A_96, %dma_wait3A_97] : memref<2x18x64xi32, #tpu.memory_space<vmem>> -> memref<1x18x64xi32, #tpu.memory_space<vmem>>
    %dma_wait3A_99 = tpu.memref_squeeze %dma_wait3A_98 : memref<1x18x64xi32, #tpu.memory_space<vmem>> -> memref<18x64xi32, #tpu.memory_space<vmem>>
    %dma_wait3A_100 = arith.constant 0 : i32
    %dma_wait3A_101 = tpu.memref_slice %dma_wait3A_99[%dma_wait3A_91, %dma_wait3A_100] : memref<18x64xi32, #tpu.memory_space<vmem>> -> memref<1x64xi32, #tpu.memory_space<vmem>>
    %dma_wait3A_102 = tpu.memref_squeeze %dma_wait3A_101 : memref<1x64xi32, #tpu.memory_space<vmem>> -> memref<64xi32, #tpu.memory_space<vmem>>
    %dma_wait3A_103 = arith.constant 0 : i32
    %dma_wait3A_104 = arith.constant 0 : i32
    %dma_wait3A_105 = tpu.memref_slice %arg10[%dma_wait3A_103, %dma_wait3A_104] : memref<10112x144xf32, #tpu.memory_space<vmem_shared>> -> memref<10112x144xf32, #tpu.memory_space<vmem_shared>>
    tpu.wait_indirect_dma semaphore(%arg16 : memref<!tpu.dma_semaphore, #tpu.memory_space<semaphore_mem>>) src(%dma_wait3A_95 : memref<64x144xf32, #tpu.memory_space<vmem>>) dst(%dma_wait3A_105 : memref<10112x144xf32, #tpu.memory_space<vmem_shared>>)
    %barrier3A_106 = arith.constant 0 : index
    tpu.barrier barrier_id(%barrier3A_106)
    "tpu.region"() ({
      %run_scoped3A_107 = tpu.sem_alloc : memref<!tpu.dma_semaphore, #tpu.memory_space<semaphore_mem>>
      %dma_start3A_108 = arith.constant 0 : i32
      %dma_start3A_109 = tpu.memref_slice %arg6[%arg0, %mul3A_10, %dma_start3A_108] : memref<2x10112x144xf32, #tpu.memory_space<hbm>> -> memref<1x632x144xf32, #tpu.memory_space<hbm>>
      %dma_start3A_110 = tpu.memref_squeeze %dma_start3A_109 : memref<1x632x144xf32, #tpu.memory_space<hbm>> -> memref<632x144xf32, #tpu.memory_space<hbm>>
      %dma_start3A_111 = arith.constant 0 : i32
      %dma_start3A_112 = tpu.memref_slice %arg10[%mul3A_10, %dma_start3A_111] : memref<10112x144xf32, #tpu.memory_space<vmem_shared>> -> memref<632x144xf32, #tpu.memory_space<vmem_shared>>
      tpu.enqueue_dma source(%dma_start3A_112 : memref<632x144xf32, #tpu.memory_space<vmem_shared>>) target(%dma_start3A_110 : memref<632x144xf32, #tpu.memory_space<hbm>>) target_semaphore(%run_scoped3A_107 : memref<!tpu.dma_semaphore, #tpu.memory_space<semaphore_mem>>)
      %dma_wait3A_113 = arith.constant 0 : i32
      %dma_wait3A_114 = tpu.memref_slice %arg6[%arg0, %mul3A_10, %dma_wait3A_113] : memref<2x10112x144xf32, #tpu.memory_space<hbm>> -> memref<1x632x144xf32, #tpu.memory_space<hbm>>
      %dma_wait3A_115 = tpu.memref_squeeze %dma_wait3A_114 : memref<1x632x144xf32, #tpu.memory_space<hbm>> -> memref<632x144xf32, #tpu.memory_space<hbm>>
      %dma_wait3A_116 = arith.constant 0 : i32
      %dma_wait3A_117 = tpu.memref_slice %arg10[%mul3A_10, %dma_wait3A_116] : memref<10112x144xf32, #tpu.memory_space<vmem_shared>> -> memref<632x144xf32, #tpu.memory_space<vmem_shared>>
      tpu.wait_dma2 semaphore(%run_scoped3A_107 : memref<!tpu.dma_semaphore, #tpu.memory_space<semaphore_mem>>) src(%dma_wait3A_117 : memref<632x144xf32, #tpu.memory_space<vmem_shared>>) dst(%dma_wait3A_115 : memref<632x144xf32, #tpu.memory_space<hbm>>)
      tpu.yield
    }) : () -> ()
    return
  }
}

#map = affine_map<(d0, d1) -> (0, 0)>
#map1 = affine_map<(d0, d1) -> (0, 0, 0)>
module attributes {stable_mosaic.version = 14 : i64} {
  func.func @body(%arg0: i32, %arg1: i32, %arg2: memref<4096x144xf32, #tpu.memory_space<hbm>>, %arg3: memref<5184x64xi32, #tpu.memory_space<hbm>>, %arg4: memref<5184x64xi32, #tpu.memory_space<hbm>>, %arg5: memref<2x10112x144xf32, #tpu.memory_space<hbm>>, %arg6: memref<2x10112x144xf32, #tpu.memory_space<hbm>>, %arg7: memref<2x18x64xi32, #tpu.memory_space<vmem>>, %arg8: memref<2x18x64xi32, #tpu.memory_space<vmem>>, %arg9: memref<3x64x144xf32, #tpu.memory_space<vmem>>, %arg10: memref<10112x144xf32, #tpu.memory_space<vmem_shared>>, %arg11: memref<!tpu.dma_semaphore, #tpu.memory_space<semaphore_mem>>, %arg12: memref<!tpu.dma_semaphore, #tpu.memory_space<semaphore_mem>>, %arg13: memref<!tpu.dma_semaphore, #tpu.memory_space<semaphore_mem>>, %arg14: memref<!tpu.dma_semaphore, #tpu.memory_space<semaphore_mem>>, %arg15: memref<!tpu.dma_semaphore, #tpu.memory_space<semaphore_mem>>, %arg16: memref<!tpu.dma_semaphore, #tpu.memory_space<semaphore_mem>>, %arg17: memref<!tpu.dma_semaphore, #tpu.memory_space<semaphore_mem>>) attributes {dimension_semantics = [#tpu.dimension_semantics<core_parallel>, #tpu.dimension_semantics<subcore_parallel>], iteration_bounds = array<i64: 2, 16>, scalar_prefetch = 0 : i64, scratch_operands = 11 : i64, tpu.core_type = #tpu.core_type<sc_vector_subcore>, window_params = [{transform_indices = #map}, {transform_indices = #map}, {transform_indices = #map}, {transform_indices = #map1}, {transform_indices = #map1}]} {
    %eq3A = arith.constant 0 : i32
    %eq3A_0 = arith.cmpi eq, %arg0, %eq3A : i32
    %jit3A = arith.constant 9 : i32
    %jit3A_1 = arith.constant 9 : i32
    %select_n3A = arith.select %eq3A_0, %jit3A, %jit3A_1 : i32
    %eq3A_2 = arith.constant 0 : i32
    %eq3A_3 = arith.cmpi eq, %arg0, %eq3A_2 : i32
    %mul3A = arith.constant 162 : i32
    %mul3A_4 = arith.muli %arg1, %mul3A : i32
    %mul3A_5 = arith.constant 162 : i32
    %mul3A_6 = arith.muli %arg1, %mul3A_5 : i32
    %add3A = arith.constant 2592 : i32
    %add3A_7 = arith.addi %add3A, %mul3A_6 : i32
    %select_n3A_8 = arith.select %eq3A_3, %mul3A_4, %add3A_7 : i32
    %mul3A_9 = arith.constant 632 : i32
    %mul3A_10 = arith.muli %arg1, %mul3A_9 : i32
    "tpu.region"() ({
      %run_scoped3A_107 = tpu.sem_alloc : memref<!tpu.dma_semaphore, #tpu.memory_space<semaphore_mem>>
      %dma_start3A_108 = arith.constant 0 : i32
      %dma_start3A_109 = tpu.memref_slice %arg10[%mul3A_10, %dma_start3A_108] : memref<10112x144xf32, #tpu.memory_space<vmem_shared>> -> memref<632x144xf32, #tpu.memory_space<vmem_shared>>
      %dma_start3A_110 = arith.constant 0 : i32
      %dma_start3A_111 = tpu.memref_slice %arg5[%arg0, %mul3A_10, %dma_start3A_110] : memref<2x10112x144xf32, #tpu.memory_space<hbm>> -> memref<1x632x144xf32, #tpu.memory_space<hbm>>
      %dma_start3A_112 = tpu.memref_squeeze %dma_start3A_111 : memref<1x632x144xf32, #tpu.memory_space<hbm>> -> memref<632x144xf32, #tpu.memory_space<hbm>>
      tpu.enqueue_dma source(%dma_start3A_112 : memref<632x144xf32, #tpu.memory_space<hbm>>) target(%dma_start3A_109 : memref<632x144xf32, #tpu.memory_space<vmem_shared>>) target_semaphore(%run_scoped3A_107 : memref<!tpu.dma_semaphore, #tpu.memory_space<semaphore_mem>>)
      %dma_wait3A_113 = arith.constant 0 : i32
      %dma_wait3A_114 = tpu.memref_slice %arg10[%mul3A_10, %dma_wait3A_113] : memref<10112x144xf32, #tpu.memory_space<vmem_shared>> -> memref<632x144xf32, #tpu.memory_space<vmem_shared>>
      %dma_wait3A_115 = arith.constant 0 : i32
      %dma_wait3A_116 = tpu.memref_slice %arg5[%arg0, %mul3A_10, %dma_wait3A_115] : memref<2x10112x144xf32, #tpu.memory_space<hbm>> -> memref<1x632x144xf32, #tpu.memory_space<hbm>>
      %dma_wait3A_117 = tpu.memref_squeeze %dma_wait3A_116 : memref<1x632x144xf32, #tpu.memory_space<hbm>> -> memref<632x144xf32, #tpu.memory_space<hbm>>
      tpu.wait_dma2 semaphore(%run_scoped3A_107 : memref<!tpu.dma_semaphore, #tpu.memory_space<semaphore_mem>>) src(%dma_wait3A_117 : memref<632x144xf32, #tpu.memory_space<hbm>>) dst(%dma_wait3A_114 : memref<632x144xf32, #tpu.memory_space<vmem_shared>>)
      tpu.yield
    }) : () -> ()
    %run_scoped3A = arith.constant 0 : i32
    "tpu.region"() ({
      %run_scoped3A_107 = tpu.sem_alloc : memref<!tpu.dma_semaphore, #tpu.memory_space<semaphore_mem>>
      %dma_start3A_108 = arith.constant 0 : i32
      %dma_start3A_109 = arith.constant 0 : i32
      %dma_start3A_110 = tpu.memref_slice %arg7[%run_scoped3A, %dma_start3A_108, %dma_start3A_109] : memref<2x18x64xi32, #tpu.memory_space<vmem>> -> memref<1x18x64xi32, #tpu.memory_space<vmem>>
      %dma_start3A_111 = tpu.memref_squeeze %dma_start3A_110 : memref<1x18x64xi32, #tpu.memory_space<vmem>> -> memref<18x64xi32, #tpu.memory_space<vmem>>
      %dma_start3A_112 = arith.constant 0 : i32
      %dma_start3A_113 = tpu.memref_slice %arg3[%select_n3A_8, %dma_start3A_112] : memref<5184x64xi32, #tpu.memory_space<hbm>> -> memref<18x64xi32, #tpu.memory_space<hbm>>
      %dma_start3A_114 = arith.constant 0 : i32
      %dma_start3A_115 = arith.constant 0 : i32
      %dma_start3A_116 = tpu.memref_slice %arg7[%run_scoped3A, %dma_start3A_114, %dma_start3A_115] : memref<2x18x64xi32, #tpu.memory_space<vmem>> -> memref<1x18x64xi32, #tpu.memory_space<vmem>>
      %dma_start3A_117 = tpu.memref_squeeze %dma_start3A_116 : memref<1x18x64xi32, #tpu.memory_space<vmem>> -> memref<18x64xi32, #tpu.memory_space<vmem>>
      %dma_start3A_118 = arith.constant 0 : i32
      %dma_start3A_119 = tpu.memref_slice %arg3[%select_n3A_8, %dma_start3A_118] : memref<5184x64xi32, #tpu.memory_space<hbm>> -> memref<18x64xi32, #tpu.memory_space<hbm>>
      tpu.enqueue_dma source(%dma_start3A_119 : memref<18x64xi32, #tpu.memory_space<hbm>>) target(%dma_start3A_117 : memref<18x64xi32, #tpu.memory_space<vmem>>) target_semaphore(%run_scoped3A_107 : memref<!tpu.dma_semaphore, #tpu.memory_space<semaphore_mem>>)
      %dma_wait3A_120 = arith.constant 0 : i32
      %dma_wait3A_121 = arith.constant 0 : i32
      %dma_wait3A_122 = tpu.memref_slice %arg7[%run_scoped3A, %dma_wait3A_120, %dma_wait3A_121] : memref<2x18x64xi32, #tpu.memory_space<vmem>> -> memref<1x18x64xi32, #tpu.memory_space<vmem>>
      %dma_wait3A_123 = tpu.memref_squeeze %dma_wait3A_122 : memref<1x18x64xi32, #tpu.memory_space<vmem>> -> memref<18x64xi32, #tpu.memory_space<vmem>>
      %dma_wait3A_124 = arith.constant 0 : i32
      %dma_wait3A_125 = tpu.memref_slice %arg3[%select_n3A_8, %dma_wait3A_124] : memref<5184x64xi32, #tpu.memory_space<hbm>> -> memref<18x64xi32, #tpu.memory_space<hbm>>
      %dma_wait3A_126 = arith.constant 0 : i32
      %dma_wait3A_127 = arith.constant 0 : i32
      %dma_wait3A_128 = tpu.memref_slice %arg7[%run_scoped3A, %dma_wait3A_126, %dma_wait3A_127] : memref<2x18x64xi32, #tpu.memory_space<vmem>> -> memref<1x18x64xi32, #tpu.memory_space<vmem>>
      %dma_wait3A_129 = tpu.memref_squeeze %dma_wait3A_128 : memref<1x18x64xi32, #tpu.memory_space<vmem>> -> memref<18x64xi32, #tpu.memory_space<vmem>>
      %dma_wait3A_130 = arith.constant 0 : i32
      %dma_wait3A_131 = tpu.memref_slice %arg3[%select_n3A_8, %dma_wait3A_130] : memref<5184x64xi32, #tpu.memory_space<hbm>> -> memref<18x64xi32, #tpu.memory_space<hbm>>
      tpu.wait_dma2 semaphore(%run_scoped3A_107 : memref<!tpu.dma_semaphore, #tpu.memory_space<semaphore_mem>>) src(%dma_wait3A_131 : memref<18x64xi32, #tpu.memory_space<hbm>>) dst(%dma_wait3A_129 : memref<18x64xi32, #tpu.memory_space<vmem>>)
      tpu.yield
    }) : () -> ()
    %run_scoped3A_11 = arith.constant 0 : i32
    "tpu.region"() ({
      %run_scoped3A_107 = tpu.sem_alloc : memref<!tpu.dma_semaphore, #tpu.memory_space<semaphore_mem>>
      %dma_start3A_108 = arith.constant 0 : i32
      %dma_start3A_109 = arith.constant 0 : i32
      %dma_start3A_110 = tpu.memref_slice %arg8[%run_scoped3A_11, %dma_start3A_108, %dma_start3A_109] : memref<2x18x64xi32, #tpu.memory_space<vmem>> -> memref<1x18x64xi32, #tpu.memory_space<vmem>>
      %dma_start3A_111 = tpu.memref_squeeze %dma_start3A_110 : memref<1x18x64xi32, #tpu.memory_space<vmem>> -> memref<18x64xi32, #tpu.memory_space<vmem>>
      %dma_start3A_112 = arith.constant 0 : i32
      %dma_start3A_113 = tpu.memref_slice %arg4[%select_n3A_8, %dma_start3A_112] : memref<5184x64xi32, #tpu.memory_space<hbm>> -> memref<18x64xi32, #tpu.memory_space<hbm>>
      %dma_start3A_114 = arith.constant 0 : i32
      %dma_start3A_115 = arith.constant 0 : i32
      %dma_start3A_116 = tpu.memref_slice %arg8[%run_scoped3A_11, %dma_start3A_114, %dma_start3A_115] : memref<2x18x64xi32, #tpu.memory_space<vmem>> -> memref<1x18x64xi32, #tpu.memory_space<vmem>>
      %dma_start3A_117 = tpu.memref_squeeze %dma_start3A_116 : memref<1x18x64xi32, #tpu.memory_space<vmem>> -> memref<18x64xi32, #tpu.memory_space<vmem>>
      %dma_start3A_118 = arith.constant 0 : i32
      %dma_start3A_119 = tpu.memref_slice %arg4[%select_n3A_8, %dma_start3A_118] : memref<5184x64xi32, #tpu.memory_space<hbm>> -> memref<18x64xi32, #tpu.memory_space<hbm>>
      tpu.enqueue_dma source(%dma_start3A_119 : memref<18x64xi32, #tpu.memory_space<hbm>>) target(%dma_start3A_117 : memref<18x64xi32, #tpu.memory_space<vmem>>) target_semaphore(%run_scoped3A_107 : memref<!tpu.dma_semaphore, #tpu.memory_space<semaphore_mem>>)
      %dma_wait3A_120 = arith.constant 0 : i32
      %dma_wait3A_121 = arith.constant 0 : i32
      %dma_wait3A_122 = tpu.memref_slice %arg8[%run_scoped3A_11, %dma_wait3A_120, %dma_wait3A_121] : memref<2x18x64xi32, #tpu.memory_space<vmem>> -> memref<1x18x64xi32, #tpu.memory_space<vmem>>
      %dma_wait3A_123 = tpu.memref_squeeze %dma_wait3A_122 : memref<1x18x64xi32, #tpu.memory_space<vmem>> -> memref<18x64xi32, #tpu.memory_space<vmem>>
      %dma_wait3A_124 = arith.constant 0 : i32
      %dma_wait3A_125 = tpu.memref_slice %arg4[%select_n3A_8, %dma_wait3A_124] : memref<5184x64xi32, #tpu.memory_space<hbm>> -> memref<18x64xi32, #tpu.memory_space<hbm>>
      %dma_wait3A_126 = arith.constant 0 : i32
      %dma_wait3A_127 = arith.constant 0 : i32
      %dma_wait3A_128 = tpu.memref_slice %arg8[%run_scoped3A_11, %dma_wait3A_126, %dma_wait3A_127] : memref<2x18x64xi32, #tpu.memory_space<vmem>> -> memref<1x18x64xi32, #tpu.memory_space<vmem>>
      %dma_wait3A_129 = tpu.memref_squeeze %dma_wait3A_128 : memref<1x18x64xi32, #tpu.memory_space<vmem>> -> memref<18x64xi32, #tpu.memory_space<vmem>>
      %dma_wait3A_130 = arith.constant 0 : i32
      %dma_wait3A_131 = tpu.memref_slice %arg4[%select_n3A_8, %dma_wait3A_130] : memref<5184x64xi32, #tpu.memory_space<hbm>> -> memref<18x64xi32, #tpu.memory_space<hbm>>
      tpu.wait_dma2 semaphore(%run_scoped3A_107 : memref<!tpu.dma_semaphore, #tpu.memory_space<semaphore_mem>>) src(%dma_wait3A_131 : memref<18x64xi32, #tpu.memory_space<hbm>>) dst(%dma_wait3A_129 : memref<18x64xi32, #tpu.memory_space<vmem>>)
      tpu.yield
    }) : () -> ()
    %dma_start3A = arith.constant 0 : i32
    %dma_start3A_12 = arith.constant 0 : i32
    %dma_start3A_13 = arith.constant 0 : i32
    %dma_start3A_14 = arith.constant 0 : i32
    %dma_start3A_15 = arith.constant 0 : i32
    %dma_start3A_16 = tpu.memref_slice %arg9[%dma_start3A_13, %dma_start3A_14, %dma_start3A_15] : memref<3x64x144xf32, #tpu.memory_space<vmem>> -> memref<1x64x144xf32, #tpu.memory_space<vmem>>
    %dma_start3A_17 = tpu.memref_squeeze %dma_start3A_16 : memref<1x64x144xf32, #tpu.memory_space<vmem>> -> memref<64x144xf32, #tpu.memory_space<vmem>>
    %dma_start3A_18 = arith.constant 0 : i32
    %dma_start3A_19 = arith.constant 0 : i32
    %dma_start3A_20 = tpu.memref_slice %arg7[%dma_start3A, %dma_start3A_18, %dma_start3A_19] : memref<2x18x64xi32, #tpu.memory_space<vmem>> -> memref<1x18x64xi32, #tpu.memory_space<vmem>>
    %dma_start3A_21 = tpu.memref_squeeze %dma_start3A_20 : memref<1x18x64xi32, #tpu.memory_space<vmem>> -> memref<18x64xi32, #tpu.memory_space<vmem>>
    %dma_start3A_22 = arith.constant 0 : i32
    %dma_start3A_23 = tpu.memref_slice %dma_start3A_21[%dma_start3A_12, %dma_start3A_22] : memref<18x64xi32, #tpu.memory_space<vmem>> -> memref<1x64xi32, #tpu.memory_space<vmem>>
    %dma_start3A_24 = tpu.memref_squeeze %dma_start3A_23 : memref<1x64xi32, #tpu.memory_space<vmem>> -> memref<64xi32, #tpu.memory_space<vmem>>
    %dma_start3A_25 = arith.constant 0 : i32
    %dma_start3A_26 = arith.constant 0 : i32
    %dma_start3A_27 = tpu.memref_slice %arg2[%dma_start3A_25, %dma_start3A_26] : memref<4096x144xf32, #tpu.memory_space<hbm>> -> memref<4096x144xf32, #tpu.memory_space<hbm>>
    tpu.enqueue_indirect_dma source(%dma_start3A_27 : memref<4096x144xf32, #tpu.memory_space<hbm>>) target(%dma_start3A_17 : memref<64x144xf32, #tpu.memory_space<vmem>>) offsets(%dma_start3A_24 : memref<64xi32, #tpu.memory_space<vmem>>) semaphore(%arg11 : memref<!tpu.dma_semaphore, #tpu.memory_space<semaphore_mem>>)
    %dma_start3A_28 = arith.constant 0 : i32
    %dma_start3A_29 = arith.constant 1 : i32
    %dma_start3A_30 = arith.constant 1 : i32
    %dma_start3A_31 = arith.constant 0 : i32
    %dma_start3A_32 = arith.constant 0 : i32
    %dma_start3A_33 = tpu.memref_slice %arg9[%dma_start3A_30, %dma_start3A_31, %dma_start3A_32] : memref<3x64x144xf32, #tpu.memory_space<vmem>> -> memref<1x64x144xf32, #tpu.memory_space<vmem>>
    %dma_start3A_34 = tpu.memref_squeeze %dma_start3A_33 : memref<1x64x144xf32, #tpu.memory_space<vmem>> -> memref<64x144xf32, #tpu.memory_space<vmem>>
    %dma_start3A_35 = arith.constant 0 : i32
    %dma_start3A_36 = arith.constant 0 : i32
    %dma_start3A_37 = tpu.memref_slice %arg7[%dma_start3A_28, %dma_start3A_35, %dma_start3A_36] : memref<2x18x64xi32, #tpu.memory_space<vmem>> -> memref<1x18x64xi32, #tpu.memory_space<vmem>>
    %dma_start3A_38 = tpu.memref_squeeze %dma_start3A_37 : memref<1x18x64xi32, #tpu.memory_space<vmem>> -> memref<18x64xi32, #tpu.memory_space<vmem>>
    %dma_start3A_39 = arith.constant 0 : i32
    %dma_start3A_40 = tpu.memref_slice %dma_start3A_38[%dma_start3A_29, %dma_start3A_39] : memref<18x64xi32, #tpu.memory_space<vmem>> -> memref<1x64xi32, #tpu.memory_space<vmem>>
    %dma_start3A_41 = tpu.memref_squeeze %dma_start3A_40 : memref<1x64xi32, #tpu.memory_space<vmem>> -> memref<64xi32, #tpu.memory_space<vmem>>
    %dma_start3A_42 = arith.constant 0 : i32
    %dma_start3A_43 = arith.constant 0 : i32
    %dma_start3A_44 = tpu.memref_slice %arg2[%dma_start3A_42, %dma_start3A_43] : memref<4096x144xf32, #tpu.memory_space<hbm>> -> memref<4096x144xf32, #tpu.memory_space<hbm>>
    tpu.enqueue_indirect_dma source(%dma_start3A_44 : memref<4096x144xf32, #tpu.memory_space<hbm>>) target(%dma_start3A_34 : memref<64x144xf32, #tpu.memory_space<vmem>>) offsets(%dma_start3A_41 : memref<64xi32, #tpu.memory_space<vmem>>) semaphore(%arg12 : memref<!tpu.dma_semaphore, #tpu.memory_space<semaphore_mem>>)
    %barrier3A = arith.constant 0 : index
    tpu.barrier barrier_id(%barrier3A)
    %while3A = arith.constant 0 : i32
    %while3A_45 = arith.constant 0 : i32
    %while3A_46 = arith.subi %select_n3A, %while3A : i32
    %while3A_47 = arith.addi %while3A, %while3A_46 : i32
    %while3A_48 = arith.constant 1 : i32
    %while3A_49 = arith.divsi %while3A_46, %while3A_48 : i32
    %while3A_50 = arith.muli %while3A_49, %while3A_48 : i32
    %while3A_51 = arith.addi %while3A, %while3A_50 : i32
    %while3A_52 = arith.constant 1 : i32
    %while3A_53 = scf.for %while3A_107 = %while3A to %while3A_51 step %while3A_52 iter_args(%while3A_108 = %while3A_45) -> (i32)  : i32 {
      %rem3A = arith.constant 2 : i32
      %rem3A_109 = arith.remsi %while3A_107, %rem3A : i32
      %sub3A = arith.constant 1 : i32
      %sub3A_110 = arith.subi %sub3A, %rem3A_109 : i32
      %sub3A_111 = arith.constant 1 : i32
      %sub3A_112 = arith.subi %select_n3A, %sub3A_111 : i32
      %lt3A = arith.cmpi slt, %while3A_107, %sub3A_112 : i32
      %convert_element_type3A = arith.extui %lt3A : i1 to i32
      %cond3A = arith.constant 0 : i32
      %cond3A_113 = arith.cmpi ne, %convert_element_type3A, %cond3A : i32
      scf.if %cond3A_113 {
        %add3A_127 = arith.constant 1 : i32
        %add3A_128 = arith.addi %while3A_107, %add3A_127 : i32
        %mul3A_129 = arith.constant 18 : i32
        %mul3A_130 = arith.muli %add3A_128, %mul3A_129 : i32
        %add3A_131 = arith.addi %select_n3A_8, %mul3A_130 : i32
        %dma_start3A_132 = arith.constant 0 : i32
        %dma_start3A_133 = arith.constant 0 : i32
        %dma_start3A_134 = tpu.memref_slice %arg7[%sub3A_110, %dma_start3A_132, %dma_start3A_133] : memref<2x18x64xi32, #tpu.memory_space<vmem>> -> memref<1x18x64xi32, #tpu.memory_space<vmem>>
        %dma_start3A_135 = tpu.memref_squeeze %dma_start3A_134 : memref<1x18x64xi32, #tpu.memory_space<vmem>> -> memref<18x64xi32, #tpu.memory_space<vmem>>
        %dma_start3A_136 = arith.constant 0 : i32
        %dma_start3A_137 = tpu.memref_slice %arg3[%add3A_131, %dma_start3A_136] : memref<5184x64xi32, #tpu.memory_space<hbm>> -> memref<18x64xi32, #tpu.memory_space<hbm>>
        %dma_start3A_138 = arith.constant 0 : i32
        %dma_start3A_139 = arith.constant 0 : i32
        %dma_start3A_140 = tpu.memref_slice %arg7[%sub3A_110, %dma_start3A_138, %dma_start3A_139] : memref<2x18x64xi32, #tpu.memory_space<vmem>> -> memref<1x18x64xi32, #tpu.memory_space<vmem>>
        %dma_start3A_141 = tpu.memref_squeeze %dma_start3A_140 : memref<1x18x64xi32, #tpu.memory_space<vmem>> -> memref<18x64xi32, #tpu.memory_space<vmem>>
        %dma_start3A_142 = arith.constant 0 : i32
        %dma_start3A_143 = tpu.memref_slice %arg3[%add3A_131, %dma_start3A_142] : memref<5184x64xi32, #tpu.memory_space<hbm>> -> memref<18x64xi32, #tpu.memory_space<hbm>>
        tpu.enqueue_dma source(%dma_start3A_143 : memref<18x64xi32, #tpu.memory_space<hbm>>) target(%dma_start3A_141 : memref<18x64xi32, #tpu.memory_space<vmem>>) target_semaphore(%arg17 : memref<!tpu.dma_semaphore, #tpu.memory_space<semaphore_mem>>)
        %add3A_144 = arith.constant 1 : i32
        %add3A_145 = arith.addi %while3A_107, %add3A_144 : i32
        %mul3A_146 = arith.constant 18 : i32
        %mul3A_147 = arith.muli %add3A_145, %mul3A_146 : i32
        %add3A_148 = arith.addi %select_n3A_8, %mul3A_147 : i32
        %dma_start3A_149 = arith.constant 0 : i32
        %dma_start3A_150 = arith.constant 0 : i32
        %dma_start3A_151 = tpu.memref_slice %arg8[%sub3A_110, %dma_start3A_149, %dma_start3A_150] : memref<2x18x64xi32, #tpu.memory_space<vmem>> -> memref<1x18x64xi32, #tpu.memory_space<vmem>>
        %dma_start3A_152 = tpu.memref_squeeze %dma_start3A_151 : memref<1x18x64xi32, #tpu.memory_space<vmem>> -> memref<18x64xi32, #tpu.memory_space<vmem>>
        %dma_start3A_153 = arith.constant 0 : i32
        %dma_start3A_154 = tpu.memref_slice %arg4[%add3A_148, %dma_start3A_153] : memref<5184x64xi32, #tpu.memory_space<hbm>> -> memref<18x64xi32, #tpu.memory_space<hbm>>
        %dma_start3A_155 = arith.constant 0 : i32
        %dma_start3A_156 = arith.constant 0 : i32
        %dma_start3A_157 = tpu.memref_slice %arg8[%sub3A_110, %dma_start3A_155, %dma_start3A_156] : memref<2x18x64xi32, #tpu.memory_space<vmem>> -> memref<1x18x64xi32, #tpu.memory_space<vmem>>
        %dma_start3A_158 = tpu.memref_squeeze %dma_start3A_157 : memref<1x18x64xi32, #tpu.memory_space<vmem>> -> memref<18x64xi32, #tpu.memory_space<vmem>>
        %dma_start3A_159 = arith.constant 0 : i32
        %dma_start3A_160 = tpu.memref_slice %arg4[%add3A_148, %dma_start3A_159] : memref<5184x64xi32, #tpu.memory_space<hbm>> -> memref<18x64xi32, #tpu.memory_space<hbm>>
        tpu.enqueue_dma source(%dma_start3A_160 : memref<18x64xi32, #tpu.memory_space<hbm>>) target(%dma_start3A_158 : memref<18x64xi32, #tpu.memory_space<vmem>>) target_semaphore(%arg17 : memref<!tpu.dma_semaphore, #tpu.memory_space<semaphore_mem>>)
      } else {
      }
      %scan3A = arith.constant 0 : i32
      %scan3A_114 = arith.constant 0 : i32
      %scan3A_115 = arith.constant 6 : i32
      %scan3A_116 = arith.addi %scan3A_114, %scan3A_115 : i32
      %scan3A_117 = arith.constant 1 : i32
      %scan3A_118 = scf.for %scan3A_127 = %scan3A_114 to %scan3A_116 step %scan3A_117 iter_args(%scan3A_128 = %scan3A) -> (i32)  : i32 {
        %mul3A_129 = arith.constant 3 : i32
        %mul3A_130 = arith.muli %scan3A_127, %mul3A_129 : i32
        %add3A_131 = arith.constant 0 : i32
        %add3A_132 = arith.addi %mul3A_130, %add3A_131 : i32
        %mul3A_133 = arith.constant 18 : i32
        %mul3A_134 = arith.muli %while3A_107, %mul3A_133 : i32
        %add3A_135 = arith.addi %mul3A_134, %add3A_132 : i32
        %dma_wait3A_136 = arith.constant 0 : i32
        %dma_wait3A_137 = arith.constant 0 : i32
        %dma_wait3A_138 = arith.constant 0 : i32
        %dma_wait3A_139 = tpu.memref_slice %arg9[%dma_wait3A_136, %dma_wait3A_137, %dma_wait3A_138] : memref<3x64x144xf32, #tpu.memory_space<vmem>> -> memref<1x64x144xf32, #tpu.memory_space<vmem>>
        %dma_wait3A_140 = tpu.memref_squeeze %dma_wait3A_139 : memref<1x64x144xf32, #tpu.memory_space<vmem>> -> memref<64x144xf32, #tpu.memory_space<vmem>>
        %dma_wait3A_141 = arith.constant 0 : i32
        %dma_wait3A_142 = arith.constant 0 : i32
        %dma_wait3A_143 = tpu.memref_slice %arg7[%rem3A_109, %dma_wait3A_141, %dma_wait3A_142] : memref<2x18x64xi32, #tpu.memory_space<vmem>> -> memref<1x18x64xi32, #tpu.memory_space<vmem>>
        %dma_wait3A_144 = tpu.memref_squeeze %dma_wait3A_143 : memref<1x18x64xi32, #tpu.memory_space<vmem>> -> memref<18x64xi32, #tpu.memory_space<vmem>>
        %dma_wait3A_145 = arith.constant 0 : i32
        %dma_wait3A_146 = tpu.memref_slice %dma_wait3A_144[%add3A_132, %dma_wait3A_145] : memref<18x64xi32, #tpu.memory_space<vmem>> -> memref<1x64xi32, #tpu.memory_space<vmem>>
        %dma_wait3A_147 = tpu.memref_squeeze %dma_wait3A_146 : memref<1x64xi32, #tpu.memory_space<vmem>> -> memref<64xi32, #tpu.memory_space<vmem>>
        %dma_wait3A_148 = arith.constant 0 : i32
        %dma_wait3A_149 = arith.constant 0 : i32
        %dma_wait3A_150 = tpu.memref_slice %arg2[%dma_wait3A_148, %dma_wait3A_149] : memref<4096x144xf32, #tpu.memory_space<hbm>> -> memref<4096x144xf32, #tpu.memory_space<hbm>>
        tpu.wait_indirect_dma semaphore(%arg11 : memref<!tpu.dma_semaphore, #tpu.memory_space<semaphore_mem>>) src(%dma_wait3A_150 : memref<4096x144xf32, #tpu.memory_space<hbm>>) dst(%dma_wait3A_140 : memref<64x144xf32, #tpu.memory_space<vmem>>)
        %dma_start3A_151 = arith.constant 0 : i32
        %dma_start3A_152 = arith.constant 0 : i32
        %dma_start3A_153 = arith.constant 0 : i32
        %dma_start3A_154 = tpu.memref_slice %arg9[%dma_start3A_151, %dma_start3A_152, %dma_start3A_153] : memref<3x64x144xf32, #tpu.memory_space<vmem>> -> memref<1x64x144xf32, #tpu.memory_space<vmem>>
        %dma_start3A_155 = tpu.memref_squeeze %dma_start3A_154 : memref<1x64x144xf32, #tpu.memory_space<vmem>> -> memref<64x144xf32, #tpu.memory_space<vmem>>
        %dma_start3A_156 = arith.constant 0 : i32
        %dma_start3A_157 = arith.constant 0 : i32
        %dma_start3A_158 = tpu.memref_slice %arg8[%rem3A_109, %dma_start3A_156, %dma_start3A_157] : memref<2x18x64xi32, #tpu.memory_space<vmem>> -> memref<1x18x64xi32, #tpu.memory_space<vmem>>
        %dma_start3A_159 = tpu.memref_squeeze %dma_start3A_158 : memref<1x18x64xi32, #tpu.memory_space<vmem>> -> memref<18x64xi32, #tpu.memory_space<vmem>>
        %dma_start3A_160 = arith.constant 0 : i32
        %dma_start3A_161 = tpu.memref_slice %dma_start3A_159[%add3A_132, %dma_start3A_160] : memref<18x64xi32, #tpu.memory_space<vmem>> -> memref<1x64xi32, #tpu.memory_space<vmem>>
        %dma_start3A_162 = tpu.memref_squeeze %dma_start3A_161 : memref<1x64xi32, #tpu.memory_space<vmem>> -> memref<64xi32, #tpu.memory_space<vmem>>
        %dma_start3A_163 = arith.constant 0 : i32
        %dma_start3A_164 = arith.constant 0 : i32
        %dma_start3A_165 = tpu.memref_slice %arg10[%dma_start3A_163, %dma_start3A_164] : memref<10112x144xf32, #tpu.memory_space<vmem_shared>> -> memref<10112x144xf32, #tpu.memory_space<vmem_shared>>
        tpu.enqueue_indirect_dma source(%dma_start3A_155 : memref<64x144xf32, #tpu.memory_space<vmem>>) target(%dma_start3A_165 : memref<10112x144xf32, #tpu.memory_space<vmem_shared>>) offsets(%dma_start3A_162 : memref<64xi32, #tpu.memory_space<vmem>>) semaphore(%arg14 : memref<!tpu.dma_semaphore, #tpu.memory_space<semaphore_mem>>) {add = true}
        %ge3A = arith.constant 0 : i32
        %ge3A_166 = arith.cmpi sge, %add3A_135, %ge3A : i32
        %convert_element_type3A_167 = arith.extui %ge3A_166 : i1 to i32
        %cond3A_168 = arith.constant 0 : i32
        %cond3A_169 = arith.cmpi ne, %convert_element_type3A_167, %cond3A_168 : i32
        scf.if %cond3A_169 {
          %ge3A_267 = arith.constant 1 : i32
          %ge3A_268 = arith.cmpi sge, %add3A_135, %ge3A_267 : i32
          %convert_element_type3A_269 = arith.extui %ge3A_268 : i1 to i32
          %cond3A_270 = arith.constant 0 : i32
          %cond3A_271 = arith.cmpi ne, %convert_element_type3A_269, %cond3A_270 : i32
          scf.if %cond3A_271 {
            %dma_wait3A_289 = arith.constant 2 : i32
            %dma_wait3A_290 = arith.constant 0 : i32
            %dma_wait3A_291 = arith.constant 0 : i32
            %dma_wait3A_292 = tpu.memref_slice %arg9[%dma_wait3A_289, %dma_wait3A_290, %dma_wait3A_291] : memref<3x64x144xf32, #tpu.memory_space<vmem>> -> memref<1x64x144xf32, #tpu.memory_space<vmem>>
            %dma_wait3A_293 = tpu.memref_squeeze %dma_wait3A_292 : memref<1x64x144xf32, #tpu.memory_space<vmem>> -> memref<64x144xf32, #tpu.memory_space<vmem>>
            %dma_wait3A_294 = arith.constant 0 : i32
            %dma_wait3A_295 = arith.constant 0 : i32
            %dma_wait3A_296 = tpu.memref_slice %arg8[%rem3A_109, %dma_wait3A_294, %dma_wait3A_295] : memref<2x18x64xi32, #tpu.memory_space<vmem>> -> memref<1x18x64xi32, #tpu.memory_space<vmem>>
            %dma_wait3A_297 = tpu.memref_squeeze %dma_wait3A_296 : memref<1x18x64xi32, #tpu.memory_space<vmem>> -> memref<18x64xi32, #tpu.memory_space<vmem>>
            %dma_wait3A_298 = arith.constant 0 : i32
            %dma_wait3A_299 = tpu.memref_slice %dma_wait3A_297[%add3A_132, %dma_wait3A_298] : memref<18x64xi32, #tpu.memory_space<vmem>> -> memref<1x64xi32, #tpu.memory_space<vmem>>
            %dma_wait3A_300 = tpu.memref_squeeze %dma_wait3A_299 : memref<1x64xi32, #tpu.memory_space<vmem>> -> memref<64xi32, #tpu.memory_space<vmem>>
            %dma_wait3A_301 = arith.constant 0 : i32
            %dma_wait3A_302 = arith.constant 0 : i32
            %dma_wait3A_303 = tpu.memref_slice %arg10[%dma_wait3A_301, %dma_wait3A_302] : memref<10112x144xf32, #tpu.memory_space<vmem_shared>> -> memref<10112x144xf32, #tpu.memory_space<vmem_shared>>
            tpu.wait_indirect_dma semaphore(%arg16 : memref<!tpu.dma_semaphore, #tpu.memory_space<semaphore_mem>>) src(%dma_wait3A_293 : memref<64x144xf32, #tpu.memory_space<vmem>>) dst(%dma_wait3A_303 : memref<10112x144xf32, #tpu.memory_space<vmem_shared>>)
          } else {
          }
          %add3A_272 = arith.constant 2 : i32
          %add3A_273 = arith.addi %add3A_132, %add3A_272 : i32
          %dma_start3A_274 = arith.constant 2 : i32
          %dma_start3A_275 = arith.constant 0 : i32
          %dma_start3A_276 = arith.constant 0 : i32
          %dma_start3A_277 = tpu.memref_slice %arg9[%dma_start3A_274, %dma_start3A_275, %dma_start3A_276] : memref<3x64x144xf32, #tpu.memory_space<vmem>> -> memref<1x64x144xf32, #tpu.memory_space<vmem>>
          %dma_start3A_278 = tpu.memref_squeeze %dma_start3A_277 : memref<1x64x144xf32, #tpu.memory_space<vmem>> -> memref<64x144xf32, #tpu.memory_space<vmem>>
          %dma_start3A_279 = arith.constant 0 : i32
          %dma_start3A_280 = arith.constant 0 : i32
          %dma_start3A_281 = tpu.memref_slice %arg7[%rem3A_109, %dma_start3A_279, %dma_start3A_280] : memref<2x18x64xi32, #tpu.memory_space<vmem>> -> memref<1x18x64xi32, #tpu.memory_space<vmem>>
          %dma_start3A_282 = tpu.memref_squeeze %dma_start3A_281 : memref<1x18x64xi32, #tpu.memory_space<vmem>> -> memref<18x64xi32, #tpu.memory_space<vmem>>
          %dma_start3A_283 = arith.constant 0 : i32
          %dma_start3A_284 = tpu.memref_slice %dma_start3A_282[%add3A_273, %dma_start3A_283] : memref<18x64xi32, #tpu.memory_space<vmem>> -> memref<1x64xi32, #tpu.memory_space<vmem>>
          %dma_start3A_285 = tpu.memref_squeeze %dma_start3A_284 : memref<1x64xi32, #tpu.memory_space<vmem>> -> memref<64xi32, #tpu.memory_space<vmem>>
          %dma_start3A_286 = arith.constant 0 : i32
          %dma_start3A_287 = arith.constant 0 : i32
          %dma_start3A_288 = tpu.memref_slice %arg2[%dma_start3A_286, %dma_start3A_287] : memref<4096x144xf32, #tpu.memory_space<hbm>> -> memref<4096x144xf32, #tpu.memory_space<hbm>>
          tpu.enqueue_indirect_dma source(%dma_start3A_288 : memref<4096x144xf32, #tpu.memory_space<hbm>>) target(%dma_start3A_278 : memref<64x144xf32, #tpu.memory_space<vmem>>) offsets(%dma_start3A_285 : memref<64xi32, #tpu.memory_space<vmem>>) semaphore(%arg13 : memref<!tpu.dma_semaphore, #tpu.memory_space<semaphore_mem>>)
        } else {
        }
        %mul3A_170 = arith.constant 3 : i32
        %mul3A_171 = arith.muli %scan3A_127, %mul3A_170 : i32
        %add3A_172 = arith.constant 1 : i32
        %add3A_173 = arith.addi %mul3A_171, %add3A_172 : i32
        %mul3A_174 = arith.constant 18 : i32
        %mul3A_175 = arith.muli %while3A_107, %mul3A_174 : i32
        %add3A_176 = arith.addi %mul3A_175, %add3A_173 : i32
        %dma_wait3A_177 = arith.constant 1 : i32
        %dma_wait3A_178 = arith.constant 0 : i32
        %dma_wait3A_179 = arith.constant 0 : i32
        %dma_wait3A_180 = tpu.memref_slice %arg9[%dma_wait3A_177, %dma_wait3A_178, %dma_wait3A_179] : memref<3x64x144xf32, #tpu.memory_space<vmem>> -> memref<1x64x144xf32, #tpu.memory_space<vmem>>
        %dma_wait3A_181 = tpu.memref_squeeze %dma_wait3A_180 : memref<1x64x144xf32, #tpu.memory_space<vmem>> -> memref<64x144xf32, #tpu.memory_space<vmem>>
        %dma_wait3A_182 = arith.constant 0 : i32
        %dma_wait3A_183 = arith.constant 0 : i32
        %dma_wait3A_184 = tpu.memref_slice %arg7[%rem3A_109, %dma_wait3A_182, %dma_wait3A_183] : memref<2x18x64xi32, #tpu.memory_space<vmem>> -> memref<1x18x64xi32, #tpu.memory_space<vmem>>
        %dma_wait3A_185 = tpu.memref_squeeze %dma_wait3A_184 : memref<1x18x64xi32, #tpu.memory_space<vmem>> -> memref<18x64xi32, #tpu.memory_space<vmem>>
        %dma_wait3A_186 = arith.constant 0 : i32
        %dma_wait3A_187 = tpu.memref_slice %dma_wait3A_185[%add3A_173, %dma_wait3A_186] : memref<18x64xi32, #tpu.memory_space<vmem>> -> memref<1x64xi32, #tpu.memory_space<vmem>>
        %dma_wait3A_188 = tpu.memref_squeeze %dma_wait3A_187 : memref<1x64xi32, #tpu.memory_space<vmem>> -> memref<64xi32, #tpu.memory_space<vmem>>
        %dma_wait3A_189 = arith.constant 0 : i32
        %dma_wait3A_190 = arith.constant 0 : i32
        %dma_wait3A_191 = tpu.memref_slice %arg2[%dma_wait3A_189, %dma_wait3A_190] : memref<4096x144xf32, #tpu.memory_space<hbm>> -> memref<4096x144xf32, #tpu.memory_space<hbm>>
        tpu.wait_indirect_dma semaphore(%arg12 : memref<!tpu.dma_semaphore, #tpu.memory_space<semaphore_mem>>) src(%dma_wait3A_191 : memref<4096x144xf32, #tpu.memory_space<hbm>>) dst(%dma_wait3A_181 : memref<64x144xf32, #tpu.memory_space<vmem>>)
        %dma_start3A_192 = arith.constant 1 : i32
        %dma_start3A_193 = arith.constant 0 : i32
        %dma_start3A_194 = arith.constant 0 : i32
        %dma_start3A_195 = tpu.memref_slice %arg9[%dma_start3A_192, %dma_start3A_193, %dma_start3A_194] : memref<3x64x144xf32, #tpu.memory_space<vmem>> -> memref<1x64x144xf32, #tpu.memory_space<vmem>>
        %dma_start3A_196 = tpu.memref_squeeze %dma_start3A_195 : memref<1x64x144xf32, #tpu.memory_space<vmem>> -> memref<64x144xf32, #tpu.memory_space<vmem>>
        %dma_start3A_197 = arith.constant 0 : i32
        %dma_start3A_198 = arith.constant 0 : i32
        %dma_start3A_199 = tpu.memref_slice %arg8[%rem3A_109, %dma_start3A_197, %dma_start3A_198] : memref<2x18x64xi32, #tpu.memory_space<vmem>> -> memref<1x18x64xi32, #tpu.memory_space<vmem>>
        %dma_start3A_200 = tpu.memref_squeeze %dma_start3A_199 : memref<1x18x64xi32, #tpu.memory_space<vmem>> -> memref<18x64xi32, #tpu.memory_space<vmem>>
        %dma_start3A_201 = arith.constant 0 : i32
        %dma_start3A_202 = tpu.memref_slice %dma_start3A_200[%add3A_173, %dma_start3A_201] : memref<18x64xi32, #tpu.memory_space<vmem>> -> memref<1x64xi32, #tpu.memory_space<vmem>>
        %dma_start3A_203 = tpu.memref_squeeze %dma_start3A_202 : memref<1x64xi32, #tpu.memory_space<vmem>> -> memref<64xi32, #tpu.memory_space<vmem>>
        %dma_start3A_204 = arith.constant 0 : i32
        %dma_start3A_205 = arith.constant 0 : i32
        %dma_start3A_206 = tpu.memref_slice %arg10[%dma_start3A_204, %dma_start3A_205] : memref<10112x144xf32, #tpu.memory_space<vmem_shared>> -> memref<10112x144xf32, #tpu.memory_space<vmem_shared>>
        tpu.enqueue_indirect_dma source(%dma_start3A_196 : memref<64x144xf32, #tpu.memory_space<vmem>>) target(%dma_start3A_206 : memref<10112x144xf32, #tpu.memory_space<vmem_shared>>) offsets(%dma_start3A_203 : memref<64xi32, #tpu.memory_space<vmem>>) semaphore(%arg15 : memref<!tpu.dma_semaphore, #tpu.memory_space<semaphore_mem>>) {add = true}
        %mul3A_207 = arith.constant 3 : i32
        %mul3A_208 = arith.muli %scan3A_127, %mul3A_207 : i32
        %add3A_209 = arith.constant 1 : i32
        %add3A_210 = arith.addi %mul3A_208, %add3A_209 : i32
        %add3A_211 = arith.constant 2 : i32
        %add3A_212 = arith.addi %add3A_210, %add3A_211 : i32
        %lt3A_213 = arith.constant 18 : i32
        %lt3A_214 = arith.cmpi slt, %add3A_212, %lt3A_213 : i32
        %convert_element_type3A_215 = arith.extui %lt3A_214 : i1 to i32
        %cond3A_216 = arith.constant 0 : i32
        %cond3A_217 = arith.cmpi ne, %convert_element_type3A_215, %cond3A_216 : i32
        scf.if %cond3A_217 {
          %ge3A_267 = arith.constant 1 : i32
          %ge3A_268 = arith.cmpi sge, %add3A_176, %ge3A_267 : i32
          %convert_element_type3A_269 = arith.extui %ge3A_268 : i1 to i32
          %cond3A_270 = arith.constant 0 : i32
          %cond3A_271 = arith.cmpi ne, %convert_element_type3A_269, %cond3A_270 : i32
          scf.if %cond3A_271 {
            %dma_wait3A_289 = arith.constant 0 : i32
            %dma_wait3A_290 = arith.constant 0 : i32
            %dma_wait3A_291 = arith.constant 0 : i32
            %dma_wait3A_292 = tpu.memref_slice %arg9[%dma_wait3A_289, %dma_wait3A_290, %dma_wait3A_291] : memref<3x64x144xf32, #tpu.memory_space<vmem>> -> memref<1x64x144xf32, #tpu.memory_space<vmem>>
            %dma_wait3A_293 = tpu.memref_squeeze %dma_wait3A_292 : memref<1x64x144xf32, #tpu.memory_space<vmem>> -> memref<64x144xf32, #tpu.memory_space<vmem>>
            %dma_wait3A_294 = arith.constant 0 : i32
            %dma_wait3A_295 = arith.constant 0 : i32
            %dma_wait3A_296 = tpu.memref_slice %arg8[%rem3A_109, %dma_wait3A_294, %dma_wait3A_295] : memref<2x18x64xi32, #tpu.memory_space<vmem>> -> memref<1x18x64xi32, #tpu.memory_space<vmem>>
            %dma_wait3A_297 = tpu.memref_squeeze %dma_wait3A_296 : memref<1x18x64xi32, #tpu.memory_space<vmem>> -> memref<18x64xi32, #tpu.memory_space<vmem>>
            %dma_wait3A_298 = arith.constant 0 : i32
            %dma_wait3A_299 = tpu.memref_slice %dma_wait3A_297[%add3A_173, %dma_wait3A_298] : memref<18x64xi32, #tpu.memory_space<vmem>> -> memref<1x64xi32, #tpu.memory_space<vmem>>
            %dma_wait3A_300 = tpu.memref_squeeze %dma_wait3A_299 : memref<1x64xi32, #tpu.memory_space<vmem>> -> memref<64xi32, #tpu.memory_space<vmem>>
            %dma_wait3A_301 = arith.constant 0 : i32
            %dma_wait3A_302 = arith.constant 0 : i32
            %dma_wait3A_303 = tpu.memref_slice %arg10[%dma_wait3A_301, %dma_wait3A_302] : memref<10112x144xf32, #tpu.memory_space<vmem_shared>> -> memref<10112x144xf32, #tpu.memory_space<vmem_shared>>
            tpu.wait_indirect_dma semaphore(%arg14 : memref<!tpu.dma_semaphore, #tpu.memory_space<semaphore_mem>>) src(%dma_wait3A_293 : memref<64x144xf32, #tpu.memory_space<vmem>>) dst(%dma_wait3A_303 : memref<10112x144xf32, #tpu.memory_space<vmem_shared>>)
          } else {
          }
          %add3A_272 = arith.constant 2 : i32
          %add3A_273 = arith.addi %add3A_173, %add3A_272 : i32
          %dma_start3A_274 = arith.constant 0 : i32
          %dma_start3A_275 = arith.constant 0 : i32
          %dma_start3A_276 = arith.constant 0 : i32
          %dma_start3A_277 = tpu.memref_slice %arg9[%dma_start3A_274, %dma_start3A_275, %dma_start3A_276] : memref<3x64x144xf32, #tpu.memory_space<vmem>> -> memref<1x64x144xf32, #tpu.memory_space<vmem>>
          %dma_start3A_278 = tpu.memref_squeeze %dma_start3A_277 : memref<1x64x144xf32, #tpu.memory_space<vmem>> -> memref<64x144xf32, #tpu.memory_space<vmem>>
          %dma_start3A_279 = arith.constant 0 : i32
          %dma_start3A_280 = arith.constant 0 : i32
          %dma_start3A_281 = tpu.memref_slice %arg7[%rem3A_109, %dma_start3A_279, %dma_start3A_280] : memref<2x18x64xi32, #tpu.memory_space<vmem>> -> memref<1x18x64xi32, #tpu.memory_space<vmem>>
          %dma_start3A_282 = tpu.memref_squeeze %dma_start3A_281 : memref<1x18x64xi32, #tpu.memory_space<vmem>> -> memref<18x64xi32, #tpu.memory_space<vmem>>
          %dma_start3A_283 = arith.constant 0 : i32
          %dma_start3A_284 = tpu.memref_slice %dma_start3A_282[%add3A_273, %dma_start3A_283] : memref<18x64xi32, #tpu.memory_space<vmem>> -> memref<1x64xi32, #tpu.memory_space<vmem>>
          %dma_start3A_285 = tpu.memref_squeeze %dma_start3A_284 : memref<1x64xi32, #tpu.memory_space<vmem>> -> memref<64xi32, #tpu.memory_space<vmem>>
          %dma_start3A_286 = arith.constant 0 : i32
          %dma_start3A_287 = arith.constant 0 : i32
          %dma_start3A_288 = tpu.memref_slice %arg2[%dma_start3A_286, %dma_start3A_287] : memref<4096x144xf32, #tpu.memory_space<hbm>> -> memref<4096x144xf32, #tpu.memory_space<hbm>>
          tpu.enqueue_indirect_dma source(%dma_start3A_288 : memref<4096x144xf32, #tpu.memory_space<hbm>>) target(%dma_start3A_278 : memref<64x144xf32, #tpu.memory_space<vmem>>) offsets(%dma_start3A_285 : memref<64xi32, #tpu.memory_space<vmem>>) semaphore(%arg11 : memref<!tpu.dma_semaphore, #tpu.memory_space<semaphore_mem>>)
        } else {
        }
        %mul3A_218 = arith.constant 3 : i32
        %mul3A_219 = arith.muli %scan3A_127, %mul3A_218 : i32
        %add3A_220 = arith.constant 2 : i32
        %add3A_221 = arith.addi %mul3A_219, %add3A_220 : i32
        %mul3A_222 = arith.constant 18 : i32
        %mul3A_223 = arith.muli %while3A_107, %mul3A_222 : i32
        %add3A_224 = arith.addi %mul3A_223, %add3A_221 : i32
        %dma_wait3A_225 = arith.constant 2 : i32
        %dma_wait3A_226 = arith.constant 0 : i32
        %dma_wait3A_227 = arith.constant 0 : i32
        %dma_wait3A_228 = tpu.memref_slice %arg9[%dma_wait3A_225, %dma_wait3A_226, %dma_wait3A_227] : memref<3x64x144xf32, #tpu.memory_space<vmem>> -> memref<1x64x144xf32, #tpu.memory_space<vmem>>
        %dma_wait3A_229 = tpu.memref_squeeze %dma_wait3A_228 : memref<1x64x144xf32, #tpu.memory_space<vmem>> -> memref<64x144xf32, #tpu.memory_space<vmem>>
        %dma_wait3A_230 = arith.constant 0 : i32
        %dma_wait3A_231 = arith.constant 0 : i32
        %dma_wait3A_232 = tpu.memref_slice %arg7[%rem3A_109, %dma_wait3A_230, %dma_wait3A_231] : memref<2x18x64xi32, #tpu.memory_space<vmem>> -> memref<1x18x64xi32, #tpu.memory_space<vmem>>
        %dma_wait3A_233 = tpu.memref_squeeze %dma_wait3A_232 : memref<1x18x64xi32, #tpu.memory_space<vmem>> -> memref<18x64xi32, #tpu.memory_space<vmem>>
        %dma_wait3A_234 = arith.constant 0 : i32
        %dma_wait3A_235 = tpu.memref_slice %dma_wait3A_233[%add3A_221, %dma_wait3A_234] : memref<18x64xi32, #tpu.memory_space<vmem>> -> memref<1x64xi32, #tpu.memory_space<vmem>>
        %dma_wait3A_236 = tpu.memref_squeeze %dma_wait3A_235 : memref<1x64xi32, #tpu.memory_space<vmem>> -> memref<64xi32, #tpu.memory_space<vmem>>
        %dma_wait3A_237 = arith.constant 0 : i32
        %dma_wait3A_238 = arith.constant 0 : i32
        %dma_wait3A_239 = tpu.memref_slice %arg2[%dma_wait3A_237, %dma_wait3A_238] : memref<4096x144xf32, #tpu.memory_space<hbm>> -> memref<4096x144xf32, #tpu.memory_space<hbm>>
        tpu.wait_indirect_dma semaphore(%arg13 : memref<!tpu.dma_semaphore, #tpu.memory_space<semaphore_mem>>) src(%dma_wait3A_239 : memref<4096x144xf32, #tpu.memory_space<hbm>>) dst(%dma_wait3A_229 : memref<64x144xf32, #tpu.memory_space<vmem>>)
        %dma_start3A_240 = arith.constant 2 : i32
        %dma_start3A_241 = arith.constant 0 : i32
        %dma_start3A_242 = arith.constant 0 : i32
        %dma_start3A_243 = tpu.memref_slice %arg9[%dma_start3A_240, %dma_start3A_241, %dma_start3A_242] : memref<3x64x144xf32, #tpu.memory_space<vmem>> -> memref<1x64x144xf32, #tpu.memory_space<vmem>>
        %dma_start3A_244 = tpu.memref_squeeze %dma_start3A_243 : memref<1x64x144xf32, #tpu.memory_space<vmem>> -> memref<64x144xf32, #tpu.memory_space<vmem>>
        %dma_start3A_245 = arith.constant 0 : i32
        %dma_start3A_246 = arith.constant 0 : i32
        %dma_start3A_247 = tpu.memref_slice %arg8[%rem3A_109, %dma_start3A_245, %dma_start3A_246] : memref<2x18x64xi32, #tpu.memory_space<vmem>> -> memref<1x18x64xi32, #tpu.memory_space<vmem>>
        %dma_start3A_248 = tpu.memref_squeeze %dma_start3A_247 : memref<1x18x64xi32, #tpu.memory_space<vmem>> -> memref<18x64xi32, #tpu.memory_space<vmem>>
        %dma_start3A_249 = arith.constant 0 : i32
        %dma_start3A_250 = tpu.memref_slice %dma_start3A_248[%add3A_221, %dma_start3A_249] : memref<18x64xi32, #tpu.memory_space<vmem>> -> memref<1x64xi32, #tpu.memory_space<vmem>>
        %dma_start3A_251 = tpu.memref_squeeze %dma_start3A_250 : memref<1x64xi32, #tpu.memory_space<vmem>> -> memref<64xi32, #tpu.memory_space<vmem>>
        %dma_start3A_252 = arith.constant 0 : i32
        %dma_start3A_253 = arith.constant 0 : i32
        %dma_start3A_254 = tpu.memref_slice %arg10[%dma_start3A_252, %dma_start3A_253] : memref<10112x144xf32, #tpu.memory_space<vmem_shared>> -> memref<10112x144xf32, #tpu.memory_space<vmem_shared>>
        tpu.enqueue_indirect_dma source(%dma_start3A_244 : memref<64x144xf32, #tpu.memory_space<vmem>>) target(%dma_start3A_254 : memref<10112x144xf32, #tpu.memory_space<vmem_shared>>) offsets(%dma_start3A_251 : memref<64xi32, #tpu.memory_space<vmem>>) semaphore(%arg16 : memref<!tpu.dma_semaphore, #tpu.memory_space<semaphore_mem>>) {add = true}
        %mul3A_255 = arith.constant 3 : i32
        %mul3A_256 = arith.muli %scan3A_127, %mul3A_255 : i32
        %add3A_257 = arith.constant 2 : i32
        %add3A_258 = arith.addi %mul3A_256, %add3A_257 : i32
        %add3A_259 = arith.constant 2 : i32
        %add3A_260 = arith.addi %add3A_258, %add3A_259 : i32
        %lt3A_261 = arith.constant 18 : i32
        %lt3A_262 = arith.cmpi slt, %add3A_260, %lt3A_261 : i32
        %convert_element_type3A_263 = arith.extui %lt3A_262 : i1 to i32
        %cond3A_264 = arith.constant 0 : i32
        %cond3A_265 = arith.cmpi ne, %convert_element_type3A_263, %cond3A_264 : i32
        scf.if %cond3A_265 {
          %ge3A_267 = arith.constant 1 : i32
          %ge3A_268 = arith.cmpi sge, %add3A_224, %ge3A_267 : i32
          %convert_element_type3A_269 = arith.extui %ge3A_268 : i1 to i32
          %cond3A_270 = arith.constant 0 : i32
          %cond3A_271 = arith.cmpi ne, %convert_element_type3A_269, %cond3A_270 : i32
          scf.if %cond3A_271 {
            %dma_wait3A_289 = arith.constant 1 : i32
            %dma_wait3A_290 = arith.constant 0 : i32
            %dma_wait3A_291 = arith.constant 0 : i32
            %dma_wait3A_292 = tpu.memref_slice %arg9[%dma_wait3A_289, %dma_wait3A_290, %dma_wait3A_291] : memref<3x64x144xf32, #tpu.memory_space<vmem>> -> memref<1x64x144xf32, #tpu.memory_space<vmem>>
            %dma_wait3A_293 = tpu.memref_squeeze %dma_wait3A_292 : memref<1x64x144xf32, #tpu.memory_space<vmem>> -> memref<64x144xf32, #tpu.memory_space<vmem>>
            %dma_wait3A_294 = arith.constant 0 : i32
            %dma_wait3A_295 = arith.constant 0 : i32
            %dma_wait3A_296 = tpu.memref_slice %arg8[%rem3A_109, %dma_wait3A_294, %dma_wait3A_295] : memref<2x18x64xi32, #tpu.memory_space<vmem>> -> memref<1x18x64xi32, #tpu.memory_space<vmem>>
            %dma_wait3A_297 = tpu.memref_squeeze %dma_wait3A_296 : memref<1x18x64xi32, #tpu.memory_space<vmem>> -> memref<18x64xi32, #tpu.memory_space<vmem>>
            %dma_wait3A_298 = arith.constant 0 : i32
            %dma_wait3A_299 = tpu.memref_slice %dma_wait3A_297[%add3A_221, %dma_wait3A_298] : memref<18x64xi32, #tpu.memory_space<vmem>> -> memref<1x64xi32, #tpu.memory_space<vmem>>
            %dma_wait3A_300 = tpu.memref_squeeze %dma_wait3A_299 : memref<1x64xi32, #tpu.memory_space<vmem>> -> memref<64xi32, #tpu.memory_space<vmem>>
            %dma_wait3A_301 = arith.constant 0 : i32
            %dma_wait3A_302 = arith.constant 0 : i32
            %dma_wait3A_303 = tpu.memref_slice %arg10[%dma_wait3A_301, %dma_wait3A_302] : memref<10112x144xf32, #tpu.memory_space<vmem_shared>> -> memref<10112x144xf32, #tpu.memory_space<vmem_shared>>
            tpu.wait_indirect_dma semaphore(%arg15 : memref<!tpu.dma_semaphore, #tpu.memory_space<semaphore_mem>>) src(%dma_wait3A_293 : memref<64x144xf32, #tpu.memory_space<vmem>>) dst(%dma_wait3A_303 : memref<10112x144xf32, #tpu.memory_space<vmem_shared>>)
          } else {
          }
          %add3A_272 = arith.constant 2 : i32
          %add3A_273 = arith.addi %add3A_221, %add3A_272 : i32
          %dma_start3A_274 = arith.constant 1 : i32
          %dma_start3A_275 = arith.constant 0 : i32
          %dma_start3A_276 = arith.constant 0 : i32
          %dma_start3A_277 = tpu.memref_slice %arg9[%dma_start3A_274, %dma_start3A_275, %dma_start3A_276] : memref<3x64x144xf32, #tpu.memory_space<vmem>> -> memref<1x64x144xf32, #tpu.memory_space<vmem>>
          %dma_start3A_278 = tpu.memref_squeeze %dma_start3A_277 : memref<1x64x144xf32, #tpu.memory_space<vmem>> -> memref<64x144xf32, #tpu.memory_space<vmem>>
          %dma_start3A_279 = arith.constant 0 : i32
          %dma_start3A_280 = arith.constant 0 : i32
          %dma_start3A_281 = tpu.memref_slice %arg7[%rem3A_109, %dma_start3A_279, %dma_start3A_280] : memref<2x18x64xi32, #tpu.memory_space<vmem>> -> memref<1x18x64xi32, #tpu.memory_space<vmem>>
          %dma_start3A_282 = tpu.memref_squeeze %dma_start3A_281 : memref<1x18x64xi32, #tpu.memory_space<vmem>> -> memref<18x64xi32, #tpu.memory_space<vmem>>
          %dma_start3A_283 = arith.constant 0 : i32
          %dma_start3A_284 = tpu.memref_slice %dma_start3A_282[%add3A_273, %dma_start3A_283] : memref<18x64xi32, #tpu.memory_space<vmem>> -> memref<1x64xi32, #tpu.memory_space<vmem>>
          %dma_start3A_285 = tpu.memref_squeeze %dma_start3A_284 : memref<1x64xi32, #tpu.memory_space<vmem>> -> memref<64xi32, #tpu.memory_space<vmem>>
          %dma_start3A_286 = arith.constant 0 : i32
          %dma_start3A_287 = arith.constant 0 : i32
          %dma_start3A_288 = tpu.memref_slice %arg2[%dma_start3A_286, %dma_start3A_287] : memref<4096x144xf32, #tpu.memory_space<hbm>> -> memref<4096x144xf32, #tpu.memory_space<hbm>>
          tpu.enqueue_indirect_dma source(%dma_start3A_288 : memref<4096x144xf32, #tpu.memory_space<hbm>>) target(%dma_start3A_278 : memref<64x144xf32, #tpu.memory_space<vmem>>) offsets(%dma_start3A_285 : memref<64xi32, #tpu.memory_space<vmem>>) semaphore(%arg12 : memref<!tpu.dma_semaphore, #tpu.memory_space<semaphore_mem>>)
        } else {
        }
        %scan3A_266 = arith.constant 0 : i32
        scf.yield %scan3A_266 : i32
      }
      %scan3A_119 = arith.constant 6 : i32
      %sub3A_120 = arith.constant 1 : i32
      %sub3A_121 = arith.subi %select_n3A, %sub3A_120 : i32
      %lt3A_122 = arith.cmpi slt, %while3A_107, %sub3A_121 : i32
      %convert_element_type3A_123 = arith.extui %lt3A_122 : i1 to i32
      %cond3A_124 = arith.constant 0 : i32
      %cond3A_125 = arith.cmpi ne, %convert_element_type3A_123, %cond3A_124 : i32
      scf.if %cond3A_125 {
        %add3A_127 = arith.constant 1 : i32
        %add3A_128 = arith.addi %while3A_107, %add3A_127 : i32
        %mul3A_129 = arith.constant 18 : i32
        %mul3A_130 = arith.muli %add3A_128, %mul3A_129 : i32
        %add3A_131 = arith.addi %select_n3A_8, %mul3A_130 : i32
        %dma_wait3A_132 = arith.constant 0 : i32
        %dma_wait3A_133 = arith.constant 0 : i32
        %dma_wait3A_134 = tpu.memref_slice %arg7[%sub3A_110, %dma_wait3A_132, %dma_wait3A_133] : memref<2x18x64xi32, #tpu.memory_space<vmem>> -> memref<1x18x64xi32, #tpu.memory_space<vmem>>
        %dma_wait3A_135 = tpu.memref_squeeze %dma_wait3A_134 : memref<1x18x64xi32, #tpu.memory_space<vmem>> -> memref<18x64xi32, #tpu.memory_space<vmem>>
        %dma_wait3A_136 = arith.constant 0 : i32
        %dma_wait3A_137 = tpu.memref_slice %arg3[%add3A_131, %dma_wait3A_136] : memref<5184x64xi32, #tpu.memory_space<hbm>> -> memref<18x64xi32, #tpu.memory_space<hbm>>
        %dma_wait3A_138 = arith.constant 0 : i32
        %dma_wait3A_139 = arith.constant 0 : i32
        %dma_wait3A_140 = tpu.memref_slice %arg7[%sub3A_110, %dma_wait3A_138, %dma_wait3A_139] : memref<2x18x64xi32, #tpu.memory_space<vmem>> -> memref<1x18x64xi32, #tpu.memory_space<vmem>>
        %dma_wait3A_141 = tpu.memref_squeeze %dma_wait3A_140 : memref<1x18x64xi32, #tpu.memory_space<vmem>> -> memref<18x64xi32, #tpu.memory_space<vmem>>
        %dma_wait3A_142 = arith.constant 0 : i32
        %dma_wait3A_143 = tpu.memref_slice %arg3[%add3A_131, %dma_wait3A_142] : memref<5184x64xi32, #tpu.memory_space<hbm>> -> memref<18x64xi32, #tpu.memory_space<hbm>>
        tpu.wait_dma2 semaphore(%arg17 : memref<!tpu.dma_semaphore, #tpu.memory_space<semaphore_mem>>) src(%dma_wait3A_143 : memref<18x64xi32, #tpu.memory_space<hbm>>) dst(%dma_wait3A_141 : memref<18x64xi32, #tpu.memory_space<vmem>>)
        %add3A_144 = arith.constant 1 : i32
        %add3A_145 = arith.addi %while3A_107, %add3A_144 : i32
        %mul3A_146 = arith.constant 18 : i32
        %mul3A_147 = arith.muli %add3A_145, %mul3A_146 : i32
        %add3A_148 = arith.addi %select_n3A_8, %mul3A_147 : i32
        %dma_wait3A_149 = arith.constant 0 : i32
        %dma_wait3A_150 = arith.constant 0 : i32
        %dma_wait3A_151 = tpu.memref_slice %arg8[%sub3A_110, %dma_wait3A_149, %dma_wait3A_150] : memref<2x18x64xi32, #tpu.memory_space<vmem>> -> memref<1x18x64xi32, #tpu.memory_space<vmem>>
        %dma_wait3A_152 = tpu.memref_squeeze %dma_wait3A_151 : memref<1x18x64xi32, #tpu.memory_space<vmem>> -> memref<18x64xi32, #tpu.memory_space<vmem>>
        %dma_wait3A_153 = arith.constant 0 : i32
        %dma_wait3A_154 = tpu.memref_slice %arg4[%add3A_148, %dma_wait3A_153] : memref<5184x64xi32, #tpu.memory_space<hbm>> -> memref<18x64xi32, #tpu.memory_space<hbm>>
        %dma_wait3A_155 = arith.constant 0 : i32
        %dma_wait3A_156 = arith.constant 0 : i32
        %dma_wait3A_157 = tpu.memref_slice %arg8[%sub3A_110, %dma_wait3A_155, %dma_wait3A_156] : memref<2x18x64xi32, #tpu.memory_space<vmem>> -> memref<1x18x64xi32, #tpu.memory_space<vmem>>
        %dma_wait3A_158 = tpu.memref_squeeze %dma_wait3A_157 : memref<1x18x64xi32, #tpu.memory_space<vmem>> -> memref<18x64xi32, #tpu.memory_space<vmem>>
        %dma_wait3A_159 = arith.constant 0 : i32
        %dma_wait3A_160 = tpu.memref_slice %arg4[%add3A_148, %dma_wait3A_159] : memref<5184x64xi32, #tpu.memory_space<hbm>> -> memref<18x64xi32, #tpu.memory_space<hbm>>
        tpu.wait_dma2 semaphore(%arg17 : memref<!tpu.dma_semaphore, #tpu.memory_space<semaphore_mem>>) src(%dma_wait3A_160 : memref<18x64xi32, #tpu.memory_space<hbm>>) dst(%dma_wait3A_158 : memref<18x64xi32, #tpu.memory_space<vmem>>)
        %dma_wait3A_161 = arith.constant 0 : i32
        %dma_wait3A_162 = arith.constant 0 : i32
        %dma_wait3A_163 = arith.constant 0 : i32
        %dma_wait3A_164 = arith.constant 0 : i32
        %dma_wait3A_165 = tpu.memref_slice %arg9[%dma_wait3A_161, %dma_wait3A_163, %dma_wait3A_164] : memref<3x64x144xf32, #tpu.memory_space<vmem>> -> memref<1x64x144xf32, #tpu.memory_space<vmem>>
        %dma_wait3A_166 = tpu.memref_squeeze %dma_wait3A_165 : memref<1x64x144xf32, #tpu.memory_space<vmem>> -> memref<64x144xf32, #tpu.memory_space<vmem>>
        %dma_wait3A_167 = arith.constant 0 : i32
        %dma_wait3A_168 = arith.constant 0 : i32
        %dma_wait3A_169 = tpu.memref_slice %arg8[%sub3A_110, %dma_wait3A_167, %dma_wait3A_168] : memref<2x18x64xi32, #tpu.memory_space<vmem>> -> memref<1x18x64xi32, #tpu.memory_space<vmem>>
        %dma_wait3A_170 = tpu.memref_squeeze %dma_wait3A_169 : memref<1x18x64xi32, #tpu.memory_space<vmem>> -> memref<18x64xi32, #tpu.memory_space<vmem>>
        %dma_wait3A_171 = arith.constant 0 : i32
        %dma_wait3A_172 = tpu.memref_slice %dma_wait3A_170[%dma_wait3A_162, %dma_wait3A_171] : memref<18x64xi32, #tpu.memory_space<vmem>> -> memref<1x64xi32, #tpu.memory_space<vmem>>
        %dma_wait3A_173 = tpu.memref_squeeze %dma_wait3A_172 : memref<1x64xi32, #tpu.memory_space<vmem>> -> memref<64xi32, #tpu.memory_space<vmem>>
        %dma_wait3A_174 = arith.constant 0 : i32
        %dma_wait3A_175 = arith.constant 0 : i32
        %dma_wait3A_176 = tpu.memref_slice %arg10[%dma_wait3A_174, %dma_wait3A_175] : memref<10112x144xf32, #tpu.memory_space<vmem_shared>> -> memref<10112x144xf32, #tpu.memory_space<vmem_shared>>
        tpu.wait_indirect_dma semaphore(%arg14 : memref<!tpu.dma_semaphore, #tpu.memory_space<semaphore_mem>>) src(%dma_wait3A_166 : memref<64x144xf32, #tpu.memory_space<vmem>>) dst(%dma_wait3A_176 : memref<10112x144xf32, #tpu.memory_space<vmem_shared>>)
        %dma_start3A_177 = arith.constant 0 : i32
        %dma_start3A_178 = arith.constant 0 : i32
        %dma_start3A_179 = arith.constant 0 : i32
        %dma_start3A_180 = arith.constant 0 : i32
        %dma_start3A_181 = tpu.memref_slice %arg9[%dma_start3A_178, %dma_start3A_179, %dma_start3A_180] : memref<3x64x144xf32, #tpu.memory_space<vmem>> -> memref<1x64x144xf32, #tpu.memory_space<vmem>>
        %dma_start3A_182 = tpu.memref_squeeze %dma_start3A_181 : memref<1x64x144xf32, #tpu.memory_space<vmem>> -> memref<64x144xf32, #tpu.memory_space<vmem>>
        %dma_start3A_183 = arith.constant 0 : i32
        %dma_start3A_184 = arith.constant 0 : i32
        %dma_start3A_185 = tpu.memref_slice %arg7[%sub3A_110, %dma_start3A_183, %dma_start3A_184] : memref<2x18x64xi32, #tpu.memory_space<vmem>> -> memref<1x18x64xi32, #tpu.memory_space<vmem>>
        %dma_start3A_186 = tpu.memref_squeeze %dma_start3A_185 : memref<1x18x64xi32, #tpu.memory_space<vmem>> -> memref<18x64xi32, #tpu.memory_space<vmem>>
        %dma_start3A_187 = arith.constant 0 : i32
        %dma_start3A_188 = tpu.memref_slice %dma_start3A_186[%dma_start3A_177, %dma_start3A_187] : memref<18x64xi32, #tpu.memory_space<vmem>> -> memref<1x64xi32, #tpu.memory_space<vmem>>
        %dma_start3A_189 = tpu.memref_squeeze %dma_start3A_188 : memref<1x64xi32, #tpu.memory_space<vmem>> -> memref<64xi32, #tpu.memory_space<vmem>>
        %dma_start3A_190 = arith.constant 0 : i32
        %dma_start3A_191 = arith.constant 0 : i32
        %dma_start3A_192 = tpu.memref_slice %arg2[%dma_start3A_190, %dma_start3A_191] : memref<4096x144xf32, #tpu.memory_space<hbm>> -> memref<4096x144xf32, #tpu.memory_space<hbm>>
        tpu.enqueue_indirect_dma source(%dma_start3A_192 : memref<4096x144xf32, #tpu.memory_space<hbm>>) target(%dma_start3A_182 : memref<64x144xf32, #tpu.memory_space<vmem>>) offsets(%dma_start3A_189 : memref<64xi32, #tpu.memory_space<vmem>>) semaphore(%arg11 : memref<!tpu.dma_semaphore, #tpu.memory_space<semaphore_mem>>)
        %dma_wait3A_193 = arith.constant 1 : i32
        %dma_wait3A_194 = arith.constant 1 : i32
        %dma_wait3A_195 = arith.constant 0 : i32
        %dma_wait3A_196 = arith.constant 0 : i32
        %dma_wait3A_197 = tpu.memref_slice %arg9[%dma_wait3A_193, %dma_wait3A_195, %dma_wait3A_196] : memref<3x64x144xf32, #tpu.memory_space<vmem>> -> memref<1x64x144xf32, #tpu.memory_space<vmem>>
        %dma_wait3A_198 = tpu.memref_squeeze %dma_wait3A_197 : memref<1x64x144xf32, #tpu.memory_space<vmem>> -> memref<64x144xf32, #tpu.memory_space<vmem>>
        %dma_wait3A_199 = arith.constant 0 : i32
        %dma_wait3A_200 = arith.constant 0 : i32
        %dma_wait3A_201 = tpu.memref_slice %arg8[%sub3A_110, %dma_wait3A_199, %dma_wait3A_200] : memref<2x18x64xi32, #tpu.memory_space<vmem>> -> memref<1x18x64xi32, #tpu.memory_space<vmem>>
        %dma_wait3A_202 = tpu.memref_squeeze %dma_wait3A_201 : memref<1x18x64xi32, #tpu.memory_space<vmem>> -> memref<18x64xi32, #tpu.memory_space<vmem>>
        %dma_wait3A_203 = arith.constant 0 : i32
        %dma_wait3A_204 = tpu.memref_slice %dma_wait3A_202[%dma_wait3A_194, %dma_wait3A_203] : memref<18x64xi32, #tpu.memory_space<vmem>> -> memref<1x64xi32, #tpu.memory_space<vmem>>
        %dma_wait3A_205 = tpu.memref_squeeze %dma_wait3A_204 : memref<1x64xi32, #tpu.memory_space<vmem>> -> memref<64xi32, #tpu.memory_space<vmem>>
        %dma_wait3A_206 = arith.constant 0 : i32
        %dma_wait3A_207 = arith.constant 0 : i32
        %dma_wait3A_208 = tpu.memref_slice %arg10[%dma_wait3A_206, %dma_wait3A_207] : memref<10112x144xf32, #tpu.memory_space<vmem_shared>> -> memref<10112x144xf32, #tpu.memory_space<vmem_shared>>
        tpu.wait_indirect_dma semaphore(%arg15 : memref<!tpu.dma_semaphore, #tpu.memory_space<semaphore_mem>>) src(%dma_wait3A_198 : memref<64x144xf32, #tpu.memory_space<vmem>>) dst(%dma_wait3A_208 : memref<10112x144xf32, #tpu.memory_space<vmem_shared>>)
        %dma_start3A_209 = arith.constant 1 : i32
        %dma_start3A_210 = arith.constant 1 : i32
        %dma_start3A_211 = arith.constant 0 : i32
        %dma_start3A_212 = arith.constant 0 : i32
        %dma_start3A_213 = tpu.memref_slice %arg9[%dma_start3A_210, %dma_start3A_211, %dma_start3A_212] : memref<3x64x144xf32, #tpu.memory_space<vmem>> -> memref<1x64x144xf32, #tpu.memory_space<vmem>>
        %dma_start3A_214 = tpu.memref_squeeze %dma_start3A_213 : memref<1x64x144xf32, #tpu.memory_space<vmem>> -> memref<64x144xf32, #tpu.memory_space<vmem>>
        %dma_start3A_215 = arith.constant 0 : i32
        %dma_start3A_216 = arith.constant 0 : i32
        %dma_start3A_217 = tpu.memref_slice %arg7[%sub3A_110, %dma_start3A_215, %dma_start3A_216] : memref<2x18x64xi32, #tpu.memory_space<vmem>> -> memref<1x18x64xi32, #tpu.memory_space<vmem>>
        %dma_start3A_218 = tpu.memref_squeeze %dma_start3A_217 : memref<1x18x64xi32, #tpu.memory_space<vmem>> -> memref<18x64xi32, #tpu.memory_space<vmem>>
        %dma_start3A_219 = arith.constant 0 : i32
        %dma_start3A_220 = tpu.memref_slice %dma_start3A_218[%dma_start3A_209, %dma_start3A_219] : memref<18x64xi32, #tpu.memory_space<vmem>> -> memref<1x64xi32, #tpu.memory_space<vmem>>
        %dma_start3A_221 = tpu.memref_squeeze %dma_start3A_220 : memref<1x64xi32, #tpu.memory_space<vmem>> -> memref<64xi32, #tpu.memory_space<vmem>>
        %dma_start3A_222 = arith.constant 0 : i32
        %dma_start3A_223 = arith.constant 0 : i32
        %dma_start3A_224 = tpu.memref_slice %arg2[%dma_start3A_222, %dma_start3A_223] : memref<4096x144xf32, #tpu.memory_space<hbm>> -> memref<4096x144xf32, #tpu.memory_space<hbm>>
        tpu.enqueue_indirect_dma source(%dma_start3A_224 : memref<4096x144xf32, #tpu.memory_space<hbm>>) target(%dma_start3A_214 : memref<64x144xf32, #tpu.memory_space<vmem>>) offsets(%dma_start3A_221 : memref<64xi32, #tpu.memory_space<vmem>>) semaphore(%arg12 : memref<!tpu.dma_semaphore, #tpu.memory_space<semaphore_mem>>)
      } else {
      }
      %while3A_126 = arith.constant 0 : i32
      scf.yield %while3A_126 : i32
    }
    %while3A_54 = arith.constant 1 : i32
    %while3A_55 = scf.for %while3A_107 = %while3A_51 to %while3A_47 step %while3A_54 iter_args(%while3A_108 = %while3A_53) -> (i32)  : i32 {
      %rem3A = arith.constant 2 : i32
      %rem3A_109 = arith.remsi %while3A_107, %rem3A : i32
      %sub3A = arith.constant 1 : i32
      %sub3A_110 = arith.subi %sub3A, %rem3A_109 : i32
      %sub3A_111 = arith.constant 1 : i32
      %sub3A_112 = arith.subi %select_n3A, %sub3A_111 : i32
      %lt3A = arith.cmpi slt, %while3A_107, %sub3A_112 : i32
      %convert_element_type3A = arith.extui %lt3A : i1 to i32
      %cond3A = arith.constant 0 : i32
      %cond3A_113 = arith.cmpi ne, %convert_element_type3A, %cond3A : i32
      scf.if %cond3A_113 {
        %add3A_127 = arith.constant 1 : i32
        %add3A_128 = arith.addi %while3A_107, %add3A_127 : i32
        %mul3A_129 = arith.constant 18 : i32
        %mul3A_130 = arith.muli %add3A_128, %mul3A_129 : i32
        %add3A_131 = arith.addi %select_n3A_8, %mul3A_130 : i32
        %dma_start3A_132 = arith.constant 0 : i32
        %dma_start3A_133 = arith.constant 0 : i32
        %dma_start3A_134 = tpu.memref_slice %arg7[%sub3A_110, %dma_start3A_132, %dma_start3A_133] : memref<2x18x64xi32, #tpu.memory_space<vmem>> -> memref<1x18x64xi32, #tpu.memory_space<vmem>>
        %dma_start3A_135 = tpu.memref_squeeze %dma_start3A_134 : memref<1x18x64xi32, #tpu.memory_space<vmem>> -> memref<18x64xi32, #tpu.memory_space<vmem>>
        %dma_start3A_136 = arith.constant 0 : i32
        %dma_start3A_137 = tpu.memref_slice %arg3[%add3A_131, %dma_start3A_136] : memref<5184x64xi32, #tpu.memory_space<hbm>> -> memref<18x64xi32, #tpu.memory_space<hbm>>
        %dma_start3A_138 = arith.constant 0 : i32
        %dma_start3A_139 = arith.constant 0 : i32
        %dma_start3A_140 = tpu.memref_slice %arg7[%sub3A_110, %dma_start3A_138, %dma_start3A_139] : memref<2x18x64xi32, #tpu.memory_space<vmem>> -> memref<1x18x64xi32, #tpu.memory_space<vmem>>
        %dma_start3A_141 = tpu.memref_squeeze %dma_start3A_140 : memref<1x18x64xi32, #tpu.memory_space<vmem>> -> memref<18x64xi32, #tpu.memory_space<vmem>>
        %dma_start3A_142 = arith.constant 0 : i32
        %dma_start3A_143 = tpu.memref_slice %arg3[%add3A_131, %dma_start3A_142] : memref<5184x64xi32, #tpu.memory_space<hbm>> -> memref<18x64xi32, #tpu.memory_space<hbm>>
        tpu.enqueue_dma source(%dma_start3A_143 : memref<18x64xi32, #tpu.memory_space<hbm>>) target(%dma_start3A_141 : memref<18x64xi32, #tpu.memory_space<vmem>>) target_semaphore(%arg17 : memref<!tpu.dma_semaphore, #tpu.memory_space<semaphore_mem>>)
        %add3A_144 = arith.constant 1 : i32
        %add3A_145 = arith.addi %while3A_107, %add3A_144 : i32
        %mul3A_146 = arith.constant 18 : i32
        %mul3A_147 = arith.muli %add3A_145, %mul3A_146 : i32
        %add3A_148 = arith.addi %select_n3A_8, %mul3A_147 : i32
        %dma_start3A_149 = arith.constant 0 : i32
        %dma_start3A_150 = arith.constant 0 : i32
        %dma_start3A_151 = tpu.memref_slice %arg8[%sub3A_110, %dma_start3A_149, %dma_start3A_150] : memref<2x18x64xi32, #tpu.memory_space<vmem>> -> memref<1x18x64xi32, #tpu.memory_space<vmem>>
        %dma_start3A_152 = tpu.memref_squeeze %dma_start3A_151 : memref<1x18x64xi32, #tpu.memory_space<vmem>> -> memref<18x64xi32, #tpu.memory_space<vmem>>
        %dma_start3A_153 = arith.constant 0 : i32
        %dma_start3A_154 = tpu.memref_slice %arg4[%add3A_148, %dma_start3A_153] : memref<5184x64xi32, #tpu.memory_space<hbm>> -> memref<18x64xi32, #tpu.memory_space<hbm>>
        %dma_start3A_155 = arith.constant 0 : i32
        %dma_start3A_156 = arith.constant 0 : i32
        %dma_start3A_157 = tpu.memref_slice %arg8[%sub3A_110, %dma_start3A_155, %dma_start3A_156] : memref<2x18x64xi32, #tpu.memory_space<vmem>> -> memref<1x18x64xi32, #tpu.memory_space<vmem>>
        %dma_start3A_158 = tpu.memref_squeeze %dma_start3A_157 : memref<1x18x64xi32, #tpu.memory_space<vmem>> -> memref<18x64xi32, #tpu.memory_space<vmem>>
        %dma_start3A_159 = arith.constant 0 : i32
        %dma_start3A_160 = tpu.memref_slice %arg4[%add3A_148, %dma_start3A_159] : memref<5184x64xi32, #tpu.memory_space<hbm>> -> memref<18x64xi32, #tpu.memory_space<hbm>>
        tpu.enqueue_dma source(%dma_start3A_160 : memref<18x64xi32, #tpu.memory_space<hbm>>) target(%dma_start3A_158 : memref<18x64xi32, #tpu.memory_space<vmem>>) target_semaphore(%arg17 : memref<!tpu.dma_semaphore, #tpu.memory_space<semaphore_mem>>)
      } else {
      }
      %scan3A = arith.constant 0 : i32
      %scan3A_114 = arith.constant 0 : i32
      %scan3A_115 = arith.constant 6 : i32
      %scan3A_116 = arith.addi %scan3A_114, %scan3A_115 : i32
      %scan3A_117 = arith.constant 1 : i32
      %scan3A_118 = scf.for %scan3A_127 = %scan3A_114 to %scan3A_116 step %scan3A_117 iter_args(%scan3A_128 = %scan3A) -> (i32)  : i32 {
        %mul3A_129 = arith.constant 3 : i32
        %mul3A_130 = arith.muli %scan3A_127, %mul3A_129 : i32
        %add3A_131 = arith.constant 0 : i32
        %add3A_132 = arith.addi %mul3A_130, %add3A_131 : i32
        %mul3A_133 = arith.constant 18 : i32
        %mul3A_134 = arith.muli %while3A_107, %mul3A_133 : i32
        %add3A_135 = arith.addi %mul3A_134, %add3A_132 : i32
        %dma_wait3A_136 = arith.constant 0 : i32
        %dma_wait3A_137 = arith.constant 0 : i32
        %dma_wait3A_138 = arith.constant 0 : i32
        %dma_wait3A_139 = tpu.memref_slice %arg9[%dma_wait3A_136, %dma_wait3A_137, %dma_wait3A_138] : memref<3x64x144xf32, #tpu.memory_space<vmem>> -> memref<1x64x144xf32, #tpu.memory_space<vmem>>
        %dma_wait3A_140 = tpu.memref_squeeze %dma_wait3A_139 : memref<1x64x144xf32, #tpu.memory_space<vmem>> -> memref<64x144xf32, #tpu.memory_space<vmem>>
        %dma_wait3A_141 = arith.constant 0 : i32
        %dma_wait3A_142 = arith.constant 0 : i32
        %dma_wait3A_143 = tpu.memref_slice %arg7[%rem3A_109, %dma_wait3A_141, %dma_wait3A_142] : memref<2x18x64xi32, #tpu.memory_space<vmem>> -> memref<1x18x64xi32, #tpu.memory_space<vmem>>
        %dma_wait3A_144 = tpu.memref_squeeze %dma_wait3A_143 : memref<1x18x64xi32, #tpu.memory_space<vmem>> -> memref<18x64xi32, #tpu.memory_space<vmem>>
        %dma_wait3A_145 = arith.constant 0 : i32
        %dma_wait3A_146 = tpu.memref_slice %dma_wait3A_144[%add3A_132, %dma_wait3A_145] : memref<18x64xi32, #tpu.memory_space<vmem>> -> memref<1x64xi32, #tpu.memory_space<vmem>>
        %dma_wait3A_147 = tpu.memref_squeeze %dma_wait3A_146 : memref<1x64xi32, #tpu.memory_space<vmem>> -> memref<64xi32, #tpu.memory_space<vmem>>
        %dma_wait3A_148 = arith.constant 0 : i32
        %dma_wait3A_149 = arith.constant 0 : i32
        %dma_wait3A_150 = tpu.memref_slice %arg2[%dma_wait3A_148, %dma_wait3A_149] : memref<4096x144xf32, #tpu.memory_space<hbm>> -> memref<4096x144xf32, #tpu.memory_space<hbm>>
        tpu.wait_indirect_dma semaphore(%arg11 : memref<!tpu.dma_semaphore, #tpu.memory_space<semaphore_mem>>) src(%dma_wait3A_150 : memref<4096x144xf32, #tpu.memory_space<hbm>>) dst(%dma_wait3A_140 : memref<64x144xf32, #tpu.memory_space<vmem>>)
        %dma_start3A_151 = arith.constant 0 : i32
        %dma_start3A_152 = arith.constant 0 : i32
        %dma_start3A_153 = arith.constant 0 : i32
        %dma_start3A_154 = tpu.memref_slice %arg9[%dma_start3A_151, %dma_start3A_152, %dma_start3A_153] : memref<3x64x144xf32, #tpu.memory_space<vmem>> -> memref<1x64x144xf32, #tpu.memory_space<vmem>>
        %dma_start3A_155 = tpu.memref_squeeze %dma_start3A_154 : memref<1x64x144xf32, #tpu.memory_space<vmem>> -> memref<64x144xf32, #tpu.memory_space<vmem>>
        %dma_start3A_156 = arith.constant 0 : i32
        %dma_start3A_157 = arith.constant 0 : i32
        %dma_start3A_158 = tpu.memref_slice %arg8[%rem3A_109, %dma_start3A_156, %dma_start3A_157] : memref<2x18x64xi32, #tpu.memory_space<vmem>> -> memref<1x18x64xi32, #tpu.memory_space<vmem>>
        %dma_start3A_159 = tpu.memref_squeeze %dma_start3A_158 : memref<1x18x64xi32, #tpu.memory_space<vmem>> -> memref<18x64xi32, #tpu.memory_space<vmem>>
        %dma_start3A_160 = arith.constant 0 : i32
        %dma_start3A_161 = tpu.memref_slice %dma_start3A_159[%add3A_132, %dma_start3A_160] : memref<18x64xi32, #tpu.memory_space<vmem>> -> memref<1x64xi32, #tpu.memory_space<vmem>>
        %dma_start3A_162 = tpu.memref_squeeze %dma_start3A_161 : memref<1x64xi32, #tpu.memory_space<vmem>> -> memref<64xi32, #tpu.memory_space<vmem>>
        %dma_start3A_163 = arith.constant 0 : i32
        %dma_start3A_164 = arith.constant 0 : i32
        %dma_start3A_165 = tpu.memref_slice %arg10[%dma_start3A_163, %dma_start3A_164] : memref<10112x144xf32, #tpu.memory_space<vmem_shared>> -> memref<10112x144xf32, #tpu.memory_space<vmem_shared>>
        tpu.enqueue_indirect_dma source(%dma_start3A_155 : memref<64x144xf32, #tpu.memory_space<vmem>>) target(%dma_start3A_165 : memref<10112x144xf32, #tpu.memory_space<vmem_shared>>) offsets(%dma_start3A_162 : memref<64xi32, #tpu.memory_space<vmem>>) semaphore(%arg14 : memref<!tpu.dma_semaphore, #tpu.memory_space<semaphore_mem>>) {add = true}
        %ge3A = arith.constant 0 : i32
        %ge3A_166 = arith.cmpi sge, %add3A_135, %ge3A : i32
        %convert_element_type3A_167 = arith.extui %ge3A_166 : i1 to i32
        %cond3A_168 = arith.constant 0 : i32
        %cond3A_169 = arith.cmpi ne, %convert_element_type3A_167, %cond3A_168 : i32
        scf.if %cond3A_169 {
          %ge3A_267 = arith.constant 1 : i32
          %ge3A_268 = arith.cmpi sge, %add3A_135, %ge3A_267 : i32
          %convert_element_type3A_269 = arith.extui %ge3A_268 : i1 to i32
          %cond3A_270 = arith.constant 0 : i32
          %cond3A_271 = arith.cmpi ne, %convert_element_type3A_269, %cond3A_270 : i32
          scf.if %cond3A_271 {
            %dma_wait3A_289 = arith.constant 2 : i32
            %dma_wait3A_290 = arith.constant 0 : i32
            %dma_wait3A_291 = arith.constant 0 : i32
            %dma_wait3A_292 = tpu.memref_slice %arg9[%dma_wait3A_289, %dma_wait3A_290, %dma_wait3A_291] : memref<3x64x144xf32, #tpu.memory_space<vmem>> -> memref<1x64x144xf32, #tpu.memory_space<vmem>>
            %dma_wait3A_293 = tpu.memref_squeeze %dma_wait3A_292 : memref<1x64x144xf32, #tpu.memory_space<vmem>> -> memref<64x144xf32, #tpu.memory_space<vmem>>
            %dma_wait3A_294 = arith.constant 0 : i32
            %dma_wait3A_295 = arith.constant 0 : i32
            %dma_wait3A_296 = tpu.memref_slice %arg8[%rem3A_109, %dma_wait3A_294, %dma_wait3A_295] : memref<2x18x64xi32, #tpu.memory_space<vmem>> -> memref<1x18x64xi32, #tpu.memory_space<vmem>>
            %dma_wait3A_297 = tpu.memref_squeeze %dma_wait3A_296 : memref<1x18x64xi32, #tpu.memory_space<vmem>> -> memref<18x64xi32, #tpu.memory_space<vmem>>
            %dma_wait3A_298 = arith.constant 0 : i32
            %dma_wait3A_299 = tpu.memref_slice %dma_wait3A_297[%add3A_132, %dma_wait3A_298] : memref<18x64xi32, #tpu.memory_space<vmem>> -> memref<1x64xi32, #tpu.memory_space<vmem>>
            %dma_wait3A_300 = tpu.memref_squeeze %dma_wait3A_299 : memref<1x64xi32, #tpu.memory_space<vmem>> -> memref<64xi32, #tpu.memory_space<vmem>>
            %dma_wait3A_301 = arith.constant 0 : i32
            %dma_wait3A_302 = arith.constant 0 : i32
            %dma_wait3A_303 = tpu.memref_slice %arg10[%dma_wait3A_301, %dma_wait3A_302] : memref<10112x144xf32, #tpu.memory_space<vmem_shared>> -> memref<10112x144xf32, #tpu.memory_space<vmem_shared>>
            tpu.wait_indirect_dma semaphore(%arg16 : memref<!tpu.dma_semaphore, #tpu.memory_space<semaphore_mem>>) src(%dma_wait3A_293 : memref<64x144xf32, #tpu.memory_space<vmem>>) dst(%dma_wait3A_303 : memref<10112x144xf32, #tpu.memory_space<vmem_shared>>)
          } else {
          }
          %add3A_272 = arith.constant 2 : i32
          %add3A_273 = arith.addi %add3A_132, %add3A_272 : i32
          %dma_start3A_274 = arith.constant 2 : i32
          %dma_start3A_275 = arith.constant 0 : i32
          %dma_start3A_276 = arith.constant 0 : i32
          %dma_start3A_277 = tpu.memref_slice %arg9[%dma_start3A_274, %dma_start3A_275, %dma_start3A_276] : memref<3x64x144xf32, #tpu.memory_space<vmem>> -> memref<1x64x144xf32, #tpu.memory_space<vmem>>
          %dma_start3A_278 = tpu.memref_squeeze %dma_start3A_277 : memref<1x64x144xf32, #tpu.memory_space<vmem>> -> memref<64x144xf32, #tpu.memory_space<vmem>>
          %dma_start3A_279 = arith.constant 0 : i32
          %dma_start3A_280 = arith.constant 0 : i32
          %dma_start3A_281 = tpu.memref_slice %arg7[%rem3A_109, %dma_start3A_279, %dma_start3A_280] : memref<2x18x64xi32, #tpu.memory_space<vmem>> -> memref<1x18x64xi32, #tpu.memory_space<vmem>>
          %dma_start3A_282 = tpu.memref_squeeze %dma_start3A_281 : memref<1x18x64xi32, #tpu.memory_space<vmem>> -> memref<18x64xi32, #tpu.memory_space<vmem>>
          %dma_start3A_283 = arith.constant 0 : i32
          %dma_start3A_284 = tpu.memref_slice %dma_start3A_282[%add3A_273, %dma_start3A_283] : memref<18x64xi32, #tpu.memory_space<vmem>> -> memref<1x64xi32, #tpu.memory_space<vmem>>
          %dma_start3A_285 = tpu.memref_squeeze %dma_start3A_284 : memref<1x64xi32, #tpu.memory_space<vmem>> -> memref<64xi32, #tpu.memory_space<vmem>>
          %dma_start3A_286 = arith.constant 0 : i32
          %dma_start3A_287 = arith.constant 0 : i32
          %dma_start3A_288 = tpu.memref_slice %arg2[%dma_start3A_286, %dma_start3A_287] : memref<4096x144xf32, #tpu.memory_space<hbm>> -> memref<4096x144xf32, #tpu.memory_space<hbm>>
          tpu.enqueue_indirect_dma source(%dma_start3A_288 : memref<4096x144xf32, #tpu.memory_space<hbm>>) target(%dma_start3A_278 : memref<64x144xf32, #tpu.memory_space<vmem>>) offsets(%dma_start3A_285 : memref<64xi32, #tpu.memory_space<vmem>>) semaphore(%arg13 : memref<!tpu.dma_semaphore, #tpu.memory_space<semaphore_mem>>)
        } else {
        }
        %mul3A_170 = arith.constant 3 : i32
        %mul3A_171 = arith.muli %scan3A_127, %mul3A_170 : i32
        %add3A_172 = arith.constant 1 : i32
        %add3A_173 = arith.addi %mul3A_171, %add3A_172 : i32
        %mul3A_174 = arith.constant 18 : i32
        %mul3A_175 = arith.muli %while3A_107, %mul3A_174 : i32
        %add3A_176 = arith.addi %mul3A_175, %add3A_173 : i32
        %dma_wait3A_177 = arith.constant 1 : i32
        %dma_wait3A_178 = arith.constant 0 : i32
        %dma_wait3A_179 = arith.constant 0 : i32
        %dma_wait3A_180 = tpu.memref_slice %arg9[%dma_wait3A_177, %dma_wait3A_178, %dma_wait3A_179] : memref<3x64x144xf32, #tpu.memory_space<vmem>> -> memref<1x64x144xf32, #tpu.memory_space<vmem>>
        %dma_wait3A_181 = tpu.memref_squeeze %dma_wait3A_180 : memref<1x64x144xf32, #tpu.memory_space<vmem>> -> memref<64x144xf32, #tpu.memory_space<vmem>>
        %dma_wait3A_182 = arith.constant 0 : i32
        %dma_wait3A_183 = arith.constant 0 : i32
        %dma_wait3A_184 = tpu.memref_slice %arg7[%rem3A_109, %dma_wait3A_182, %dma_wait3A_183] : memref<2x18x64xi32, #tpu.memory_space<vmem>> -> memref<1x18x64xi32, #tpu.memory_space<vmem>>
        %dma_wait3A_185 = tpu.memref_squeeze %dma_wait3A_184 : memref<1x18x64xi32, #tpu.memory_space<vmem>> -> memref<18x64xi32, #tpu.memory_space<vmem>>
        %dma_wait3A_186 = arith.constant 0 : i32
        %dma_wait3A_187 = tpu.memref_slice %dma_wait3A_185[%add3A_173, %dma_wait3A_186] : memref<18x64xi32, #tpu.memory_space<vmem>> -> memref<1x64xi32, #tpu.memory_space<vmem>>
        %dma_wait3A_188 = tpu.memref_squeeze %dma_wait3A_187 : memref<1x64xi32, #tpu.memory_space<vmem>> -> memref<64xi32, #tpu.memory_space<vmem>>
        %dma_wait3A_189 = arith.constant 0 : i32
        %dma_wait3A_190 = arith.constant 0 : i32
        %dma_wait3A_191 = tpu.memref_slice %arg2[%dma_wait3A_189, %dma_wait3A_190] : memref<4096x144xf32, #tpu.memory_space<hbm>> -> memref<4096x144xf32, #tpu.memory_space<hbm>>
        tpu.wait_indirect_dma semaphore(%arg12 : memref<!tpu.dma_semaphore, #tpu.memory_space<semaphore_mem>>) src(%dma_wait3A_191 : memref<4096x144xf32, #tpu.memory_space<hbm>>) dst(%dma_wait3A_181 : memref<64x144xf32, #tpu.memory_space<vmem>>)
        %dma_start3A_192 = arith.constant 1 : i32
        %dma_start3A_193 = arith.constant 0 : i32
        %dma_start3A_194 = arith.constant 0 : i32
        %dma_start3A_195 = tpu.memref_slice %arg9[%dma_start3A_192, %dma_start3A_193, %dma_start3A_194] : memref<3x64x144xf32, #tpu.memory_space<vmem>> -> memref<1x64x144xf32, #tpu.memory_space<vmem>>
        %dma_start3A_196 = tpu.memref_squeeze %dma_start3A_195 : memref<1x64x144xf32, #tpu.memory_space<vmem>> -> memref<64x144xf32, #tpu.memory_space<vmem>>
        %dma_start3A_197 = arith.constant 0 : i32
        %dma_start3A_198 = arith.constant 0 : i32
        %dma_start3A_199 = tpu.memref_slice %arg8[%rem3A_109, %dma_start3A_197, %dma_start3A_198] : memref<2x18x64xi32, #tpu.memory_space<vmem>> -> memref<1x18x64xi32, #tpu.memory_space<vmem>>
        %dma_start3A_200 = tpu.memref_squeeze %dma_start3A_199 : memref<1x18x64xi32, #tpu.memory_space<vmem>> -> memref<18x64xi32, #tpu.memory_space<vmem>>
        %dma_start3A_201 = arith.constant 0 : i32
        %dma_start3A_202 = tpu.memref_slice %dma_start3A_200[%add3A_173, %dma_start3A_201] : memref<18x64xi32, #tpu.memory_space<vmem>> -> memref<1x64xi32, #tpu.memory_space<vmem>>
        %dma_start3A_203 = tpu.memref_squeeze %dma_start3A_202 : memref<1x64xi32, #tpu.memory_space<vmem>> -> memref<64xi32, #tpu.memory_space<vmem>>
        %dma_start3A_204 = arith.constant 0 : i32
        %dma_start3A_205 = arith.constant 0 : i32
        %dma_start3A_206 = tpu.memref_slice %arg10[%dma_start3A_204, %dma_start3A_205] : memref<10112x144xf32, #tpu.memory_space<vmem_shared>> -> memref<10112x144xf32, #tpu.memory_space<vmem_shared>>
        tpu.enqueue_indirect_dma source(%dma_start3A_196 : memref<64x144xf32, #tpu.memory_space<vmem>>) target(%dma_start3A_206 : memref<10112x144xf32, #tpu.memory_space<vmem_shared>>) offsets(%dma_start3A_203 : memref<64xi32, #tpu.memory_space<vmem>>) semaphore(%arg15 : memref<!tpu.dma_semaphore, #tpu.memory_space<semaphore_mem>>) {add = true}
        %mul3A_207 = arith.constant 3 : i32
        %mul3A_208 = arith.muli %scan3A_127, %mul3A_207 : i32
        %add3A_209 = arith.constant 1 : i32
        %add3A_210 = arith.addi %mul3A_208, %add3A_209 : i32
        %add3A_211 = arith.constant 2 : i32
        %add3A_212 = arith.addi %add3A_210, %add3A_211 : i32
        %lt3A_213 = arith.constant 18 : i32
        %lt3A_214 = arith.cmpi slt, %add3A_212, %lt3A_213 : i32
        %convert_element_type3A_215 = arith.extui %lt3A_214 : i1 to i32
        %cond3A_216 = arith.constant 0 : i32
        %cond3A_217 = arith.cmpi ne, %convert_element_type3A_215, %cond3A_216 : i32
        scf.if %cond3A_217 {
          %ge3A_267 = arith.constant 1 : i32
          %ge3A_268 = arith.cmpi sge, %add3A_176, %ge3A_267 : i32
          %convert_element_type3A_269 = arith.extui %ge3A_268 : i1 to i32
          %cond3A_270 = arith.constant 0 : i32
          %cond3A_271 = arith.cmpi ne, %convert_element_type3A_269, %cond3A_270 : i32
          scf.if %cond3A_271 {
            %dma_wait3A_289 = arith.constant 0 : i32
            %dma_wait3A_290 = arith.constant 0 : i32
            %dma_wait3A_291 = arith.constant 0 : i32
            %dma_wait3A_292 = tpu.memref_slice %arg9[%dma_wait3A_289, %dma_wait3A_290, %dma_wait3A_291] : memref<3x64x144xf32, #tpu.memory_space<vmem>> -> memref<1x64x144xf32, #tpu.memory_space<vmem>>
            %dma_wait3A_293 = tpu.memref_squeeze %dma_wait3A_292 : memref<1x64x144xf32, #tpu.memory_space<vmem>> -> memref<64x144xf32, #tpu.memory_space<vmem>>
            %dma_wait3A_294 = arith.constant 0 : i32
            %dma_wait3A_295 = arith.constant 0 : i32
            %dma_wait3A_296 = tpu.memref_slice %arg8[%rem3A_109, %dma_wait3A_294, %dma_wait3A_295] : memref<2x18x64xi32, #tpu.memory_space<vmem>> -> memref<1x18x64xi32, #tpu.memory_space<vmem>>
            %dma_wait3A_297 = tpu.memref_squeeze %dma_wait3A_296 : memref<1x18x64xi32, #tpu.memory_space<vmem>> -> memref<18x64xi32, #tpu.memory_space<vmem>>
            %dma_wait3A_298 = arith.constant 0 : i32
            %dma_wait3A_299 = tpu.memref_slice %dma_wait3A_297[%add3A_173, %dma_wait3A_298] : memref<18x64xi32, #tpu.memory_space<vmem>> -> memref<1x64xi32, #tpu.memory_space<vmem>>
            %dma_wait3A_300 = tpu.memref_squeeze %dma_wait3A_299 : memref<1x64xi32, #tpu.memory_space<vmem>> -> memref<64xi32, #tpu.memory_space<vmem>>
            %dma_wait3A_301 = arith.constant 0 : i32
            %dma_wait3A_302 = arith.constant 0 : i32
            %dma_wait3A_303 = tpu.memref_slice %arg10[%dma_wait3A_301, %dma_wait3A_302] : memref<10112x144xf32, #tpu.memory_space<vmem_shared>> -> memref<10112x144xf32, #tpu.memory_space<vmem_shared>>
            tpu.wait_indirect_dma semaphore(%arg14 : memref<!tpu.dma_semaphore, #tpu.memory_space<semaphore_mem>>) src(%dma_wait3A_293 : memref<64x144xf32, #tpu.memory_space<vmem>>) dst(%dma_wait3A_303 : memref<10112x144xf32, #tpu.memory_space<vmem_shared>>)
          } else {
          }
          %add3A_272 = arith.constant 2 : i32
          %add3A_273 = arith.addi %add3A_173, %add3A_272 : i32
          %dma_start3A_274 = arith.constant 0 : i32
          %dma_start3A_275 = arith.constant 0 : i32
          %dma_start3A_276 = arith.constant 0 : i32
          %dma_start3A_277 = tpu.memref_slice %arg9[%dma_start3A_274, %dma_start3A_275, %dma_start3A_276] : memref<3x64x144xf32, #tpu.memory_space<vmem>> -> memref<1x64x144xf32, #tpu.memory_space<vmem>>
          %dma_start3A_278 = tpu.memref_squeeze %dma_start3A_277 : memref<1x64x144xf32, #tpu.memory_space<vmem>> -> memref<64x144xf32, #tpu.memory_space<vmem>>
          %dma_start3A_279 = arith.constant 0 : i32
          %dma_start3A_280 = arith.constant 0 : i32
          %dma_start3A_281 = tpu.memref_slice %arg7[%rem3A_109, %dma_start3A_279, %dma_start3A_280] : memref<2x18x64xi32, #tpu.memory_space<vmem>> -> memref<1x18x64xi32, #tpu.memory_space<vmem>>
          %dma_start3A_282 = tpu.memref_squeeze %dma_start3A_281 : memref<1x18x64xi32, #tpu.memory_space<vmem>> -> memref<18x64xi32, #tpu.memory_space<vmem>>
          %dma_start3A_283 = arith.constant 0 : i32
          %dma_start3A_284 = tpu.memref_slice %dma_start3A_282[%add3A_273, %dma_start3A_283] : memref<18x64xi32, #tpu.memory_space<vmem>> -> memref<1x64xi32, #tpu.memory_space<vmem>>
          %dma_start3A_285 = tpu.memref_squeeze %dma_start3A_284 : memref<1x64xi32, #tpu.memory_space<vmem>> -> memref<64xi32, #tpu.memory_space<vmem>>
          %dma_start3A_286 = arith.constant 0 : i32
          %dma_start3A_287 = arith.constant 0 : i32
          %dma_start3A_288 = tpu.memref_slice %arg2[%dma_start3A_286, %dma_start3A_287] : memref<4096x144xf32, #tpu.memory_space<hbm>> -> memref<4096x144xf32, #tpu.memory_space<hbm>>
          tpu.enqueue_indirect_dma source(%dma_start3A_288 : memref<4096x144xf32, #tpu.memory_space<hbm>>) target(%dma_start3A_278 : memref<64x144xf32, #tpu.memory_space<vmem>>) offsets(%dma_start3A_285 : memref<64xi32, #tpu.memory_space<vmem>>) semaphore(%arg11 : memref<!tpu.dma_semaphore, #tpu.memory_space<semaphore_mem>>)
        } else {
        }
        %mul3A_218 = arith.constant 3 : i32
        %mul3A_219 = arith.muli %scan3A_127, %mul3A_218 : i32
        %add3A_220 = arith.constant 2 : i32
        %add3A_221 = arith.addi %mul3A_219, %add3A_220 : i32
        %mul3A_222 = arith.constant 18 : i32
        %mul3A_223 = arith.muli %while3A_107, %mul3A_222 : i32
        %add3A_224 = arith.addi %mul3A_223, %add3A_221 : i32
        %dma_wait3A_225 = arith.constant 2 : i32
        %dma_wait3A_226 = arith.constant 0 : i32
        %dma_wait3A_227 = arith.constant 0 : i32
        %dma_wait3A_228 = tpu.memref_slice %arg9[%dma_wait3A_225, %dma_wait3A_226, %dma_wait3A_227] : memref<3x64x144xf32, #tpu.memory_space<vmem>> -> memref<1x64x144xf32, #tpu.memory_space<vmem>>
        %dma_wait3A_229 = tpu.memref_squeeze %dma_wait3A_228 : memref<1x64x144xf32, #tpu.memory_space<vmem>> -> memref<64x144xf32, #tpu.memory_space<vmem>>
        %dma_wait3A_230 = arith.constant 0 : i32
        %dma_wait3A_231 = arith.constant 0 : i32
        %dma_wait3A_232 = tpu.memref_slice %arg7[%rem3A_109, %dma_wait3A_230, %dma_wait3A_231] : memref<2x18x64xi32, #tpu.memory_space<vmem>> -> memref<1x18x64xi32, #tpu.memory_space<vmem>>
        %dma_wait3A_233 = tpu.memref_squeeze %dma_wait3A_232 : memref<1x18x64xi32, #tpu.memory_space<vmem>> -> memref<18x64xi32, #tpu.memory_space<vmem>>
        %dma_wait3A_234 = arith.constant 0 : i32
        %dma_wait3A_235 = tpu.memref_slice %dma_wait3A_233[%add3A_221, %dma_wait3A_234] : memref<18x64xi32, #tpu.memory_space<vmem>> -> memref<1x64xi32, #tpu.memory_space<vmem>>
        %dma_wait3A_236 = tpu.memref_squeeze %dma_wait3A_235 : memref<1x64xi32, #tpu.memory_space<vmem>> -> memref<64xi32, #tpu.memory_space<vmem>>
        %dma_wait3A_237 = arith.constant 0 : i32
        %dma_wait3A_238 = arith.constant 0 : i32
        %dma_wait3A_239 = tpu.memref_slice %arg2[%dma_wait3A_237, %dma_wait3A_238] : memref<4096x144xf32, #tpu.memory_space<hbm>> -> memref<4096x144xf32, #tpu.memory_space<hbm>>
        tpu.wait_indirect_dma semaphore(%arg13 : memref<!tpu.dma_semaphore, #tpu.memory_space<semaphore_mem>>) src(%dma_wait3A_239 : memref<4096x144xf32, #tpu.memory_space<hbm>>) dst(%dma_wait3A_229 : memref<64x144xf32, #tpu.memory_space<vmem>>)
        %dma_start3A_240 = arith.constant 2 : i32
        %dma_start3A_241 = arith.constant 0 : i32
        %dma_start3A_242 = arith.constant 0 : i32
        %dma_start3A_243 = tpu.memref_slice %arg9[%dma_start3A_240, %dma_start3A_241, %dma_start3A_242] : memref<3x64x144xf32, #tpu.memory_space<vmem>> -> memref<1x64x144xf32, #tpu.memory_space<vmem>>
        %dma_start3A_244 = tpu.memref_squeeze %dma_start3A_243 : memref<1x64x144xf32, #tpu.memory_space<vmem>> -> memref<64x144xf32, #tpu.memory_space<vmem>>
        %dma_start3A_245 = arith.constant 0 : i32
        %dma_start3A_246 = arith.constant 0 : i32
        %dma_start3A_247 = tpu.memref_slice %arg8[%rem3A_109, %dma_start3A_245, %dma_start3A_246] : memref<2x18x64xi32, #tpu.memory_space<vmem>> -> memref<1x18x64xi32, #tpu.memory_space<vmem>>
        %dma_start3A_248 = tpu.memref_squeeze %dma_start3A_247 : memref<1x18x64xi32, #tpu.memory_space<vmem>> -> memref<18x64xi32, #tpu.memory_space<vmem>>
        %dma_start3A_249 = arith.constant 0 : i32
        %dma_start3A_250 = tpu.memref_slice %dma_start3A_248[%add3A_221, %dma_start3A_249] : memref<18x64xi32, #tpu.memory_space<vmem>> -> memref<1x64xi32, #tpu.memory_space<vmem>>
        %dma_start3A_251 = tpu.memref_squeeze %dma_start3A_250 : memref<1x64xi32, #tpu.memory_space<vmem>> -> memref<64xi32, #tpu.memory_space<vmem>>
        %dma_start3A_252 = arith.constant 0 : i32
        %dma_start3A_253 = arith.constant 0 : i32
        %dma_start3A_254 = tpu.memref_slice %arg10[%dma_start3A_252, %dma_start3A_253] : memref<10112x144xf32, #tpu.memory_space<vmem_shared>> -> memref<10112x144xf32, #tpu.memory_space<vmem_shared>>
        tpu.enqueue_indirect_dma source(%dma_start3A_244 : memref<64x144xf32, #tpu.memory_space<vmem>>) target(%dma_start3A_254 : memref<10112x144xf32, #tpu.memory_space<vmem_shared>>) offsets(%dma_start3A_251 : memref<64xi32, #tpu.memory_space<vmem>>) semaphore(%arg16 : memref<!tpu.dma_semaphore, #tpu.memory_space<semaphore_mem>>) {add = true}
        %mul3A_255 = arith.constant 3 : i32
        %mul3A_256 = arith.muli %scan3A_127, %mul3A_255 : i32
        %add3A_257 = arith.constant 2 : i32
        %add3A_258 = arith.addi %mul3A_256, %add3A_257 : i32
        %add3A_259 = arith.constant 2 : i32
        %add3A_260 = arith.addi %add3A_258, %add3A_259 : i32
        %lt3A_261 = arith.constant 18 : i32
        %lt3A_262 = arith.cmpi slt, %add3A_260, %lt3A_261 : i32
        %convert_element_type3A_263 = arith.extui %lt3A_262 : i1 to i32
        %cond3A_264 = arith.constant 0 : i32
        %cond3A_265 = arith.cmpi ne, %convert_element_type3A_263, %cond3A_264 : i32
        scf.if %cond3A_265 {
          %ge3A_267 = arith.constant 1 : i32
          %ge3A_268 = arith.cmpi sge, %add3A_224, %ge3A_267 : i32
          %convert_element_type3A_269 = arith.extui %ge3A_268 : i1 to i32
          %cond3A_270 = arith.constant 0 : i32
          %cond3A_271 = arith.cmpi ne, %convert_element_type3A_269, %cond3A_270 : i32
          scf.if %cond3A_271 {
            %dma_wait3A_289 = arith.constant 1 : i32
            %dma_wait3A_290 = arith.constant 0 : i32
            %dma_wait3A_291 = arith.constant 0 : i32
            %dma_wait3A_292 = tpu.memref_slice %arg9[%dma_wait3A_289, %dma_wait3A_290, %dma_wait3A_291] : memref<3x64x144xf32, #tpu.memory_space<vmem>> -> memref<1x64x144xf32, #tpu.memory_space<vmem>>
            %dma_wait3A_293 = tpu.memref_squeeze %dma_wait3A_292 : memref<1x64x144xf32, #tpu.memory_space<vmem>> -> memref<64x144xf32, #tpu.memory_space<vmem>>
            %dma_wait3A_294 = arith.constant 0 : i32
            %dma_wait3A_295 = arith.constant 0 : i32
            %dma_wait3A_296 = tpu.memref_slice %arg8[%rem3A_109, %dma_wait3A_294, %dma_wait3A_295] : memref<2x18x64xi32, #tpu.memory_space<vmem>> -> memref<1x18x64xi32, #tpu.memory_space<vmem>>
            %dma_wait3A_297 = tpu.memref_squeeze %dma_wait3A_296 : memref<1x18x64xi32, #tpu.memory_space<vmem>> -> memref<18x64xi32, #tpu.memory_space<vmem>>
            %dma_wait3A_298 = arith.constant 0 : i32
            %dma_wait3A_299 = tpu.memref_slice %dma_wait3A_297[%add3A_221, %dma_wait3A_298] : memref<18x64xi32, #tpu.memory_space<vmem>> -> memref<1x64xi32, #tpu.memory_space<vmem>>
            %dma_wait3A_300 = tpu.memref_squeeze %dma_wait3A_299 : memref<1x64xi32, #tpu.memory_space<vmem>> -> memref<64xi32, #tpu.memory_space<vmem>>
            %dma_wait3A_301 = arith.constant 0 : i32
            %dma_wait3A_302 = arith.constant 0 : i32
            %dma_wait3A_303 = tpu.memref_slice %arg10[%dma_wait3A_301, %dma_wait3A_302] : memref<10112x144xf32, #tpu.memory_space<vmem_shared>> -> memref<10112x144xf32, #tpu.memory_space<vmem_shared>>
            tpu.wait_indirect_dma semaphore(%arg15 : memref<!tpu.dma_semaphore, #tpu.memory_space<semaphore_mem>>) src(%dma_wait3A_293 : memref<64x144xf32, #tpu.memory_space<vmem>>) dst(%dma_wait3A_303 : memref<10112x144xf32, #tpu.memory_space<vmem_shared>>)
          } else {
          }
          %add3A_272 = arith.constant 2 : i32
          %add3A_273 = arith.addi %add3A_221, %add3A_272 : i32
          %dma_start3A_274 = arith.constant 1 : i32
          %dma_start3A_275 = arith.constant 0 : i32
          %dma_start3A_276 = arith.constant 0 : i32
          %dma_start3A_277 = tpu.memref_slice %arg9[%dma_start3A_274, %dma_start3A_275, %dma_start3A_276] : memref<3x64x144xf32, #tpu.memory_space<vmem>> -> memref<1x64x144xf32, #tpu.memory_space<vmem>>
          %dma_start3A_278 = tpu.memref_squeeze %dma_start3A_277 : memref<1x64x144xf32, #tpu.memory_space<vmem>> -> memref<64x144xf32, #tpu.memory_space<vmem>>
          %dma_start3A_279 = arith.constant 0 : i32
          %dma_start3A_280 = arith.constant 0 : i32
          %dma_start3A_281 = tpu.memref_slice %arg7[%rem3A_109, %dma_start3A_279, %dma_start3A_280] : memref<2x18x64xi32, #tpu.memory_space<vmem>> -> memref<1x18x64xi32, #tpu.memory_space<vmem>>
          %dma_start3A_282 = tpu.memref_squeeze %dma_start3A_281 : memref<1x18x64xi32, #tpu.memory_space<vmem>> -> memref<18x64xi32, #tpu.memory_space<vmem>>
          %dma_start3A_283 = arith.constant 0 : i32
          %dma_start3A_284 = tpu.memref_slice %dma_start3A_282[%add3A_273, %dma_start3A_283] : memref<18x64xi32, #tpu.memory_space<vmem>> -> memref<1x64xi32, #tpu.memory_space<vmem>>
          %dma_start3A_285 = tpu.memref_squeeze %dma_start3A_284 : memref<1x64xi32, #tpu.memory_space<vmem>> -> memref<64xi32, #tpu.memory_space<vmem>>
          %dma_start3A_286 = arith.constant 0 : i32
          %dma_start3A_287 = arith.constant 0 : i32
          %dma_start3A_288 = tpu.memref_slice %arg2[%dma_start3A_286, %dma_start3A_287] : memref<4096x144xf32, #tpu.memory_space<hbm>> -> memref<4096x144xf32, #tpu.memory_space<hbm>>
          tpu.enqueue_indirect_dma source(%dma_start3A_288 : memref<4096x144xf32, #tpu.memory_space<hbm>>) target(%dma_start3A_278 : memref<64x144xf32, #tpu.memory_space<vmem>>) offsets(%dma_start3A_285 : memref<64xi32, #tpu.memory_space<vmem>>) semaphore(%arg12 : memref<!tpu.dma_semaphore, #tpu.memory_space<semaphore_mem>>)
        } else {
        }
        %scan3A_266 = arith.constant 0 : i32
        scf.yield %scan3A_266 : i32
      }
      %scan3A_119 = arith.constant 6 : i32
      %sub3A_120 = arith.constant 1 : i32
      %sub3A_121 = arith.subi %select_n3A, %sub3A_120 : i32
      %lt3A_122 = arith.cmpi slt, %while3A_107, %sub3A_121 : i32
      %convert_element_type3A_123 = arith.extui %lt3A_122 : i1 to i32
      %cond3A_124 = arith.constant 0 : i32
      %cond3A_125 = arith.cmpi ne, %convert_element_type3A_123, %cond3A_124 : i32
      scf.if %cond3A_125 {
        %add3A_127 = arith.constant 1 : i32
        %add3A_128 = arith.addi %while3A_107, %add3A_127 : i32
        %mul3A_129 = arith.constant 18 : i32
        %mul3A_130 = arith.muli %add3A_128, %mul3A_129 : i32
        %add3A_131 = arith.addi %select_n3A_8, %mul3A_130 : i32
        %dma_wait3A_132 = arith.constant 0 : i32
        %dma_wait3A_133 = arith.constant 0 : i32
        %dma_wait3A_134 = tpu.memref_slice %arg7[%sub3A_110, %dma_wait3A_132, %dma_wait3A_133] : memref<2x18x64xi32, #tpu.memory_space<vmem>> -> memref<1x18x64xi32, #tpu.memory_space<vmem>>
        %dma_wait3A_135 = tpu.memref_squeeze %dma_wait3A_134 : memref<1x18x64xi32, #tpu.memory_space<vmem>> -> memref<18x64xi32, #tpu.memory_space<vmem>>
        %dma_wait3A_136 = arith.constant 0 : i32
        %dma_wait3A_137 = tpu.memref_slice %arg3[%add3A_131, %dma_wait3A_136] : memref<5184x64xi32, #tpu.memory_space<hbm>> -> memref<18x64xi32, #tpu.memory_space<hbm>>
        %dma_wait3A_138 = arith.constant 0 : i32
        %dma_wait3A_139 = arith.constant 0 : i32
        %dma_wait3A_140 = tpu.memref_slice %arg7[%sub3A_110, %dma_wait3A_138, %dma_wait3A_139] : memref<2x18x64xi32, #tpu.memory_space<vmem>> -> memref<1x18x64xi32, #tpu.memory_space<vmem>>
        %dma_wait3A_141 = tpu.memref_squeeze %dma_wait3A_140 : memref<1x18x64xi32, #tpu.memory_space<vmem>> -> memref<18x64xi32, #tpu.memory_space<vmem>>
        %dma_wait3A_142 = arith.constant 0 : i32
        %dma_wait3A_143 = tpu.memref_slice %arg3[%add3A_131, %dma_wait3A_142] : memref<5184x64xi32, #tpu.memory_space<hbm>> -> memref<18x64xi32, #tpu.memory_space<hbm>>
        tpu.wait_dma2 semaphore(%arg17 : memref<!tpu.dma_semaphore, #tpu.memory_space<semaphore_mem>>) src(%dma_wait3A_143 : memref<18x64xi32, #tpu.memory_space<hbm>>) dst(%dma_wait3A_141 : memref<18x64xi32, #tpu.memory_space<vmem>>)
        %add3A_144 = arith.constant 1 : i32
        %add3A_145 = arith.addi %while3A_107, %add3A_144 : i32
        %mul3A_146 = arith.constant 18 : i32
        %mul3A_147 = arith.muli %add3A_145, %mul3A_146 : i32
        %add3A_148 = arith.addi %select_n3A_8, %mul3A_147 : i32
        %dma_wait3A_149 = arith.constant 0 : i32
        %dma_wait3A_150 = arith.constant 0 : i32
        %dma_wait3A_151 = tpu.memref_slice %arg8[%sub3A_110, %dma_wait3A_149, %dma_wait3A_150] : memref<2x18x64xi32, #tpu.memory_space<vmem>> -> memref<1x18x64xi32, #tpu.memory_space<vmem>>
        %dma_wait3A_152 = tpu.memref_squeeze %dma_wait3A_151 : memref<1x18x64xi32, #tpu.memory_space<vmem>> -> memref<18x64xi32, #tpu.memory_space<vmem>>
        %dma_wait3A_153 = arith.constant 0 : i32
        %dma_wait3A_154 = tpu.memref_slice %arg4[%add3A_148, %dma_wait3A_153] : memref<5184x64xi32, #tpu.memory_space<hbm>> -> memref<18x64xi32, #tpu.memory_space<hbm>>
        %dma_wait3A_155 = arith.constant 0 : i32
        %dma_wait3A_156 = arith.constant 0 : i32
        %dma_wait3A_157 = tpu.memref_slice %arg8[%sub3A_110, %dma_wait3A_155, %dma_wait3A_156] : memref<2x18x64xi32, #tpu.memory_space<vmem>> -> memref<1x18x64xi32, #tpu.memory_space<vmem>>
        %dma_wait3A_158 = tpu.memref_squeeze %dma_wait3A_157 : memref<1x18x64xi32, #tpu.memory_space<vmem>> -> memref<18x64xi32, #tpu.memory_space<vmem>>
        %dma_wait3A_159 = arith.constant 0 : i32
        %dma_wait3A_160 = tpu.memref_slice %arg4[%add3A_148, %dma_wait3A_159] : memref<5184x64xi32, #tpu.memory_space<hbm>> -> memref<18x64xi32, #tpu.memory_space<hbm>>
        tpu.wait_dma2 semaphore(%arg17 : memref<!tpu.dma_semaphore, #tpu.memory_space<semaphore_mem>>) src(%dma_wait3A_160 : memref<18x64xi32, #tpu.memory_space<hbm>>) dst(%dma_wait3A_158 : memref<18x64xi32, #tpu.memory_space<vmem>>)
        %dma_wait3A_161 = arith.constant 0 : i32
        %dma_wait3A_162 = arith.constant 0 : i32
        %dma_wait3A_163 = arith.constant 0 : i32
        %dma_wait3A_164 = arith.constant 0 : i32
        %dma_wait3A_165 = tpu.memref_slice %arg9[%dma_wait3A_161, %dma_wait3A_163, %dma_wait3A_164] : memref<3x64x144xf32, #tpu.memory_space<vmem>> -> memref<1x64x144xf32, #tpu.memory_space<vmem>>
        %dma_wait3A_166 = tpu.memref_squeeze %dma_wait3A_165 : memref<1x64x144xf32, #tpu.memory_space<vmem>> -> memref<64x144xf32, #tpu.memory_space<vmem>>
        %dma_wait3A_167 = arith.constant 0 : i32
        %dma_wait3A_168 = arith.constant 0 : i32
        %dma_wait3A_169 = tpu.memref_slice %arg8[%sub3A_110, %dma_wait3A_167, %dma_wait3A_168] : memref<2x18x64xi32, #tpu.memory_space<vmem>> -> memref<1x18x64xi32, #tpu.memory_space<vmem>>
        %dma_wait3A_170 = tpu.memref_squeeze %dma_wait3A_169 : memref<1x18x64xi32, #tpu.memory_space<vmem>> -> memref<18x64xi32, #tpu.memory_space<vmem>>
        %dma_wait3A_171 = arith.constant 0 : i32
        %dma_wait3A_172 = tpu.memref_slice %dma_wait3A_170[%dma_wait3A_162, %dma_wait3A_171] : memref<18x64xi32, #tpu.memory_space<vmem>> -> memref<1x64xi32, #tpu.memory_space<vmem>>
        %dma_wait3A_173 = tpu.memref_squeeze %dma_wait3A_172 : memref<1x64xi32, #tpu.memory_space<vmem>> -> memref<64xi32, #tpu.memory_space<vmem>>
        %dma_wait3A_174 = arith.constant 0 : i32
        %dma_wait3A_175 = arith.constant 0 : i32
        %dma_wait3A_176 = tpu.memref_slice %arg10[%dma_wait3A_174, %dma_wait3A_175] : memref<10112x144xf32, #tpu.memory_space<vmem_shared>> -> memref<10112x144xf32, #tpu.memory_space<vmem_shared>>
        tpu.wait_indirect_dma semaphore(%arg14 : memref<!tpu.dma_semaphore, #tpu.memory_space<semaphore_mem>>) src(%dma_wait3A_166 : memref<64x144xf32, #tpu.memory_space<vmem>>) dst(%dma_wait3A_176 : memref<10112x144xf32, #tpu.memory_space<vmem_shared>>)
        %dma_start3A_177 = arith.constant 0 : i32
        %dma_start3A_178 = arith.constant 0 : i32
        %dma_start3A_179 = arith.constant 0 : i32
        %dma_start3A_180 = arith.constant 0 : i32
        %dma_start3A_181 = tpu.memref_slice %arg9[%dma_start3A_178, %dma_start3A_179, %dma_start3A_180] : memref<3x64x144xf32, #tpu.memory_space<vmem>> -> memref<1x64x144xf32, #tpu.memory_space<vmem>>
        %dma_start3A_182 = tpu.memref_squeeze %dma_start3A_181 : memref<1x64x144xf32, #tpu.memory_space<vmem>> -> memref<64x144xf32, #tpu.memory_space<vmem>>
        %dma_start3A_183 = arith.constant 0 : i32
        %dma_start3A_184 = arith.constant 0 : i32
        %dma_start3A_185 = tpu.memref_slice %arg7[%sub3A_110, %dma_start3A_183, %dma_start3A_184] : memref<2x18x64xi32, #tpu.memory_space<vmem>> -> memref<1x18x64xi32, #tpu.memory_space<vmem>>
        %dma_start3A_186 = tpu.memref_squeeze %dma_start3A_185 : memref<1x18x64xi32, #tpu.memory_space<vmem>> -> memref<18x64xi32, #tpu.memory_space<vmem>>
        %dma_start3A_187 = arith.constant 0 : i32
        %dma_start3A_188 = tpu.memref_slice %dma_start3A_186[%dma_start3A_177, %dma_start3A_187] : memref<18x64xi32, #tpu.memory_space<vmem>> -> memref<1x64xi32, #tpu.memory_space<vmem>>
        %dma_start3A_189 = tpu.memref_squeeze %dma_start3A_188 : memref<1x64xi32, #tpu.memory_space<vmem>> -> memref<64xi32, #tpu.memory_space<vmem>>
        %dma_start3A_190 = arith.constant 0 : i32
        %dma_start3A_191 = arith.constant 0 : i32
        %dma_start3A_192 = tpu.memref_slice %arg2[%dma_start3A_190, %dma_start3A_191] : memref<4096x144xf32, #tpu.memory_space<hbm>> -> memref<4096x144xf32, #tpu.memory_space<hbm>>
        tpu.enqueue_indirect_dma source(%dma_start3A_192 : memref<4096x144xf32, #tpu.memory_space<hbm>>) target(%dma_start3A_182 : memref<64x144xf32, #tpu.memory_space<vmem>>) offsets(%dma_start3A_189 : memref<64xi32, #tpu.memory_space<vmem>>) semaphore(%arg11 : memref<!tpu.dma_semaphore, #tpu.memory_space<semaphore_mem>>)
        %dma_wait3A_193 = arith.constant 1 : i32
        %dma_wait3A_194 = arith.constant 1 : i32
        %dma_wait3A_195 = arith.constant 0 : i32
        %dma_wait3A_196 = arith.constant 0 : i32
        %dma_wait3A_197 = tpu.memref_slice %arg9[%dma_wait3A_193, %dma_wait3A_195, %dma_wait3A_196] : memref<3x64x144xf32, #tpu.memory_space<vmem>> -> memref<1x64x144xf32, #tpu.memory_space<vmem>>
        %dma_wait3A_198 = tpu.memref_squeeze %dma_wait3A_197 : memref<1x64x144xf32, #tpu.memory_space<vmem>> -> memref<64x144xf32, #tpu.memory_space<vmem>>
        %dma_wait3A_199 = arith.constant 0 : i32
        %dma_wait3A_200 = arith.constant 0 : i32
        %dma_wait3A_201 = tpu.memref_slice %arg8[%sub3A_110, %dma_wait3A_199, %dma_wait3A_200] : memref<2x18x64xi32, #tpu.memory_space<vmem>> -> memref<1x18x64xi32, #tpu.memory_space<vmem>>
        %dma_wait3A_202 = tpu.memref_squeeze %dma_wait3A_201 : memref<1x18x64xi32, #tpu.memory_space<vmem>> -> memref<18x64xi32, #tpu.memory_space<vmem>>
        %dma_wait3A_203 = arith.constant 0 : i32
        %dma_wait3A_204 = tpu.memref_slice %dma_wait3A_202[%dma_wait3A_194, %dma_wait3A_203] : memref<18x64xi32, #tpu.memory_space<vmem>> -> memref<1x64xi32, #tpu.memory_space<vmem>>
        %dma_wait3A_205 = tpu.memref_squeeze %dma_wait3A_204 : memref<1x64xi32, #tpu.memory_space<vmem>> -> memref<64xi32, #tpu.memory_space<vmem>>
        %dma_wait3A_206 = arith.constant 0 : i32
        %dma_wait3A_207 = arith.constant 0 : i32
        %dma_wait3A_208 = tpu.memref_slice %arg10[%dma_wait3A_206, %dma_wait3A_207] : memref<10112x144xf32, #tpu.memory_space<vmem_shared>> -> memref<10112x144xf32, #tpu.memory_space<vmem_shared>>
        tpu.wait_indirect_dma semaphore(%arg15 : memref<!tpu.dma_semaphore, #tpu.memory_space<semaphore_mem>>) src(%dma_wait3A_198 : memref<64x144xf32, #tpu.memory_space<vmem>>) dst(%dma_wait3A_208 : memref<10112x144xf32, #tpu.memory_space<vmem_shared>>)
        %dma_start3A_209 = arith.constant 1 : i32
        %dma_start3A_210 = arith.constant 1 : i32
        %dma_start3A_211 = arith.constant 0 : i32
        %dma_start3A_212 = arith.constant 0 : i32
        %dma_start3A_213 = tpu.memref_slice %arg9[%dma_start3A_210, %dma_start3A_211, %dma_start3A_212] : memref<3x64x144xf32, #tpu.memory_space<vmem>> -> memref<1x64x144xf32, #tpu.memory_space<vmem>>
        %dma_start3A_214 = tpu.memref_squeeze %dma_start3A_213 : memref<1x64x144xf32, #tpu.memory_space<vmem>> -> memref<64x144xf32, #tpu.memory_space<vmem>>
        %dma_start3A_215 = arith.constant 0 : i32
        %dma_start3A_216 = arith.constant 0 : i32
        %dma_start3A_217 = tpu.memref_slice %arg7[%sub3A_110, %dma_start3A_215, %dma_start3A_216] : memref<2x18x64xi32, #tpu.memory_space<vmem>> -> memref<1x18x64xi32, #tpu.memory_space<vmem>>
        %dma_start3A_218 = tpu.memref_squeeze %dma_start3A_217 : memref<1x18x64xi32, #tpu.memory_space<vmem>> -> memref<18x64xi32, #tpu.memory_space<vmem>>
        %dma_start3A_219 = arith.constant 0 : i32
        %dma_start3A_220 = tpu.memref_slice %dma_start3A_218[%dma_start3A_209, %dma_start3A_219] : memref<18x64xi32, #tpu.memory_space<vmem>> -> memref<1x64xi32, #tpu.memory_space<vmem>>
        %dma_start3A_221 = tpu.memref_squeeze %dma_start3A_220 : memref<1x64xi32, #tpu.memory_space<vmem>> -> memref<64xi32, #tpu.memory_space<vmem>>
        %dma_start3A_222 = arith.constant 0 : i32
        %dma_start3A_223 = arith.constant 0 : i32
        %dma_start3A_224 = tpu.memref_slice %arg2[%dma_start3A_222, %dma_start3A_223] : memref<4096x144xf32, #tpu.memory_space<hbm>> -> memref<4096x144xf32, #tpu.memory_space<hbm>>
        tpu.enqueue_indirect_dma source(%dma_start3A_224 : memref<4096x144xf32, #tpu.memory_space<hbm>>) target(%dma_start3A_214 : memref<64x144xf32, #tpu.memory_space<vmem>>) offsets(%dma_start3A_221 : memref<64xi32, #tpu.memory_space<vmem>>) semaphore(%arg12 : memref<!tpu.dma_semaphore, #tpu.memory_space<semaphore_mem>>)
      } else {
      }
      %while3A_126 = arith.constant 0 : i32
      scf.yield %while3A_126 : i32
    }
    %dma_wait3A = arith.constant 0 : i32
    %dma_wait3A_56 = arith.constant 0 : i32
    %dma_wait3A_57 = arith.constant 0 : i32
    %dma_wait3A_58 = arith.constant 0 : i32
    %dma_wait3A_59 = arith.constant 0 : i32
    %dma_wait3A_60 = tpu.memref_slice %arg9[%dma_wait3A, %dma_wait3A_58, %dma_wait3A_59] : memref<3x64x144xf32, #tpu.memory_space<vmem>> -> memref<1x64x144xf32, #tpu.memory_space<vmem>>
    %dma_wait3A_61 = tpu.memref_squeeze %dma_wait3A_60 : memref<1x64x144xf32, #tpu.memory_space<vmem>> -> memref<64x144xf32, #tpu.memory_space<vmem>>
    %dma_wait3A_62 = arith.constant 0 : i32
    %dma_wait3A_63 = arith.constant 0 : i32
    %dma_wait3A_64 = tpu.memref_slice %arg8[%dma_wait3A_56, %dma_wait3A_62, %dma_wait3A_63] : memref<2x18x64xi32, #tpu.memory_space<vmem>> -> memref<1x18x64xi32, #tpu.memory_space<vmem>>
    %dma_wait3A_65 = tpu.memref_squeeze %dma_wait3A_64 : memref<1x18x64xi32, #tpu.memory_space<vmem>> -> memref<18x64xi32, #tpu.memory_space<vmem>>
    %dma_wait3A_66 = arith.constant 0 : i32
    %dma_wait3A_67 = tpu.memref_slice %dma_wait3A_65[%dma_wait3A_57, %dma_wait3A_66] : memref<18x64xi32, #tpu.memory_space<vmem>> -> memref<1x64xi32, #tpu.memory_space<vmem>>
    %dma_wait3A_68 = tpu.memref_squeeze %dma_wait3A_67 : memref<1x64xi32, #tpu.memory_space<vmem>> -> memref<64xi32, #tpu.memory_space<vmem>>
    %dma_wait3A_69 = arith.constant 0 : i32
    %dma_wait3A_70 = arith.constant 0 : i32
    %dma_wait3A_71 = tpu.memref_slice %arg10[%dma_wait3A_69, %dma_wait3A_70] : memref<10112x144xf32, #tpu.memory_space<vmem_shared>> -> memref<10112x144xf32, #tpu.memory_space<vmem_shared>>
    tpu.wait_indirect_dma semaphore(%arg14 : memref<!tpu.dma_semaphore, #tpu.memory_space<semaphore_mem>>) src(%dma_wait3A_61 : memref<64x144xf32, #tpu.memory_space<vmem>>) dst(%dma_wait3A_71 : memref<10112x144xf32, #tpu.memory_space<vmem_shared>>)
    %dma_wait3A_72 = arith.constant 1 : i32
    %dma_wait3A_73 = arith.constant 0 : i32
    %dma_wait3A_74 = arith.constant 0 : i32
    %dma_wait3A_75 = arith.constant 0 : i32
    %dma_wait3A_76 = arith.constant 0 : i32
    %dma_wait3A_77 = tpu.memref_slice %arg9[%dma_wait3A_72, %dma_wait3A_75, %dma_wait3A_76] : memref<3x64x144xf32, #tpu.memory_space<vmem>> -> memref<1x64x144xf32, #tpu.memory_space<vmem>>
    %dma_wait3A_78 = tpu.memref_squeeze %dma_wait3A_77 : memref<1x64x144xf32, #tpu.memory_space<vmem>> -> memref<64x144xf32, #tpu.memory_space<vmem>>
    %dma_wait3A_79 = arith.constant 0 : i32
    %dma_wait3A_80 = arith.constant 0 : i32
    %dma_wait3A_81 = tpu.memref_slice %arg8[%dma_wait3A_73, %dma_wait3A_79, %dma_wait3A_80] : memref<2x18x64xi32, #tpu.memory_space<vmem>> -> memref<1x18x64xi32, #tpu.memory_space<vmem>>
    %dma_wait3A_82 = tpu.memref_squeeze %dma_wait3A_81 : memref<1x18x64xi32, #tpu.memory_space<vmem>> -> memref<18x64xi32, #tpu.memory_space<vmem>>
    %dma_wait3A_83 = arith.constant 0 : i32
    %dma_wait3A_84 = tpu.memref_slice %dma_wait3A_82[%dma_wait3A_74, %dma_wait3A_83] : memref<18x64xi32, #tpu.memory_space<vmem>> -> memref<1x64xi32, #tpu.memory_space<vmem>>
    %dma_wait3A_85 = tpu.memref_squeeze %dma_wait3A_84 : memref<1x64xi32, #tpu.memory_space<vmem>> -> memref<64xi32, #tpu.memory_space<vmem>>
    %dma_wait3A_86 = arith.constant 0 : i32
    %dma_wait3A_87 = arith.constant 0 : i32
    %dma_wait3A_88 = tpu.memref_slice %arg10[%dma_wait3A_86, %dma_wait3A_87] : memref<10112x144xf32, #tpu.memory_space<vmem_shared>> -> memref<10112x144xf32, #tpu.memory_space<vmem_shared>>
    tpu.wait_indirect_dma semaphore(%arg15 : memref<!tpu.dma_semaphore, #tpu.memory_space<semaphore_mem>>) src(%dma_wait3A_78 : memref<64x144xf32, #tpu.memory_space<vmem>>) dst(%dma_wait3A_88 : memref<10112x144xf32, #tpu.memory_space<vmem_shared>>)
    %dma_wait3A_89 = arith.constant 2 : i32
    %dma_wait3A_90 = arith.constant 0 : i32
    %dma_wait3A_91 = arith.constant 0 : i32
    %dma_wait3A_92 = arith.constant 0 : i32
    %dma_wait3A_93 = arith.constant 0 : i32
    %dma_wait3A_94 = tpu.memref_slice %arg9[%dma_wait3A_89, %dma_wait3A_92, %dma_wait3A_93] : memref<3x64x144xf32, #tpu.memory_space<vmem>> -> memref<1x64x144xf32, #tpu.memory_space<vmem>>
    %dma_wait3A_95 = tpu.memref_squeeze %dma_wait3A_94 : memref<1x64x144xf32, #tpu.memory_space<vmem>> -> memref<64x144xf32, #tpu.memory_space<vmem>>
    %dma_wait3A_96 = arith.constant 0 : i32
    %dma_wait3A_97 = arith.constant 0 : i32
    %dma_wait3A_98 = tpu.memref_slice %arg8[%dma_wait3A_90, %dma_wait3A_96, %dma_wait3A_97] : memref<2x18x64xi32, #tpu.memory_space<vmem>> -> memref<1x18x64xi32, #tpu.memory_space<vmem>>
    %dma_wait3A_99 = tpu.memref_squeeze %dma_wait3A_98 : memref<1x18x64xi32, #tpu.memory_space<vmem>> -> memref<18x64xi32, #tpu.memory_space<vmem>>
    %dma_wait3A_100 = arith.constant 0 : i32
    %dma_wait3A_101 = tpu.memref_slice %dma_wait3A_99[%dma_wait3A_91, %dma_wait3A_100] : memref<18x64xi32, #tpu.memory_space<vmem>> -> memref<1x64xi32, #tpu.memory_space<vmem>>
    %dma_wait3A_102 = tpu.memref_squeeze %dma_wait3A_101 : memref<1x64xi32, #tpu.memory_space<vmem>> -> memref<64xi32, #tpu.memory_space<vmem>>
    %dma_wait3A_103 = arith.constant 0 : i32
    %dma_wait3A_104 = arith.constant 0 : i32
    %dma_wait3A_105 = tpu.memref_slice %arg10[%dma_wait3A_103, %dma_wait3A_104] : memref<10112x144xf32, #tpu.memory_space<vmem_shared>> -> memref<10112x144xf32, #tpu.memory_space<vmem_shared>>
    tpu.wait_indirect_dma semaphore(%arg16 : memref<!tpu.dma_semaphore, #tpu.memory_space<semaphore_mem>>) src(%dma_wait3A_95 : memref<64x144xf32, #tpu.memory_space<vmem>>) dst(%dma_wait3A_105 : memref<10112x144xf32, #tpu.memory_space<vmem_shared>>)
    %barrier3A_106 = arith.constant 0 : index
    tpu.barrier barrier_id(%barrier3A_106)
    "tpu.region"() ({
      %run_scoped3A_107 = tpu.sem_alloc : memref<!tpu.dma_semaphore, #tpu.memory_space<semaphore_mem>>
      %dma_start3A_108 = arith.constant 0 : i32
      %dma_start3A_109 = tpu.memref_slice %arg6[%arg0, %mul3A_10, %dma_start3A_108] : memref<2x10112x144xf32, #tpu.memory_space<hbm>> -> memref<1x632x144xf32, #tpu.memory_space<hbm>>
      %dma_start3A_110 = tpu.memref_squeeze %dma_start3A_109 : memref<1x632x144xf32, #tpu.memory_space<hbm>> -> memref<632x144xf32, #tpu.memory_space<hbm>>
      %dma_start3A_111 = arith.constant 0 : i32
      %dma_start3A_112 = tpu.memref_slice %arg10[%mul3A_10, %dma_start3A_111] : memref<10112x144xf32, #tpu.memory_space<vmem_shared>> -> memref<632x144xf32, #tpu.memory_space<vmem_shared>>
      tpu.enqueue_dma source(%dma_start3A_112 : memref<632x144xf32, #tpu.memory_space<vmem_shared>>) target(%dma_start3A_110 : memref<632x144xf32, #tpu.memory_space<hbm>>) target_semaphore(%run_scoped3A_107 : memref<!tpu.dma_semaphore, #tpu.memory_space<semaphore_mem>>)
      %dma_wait3A_113 = arith.constant 0 : i32
      %dma_wait3A_114 = tpu.memref_slice %arg6[%arg0, %mul3A_10, %dma_wait3A_113] : memref<2x10112x144xf32, #tpu.memory_space<hbm>> -> memref<1x632x144xf32, #tpu.memory_space<hbm>>
      %dma_wait3A_115 = tpu.memref_squeeze %dma_wait3A_114 : memref<1x632x144xf32, #tpu.memory_space<hbm>> -> memref<632x144xf32, #tpu.memory_space<hbm>>
      %dma_wait3A_116 = arith.constant 0 : i32
      %dma_wait3A_117 = tpu.memref_slice %arg10[%mul3A_10, %dma_wait3A_116] : memref<10112x144xf32, #tpu.memory_space<vmem_shared>> -> memref<632x144xf32, #tpu.memory_space<vmem_shared>>
      tpu.wait_dma2 semaphore(%run_scoped3A_107 : memref<!tpu.dma_semaphore, #tpu.memory_space<semaphore_mem>>) src(%dma_wait3A_117 : memref<632x144xf32, #tpu.memory_space<vmem_shared>>) dst(%dma_wait3A_115 : memref<632x144xf32, #tpu.memory_space<hbm>>)
      tpu.yield
    }) : () -> ()
    return
  }
}

module attributes {stable_mosaic.version = 14 : i64} {
  func.func @_h0_body(%arg0: i32, %arg1: memref<1264x144xf32, #tpu.memory_space<vmem>>, %arg2: memref<1264x1xi32, #tpu.memory_space<vmem>>, %arg3: memref<2x144xf32, #tpu.memory_space<vmem>>, %arg4: memref<1264x144xf32, #tpu.memory_space<vmem>>) attributes {dimension_semantics = [#tpu.dimension_semantics<arbitrary>], iteration_bounds = array<i64: 8>, scalar_prefetch = 0 : i64, scratch_operands = 0 : i64, tpu.core_type = #tpu.core_type<tc>, window_params = [{transform_indices = @transform_0, window_bounds = array<i64: 1264, 144>}, {transform_indices = @transform_1, window_bounds = array<i64: 1264, 1>}, {pipeline_mode = #tpu.pipeline_mode<synchronous>, transform_indices = @transform_2, window_bounds = array<i64: 2, 144>}, {transform_indices = @transform_3, window_bounds = array<i64: 1264, 144>}]} {
    %get3A = arith.constant 0 : index
    %get3A_0 = arith.constant 0 : index
    %get3A_1 = vector.load %arg2[%get3A, %get3A_0] : memref<1264x1xi32, #tpu.memory_space<vmem>>, vector<1264x1xi32>
    %eq3A = arith.constant 0 : i32
    %eq3A_2 = vector.broadcast %eq3A : i32 to vector<1264x1xi32>
    %eq3A_3 = arith.cmpi eq, %get3A_1, %eq3A_2 : vector<1264x1xi32>
    %get3A_4 = arith.constant 0 : index
    %get3A_5 = arith.constant 0 : index
    %get3A_6 = vector.load %arg3[%get3A_4, %get3A_5] : memref<2x144xf32, #tpu.memory_space<vmem>>, vector<1x144xf32>
    %get3A_7 = arith.constant 1 : index
    %get3A_8 = arith.constant 0 : index
    %get3A_9 = vector.load %arg3[%get3A_7, %get3A_8] : memref<2x144xf32, #tpu.memory_space<vmem>>, vector<1x144xf32>
    %broadcast_in_dim3A = vector.shape_cast %eq3A_3 : vector<1264x1xi1> to vector<1264x1xi1>
    %broadcast_in_dim3A_10 = vector.broadcast %broadcast_in_dim3A : vector<1264x1xi1> to vector<1264x144xi1>
    %broadcast_in_dim3A_11 = vector.shape_cast %get3A_6 : vector<1x144xf32> to vector<1x144xf32>
    %broadcast_in_dim3A_12 = vector.broadcast %broadcast_in_dim3A_11 : vector<1x144xf32> to vector<1264x144xf32>
    %broadcast_in_dim3A_13 = vector.shape_cast %get3A_9 : vector<1x144xf32> to vector<1x144xf32>
    %broadcast_in_dim3A_14 = vector.broadcast %broadcast_in_dim3A_13 : vector<1x144xf32> to vector<1264x144xf32>
    %select_n3A = arith.select %broadcast_in_dim3A_10, %broadcast_in_dim3A_12, %broadcast_in_dim3A_14 : vector<1264x144xi1>, vector<1264x144xf32>
    %get3A_15 = arith.constant 0 : index
    %get3A_16 = arith.constant 0 : index
    %get3A_17 = vector.load %arg1[%get3A_15, %get3A_16] : memref<1264x144xf32, #tpu.memory_space<vmem>>, vector<1264x144xf32>
    %add3A = arith.addf %get3A_17, %select_n3A : vector<1264x144xf32>
    %swap3A = arith.constant 0 : index
    %swap3A_18 = arith.constant 0 : index
    %swap3A_19 = vector.load %arg4[%swap3A, %swap3A_18] : memref<1264x144xf32, #tpu.memory_space<vmem>>, vector<1264x144xf32>
    tpu.vector_store %arg4[%swap3A, %swap3A_18], %add3A {strides = array<i32>} : memref<1264x144xf32, #tpu.memory_space<vmem>>, vector<1264x144xf32>,
    return
  }
  func.func @transform_0(%arg0: i32) -> (i32, i32) {
    %c0_i32 = arith.constant 0 : i32
    %c0_i32_0 = arith.constant 0 : i32
    return %arg0, %c0_i32 : i32, i32
  }
  func.func @transform_1(%arg0: i32) -> (i32, i32) {
    %c0_i32 = arith.constant 0 : i32
    %c0_i32_0 = arith.constant 0 : i32
    return %arg0, %c0_i32 : i32, i32
  }
  func.func @transform_2(%arg0: i32) -> (i32, i32) {
    %c0_i32 = arith.constant 0 : i32
    %c0_i32_0 = arith.constant 0 : i32
    %c0_i32_1 = arith.constant 0 : i32
    return %c0_i32, %c0_i32_0 : i32, i32
  }
  func.func @transform_3(%arg0: i32) -> (i32, i32) {
    %c0_i32 = arith.constant 0 : i32
    %c0_i32_0 = arith.constant 0 : i32
    return %arg0, %c0_i32 : i32, i32
  }
}

module attributes {stable_mosaic.version = 14 : i64} {
  func.func @_trans_body(%arg0: i32, %arg1: i32, %arg2: memref<1264x144xf32, #tpu.memory_space<vmem>>, %arg3: memref<1x144x144xf32, #tpu.memory_space<vmem>>, %arg4: memref<1x1x144xf32, #tpu.memory_space<vmem>>, %arg5: memref<1264x144xf32, #tpu.memory_space<vmem>>) attributes {dimension_semantics = [#tpu.dimension_semantics<arbitrary>, #tpu.dimension_semantics<arbitrary>], iteration_bounds = array<i64: 6, 8>, scalar_prefetch = 0 : i64, scratch_operands = 0 : i64, tpu.core_type = #tpu.core_type<tc>, window_params = [{transform_indices = @transform_0, window_bounds = array<i64: 1264, 144>}, {transform_indices = @transform_1, window_bounds = array<i64: 1, 144, 144>}, {transform_indices = @transform_2, window_bounds = array<i64: 1, 1, 144>}, {transform_indices = @transform_3, window_bounds = array<i64: 1264, 144>}]} {
    %get3A = arith.constant 0 : index
    %get3A_0 = arith.constant 0 : index
    %get3A_1 = vector.load %arg2[%get3A, %get3A_0] : memref<1264x144xf32, #tpu.memory_space<vmem>>, vector<1264x144xf32>
    %get3A_2 = arith.constant 0 : index
    %get3A_3 = arith.constant 0 : index
    %get3A_4 = arith.constant 0 : index
    %get3A_5 = vector.load %arg3[%get3A_2, %get3A_3, %get3A_4] : memref<1x144x144xf32, #tpu.memory_space<vmem>>, vector<1x144x144xf32>
    %get3A_6 = vector.shape_cast %get3A_5 : vector<1x144x144xf32> to vector<144x144xf32>
    %dot_general3A = arith.constant dense<0.000000e+00> : vector<1264x144xf32>
    %dot_general3A_7 = tpu.matmul %get3A_1, %get3A_6, %dot_general3A {dimension_numbers = #tpu.dot_dimension_numbers<[1], [0], [0], [1], [0, 0, 1, 1], [], []>, transpose_lhs_hint = false} : vector<1264x144xf32>, vector<144x144xf32>, vector<1264x144xf32> -> vector<1264x144xf32>
    %get3A_8 = arith.constant 0 : index
    %get3A_9 = arith.constant 0 : index
    %get3A_10 = arith.constant 0 : index
    %get3A_11 = vector.load %arg4[%get3A_8, %get3A_9, %get3A_10] : memref<1x1x144xf32, #tpu.memory_space<vmem>>, vector<1x1x144xf32>
    %get3A_12 = vector.shape_cast %get3A_11 : vector<1x1x144xf32> to vector<1x144xf32>
    %add3A = vector.broadcast %get3A_12 : vector<1x144xf32> to vector<1264x144xf32>
    %add3A_13 = arith.addf %dot_general3A_7, %add3A : vector<1264x144xf32>
    %swap3A = arith.constant 0 : index
    %swap3A_14 = arith.constant 0 : index
    %swap3A_15 = vector.load %arg5[%swap3A, %swap3A_14] : memref<1264x144xf32, #tpu.memory_space<vmem>>, vector<1264x144xf32>
    tpu.vector_store %arg5[%swap3A, %swap3A_14], %add3A_13 {strides = array<i32>} : memref<1264x144xf32, #tpu.memory_space<vmem>>, vector<1264x144xf32>,
    return
  }
  func.func @transform_0(%arg0: i32, %arg1: i32) -> (i32, i32) {
    %c0_i32 = arith.constant 0 : i32
    %c0_i32_0 = arith.constant 0 : i32
    return %arg1, %c0_i32 : i32, i32
  }
  func.func @transform_1(%arg0: i32, %arg1: i32) -> (i32, i32, i32) {
    %c0_i32 = arith.constant 0 : i32
    %c0_i32_0 = arith.constant 0 : i32
    %c0_i32_1 = arith.constant 0 : i32
    return %arg0, %c0_i32, %c0_i32_0 : i32, i32, i32
  }
  func.func @transform_2(%arg0: i32, %arg1: i32) -> (i32, i32, i32) {
    %c0_i32 = arith.constant 0 : i32
    %c0_i32_0 = arith.constant 0 : i32
    %c0_i32_1 = arith.constant 0 : i32
    return %arg0, %c0_i32, %c0_i32_0 : i32, i32, i32
  }
  func.func @transform_3(%arg0: i32, %arg1: i32) -> (i32, i32) {
    %mul3A = arith.constant 8 : i32
    %mul3A_0 = arith.muli %arg0, %mul3A : i32
    %add3A = arith.addi %mul3A_0, %arg1 : i32
    %c0_i32 = arith.constant 0 : i32
    %c0_i32_1 = arith.constant 0 : i32
    return %add3A, %c0_i32 : i32, i32
  }
}

module attributes {stable_mosaic.version = 14 : i64} {
  func.func @_gru_body(%arg0: i32, %arg1: memref<2x1264x144xf32, #tpu.memory_space<vmem>>, %arg2: memref<1264x144xf32, #tpu.memory_space<vmem>>, %arg3: memref<144x144xf32, #tpu.memory_space<vmem>>, %arg4: memref<144x144xf32, #tpu.memory_space<vmem>>, %arg5: memref<144x144xf32, #tpu.memory_space<vmem>>, %arg6: memref<144x144xf32, #tpu.memory_space<vmem>>, %arg7: memref<144x144xf32, #tpu.memory_space<vmem>>, %arg8: memref<144x144xf32, #tpu.memory_space<vmem>>, %arg9: memref<1x144xf32, #tpu.memory_space<vmem>>, %arg10: memref<1x144xf32, #tpu.memory_space<vmem>>, %arg11: memref<1x144xf32, #tpu.memory_space<vmem>>, %arg12: memref<1x144xf32, #tpu.memory_space<vmem>>, %arg13: memref<1x144xf32, #tpu.memory_space<vmem>>, %arg14: memref<1x144xf32, #tpu.memory_space<vmem>>, %arg15: memref<1264x144xf32, #tpu.memory_space<vmem>>) attributes {dimension_semantics = [#tpu.dimension_semantics<arbitrary>], iteration_bounds = array<i64: 8>, scalar_prefetch = 0 : i64, scratch_operands = 0 : i64, tpu.core_type = #tpu.core_type<tc>, window_params = [{transform_indices = @transform_0, window_bounds = array<i64: 2, 1264, 144>}, {transform_indices = @transform_1, window_bounds = array<i64: 1264, 144>}, {pipeline_mode = #tpu.pipeline_mode<synchronous>, transform_indices = @transform_2, window_bounds = array<i64: 144, 144>}, {pipeline_mode = #tpu.pipeline_mode<synchronous>, transform_indices = @transform_3, window_bounds = array<i64: 144, 144>}, {pipeline_mode = #tpu.pipeline_mode<synchronous>, transform_indices = @transform_4, window_bounds = array<i64: 144, 144>}, {pipeline_mode = #tpu.pipeline_mode<synchronous>, transform_indices = @transform_5, window_bounds = array<i64: 144, 144>}, {pipeline_mode = #tpu.pipeline_mode<synchronous>, transform_indices = @transform_6, window_bounds = array<i64: 144, 144>}, {pipeline_mode = #tpu.pipeline_mode<synchronous>, transform_indices = @transform_7, window_bounds = array<i64: 144, 144>}, {pipeline_mode = #tpu.pipeline_mode<synchronous>, transform_indices = @transform_8, window_bounds = array<i64: 1, 144>}, {pipeline_mode = #tpu.pipeline_mode<synchronous>, transform_indices = @transform_9, window_bounds = array<i64: 1, 144>}, {pipeline_mode = #tpu.pipeline_mode<synchronous>, transform_indices = @transform_10, window_bounds = array<i64: 1, 144>}, {pipeline_mode = #tpu.pipeline_mode<synchronous>, transform_indices = @transform_11, window_bounds = array<i64: 1, 144>}, {pipeline_mode = #tpu.pipeline_mode<synchronous>, transform_indices = @transform_12, window_bounds = array<i64: 1, 144>}, {pipeline_mode = #tpu.pipeline_mode<synchronous>, transform_indices = @transform_13, window_bounds = array<i64: 1, 144>}, {transform_indices = @transform_14, window_bounds = array<i64: 1264, 144>}]} {
    %get3A = arith.constant 0 : index
    %get3A_0 = arith.constant 0 : index
    %get3A_1 = arith.constant 0 : index
    %get3A_2 = vector.load %arg1[%get3A, %get3A_0, %get3A_1] : memref<2x1264x144xf32, #tpu.memory_space<vmem>>, vector<1x1264x144xf32>
    %get3A_3 = vector.shape_cast %get3A_2 : vector<1x1264x144xf32> to vector<1264x144xf32>
    %get3A_4 = arith.constant 1 : index
    %get3A_5 = arith.constant 0 : index
    %get3A_6 = arith.constant 0 : index
    %get3A_7 = vector.load %arg1[%get3A_4, %get3A_5, %get3A_6] : memref<2x1264x144xf32, #tpu.memory_space<vmem>>, vector<1x1264x144xf32>
    %get3A_8 = vector.shape_cast %get3A_7 : vector<1x1264x144xf32> to vector<1264x144xf32>
    %add3A = arith.addf %get3A_3, %get3A_8 : vector<1264x144xf32>
    %get3A_9 = arith.constant 0 : index
    %get3A_10 = arith.constant 0 : index
    %get3A_11 = vector.load %arg2[%get3A_9, %get3A_10] : memref<1264x144xf32, #tpu.memory_space<vmem>>, vector<1264x144xf32>
    %get3A_12 = arith.constant 0 : index
    %get3A_13 = arith.constant 0 : index
    %get3A_14 = vector.load %arg3[%get3A_12, %get3A_13] : memref<144x144xf32, #tpu.memory_space<vmem>>, vector<144x144xf32>
    %dot_general3A = arith.constant dense<0.000000e+00> : vector<1264x144xf32>
    %dot_general3A_15 = tpu.matmul %add3A, %get3A_14, %dot_general3A {dimension_numbers = #tpu.dot_dimension_numbers<[1], [0], [0], [1], [0, 0, 1, 1], [], []>, transpose_lhs_hint = false} : vector<1264x144xf32>, vector<144x144xf32>, vector<1264x144xf32> -> vector<1264x144xf32>
    %get3A_16 = arith.constant 0 : index
    %get3A_17 = arith.constant 0 : index
    %get3A_18 = vector.load %arg9[%get3A_16, %get3A_17] : memref<1x144xf32, #tpu.memory_space<vmem>>, vector<1x144xf32>
    %add3A_19 = vector.broadcast %get3A_18 : vector<1x144xf32> to vector<1264x144xf32>
    %add3A_20 = arith.addf %dot_general3A_15, %add3A_19 : vector<1264x144xf32>
    %get3A_21 = arith.constant 0 : index
    %get3A_22 = arith.constant 0 : index
    %get3A_23 = vector.load %arg6[%get3A_21, %get3A_22] : memref<144x144xf32, #tpu.memory_space<vmem>>, vector<144x144xf32>
    %dot_general3A_24 = arith.constant dense<0.000000e+00> : vector<1264x144xf32>
    %dot_general3A_25 = tpu.matmul %get3A_11, %get3A_23, %dot_general3A_24 {dimension_numbers = #tpu.dot_dimension_numbers<[1], [0], [0], [1], [0, 0, 1, 1], [], []>, transpose_lhs_hint = false} : vector<1264x144xf32>, vector<144x144xf32>, vector<1264x144xf32> -> vector<1264x144xf32>
    %add3A_26 = arith.addf %add3A_20, %dot_general3A_25 : vector<1264x144xf32>
    %get3A_27 = arith.constant 0 : index
    %get3A_28 = arith.constant 0 : index
    %get3A_29 = vector.load %arg12[%get3A_27, %get3A_28] : memref<1x144xf32, #tpu.memory_space<vmem>>, vector<1x144xf32>
    %add3A_30 = vector.broadcast %get3A_29 : vector<1x144xf32> to vector<1264x144xf32>
    %add3A_31 = arith.addf %add3A_26, %add3A_30 : vector<1264x144xf32>
    %logistic3A = arith.negf %add3A_31 : vector<1264x144xf32>
    %logistic3A_32 = math.exp %logistic3A : vector<1264x144xf32>
    %logistic3A_33 = arith.constant 1.000000e+00 : f32
    %logistic3A_34 = vector.broadcast %logistic3A_33 : f32 to vector<1264x144xf32>
    %logistic3A_35 = arith.addf %logistic3A_34, %logistic3A_32 : vector<1264x144xf32>
    %logistic3A_36 = arith.divf %logistic3A_34, %logistic3A_35 : vector<1264x144xf32>
    %get3A_37 = arith.constant 0 : index
    %get3A_38 = arith.constant 0 : index
    %get3A_39 = vector.load %arg4[%get3A_37, %get3A_38] : memref<144x144xf32, #tpu.memory_space<vmem>>, vector<144x144xf32>
    %dot_general3A_40 = arith.constant dense<0.000000e+00> : vector<1264x144xf32>
    %dot_general3A_41 = tpu.matmul %add3A, %get3A_39, %dot_general3A_40 {dimension_numbers = #tpu.dot_dimension_numbers<[1], [0], [0], [1], [0, 0, 1, 1], [], []>, transpose_lhs_hint = false} : vector<1264x144xf32>, vector<144x144xf32>, vector<1264x144xf32> -> vector<1264x144xf32>
    %get3A_42 = arith.constant 0 : index
    %get3A_43 = arith.constant 0 : index
    %get3A_44 = vector.load %arg10[%get3A_42, %get3A_43] : memref<1x144xf32, #tpu.memory_space<vmem>>, vector<1x144xf32>
    %add3A_45 = vector.broadcast %get3A_44 : vector<1x144xf32> to vector<1264x144xf32>
    %add3A_46 = arith.addf %dot_general3A_41, %add3A_45 : vector<1264x144xf32>
    %get3A_47 = arith.constant 0 : index
    %get3A_48 = arith.constant 0 : index
    %get3A_49 = vector.load %arg7[%get3A_47, %get3A_48] : memref<144x144xf32, #tpu.memory_space<vmem>>, vector<144x144xf32>
    %dot_general3A_50 = arith.constant dense<0.000000e+00> : vector<1264x144xf32>
    %dot_general3A_51 = tpu.matmul %get3A_11, %get3A_49, %dot_general3A_50 {dimension_numbers = #tpu.dot_dimension_numbers<[1], [0], [0], [1], [0, 0, 1, 1], [], []>, transpose_lhs_hint = false} : vector<1264x144xf32>, vector<144x144xf32>, vector<1264x144xf32> -> vector<1264x144xf32>
    %add3A_52 = arith.addf %add3A_46, %dot_general3A_51 : vector<1264x144xf32>
    %get3A_53 = arith.constant 0 : index
    %get3A_54 = arith.constant 0 : index
    %get3A_55 = vector.load %arg13[%get3A_53, %get3A_54] : memref<1x144xf32, #tpu.memory_space<vmem>>, vector<1x144xf32>
    %add3A_56 = vector.broadcast %get3A_55 : vector<1x144xf32> to vector<1264x144xf32>
    %add3A_57 = arith.addf %add3A_52, %add3A_56 : vector<1264x144xf32>
    %logistic3A_58 = arith.negf %add3A_57 : vector<1264x144xf32>
    %logistic3A_59 = math.exp %logistic3A_58 : vector<1264x144xf32>
    %logistic3A_60 = arith.constant 1.000000e+00 : f32
    %logistic3A_61 = vector.broadcast %logistic3A_60 : f32 to vector<1264x144xf32>
    %logistic3A_62 = arith.addf %logistic3A_61, %logistic3A_59 : vector<1264x144xf32>
    %logistic3A_63 = arith.divf %logistic3A_61, %logistic3A_62 : vector<1264x144xf32>
    %get3A_64 = arith.constant 0 : index
    %get3A_65 = arith.constant 0 : index
    %get3A_66 = vector.load %arg5[%get3A_64, %get3A_65] : memref<144x144xf32, #tpu.memory_space<vmem>>, vector<144x144xf32>
    %dot_general3A_67 = arith.constant dense<0.000000e+00> : vector<1264x144xf32>
    %dot_general3A_68 = tpu.matmul %add3A, %get3A_66, %dot_general3A_67 {dimension_numbers = #tpu.dot_dimension_numbers<[1], [0], [0], [1], [0, 0, 1, 1], [], []>, transpose_lhs_hint = false} : vector<1264x144xf32>, vector<144x144xf32>, vector<1264x144xf32> -> vector<1264x144xf32>
    %get3A_69 = arith.constant 0 : index
    %get3A_70 = arith.constant 0 : index
    %get3A_71 = vector.load %arg11[%get3A_69, %get3A_70] : memref<1x144xf32, #tpu.memory_space<vmem>>, vector<1x144xf32>
    %add3A_72 = vector.broadcast %get3A_71 : vector<1x144xf32> to vector<1264x144xf32>
    %add3A_73 = arith.addf %dot_general3A_68, %add3A_72 : vector<1264x144xf32>
    %get3A_74 = arith.constant 0 : index
    %get3A_75 = arith.constant 0 : index
    %get3A_76 = vector.load %arg8[%get3A_74, %get3A_75] : memref<144x144xf32, #tpu.memory_space<vmem>>, vector<144x144xf32>
    %dot_general3A_77 = arith.constant dense<0.000000e+00> : vector<1264x144xf32>
    %dot_general3A_78 = tpu.matmul %get3A_11, %get3A_76, %dot_general3A_77 {dimension_numbers = #tpu.dot_dimension_numbers<[1], [0], [0], [1], [0, 0, 1, 1], [], []>, transpose_lhs_hint = false} : vector<1264x144xf32>, vector<144x144xf32>, vector<1264x144xf32> -> vector<1264x144xf32>
    %get3A_79 = arith.constant 0 : index
    %get3A_80 = arith.constant 0 : index
    %get3A_81 = vector.load %arg14[%get3A_79, %get3A_80] : memref<1x144xf32, #tpu.memory_space<vmem>>, vector<1x144xf32>
    %add3A_82 = vector.broadcast %get3A_81 : vector<1x144xf32> to vector<1264x144xf32>
    %add3A_83 = arith.addf %dot_general3A_78, %add3A_82 : vector<1264x144xf32>
    %mul3A = arith.mulf %logistic3A_36, %add3A_83 : vector<1264x144xf32>
    %add3A_84 = arith.addf %add3A_73, %mul3A : vector<1264x144xf32>
    %tanh3A = math.tanh %add3A_84 : vector<1264x144xf32>
    %sub3A = arith.constant 1.000000e+00 : f32
    %sub3A_85 = vector.broadcast %sub3A : f32 to vector<1264x144xf32>
    %sub3A_86 = arith.subf %sub3A_85, %logistic3A_63 : vector<1264x144xf32>
    %mul3A_87 = arith.mulf %sub3A_86, %tanh3A : vector<1264x144xf32>
    %mul3A_88 = arith.mulf %logistic3A_63, %get3A_11 : vector<1264x144xf32>
    %add3A_89 = arith.addf %mul3A_87, %mul3A_88 : vector<1264x144xf32>
    %swap3A = arith.constant 0 : index
    %swap3A_90 = arith.constant 0 : index
    %swap3A_91 = vector.load %arg15[%swap3A, %swap3A_90] : memref<1264x144xf32, #tpu.memory_space<vmem>>, vector<1264x144xf32>
    tpu.vector_store %arg15[%swap3A, %swap3A_90], %add3A_89 {strides = array<i32>} : memref<1264x144xf32, #tpu.memory_space<vmem>>, vector<1264x144xf32>,
    return
  }
  func.func @transform_0(%arg0: i32) -> (i32, i32, i32) {
    %c0_i32 = arith.constant 0 : i32
    %c0_i32_0 = arith.constant 0 : i32
    %c0_i32_1 = arith.constant 0 : i32
    return %c0_i32, %arg0, %c0_i32_0 : i32, i32, i32
  }
  func.func @transform_1(%arg0: i32) -> (i32, i32) {
    %c0_i32 = arith.constant 0 : i32
    %c0_i32_0 = arith.constant 0 : i32
    return %arg0, %c0_i32 : i32, i32
  }
  func.func @transform_2(%arg0: i32) -> (i32, i32) {
    %c0_i32 = arith.constant 0 : i32
    %c0_i32_0 = arith.constant 0 : i32
    %c0_i32_1 = arith.constant 0 : i32
    return %c0_i32, %c0_i32_0 : i32, i32
  }
  func.func @transform_3(%arg0: i32) -> (i32, i32) {
    %c0_i32 = arith.constant 0 : i32
    %c0_i32_0 = arith.constant 0 : i32
    %c0_i32_1 = arith.constant 0 : i32
    return %c0_i32, %c0_i32_0 : i32, i32
  }
  func.func @transform_4(%arg0: i32) -> (i32, i32) {
    %c0_i32 = arith.constant 0 : i32
    %c0_i32_0 = arith.constant 0 : i32
    %c0_i32_1 = arith.constant 0 : i32
    return %c0_i32, %c0_i32_0 : i32, i32
  }
  func.func @transform_5(%arg0: i32) -> (i32, i32) {
    %c0_i32 = arith.constant 0 : i32
    %c0_i32_0 = arith.constant 0 : i32
    %c0_i32_1 = arith.constant 0 : i32
    return %c0_i32, %c0_i32_0 : i32, i32
  }
  func.func @transform_6(%arg0: i32) -> (i32, i32) {
    %c0_i32 = arith.constant 0 : i32
    %c0_i32_0 = arith.constant 0 : i32
    %c0_i32_1 = arith.constant 0 : i32
    return %c0_i32, %c0_i32_0 : i32, i32
  }
  func.func @transform_7(%arg0: i32) -> (i32, i32) {
    %c0_i32 = arith.constant 0 : i32
    %c0_i32_0 = arith.constant 0 : i32
    %c0_i32_1 = arith.constant 0 : i32
    return %c0_i32, %c0_i32_0 : i32, i32
  }
  func.func @transform_8(%arg0: i32) -> (i32, i32) {
    %c0_i32 = arith.constant 0 : i32
    %c0_i32_0 = arith.constant 0 : i32
    %c0_i32_1 = arith.constant 0 : i32
    return %c0_i32, %c0_i32_0 : i32, i32
  }
  func.func @transform_9(%arg0: i32) -> (i32, i32) {
    %c0_i32 = arith.constant 0 : i32
    %c0_i32_0 = arith.constant 0 : i32
    %c0_i32_1 = arith.constant 0 : i32
    return %c0_i32, %c0_i32_0 : i32, i32
  }
  func.func @transform_10(%arg0: i32) -> (i32, i32) {
    %c0_i32 = arith.constant 0 : i32
    %c0_i32_0 = arith.constant 0 : i32
    %c0_i32_1 = arith.constant 0 : i32
    return %c0_i32, %c0_i32_0 : i32, i32
  }
  func.func @transform_11(%arg0: i32) -> (i32, i32) {
    %c0_i32 = arith.constant 0 : i32
    %c0_i32_0 = arith.constant 0 : i32
    %c0_i32_1 = arith.constant 0 : i32
    return %c0_i32, %c0_i32_0 : i32, i32
  }
  func.func @transform_12(%arg0: i32) -> (i32, i32) {
    %c0_i32 = arith.constant 0 : i32
    %c0_i32_0 = arith.constant 0 : i32
    %c0_i32_1 = arith.constant 0 : i32
    return %c0_i32, %c0_i32_0 : i32, i32
  }
  func.func @transform_13(%arg0: i32) -> (i32, i32) {
    %c0_i32 = arith.constant 0 : i32
    %c0_i32_0 = arith.constant 0 : i32
    %c0_i32_1 = arith.constant 0 : i32
    return %c0_i32, %c0_i32_0 : i32, i32
  }
  func.func @transform_14(%arg0: i32) -> (i32, i32) {
    %c0_i32 = arith.constant 0 : i32
    %c0_i32_0 = arith.constant 0 : i32
    return %arg0, %c0_i32 : i32, i32
  }
}

module attributes {stable_mosaic.version = 14 : i64} {
  func.func @_readout_body(%arg0: i32, %arg1: memref<1264x144xf32, #tpu.memory_space<vmem>>, %arg2: memref<1264x144xf32, #tpu.memory_space<vmem>>, %arg3: memref<1264x1xi32, #tpu.memory_space<vmem>>, %arg4: memref<144x128xf32, #tpu.memory_space<vmem>>, %arg5: memref<144x128xf32, #tpu.memory_space<vmem>>, %arg6: memref<144x128xf32, #tpu.memory_space<vmem>>, %arg7: memref<1x128xf32, #tpu.memory_space<vmem>>, %arg8: memref<1x128xf32, #tpu.memory_space<vmem>>, %arg9: memref<64x128xf32, #tpu.memory_space<vmem>>) attributes {dimension_semantics = [#tpu.dimension_semantics<arbitrary>], iteration_bounds = array<i64: 8>, scalar_prefetch = 0 : i64, scratch_operands = 0 : i64, tpu.core_type = #tpu.core_type<tc>, window_params = [{transform_indices = @transform_0, window_bounds = array<i64: 1264, 144>}, {transform_indices = @transform_1, window_bounds = array<i64: 1264, 144>}, {transform_indices = @transform_2, window_bounds = array<i64: 1264, 1>}, {pipeline_mode = #tpu.pipeline_mode<synchronous>, transform_indices = @transform_3, window_bounds = array<i64: 144, 128>}, {pipeline_mode = #tpu.pipeline_mode<synchronous>, transform_indices = @transform_4, window_bounds = array<i64: 144, 128>}, {pipeline_mode = #tpu.pipeline_mode<synchronous>, transform_indices = @transform_5, window_bounds = array<i64: 144, 128>}, {pipeline_mode = #tpu.pipeline_mode<synchronous>, transform_indices = @transform_6, window_bounds = array<i64: 1, 128>}, {pipeline_mode = #tpu.pipeline_mode<synchronous>, transform_indices = @transform_7, window_bounds = array<i64: 1, 128>}, {pipeline_mode = #tpu.pipeline_mode<synchronous>, transform_indices = @transform_8, window_bounds = array<i64: 64, 128>}]} {
    %get3A = arith.constant 0 : index
    %get3A_0 = arith.constant 0 : index
    %get3A_1 = vector.load %arg1[%get3A, %get3A_0] : memref<1264x144xf32, #tpu.memory_space<vmem>>, vector<1264x144xf32>
    %get3A_2 = arith.constant 0 : index
    %get3A_3 = arith.constant 0 : index
    %get3A_4 = vector.load %arg4[%get3A_2, %get3A_3] : memref<144x128xf32, #tpu.memory_space<vmem>>, vector<144x128xf32>
    %dot_general3A = arith.constant dense<0.000000e+00> : vector<1264x128xf32>
    %dot_general3A_5 = tpu.matmul %get3A_1, %get3A_4, %dot_general3A {dimension_numbers = #tpu.dot_dimension_numbers<[1], [0], [0], [1], [0, 0, 1, 1], [], []>, transpose_lhs_hint = false} : vector<1264x144xf32>, vector<144x128xf32>, vector<1264x128xf32> -> vector<1264x128xf32>
    %get3A_6 = arith.constant 0 : index
    %get3A_7 = arith.constant 0 : index
    %get3A_8 = vector.load %arg2[%get3A_6, %get3A_7] : memref<1264x144xf32, #tpu.memory_space<vmem>>, vector<1264x144xf32>
    %get3A_9 = arith.constant 0 : index
    %get3A_10 = arith.constant 0 : index
    %get3A_11 = vector.load %arg5[%get3A_9, %get3A_10] : memref<144x128xf32, #tpu.memory_space<vmem>>, vector<144x128xf32>
    %dot_general3A_12 = arith.constant dense<0.000000e+00> : vector<1264x128xf32>
    %dot_general3A_13 = tpu.matmul %get3A_8, %get3A_11, %dot_general3A_12 {dimension_numbers = #tpu.dot_dimension_numbers<[1], [0], [0], [1], [0, 0, 1, 1], [], []>, transpose_lhs_hint = false} : vector<1264x144xf32>, vector<144x128xf32>, vector<1264x128xf32> -> vector<1264x128xf32>
    %add3A = arith.addf %dot_general3A_5, %dot_general3A_13 : vector<1264x128xf32>
    %get3A_14 = arith.constant 0 : index
    %get3A_15 = arith.constant 0 : index
    %get3A_16 = vector.load %arg7[%get3A_14, %get3A_15] : memref<1x128xf32, #tpu.memory_space<vmem>>, vector<1x128xf32>
    %add3A_17 = vector.broadcast %get3A_16 : vector<1x128xf32> to vector<1264x128xf32>
    %add3A_18 = arith.addf %add3A, %add3A_17 : vector<1264x128xf32>
    %logistic3A = arith.negf %add3A_18 : vector<1264x128xf32>
    %logistic3A_19 = math.exp %logistic3A : vector<1264x128xf32>
    %logistic3A_20 = arith.constant 1.000000e+00 : f32
    %logistic3A_21 = vector.broadcast %logistic3A_20 : f32 to vector<1264x128xf32>
    %logistic3A_22 = arith.addf %logistic3A_21, %logistic3A_19 : vector<1264x128xf32>
    %logistic3A_23 = arith.divf %logistic3A_21, %logistic3A_22 : vector<1264x128xf32>
    %get3A_24 = arith.constant 0 : index
    %get3A_25 = arith.constant 0 : index
    %get3A_26 = vector.load %arg1[%get3A_24, %get3A_25] : memref<1264x144xf32, #tpu.memory_space<vmem>>, vector<1264x144xf32>
    %get3A_27 = arith.constant 0 : index
    %get3A_28 = arith.constant 0 : index
    %get3A_29 = vector.load %arg6[%get3A_27, %get3A_28] : memref<144x128xf32, #tpu.memory_space<vmem>>, vector<144x128xf32>
    %dot_general3A_30 = arith.constant dense<0.000000e+00> : vector<1264x128xf32>
    %dot_general3A_31 = tpu.matmul %get3A_26, %get3A_29, %dot_general3A_30 {dimension_numbers = #tpu.dot_dimension_numbers<[1], [0], [0], [1], [0, 0, 1, 1], [], []>, transpose_lhs_hint = false} : vector<1264x144xf32>, vector<144x128xf32>, vector<1264x128xf32> -> vector<1264x128xf32>
    %get3A_32 = arith.constant 0 : index
    %get3A_33 = arith.constant 0 : index
    %get3A_34 = vector.load %arg8[%get3A_32, %get3A_33] : memref<1x128xf32, #tpu.memory_space<vmem>>, vector<1x128xf32>
    %add3A_35 = vector.broadcast %get3A_34 : vector<1x128xf32> to vector<1264x128xf32>
    %add3A_36 = arith.addf %dot_general3A_31, %add3A_35 : vector<1264x128xf32>
    %mul3A = arith.mulf %logistic3A_23, %add3A_36 : vector<1264x128xf32>
    %iota3A = tpu.iota {dimensions = array<i32: 1>} : vector<1264x64xi32>
    %get3A_37 = arith.constant 0 : index
    %get3A_38 = arith.constant 0 : index
    %get3A_39 = vector.load %arg3[%get3A_37, %get3A_38] : memref<1264x1xi32, #tpu.memory_space<vmem>>, vector<1264x1xi32>
    %eq3A = vector.broadcast %get3A_39 : vector<1264x1xi32> to vector<1264x64xi32>
    %eq3A_40 = arith.cmpi eq, %eq3A, %iota3A : vector<1264x64xi32>
    %convert_element_type3A = arith.extui %eq3A_40 : vector<1264x64xi1> to vector<1264x64xi32>
    %convert_element_type3A_41 = arith.sitofp %convert_element_type3A : vector<1264x64xi32> to vector<1264x64xf32>
    %dot_general3A_42 = arith.constant dense<0.000000e+00> : vector<64x128xf32>
    %dot_general3A_43 = tpu.matmul %convert_element_type3A_41, %mul3A, %dot_general3A_42 {dimension_numbers = #tpu.dot_dimension_numbers<[0], [0], [1], [1], [0, 1, 1, 1], [], []>, transpose_lhs_hint = false} : vector<1264x64xf32>, vector<1264x128xf32>, vector<64x128xf32> -> vector<64x128xf32>
    %eq3A_44 = arith.constant 0 : i32
    %eq3A_45 = arith.cmpi eq, %arg0, %eq3A_44 : i32
    %convert_element_type3A_46 = arith.extui %eq3A_45 : i1 to i32
    %cond3A = arith.constant 0 : i32
    %cond3A_47 = arith.cmpi ne, %convert_element_type3A_46, %cond3A : i32
    scf.if %cond3A_47 {
      %swap3A = arith.constant 0 : index
      %swap3A_52 = arith.constant 0 : index
      %swap3A_53 = vector.load %arg9[%swap3A, %swap3A_52] : memref<64x128xf32, #tpu.memory_space<vmem>>, vector<64x128xf32>
      tpu.vector_store %arg9[%swap3A, %swap3A_52], %dot_general3A_43 {strides = array<i32>} : memref<64x128xf32, #tpu.memory_space<vmem>>, vector<64x128xf32>,
    } else {
    }
    %gt3A = arith.constant 0 : i32
    %gt3A_48 = arith.cmpi sgt, %arg0, %gt3A : i32
    %convert_element_type3A_49 = arith.extui %gt3A_48 : i1 to i32
    %cond3A_50 = arith.constant 0 : i32
    %cond3A_51 = arith.cmpi ne, %convert_element_type3A_49, %cond3A_50 : i32
    scf.if %cond3A_51 {
      %get3A_52 = arith.constant 0 : index
      %get3A_53 = arith.constant 0 : index
      %get3A_54 = vector.load %arg9[%get3A_52, %get3A_53] : memref<64x128xf32, #tpu.memory_space<vmem>>, vector<64x128xf32>
      %add3A_55 = arith.addf %get3A_54, %dot_general3A_43 : vector<64x128xf32>
      %swap3A = arith.constant 0 : index
      %swap3A_56 = arith.constant 0 : index
      %swap3A_57 = vector.load %arg9[%swap3A, %swap3A_56] : memref<64x128xf32, #tpu.memory_space<vmem>>, vector<64x128xf32>
      tpu.vector_store %arg9[%swap3A, %swap3A_56], %add3A_55 {strides = array<i32>} : memref<64x128xf32, #tpu.memory_space<vmem>>, vector<64x128xf32>,
    } else {
    }
    return
  }
  func.func @transform_0(%arg0: i32) -> (i32, i32) {
    %c0_i32 = arith.constant 0 : i32
    %c0_i32_0 = arith.constant 0 : i32
    return %arg0, %c0_i32 : i32, i32
  }
  func.func @transform_1(%arg0: i32) -> (i32, i32) {
    %c0_i32 = arith.constant 0 : i32
    %c0_i32_0 = arith.constant 0 : i32
    return %arg0, %c0_i32 : i32, i32
  }
  func.func @transform_2(%arg0: i32) -> (i32, i32) {
    %c0_i32 = arith.constant 0 : i32
    %c0_i32_0 = arith.constant 0 : i32
    return %arg0, %c0_i32 : i32, i32
  }
  func.func @transform_3(%arg0: i32) -> (i32, i32) {
    %c0_i32 = arith.constant 0 : i32
    %c0_i32_0 = arith.constant 0 : i32
    %c0_i32_1 = arith.constant 0 : i32
    return %c0_i32, %c0_i32_0 : i32, i32
  }
  func.func @transform_4(%arg0: i32) -> (i32, i32) {
    %c0_i32 = arith.constant 0 : i32
    %c0_i32_0 = arith.constant 0 : i32
    %c0_i32_1 = arith.constant 0 : i32
    return %c0_i32, %c0_i32_0 : i32, i32
  }
  func.func @transform_5(%arg0: i32) -> (i32, i32) {
    %c0_i32 = arith.constant 0 : i32
    %c0_i32_0 = arith.constant 0 : i32
    %c0_i32_1 = arith.constant 0 : i32
    return %c0_i32, %c0_i32_0 : i32, i32
  }
  func.func @transform_6(%arg0: i32) -> (i32, i32) {
    %c0_i32 = arith.constant 0 : i32
    %c0_i32_0 = arith.constant 0 : i32
    %c0_i32_1 = arith.constant 0 : i32
    return %c0_i32, %c0_i32_0 : i32, i32
  }
  func.func @transform_7(%arg0: i32) -> (i32, i32) {
    %c0_i32 = arith.constant 0 : i32
    %c0_i32_0 = arith.constant 0 : i32
    %c0_i32_1 = arith.constant 0 : i32
    return %c0_i32, %c0_i32_0 : i32, i32
  }
  func.func @transform_8(%arg0: i32) -> (i32, i32) {
    %c0_i32 = arith.constant 0 : i32
    %c0_i32_0 = arith.constant 0 : i32
    %c0_i32_1 = arith.constant 0 : i32
    return %c0_i32, %c0_i32_0 : i32, i32
  }
}

</mosaic_0001>

<sc_bundles>
// kernel: kernel.12.cloned.1.call-start
scs
__scs_entry_jumppad:
0x0: {  	(pc) =	sbr.rel $0x88, $3  }
0x1: {  	(tag) =	ssettag $0x0;
	lr =	simm.s32 $0x1  }
0x2: {  	[smem:$0x3F8B] =	sst lr;
	_ =	strace $0xD0000000  }
0x3: {  	_ = 	snop  }
0x4: {  	_ = 	snop  }
0x5: {  	_ = 	snop  }
0x6: {  	_ = 	snop  }
0x7: {  	_ = 	snop  }
__scs_overlays_trampoline_lowered:
0x8: {  	[smem:$0x3F9A] =	sst s0  }
0x9: {  	[smem:$0x3F9B] =	sst s1  }
0xa: {  	[smem:$0x3F9C] =	sst s2  }
0xb: {  	[smem:$0x3F9D] =	sst s3  }
0xc: {  	[smem:$0x3F9E] =	sst s4  }
0xd: {  	[smem:$0x3F9F] =	sst s5  }
0xe: {  	[smem:$0x3FA0] =	sst s6  }
0xf: {  	[smem:$0x3FA1] =	sst s7  }
0x10: {  	[smem:$0x3FA2] =	sst s8  }
0x11: {  	[smem:$0x3FA3] =	sst s9;
	s0 =	simm.s32 @!p0 $0x0  }
0x12: {  	s1 =	sld [smem:$0x3F89];
	s0 =	simm.s32 @p0 $0x1  }
0x13: {  	[smem:$0x3FA4] =	sst s0;
	s0 =	simm.s32 @!p1 $0x0  }
0x14: {  	s2 =	sld [smem:$0x3F88];
	s0 =	simm.s32 @p1 $0x1  }
0x15: {  	[smem:$0x3FA5] =	sst s0;
	s0 =	simm.s32 @!p2 $0x0  }
0x16: {  	s3 =	sld [smem:$0x3FDB];
	s0 =	simm.s32 @p2 $0x1  }
0x17: {  	s4 =	simm.s32 $0x1BF5;
	[smem:$0x3FA7] =	sst s0  }
0x18: {  	s0 =	sld [smem:$0x3F8A];
	_ =	swait.ge [sflag:s4], $0x0  }
0x19: {  	s7 =	sld [smem:$0x3F8B]  }
0x1a: {  	s8 =	sadd.s32 $0xFFFFE003, lr  }
0x1b: {  	s9 =	sadd.s32 $0xFFFFFEF7, lr;
	s5 =	simm.s32 $0xFFFFFFFF;
	p2 =	slt.u32 s8, $0xFFFFF086  }
0x1c: {  	p1 =	slt.u32 s9, $0xF7A;
	s5 =	simm.s32 @!p2 $0x0  }
0x1d: {  	s5 =	simm.s32 @p1 $0x1;
	p0 =	seq.s32 s7, s2  }
0x1e: {  	s7 =	smul.u32 @!p0 $0xF7A, s2;
	p2 =	seq.s32 @!p0 s5, $0x0  }
0x1f: {  	s9 =	smul.u32 $0xF7A, s1;
	s8 =	simm.s32 @!p0 $0x1BF5;
	p2 =	por !p2, p0  }
0x20: {  	[sflag:s8] =	ssyncset.s32 @!p0 $0xFFFFF086;
	s6 =	sadd.s32 @!p0 s3, s7;
	s7 =	simm.s32 @!p0 $0x108  }
0x21: {  	s3 =	sadd.s32 s3, s9;
	s6 =	sadd.s32 @!p0 $0x88, s6;
	s7 =	simm.s32 @p2 $0x1082  }
0x22: {  	[simem:s7], [sflag:s8] =	dma.local @!p0 [hbm:s6], $0xF7A  }
0x23: {  	s9 =	sor.u32 $0xD0000000, s2;
	s6 =	simm.s32 $0x108;
	_ =	swait.ge @!p0 [sflag:s8], $0x0  }
0x24: {  	s3 =	sadd.s32 $0x88, s3;
	s6 =	simm.s32 @!p1 $0x1082;
	[sflag:s4] =	ssyncset.s32 $0xFFFFF086  }
0x25: {  	[simem:s6], [sflag:s4] =	dma.local [hbm:s3], $0xF7A  }
0x26: {  	[smem:$0x3F8B] =	sst s1;
	(tag) =	ssettag s2;
	_ =	strace s9  }
0x27: {  	s1 =	sld [smem:$0x3F9B]  }
0x28: {  	s2 =	sld [smem:$0x3F9C]  }
0x29: {  	s4 =	sld [smem:$0x3F9E]  }
0x2a: {  	p0 =	seq.s32 s5, $0x0;
	s5 =	sld [smem:$0x3F9F]  }
0x2b: {  	s6 =	sld [smem:$0x3FA0]  }
0x2c: {  	s7 =	sld [smem:$0x3FA1]  }
0x2d: {  	s3 =	simm.s32 $0x108;
	s8 =	sld [smem:$0x3FA2]  }
0x2e: {  	s3 =	simm.s32 @!p0 $0x1082;
	s9 =	sld [smem:$0x3FA3]  }
0x2f: {  	lr =	sadd.s32 s0, s3;
	s0 =	sld [smem:$0x3F9A]  }
0x30: {  	s3 =	sld [smem:$0x3F9D]  }
0x31: {  	[smem:$0x3FA6] =	sst s10  }
0x32: {  	s10 =	sld [smem:$0x3FA4];
	_ =	sdelay $0x3  }
0x33: {  	p0 =	seq.s32 s10, $0x1;
	s10 =	sld [smem:$0x3FA6];
	_ =	sdelay $0x3  }
0x34: {  	[smem:$0x3FA6] =	sst s10  }
0x35: {  	s10 =	sld [smem:$0x3FA5];
	_ =	sdelay $0x3  }
0x36: {  	p1 =	seq.s32 s10, $0x1;
	s10 =	sld [smem:$0x3FA6];
	_ =	sdelay $0x3  }
0x37: {  	[smem:$0x3FA6] =	sst s10  }
0x38: {  	s10 =	sld [smem:$0x3FA7]  }
0x39: {  	_ = 	snop;
	(pc) =	sbr.ind lr, $3  }
0x3a: {  	_ = 	snop  }
0x3b: {  	_ = 	snop  }
0x3c: {  	p2 =	seq.s32 s10, $0x1;
	s10 =	sld [smem:$0x3FA6]  }
0x3d: {  	_ =	shalt  }
0x3e: {  	_ =	shalt  }
0x3f: {  	_ =	shalt  }
0x40: {  	_ =	shalt  }
0x41: {  	_ =	shalt  }
0x42: {  	_ =	shalt  }
0x43: {  	_ =	shalt  }
0x44: {  	_ =	shalt  }
0x45: {  	_ =	shalt  }
0x46: {  	_ =	shalt  }
0x47: {  	_ =	shalt  }
0x48: {  	_ =	shalt  }
0x49: {  	_ =	shalt  }
0x4a: {  	_ =	shalt  }
0x4b: {  	_ =	shalt  }
0x4c: {  	_ =	shalt  }
0x4d: {  	_ =	shalt  }
0x4e: {  	_ =	shalt  }
0x4f: {  	_ =	shalt  }
0x50: {  	_ =	shalt  }
0x51: {  	_ =	shalt  }
0x52: {  	_ =	shalt  }
0x53: {  	_ =	shalt  }
0x54: {  	_ =	shalt  }
0x55: {  	_ =	shalt  }
0x56: {  	_ =	shalt  }
0x57: {  	_ =	shalt  }
0x58: {  	_ =	shalt  }
0x59: {  	_ =	shalt  }
0x5a: {  	_ =	shalt  }
0x5b: {  	_ =	shalt  }
0x5c: {  	_ =	shalt  }
0x5d: {  	_ =	shalt  }
0x5e: {  	_ =	shalt  }
0x5f: {  	_ =	shalt  }
0x60: {  	_ =	shalt  }
0x61: {  	_ =	shalt  }
0x62: {  	_ =	shalt  }
0x63: {  	_ =	shalt  }
0x64: {  	_ =	shalt  }
0x65: {  	_ =	shalt  }
0x66: {  	_ =	shalt  }
0x67: {  	_ =	shalt  }
0x68: {  	_ =	shalt  }
0x69: {  	_ =	shalt  }
0x6a: {  	_ =	shalt  }
0x6b: {  	_ =	shalt  }
0x6c: {  	_ =	shalt  }
0x6d: {  	_ =	shalt  }
0x6e: {  	_ =	shalt  }
0x6f: {  	_ =	shalt  }
0x70: {  	_ =	shalt  }
0x71: {  	_ =	shalt  }
0x72: {  	_ =	shalt  }
0x73: {  	_ =	shalt  }
0x74: {  	_ =	shalt  }
0x75: {  	_ =	shalt  }
0x76: {  	_ =	shalt  }
0x77: {  	_ =	shalt  }
0x78: {  	_ =	shalt  }
0x79: {  	_ =	shalt  }
0x7a: {  	_ =	shalt  }
0x7b: {  	_ =	shalt  }
0x7c: {  	_ =	shalt  }
0x7d: {  	_ =	shalt  }
0x7e: {  	_ =	shalt  }
0x7f: {  	_ =	shalt  }
0x80: {  	_ =	shalt  }
0x81: {  	_ =	shalt  }
0x82: {  	_ =	shalt  }
0x83: {  	_ =	shalt  }
0x84: {  	_ =	shalt  }
0x85: {  	_ =	shalt  }
0x86: {  	_ =	shalt  }
0x87: {  	_ =	shalt  }
.Lfunc_end0:
.L_simem_size_0:
called_computation_lowered:
.L_overlay_start_0:
0x88: {  	s2 =	sld [smem:$0x3FD9]  }
0x89: {  	s3 =	sld [smem:$0x3FFE];
	_ =	sdelay $0x1  }
0x8a: {  	s1 =	srdreg.scid  }
0x8b: {  	s0 =	sand.u32 $0x1, s1  }
0x8c: {  	s17 =	sshll.u32 s0, $0xA;
	s2 =	sadd.s32 s3, s2  }
0x8d: {  	s2 =	sadd.s32 s2, s17  }
0x8e: {  	[smem:$0x3FB2] =	sst s2  }
0x8f: {  	_ = 	snop  }
0x90: {  	s2 =	sld [smem:$0x3FB6];
	(tm) =	ssettm $0x1  }
0x91: {  	s18 =	sld [smem:$0x3FFB];
	_ =	sdelay $0x3  }
0x92: {  	_ =	strace s18  }
0x93: {  	s3 =	sld [smem:$0x3FFC];
	_ =	sdelay $0x3  }
0x94: {  	_ =	strace s3  }
0x95: {  	s3 =	sld [smem:$0x3FFD];
	_ =	sdelay $0x3  }
0x96: {  	_ =	strace s3  }
0x97: {  	_ =	strace $0x8FFFFFFF  }
0x98: {  	s19 =	sld [smem:$0x3FDB];
	_ =	sdelay $0x1  }
0x99: {  	s4 =	simm.s32 $_scs_section_size  }
0x9a: {  	s5 =	simm.s32 $_size__tile_overlayer_lowered;
	s6 =	simm.s32 $_tile_overlayer_lowered  }
0x9b: {  	s22 =	simm.s32 $0x1BFF;
	s21 =	sshll.u32 s6, $0x1;
	s3 =	sadd.s32 s4, s19  }
0x9c: {  	s7 =	simm.s32 $0x0;
	s20 =	sshll.u32 s5, $0x1;
	s5 =	sadd.s32 s21, s3  }
0x9d: {  	[timem:s7], [sflag:s22] =	dma.local [hbm:s5], s20  }
0x9e: {  	_ =	swait.ge [sflag:s22], s20  }
0x9f: {  	s4 =	ssub.s32 $0x0, s20;
	[sflag:s22] =	ssyncset.done $0x0  }
0xa0: {  	[sflag:s22] =	ssyncadd.s32 s4;
	_ =	sdelay $0x1  }
0xa1: {  	s23 =	simm.s32 $0x1B8B  }
0xa2: {  	_ =	swait.ge [sflag:s23], $0x1  }
0xa3: {  	[sflag:s23] =	ssyncset.done $0x0  }
0xa4: {  	s25 =	simm.s32 $0x1B8E;
	s24 =	sld [smem:$0x3FFE];
	[sflag:s23] =	ssyncadd.s32 $0xFFFFFFFF  }
0xa5: {  	s26 =	simm.s32 $execute0_lowered;
	[smem:$0x3FD2] =	sst s25  }
0xa6: {  	s5 =	sshll.u32 s26, $0x1;
	_ =	strace $0x80000046;
	[dreg:$0x1] =	wrdreg $0xFFFFFFFF  }
0xa7: {  	s28 =	simm.s32 $_size_execute0_lowered;
	s3 =	sadd.s32 s3, s5;
	[dreg:$0x0] =	wrdreg $0x0  }
0xa8: {  	s5 =	sshll.u32 s28, $0x1;
	[dreg:$0x2] =	wrdreg s3  }
0xa9: {  	[dreg:$0x3] =	wrdreg s5  }
0xaa: {  	[dreg:$0x4] =	wrdreg $0xC0  }
0xab: {  	_ =	task [dreg:s7], $0x5FFFF  }
0xac: {  	[dreg:$0x1] =	wrdreg $0xFFFFFFFF  }
0xad: {  	[dreg:$0x0] =	wrdreg $0x60  }
0xae: {  	[dreg:$0x2] =	wrdreg s2  }
0xaf: {  	[dreg:$0x3] =	wrdreg s24  }
0xb0: {  	[dreg:$0x4] =	wrdreg $0x9  }
0xb1: {  	_ =	task.clear_ibuf [dreg:s7], $0x5FFFF;
	_ =	strace $0x90000046  }
0xb2: {  	s29 =	simm.s32 $0x9;
	_ =	strace $0x80000048  }
0xb3: {  	_ =	swait.ge [sflag:s29], $0x1  }
0xb4: {  	[sflag:s29] =	ssyncadd.s32 $0xFFFFFFFF  }
0xb5: {  	_ =	strace $0x90000048  }
0xb6: {  	_ =	sfence  }
0xb7: {  	s30 =	sld [smem:$0x0];
	_ =	sdelay $0x2  }
0xb8: {  	s31 =	sshll.u32 s1, $0xD;
	s1 =	sshrl.u32 s1, $0x2  }
0xb9: {  	s3 =	sand.u32 $0x4000, s31;
	s1 =	sadd.s32 s1, s30  }
0xba: {  	s0 =	sor.u32 s3, s0;
	s1 =	sshll.u32 s1, $0x11  }
0xbb: {  	s0 =	sor.u32 s1, s0  }
0xbc: {  	s0 =	sadd.s32 $0x8F2B, s0  }
0xbd: {  	[sflag:s0] =	ssyncadd.remote.s32 $0x1  }
0xbe: {  	_ =	sfence.sel $0xFFFF  }
0xbf: {  	[dreg:$0x0] =	wrdreg $0xFFFFFFFF;
	(pc) =	sbr.abs _section_cstart, $3  }
0xc0: {  	[dreg:$0x1] =	wrdreg $0xFFFFFFFF  }
0xc1: {  	_ =	task.clear_ibuf [dreg:s7], $0x2FFFF;
	_ =	strace $0x9FFFFFFF  }
0xc2: {  	(tm) =	ssettm $0x7FFFFFFF  }
0xc3: {  	_ =	shalt  }
tec
execute0_lowered:
.L_overlay_start_1:
0x0: {  	(tag) =	ssettag $0x1  }
0x1: {  	s2 =	rddreg [dreg:$0x0]  }
0x2: {  	s1 =	srdreg.scid;
	s0 =	stileid.u32  }
0x3: {  	s8 =	rddreg [dreg:$0x1];
	s15 =	sand.u32 $0x1, s1;
	s4 =	sshll.u32 s0, $0x1  }
0x4: {  	s3 =	simm.s32 $0x0;
	s5 =	simm.s32 $0x3;
	s12 =	sor.u32 s15, s4  }
0x5: {  	[smem:$0x7FF] =	sst s3;
	s13 =	sadd.s32 $0x4000, s8;
	s4 =	sshll.u32 s12, $0x4  }
0x6: {  	s1 =	rddreg [dreg:$0x2];
	_ =	strace $0x80000047;
	s4 =	sadd.s32 s13, s4  }
0x7: {  	[tilespmem:s3], [sflag:$0x3] =	stream.linear.gather [hbm4b:s4+s3], $0x80, $0x38;
	[tilespmem:$0x4080] =	vst v63  }
0x8: {  	_ =	swait.ge [sflag:s5], $0x80  }
0x9: {  	[sflag:s5] =	ssyncset.done $0x0  }
0xa: {  	s6 =	simm.s32 $0x80;
	s7 =	simm.s32 $0x1;
	[sflag:s5] =	ssyncadd.s32 $0xFFFFFF80  }
0xb: {  	[tilespmem:s6], [sflag:$0x1] =	stream.indirect.gather [hbm4b:s2+s6], $0x80, s3, s6, $0xb8;
	[tilespmem:$0x4080] =	vst v63  }
0xc: {  	_ =	swait.ge [sflag:s7], $0x4000  }
0xd: {  	s17 =	sadd.s32 $0x4600, s8;
	s31 =	sshll.u32 s12, $0xB;
	[sflag:s7] =	ssyncset.done $0x0  }
0xe: {  	s9 =	simm.s32 $0x2;
	s8 =	sadd.s32 s17, s31;
	[sflag:s7] =	ssyncadd.s32 $0xFFFFC000  }
0xf: {  	[hbm4b:s8+s3] =	stream.linear.scatter [tilespmem:s6], [sflag:$0x2], $0x4000, $0x38;
	[tilespmem:$0x4080] =	vst v63  }
0x10: {  	s11 =	sor.u32 $0x20, s12;
	_ =	swait.ge [sflag:s9], $0x4000  }
0x11: {  	s10 =	sshll.u32 s11, $0x4;
	[sflag:s9] =	ssyncset.done $0x0  }
0x12: {  	s10 =	sadd.s32 s13, s10;
	[sflag:s9] =	ssyncadd.s32 $0xFFFFC000  }
0x13: {  	[tilespmem:s3], [sflag:$0x3] =	stream.linear.gather [hbm4b:s10+s3], $0x80, $0x38;
	[tilespmem:$0x4080] =	vst v63  }
0x14: {  	_ =	swait.ge [sflag:s5], $0x80  }
0x15: {  	[sflag:s5] =	ssyncset.done $0x0  }
0x16: {  	[sflag:s5] =	ssyncadd.s32 $0xFFFFFF80  }
0x17: {  	[tilespmem:s6], [sflag:$0x1] =	stream.indirect.gather [hbm4b:s2+s6], $0x80, s3, s6, $0xb8;
	[tilespmem:$0x4080] =	vst v63  }
0x18: {  	_ =	swait.ge [sflag:s7], $0x4000  }
0x19: {  	s19 =	ssub.s32 $0x2, s15;
	s11 =	sshll.u32 s11, $0xB;
	[sflag:s7] =	ssyncset.done $0x0  }
0x1a: {  	s18 =	sor.u32 $0x40, s12;
	s11 =	sadd.s32 s17, s11;
	[sflag:s7] =	ssyncadd.s32 $0xFFFFC000  }
0x1b: {  	[hbm4b:s11+s3] =	stream.linear.scatter [tilespmem:s6], [sflag:$0x2], $0x4000, $0x38;
	[tilespmem:$0x4080] =	vst v63  }
0x1c: {  	s20 =	sshrl.u32 s19, $0x1;
	s12 =	sshll.u32 s18, $0x4;
	_ =	swait.ge [sflag:s9], $0x4000  }
0x1d: {  	p0 =	sgt.u32 s18, $0x4E;
	s12 =	sadd.s32 s13, s12;
	[sflag:s9] =	ssyncset.done $0x0  }
0x1e: {  	s13 =	simm.s32 @!p0 $0x0;
	s14 =	simm.s32 @!p0 $0x3;
	[sflag:s9] =	ssyncadd.s32 $0xFFFFC000  }
0x1f: {  	[tilespmem:s13], [sflag:$0x3] =	stream.linear.gather @!p0 [hbm4b:s12+s13], $0x80, $0x38;
	[tilespmem:$0x4080] =	vst v63  }
0x20: {  	s19 =	ssub.s32 s19, s20;
	_ =	swait.ge @!p0 [sflag:s14], $0x80  }
0x21: {  	s15 =	simm.s32 @!p0 $0x80;
	s19 =	smax.u32 s19, $0x1;
	[sflag:s14] =	ssyncset.done @!p0 $0x0  }
0x22: {  	s16 =	simm.s32 @!p0 $0x1;
	s19 =	sadd.s32 $0xFFFFFFFF, s19;
	[sflag:s14] =	ssyncadd.s32 @!p0 $0xFFFFFF80  }
0x23: {  	[tilespmem:s15], [sflag:$0x1] =	stream.indirect.gather @!p0 [hbm4b:s2+s15], $0x80, s13, s15, $0xb8;
	[tilespmem:$0x4080] =	vst v63  }
0x24: {  	p1 =	sne.s32 s19, $0x0;
	_ =	swait.ge @!p0 [sflag:s16], $0x4000  }
.Ltmp0:
0x25: {  	s18 =	sshll.u32 s18, $0xB;
	[sflag:s16] =	ssyncset.done @!p0 $0x0;
	(pc) =	sbr.rel @!p1 .LBB2_2-.Ltmp0, $4  }
0x26: {  	s18 =	sadd.s32 s17, s18;
	s17 =	simm.s32 @!p0 $0x2;
	[sflag:s16] =	ssyncadd.s32 @!p0 $0xFFFFC000  }
0x27: {  	[hbm4b:s18+s13] =	stream.linear.scatter @!p0 [tilespmem:s15], [sflag:$0x2], $0x4000, $0x38;
	[tilespmem:$0x4080] =	vst v63  }
0x28: {  	_ =	swait.ge @!p0 [sflag:s17], $0x4000  }
0x29: {  	[sflag:s17] =	ssyncset.done @!p0 $0x0  }
.LBB2_1:
0x2a: {  	s19 =	sadd.s32 $0xFFFFFFFF, s19;
	[sflag:s17] =	ssyncadd.s32 @!p0 $0xFFFFC000  }
0x2b: {  	[tilespmem:s3], [sflag:$0x3] =	stream.linear.gather [hbm4b:s4+s3], $0x80, $0x38;
	[tilespmem:$0x4080] =	vst v63  }
0x2c: {  	p1 =	sne.s32 s19, $0x0;
	_ =	swait.ge [sflag:s5], $0x80  }
0x2d: {  	[sflag:s5] =	ssyncset.done $0x0  }
0x2e: {  	[sflag:s5] =	ssyncadd.s32 $0xFFFFFF80  }
0x2f: {  	[tilespmem:s6], [sflag:$0x1] =	stream.indirect.gather [hbm4b:s2+s6], $0x80, s3, s6, $0xb8;
	[tilespmem:$0x4080] =	vst v63  }
0x30: {  	_ =	swait.ge [sflag:s7], $0x4000  }
0x31: {  	[sflag:s7] =	ssyncset.done $0x0  }
0x32: {  	[sflag:s7] =	ssyncadd.s32 $0xFFFFC000  }
0x33: {  	[hbm4b:s8+s3] =	stream.linear.scatter [tilespmem:s6], [sflag:$0x2], $0x4000, $0x38;
	[tilespmem:$0x4080] =	vst v63  }
0x34: {  	_ =	swait.ge [sflag:s9], $0x4000  }
0x35: {  	[sflag:s9] =	ssyncset.done $0x0  }
0x36: {  	[sflag:s9] =	ssyncadd.s32 $0xFFFFC000  }
0x37: {  	[tilespmem:s3], [sflag:$0x3] =	stream.linear.gather [hbm4b:s10+s3], $0x80, $0x38;
	[tilespmem:$0x4080] =	vst v63  }
0x38: {  	_ =	swait.ge [sflag:s5], $0x80  }
0x39: {  	[sflag:s5] =	ssyncset.done $0x0  }
0x3a: {  	[sflag:s5] =	ssyncadd.s32 $0xFFFFFF80  }
0x3b: {  	[tilespmem:s6], [sflag:$0x1] =	stream.indirect.gather [hbm4b:s2+s6], $0x80, s3, s6, $0xb8;
	[tilespmem:$0x4080] =	vst v63  }
0x3c: {  	_ =	swait.ge [sflag:s7], $0x4000  }
0x3d: {  	[sflag:s7] =	ssyncset.done $0x0  }
0x3e: {  	[sflag:s7] =	ssyncadd.s32 $0xFFFFC000  }
0x3f: {  	[hbm4b:s11+s3] =	stream.linear.scatter [tilespmem:s6], [sflag:$0x2], $0x4000, $0x38;
	[tilespmem:$0x4080] =	vst v63  }
0x40: {  	_ =	swait.ge [sflag:s9], $0x4000  }
0x41: {  	[sflag:s9] =	ssyncset.done $0x0  }
0x42: {  	[sflag:s9] =	ssyncadd.s32 $0xFFFFC000  }
0x43: {  	[tilespmem:s13], [sflag:$0x3] =	stream.linear.gather @!p0 [hbm4b:s12+s13], $0x80, $0x38;
	[tilespmem:$0x4080] =	vst v63  }
0x44: {  	_ =	swait.ge @!p0 [sflag:s14], $0x80  }
0x45: {  	[sflag:s14] =	ssyncset.done @!p0 $0x0  }
0x46: {  	[sflag:s14] =	ssyncadd.s32 @!p0 $0xFFFFFF80  }
0x47: {  	[tilespmem:s15], [sflag:$0x1] =	stream.indirect.gather @!p0 [hbm4b:s2+s15], $0x80, s13, s15, $0xb8;
	[tilespmem:$0x4080] =	vst v63  }
0x48: {  	_ =	swait.ge @!p0 [sflag:s16], $0x4000  }
.Ltmp1:
0x49: {  	[sflag:s16] =	ssyncset.done @!p0 $0x0;
	(pc) =	sbr.rel @p1 .LBB2_1-.Ltmp1, $4  }
0x4a: {  	[sflag:s16] =	ssyncadd.s32 @!p0 $0xFFFFC000  }
0x4b: {  	[hbm4b:s18+s13] =	stream.linear.scatter @!p0 [tilespmem:s15], [sflag:$0x2], $0x4000, $0x38;
	[tilespmem:$0x4080] =	vst v63  }
0x4c: {  	_ =	swait.ge @!p0 [sflag:s17], $0x4000  }
0x4d: {  	[sflag:s17] =	ssyncset.done @!p0 $0x0  }
.LBB2_2:
0x4e: {  	[sflag:s17] =	ssyncadd.s32 @!p0 $0xFFFFC000  }
0x4f: {  	_ =	sfence.sel $0x180000  }
0x50: {  	[bflag:$0x0] =	sbarrier.arrive $0xFFFF  }
0x51: {  	p0 =	sne.s32 s0, $0x0;
	_ =	strace $0x90000047  }
0x52: {  	s0 =	sadd.s32 @!p0 $0x100000, s1;
	[bflag:$0x2] =	sbarrier.arrive $0xFFFF  }
0x53: {  	[sflag:s0] =	ssyncadd.tile.s32 @!p0 $0x1;
	_ =	shalt  }
.Lfunc_end2:
_tile_overlayer_lowered:
.L_overlay_start_2:
0x54: {  	(tag) =	ssettag $0x2  }
0x55: {  	s0 =	rddreg [dreg:$0x0];
	s2 =	stileid.u32  }
0x56: {  	s1 =	rddreg [dreg:$0x1];
	p0 =	sne.s32 s2, $0x0  }
0x57: {  	s3 =	rddreg [dreg:$0x2];
	[bflag:$0x3] =	sbarrier.arrive $0xFFFF;
	s2 =	simm.s32 @!p0 $0x1C02  }
0x58: {  	[timem:s3], [sflag:s2] =	dma.local @!p0 [hbm:s0], s1  }
0x59: {  	s0 =	simm.s32 @!p0 $0x2  }
0x5a: {  	_ =	swait.ge @!p0 [sflag:s0], s1  }
0x5b: {  	s1 =	ssub.s32 @!p0 $0x0, s1;
	[sflag:s0] =	ssyncset.done @!p0 $0x0  }
0x5c: {  	[sflag:s0] =	ssyncadd.s32 @!p0 s1  }
0x5d: {  	[bflag:$0x3] =	sbarrier.arrive $0xFFFF  }
0x5e: {  	_ =	shalt  }

// kernel: kernel.15.cloned.1.call-start
scs
__scs_entry_jumppad:
0x0: {  	(pc) =	sbr.rel $0x88, $3  }
0x1: {  	(tag) =	ssettag $0x0;
	lr =	simm.s32 $0x1  }
0x2: {  	[smem:$0x3F8B] =	sst lr;
	_ =	strace $0xD0000000  }
0x3: {  	_ = 	snop  }
0x4: {  	_ = 	snop  }
0x5: {  	_ = 	snop  }
0x6: {  	_ = 	snop  }
0x7: {  	_ = 	snop  }
__scs_overlays_trampoline_lowered:
0x8: {  	[smem:$0x3F9A] =	sst s0  }
0x9: {  	[smem:$0x3F9B] =	sst s1  }
0xa: {  	[smem:$0x3F9C] =	sst s2  }
0xb: {  	[smem:$0x3F9D] =	sst s3  }
0xc: {  	[smem:$0x3F9E] =	sst s4  }
0xd: {  	[smem:$0x3F9F] =	sst s5  }
0xe: {  	[smem:$0x3FA0] =	sst s6  }
0xf: {  	[smem:$0x3FA1] =	sst s7  }
0x10: {  	[smem:$0x3FA2] =	sst s8  }
0x11: {  	[smem:$0x3FA3] =	sst s9;
	s0 =	simm.s32 @!p0 $0x0  }
0x12: {  	s1 =	sld [smem:$0x3F89];
	s0 =	simm.s32 @p0 $0x1  }
0x13: {  	[smem:$0x3FA4] =	sst s0;
	s0 =	simm.s32 @!p1 $0x0  }
0x14: {  	s2 =	sld [smem:$0x3F88];
	s0 =	simm.s32 @p1 $0x1  }
0x15: {  	[smem:$0x3FA5] =	sst s0;
	s0 =	simm.s32 @!p2 $0x0  }
0x16: {  	s3 =	sld [smem:$0x3FDB];
	s0 =	simm.s32 @p2 $0x1  }
0x17: {  	s4 =	simm.s32 $0x1BF5;
	[smem:$0x3FA7] =	sst s0  }
0x18: {  	s0 =	sld [smem:$0x3F8A];
	_ =	swait.ge [sflag:s4], $0x0  }
0x19: {  	s7 =	sld [smem:$0x3F8B]  }
0x1a: {  	s8 =	sadd.s32 $0xFFFFE003, lr  }
0x1b: {  	s9 =	sadd.s32 $0xFFFFFEF7, lr;
	s5 =	simm.s32 $0xFFFFFFFF;
	p2 =	slt.u32 s8, $0xFFFFF086  }
0x1c: {  	p1 =	slt.u32 s9, $0xF7A;
	s5 =	simm.s32 @!p2 $0x0  }
0x1d: {  	s5 =	simm.s32 @p1 $0x1;
	p0 =	seq.s32 s7, s2  }
0x1e: {  	s7 =	smul.u32 @!p0 $0xF7A, s2;
	p2 =	seq.s32 @!p0 s5, $0x0  }
0x1f: {  	s9 =	smul.u32 $0xF7A, s1;
	s8 =	simm.s32 @!p0 $0x1BF5;
	p2 =	por !p2, p0  }
0x20: {  	[sflag:s8] =	ssyncset.s32 @!p0 $0xFFFFF086;
	s6 =	sadd.s32 @!p0 s3, s7;
	s7 =	simm.s32 @!p0 $0x108  }
0x21: {  	s3 =	sadd.s32 s3, s9;
	s6 =	sadd.s32 @!p0 $0x88, s6;
	s7 =	simm.s32 @p2 $0x1082  }
0x22: {  	[simem:s7], [sflag:s8] =	dma.local @!p0 [hbm:s6], $0xF7A  }
0x23: {  	s9 =	sor.u32 $0xD0000000, s2;
	s6 =	simm.s32 $0x108;
	_ =	swait.ge @!p0 [sflag:s8], $0x0  }
0x24: {  	s3 =	sadd.s32 $0x88, s3;
	s6 =	simm.s32 @!p1 $0x1082;
	[sflag:s4] =	ssyncset.s32 $0xFFFFF086  }
0x25: {  	[simem:s6], [sflag:s4] =	dma.local [hbm:s3], $0xF7A  }
0x26: {  	[smem:$0x3F8B] =	sst s1;
	(tag) =	ssettag s2;
	_ =	strace s9  }
0x27: {  	s1 =	sld [smem:$0x3F9B]  }
0x28: {  	s2 =	sld [smem:$0x3F9C]  }
0x29: {  	s4 =	sld [smem:$0x3F9E]  }
0x2a: {  	p0 =	seq.s32 s5, $0x0;
	s5 =	sld [smem:$0x3F9F]  }
0x2b: {  	s6 =	sld [smem:$0x3FA0]  }
0x2c: {  	s7 =	sld [smem:$0x3FA1]  }
0x2d: {  	s3 =	simm.s32 $0x108;
	s8 =	sld [smem:$0x3FA2]  }
0x2e: {  	s3 =	simm.s32 @!p0 $0x1082;
	s9 =	sld [smem:$0x3FA3]  }
0x2f: {  	lr =	sadd.s32 s0, s3;
	s0 =	sld [smem:$0x3F9A]  }
0x30: {  	s3 =	sld [smem:$0x3F9D]  }
0x31: {  	[smem:$0x3FA6] =	sst s10  }
0x32: {  	s10 =	sld [smem:$0x3FA4];
	_ =	sdelay $0x3  }
0x33: {  	p0 =	seq.s32 s10, $0x1;
	s10 =	sld [smem:$0x3FA6];
	_ =	sdelay $0x3  }
0x34: {  	[smem:$0x3FA6] =	sst s10  }
0x35: {  	s10 =	sld [smem:$0x3FA5];
	_ =	sdelay $0x3  }
0x36: {  	p1 =	seq.s32 s10, $0x1;
	s10 =	sld [smem:$0x3FA6];
	_ =	sdelay $0x3  }
0x37: {  	[smem:$0x3FA6] =	sst s10  }
0x38: {  	s10 =	sld [smem:$0x3FA7]  }
0x39: {  	_ = 	snop;
	(pc) =	sbr.ind lr, $3  }
0x3a: {  	_ = 	snop  }
0x3b: {  	_ = 	snop  }
0x3c: {  	p2 =	seq.s32 s10, $0x1;
	s10 =	sld [smem:$0x3FA6]  }
0x3d: {  	_ =	shalt  }
0x3e: {  	_ =	shalt  }
0x3f: {  	_ =	shalt  }
0x40: {  	_ =	shalt  }
0x41: {  	_ =	shalt  }
0x42: {  	_ =	shalt  }
0x43: {  	_ =	shalt  }
0x44: {  	_ =	shalt  }
0x45: {  	_ =	shalt  }
0x46: {  	_ =	shalt  }
0x47: {  	_ =	shalt  }
0x48: {  	_ =	shalt  }
0x49: {  	_ =	shalt  }
0x4a: {  	_ =	shalt  }
0x4b: {  	_ =	shalt  }
0x4c: {  	_ =	shalt  }
0x4d: {  	_ =	shalt  }
0x4e: {  	_ =	shalt  }
0x4f: {  	_ =	shalt  }
0x50: {  	_ =	shalt  }
0x51: {  	_ =	shalt  }
0x52: {  	_ =	shalt  }
0x53: {  	_ =	shalt  }
0x54: {  	_ =	shalt  }
0x55: {  	_ =	shalt  }
0x56: {  	_ =	shalt  }
0x57: {  	_ =	shalt  }
0x58: {  	_ =	shalt  }
0x59: {  	_ =	shalt  }
0x5a: {  	_ =	shalt  }
0x5b: {  	_ =	shalt  }
0x5c: {  	_ =	shalt  }
0x5d: {  	_ =	shalt  }
0x5e: {  	_ =	shalt  }
0x5f: {  	_ =	shalt  }
0x60: {  	_ =	shalt  }
0x61: {  	_ =	shalt  }
0x62: {  	_ =	shalt  }
0x63: {  	_ =	shalt  }
0x64: {  	_ =	shalt  }
0x65: {  	_ =	shalt  }
0x66: {  	_ =	shalt  }
0x67: {  	_ =	shalt  }
0x68: {  	_ =	shalt  }
0x69: {  	_ =	shalt  }
0x6a: {  	_ =	shalt  }
0x6b: {  	_ =	shalt  }
0x6c: {  	_ =	shalt  }
0x6d: {  	_ =	shalt  }
0x6e: {  	_ =	shalt  }
0x6f: {  	_ =	shalt  }
0x70: {  	_ =	shalt  }
0x71: {  	_ =	shalt  }
0x72: {  	_ =	shalt  }
0x73: {  	_ =	shalt  }
0x74: {  	_ =	shalt  }
0x75: {  	_ =	shalt  }
0x76: {  	_ =	shalt  }
0x77: {  	_ =	shalt  }
0x78: {  	_ =	shalt  }
0x79: {  	_ =	shalt  }
0x7a: {  	_ =	shalt  }
0x7b: {  	_ =	shalt  }
0x7c: {  	_ =	shalt  }
0x7d: {  	_ =	shalt  }
0x7e: {  	_ =	shalt  }
0x7f: {  	_ =	shalt  }
0x80: {  	_ =	shalt  }
0x81: {  	_ =	shalt  }
0x82: {  	_ =	shalt  }
0x83: {  	_ =	shalt  }
0x84: {  	_ =	shalt  }
0x85: {  	_ =	shalt  }
0x86: {  	_ =	shalt  }
0x87: {  	_ =	shalt  }
.Lfunc_end0:
.L_simem_size_0:
called_computation.1_lowered:
.L_overlay_start_0:
0x88: {  	s2 =	sld [smem:$0x3FD9]  }
0x89: {  	s3 =	sld [smem:$0x3FFE];
	_ =	sdelay $0x1  }
0x8a: {  	s1 =	srdreg.scid  }
0x8b: {  	s0 =	sand.u32 $0x1, s1  }
0x8c: {  	s17 =	sshll.u32 s0, $0xA;
	s2 =	sadd.s32 s3, s2  }
0x8d: {  	s2 =	sadd.s32 s2, s17  }
0x8e: {  	[smem:$0x3FB2] =	sst s2  }
0x8f: {  	_ = 	snop  }
0x90: {  	(tm) =	ssettm $0x1  }
0x91: {  	s18 =	sld [smem:$0x3FFB];
	_ =	sdelay $0x3  }
0x92: {  	_ =	strace s18  }
0x93: {  	s2 =	sld [smem:$0x3FFC];
	_ =	sdelay $0x3  }
0x94: {  	_ =	strace s2  }
0x95: {  	s2 =	sld [smem:$0x3FFD];
	_ =	sdelay $0x3  }
0x96: {  	_ =	strace s2  }
0x97: {  	_ =	strace $0x8FFFFFFF  }
0x98: {  	s19 =	sld [smem:$0x3FDB];
	_ =	sdelay $0x1  }
0x99: {  	s20 =	simm.s32 $_scs_section_size  }
0x9a: {  	s4 =	simm.s32 $_size__tile_overlayer_lowered;
	s5 =	simm.s32 $_tile_overlayer_lowered  }
0x9b: {  	s6 =	simm.s32 $0x1BFF;
	s21 =	sshll.u32 s5, $0x1;
	s3 =	sadd.s32 s20, s19  }
0x9c: {  	s22 =	simm.s32 $0x0;
	s4 =	sshll.u32 s4, $0x1;
	s5 =	sadd.s32 s21, s3  }
0x9d: {  	[timem:s22], [sflag:s6] =	dma.local [hbm:s5], s4  }
0x9e: {  	_ =	swait.ge [sflag:s6], s4  }
0x9f: {  	s4 =	ssub.s32 $0x0, s4;
	[sflag:s6] =	ssyncset.done $0x0  }
0xa0: {  	[sflag:s6] =	ssyncadd.s32 s4;
	_ =	sdelay $0x1  }
0xa1: {  	s23 =	simm.s32 $0x1B8B  }
0xa2: {  	_ =	swait.ge [sflag:s23], $0x1  }
0xa3: {  	[sflag:s23] =	ssyncset.done $0x0  }
0xa4: {  	[sflag:s23] =	ssyncadd.s32 $0xFFFFFFFF  }
0xa5: {  	s4 =	sld [smem:$0x0]  }
0xa6: {  	s5 =	sand.u32 $0xFFFFFFFE, s1  }
0xa7: {  	p0 =	sne.s32 s1, s5  }
0xa8: {  	s5 =	sshll.u32 @p0 s5, $0xE  }
0xa9: {  	s5 =	sadd.s32 @p0 $0x11B8D, s5;
	s6 =	sshll.u32 @p0 s4, $0x11  }
0xaa: {  	s5 =	sor.u32 @p0 s6, s5  }
0xab: {  	[sflag:s5] =	ssyncadd.remote.s32 @p0 $0x1;
	_ =	sdelay $0x1  }
0xac: {  	s5 =	simm.s32 @p0 $0x1B8D  }
0xad: {  	_ =	swait.eq @p0 [sflag:s5], $0x1  }
0xae: {  	[sflag:s5] =	ssyncadd.s32 @p0 $0xFFFFFFFF  }
0xaf: {  	s6 =	sshll.u32 @!p0 s1, $0xE  }
0xb0: {  	s6 =	sor.u32 @!p0 $0x4000, s6;
	s5 =	simm.s32 @!p0 $0x1B8D  }
0xb1: {  	s4 =	sshll.u32 @!p0 s4, $0x11;
	s6 =	sadd.s32 @!p0 $0x11B8D, s6;
	_ =	swait.eq @!p0 [sflag:s5], $0x1  }
0xb2: {  	s4 =	sor.u32 @!p0 s4, s6;
	[sflag:s5] =	ssyncadd.s32 @!p0 $0xFFFFFFFF  }
0xb3: {  	s25 =	simm.s32 $0x1B8E;
	s24 =	sld [smem:$0x3FFE];
	[sflag:s4] =	ssyncadd.remote.s32 @!p0 $0x1  }
0xb4: {  	s26 =	simm.s32 $execute0_lowered;
	[smem:$0x3FD2] =	sst s25  }
0xb5: {  	s5 =	sshll.u32 s26, $0x1;
	_ =	strace $0x80000049;
	[dreg:$0x1] =	wrdreg $0xFFFFFFFF  }
0xb6: {  	s28 =	simm.s32 $_size_execute0_lowered;
	s3 =	sadd.s32 s3, s5;
	[dreg:$0x0] =	wrdreg $0x0  }
0xb7: {  	s5 =	sshll.u32 s28, $0x1;
	[dreg:$0x2] =	wrdreg s3  }
0xb8: {  	[dreg:$0x3] =	wrdreg s5  }
0xb9: {  	[dreg:$0x4] =	wrdreg $0xC0  }
0xba: {  	_ =	task [dreg:s22], $0x5FFFF  }
0xbb: {  	[dreg:$0x1] =	wrdreg $0xFFFFFFFF  }
0xbc: {  	[dreg:$0x0] =	wrdreg $0x60  }
0xbd: {  	[dreg:$0x2] =	wrdreg s24  }
0xbe: {  	[dreg:$0x3] =	wrdreg $0x7E000  }
0xbf: {  	[dreg:$0x4] =	wrdreg $0xA  }
0xc0: {  	_ =	task.clear_ibuf [dreg:s22], $0x5FFFF;
	_ =	strace $0x90000049  }
0xc1: {  	s29 =	simm.s32 $0xA;
	_ =	strace $0x8000004B  }
0xc2: {  	_ =	swait.ge [sflag:s29], $0x1  }
0xc3: {  	[sflag:s29] =	ssyncadd.s32 $0xFFFFFFFF  }
0xc4: {  	_ =	strace $0x9000004B  }
0xc5: {  	_ =	sfence  }
0xc6: {  	s30 =	sld [smem:$0x0];
	_ =	sdelay $0x2  }
0xc7: {  	s31 =	sshll.u32 s1, $0xD;
	s1 =	sshrl.u32 s1, $0x2  }
0xc8: {  	s4 =	sand.u32 $0x4000, s31;
	s1 =	sadd.s32 s1, s30  }
0xc9: {  	s0 =	sor.u32 s4, s0;
	s1 =	sshll.u32 s1, $0x11  }
0xca: {  	s0 =	sor.u32 s1, s0  }
0xcb: {  	s0 =	sadd.s32 $0x8F2B, s0  }
0xcc: {  	[sflag:s0] =	ssyncadd.remote.s32 $0x1  }
0xcd: {  	_ =	sfence.sel $0xFFFF  }
0xce: {  	[dreg:$0x0] =	wrdreg $0xFFFFFFFF;
	(pc) =	sbr.abs _section_cstart, $3  }
0xcf: {  	[dreg:$0x1] =	wrdreg $0xFFFFFFFF  }
0xd0: {  	_ =	task.clear_ibuf [dreg:s22], $0x2FFFF;
	_ =	strace $0x9FFFFFFF  }
0xd1: {  	(tm) =	ssettm $0x7FFFFFFF  }
tec
execute0_lowered:
.L_overlay_start_1:
0x0: {  	(tag) =	ssettag $0x1  }
0x1: {  	s0 =	rddreg [dreg:$0x0]  }
0x2: {  	s2 =	rddreg [dreg:$0x1];
	s9 =	stileid.u32;
	s3 =	simm.s32 $0x0  }
0x3: {  	s1 =	srdreg.scid;
	s14 =	simm.s32 $0x8;
	s16 =	simm.s32 $0x40  }
0x4: {  	s17 =	simm.s32 $0x1200;
	s18 =	simm.s32 $0x3600;
	s19 =	simm.s32 $0x1  }
0x5: {  	s20 =	simm.s32 $0x5A00;
	s21 =	simm.s32 $0x2;
	s22 =	simm.s32 $0x4  }
0x6: {  	s23 =	simm.s32 $0x3;
	s24 =	simm.s32 $0x5;
	s25 =	simm.s32 $0x6  }
0x7: {  	s28 =	simm.s32 $0x0;
	s5 =	smul.u32 $0xA2, s9;
	[smem:$0x7FF] =	sst s3  }
0x8: {  	s1 =	sand.u32 $0x1, s1;
	s6 =	smul.u32 $0x16380, s9;
	s4 =	sadd.s32 $0x2BE00, s0  }
0x9: {  	s31 =	sshll.u32 s9, $0x6;
	p0 =	seq.s32 s1, $0x0;
	s8 =	smul.u32 $0x163800, s1  }
0xa: {  	_ =	strace $0x8000004A;
	s1 =	ssub.s32 $0x2, s1;
	s7 =	sadd.s32 $0xA20, s5  }
0xb: {  	s30 =	sshrl.u32 s1, $0x1;
	s13 =	sadd.s32 s6, s2;
	s7 =	smov.u32 @p0 s5  }
0xc: {  	s26 =	sadd.s32 s6, s8;
	s1 =	ssub.s32 s1, s30;
	s6 =	sor.u32 $0x1C08, s31  }
.Ltmp0:
0xd: {  	s5 =	sshll.u32 s7, $0x3;
	s29 =	sshrl.u32 s26, $0x3;
	(pc) =	sbr.rel .LBB2_1-.Ltmp0, $4  }
0xe: {  	s13 =	sshrl.u32 s13, $0x3;
	s12 =	sadd.s32 s5, s0;
	s0 =	sadd.s32 s29, s0  }
0xf: {  	s10 =	smax.u32 s1, $0x1;
	s26 =	simm.s32 $0x7;
	s5 =	sadd.s32 $0x52200, s0  }
0x10: {  	s7 =	sadd.s32 $0x48000, s12;
	s8 =	sadd.s32 $0x3DE00, s12;
	s9 =	sadd.s32 $0xAB000, s0  }
0x11: {  	s11 =	sadd.s32 $0x3DE90, s12;
	s12 =	sadd.s32 $0x48090, s12;
	[dreg:$0x3] =	wrdreg s5  }
.LBB2_4:
0x12: {  	_ =	swait.ge [sflag:s22], $0x2400  }
0x13: {  	[sflag:s22] =	ssyncset.done $0x0  }
0x14: {  	[sflag:s22] =	ssyncadd.s32 $0xFFFFDC00  }
0x15: {  	_ =	swait.ge [sflag:s24], $0x2400  }
0x16: {  	[sflag:s24] =	ssyncset.done $0x0  }
0x17: {  	[sflag:s24] =	ssyncadd.s32 $0xFFFFDC00  }
0x18: {  	_ =	swait.ge [sflag:s25], $0x2400  }
0x19: {  	s28 =	sadd.s32 $0x1, s28;
	[sflag:s25] =	ssyncset.done $0x0  }
0x1a: {  	p0 =	sne.s32 s28, s10;
	[sflag:s25] =	ssyncadd.s32 $0xFFFFDC00  }
.Ltmp1:
0x1b: {  	[bflag:$0x0] =	sbarrier.arrive $0xFFFF;
	(pc) =	sbr.rel @!p0 .LBB2_5-.Ltmp1, $4  }
0x1c: {  	[hbm:s9], [sflag:s6] =	dma.local [spmem:s13], $0x2C70  }
0x1d: {  	_ =	swait.ge [sflag:s14], $0x2C70  }
0x1e: {  	[sflag:s14] =	ssyncset.done $0x0  }
0x1f: {  	[sflag:s14] =	ssyncadd.s32 $0xFFFFD390  }
.LBB2_1:
0x20: {  	s0 =	rddreg [dreg:$0x3]  }
0x21: {  	[spmem:s13], [sflag:s6] =	dma.local [hbm:s0], $0x2C70  }
0x22: {  	_ =	swait.ge [sflag:s14], $0x2C70  }
0x23: {  	[sflag:s14] =	ssyncset.done $0x0  }
0x24: {  	[sflag:s14] =	ssyncadd.s32 $0xFFFFD390  }
0x25: {  	[tilespmem:s3], [sflag:$0x8] =	stream.linear.gather [hbm4b:s7+s3], $0x480, $0x38;
	[tilespmem:$0x1E180] =	vst v63  }
0x26: {  	_ =	swait.ge [sflag:s14], $0x480  }
0x27: {  	[sflag:s14] =	ssyncset.done $0x0  }
0x28: {  	s15 =	simm.s32 $0x900;
	[sflag:s14] =	ssyncadd.s32 $0xFFFFFB80  }
0x29: {  	[tilespmem:s15], [sflag:$0x8] =	stream.linear.gather [hbm4b:s8+s3], $0x480, $0x38;
	[tilespmem:$0x1E180] =	vst v63  }
0x2a: {  	_ =	swait.ge [sflag:s14], $0x480  }
0x2b: {  	[sflag:s14] =	ssyncset.done $0x0  }
0x2c: {  	[sflag:s14] =	ssyncadd.s32 $0xFFFFFB80  }
0x2d: {  	[tilespmem:s17], [sflag:$0x1] =	stream.indirect.gather [hbm4b:s4+s16], $0x90, s3, s16, $0xb8;
	[tilespmem:$0x1E180] =	vst v63  }
0x2e: {  	s29 =	smov.u32 s12  }
0x2f: {  	[tilespmem:s18], [sflag:$0x2] =	stream.indirect.gather [hbm4b:s4+s16], $0x90, s16, s16, $0xb8;
	[tilespmem:$0x1E180] =	vst v63  }
0x30: {  	s30 =	smov.u32 s11;
	s31 =	simm.s32 $0x0;
	[bflag:$0x0] =	sbarrier.arrive $0xFFFF  }
.LBB2_2:
0x31: {  	s1 =	sand.u32 $0x1, s31  }
0x32: {  	p0 =	seq.s32 s31, $0x8;
	s0 =	sxor.u32 $0x1, s1  }
0x33: {  	s15 =	smul.u32 @!p0 $0x480, s0  }
0x34: {  	s5 =	simm.s32 @!p0 $0x0  }
0x35: {  	[tilespmem:s15], [sflag:$0x7] =	stream.linear.gather @!p0 [hbm4b:s29+s5], $0x480, $0x38;
	[tilespmem:$0x1E180] =	vst v63  }
0x36: {  	p2 =	por $0x0, $0x0;
	s15 =	sadd.s32 @!p0 $0x900, s15  }
0x37: {  	[tilespmem:s15], [sflag:$0x7] =	stream.linear.gather @!p0 [hbm4b:s30+s5], $0x480, $0x38;
	[tilespmem:$0x1E180] =	vst v63  }
0x38: {  	s1 =	smul.u32 $0x480, s1;
	p1 =	seq.s32 @!p0 s31, $0x0;
	_ =	swait.ge [sflag:s19], $0x2400  }
0x39: {  	p2 =	por @!p0 p1, p1;
	[sflag:s19] =	ssyncset.done $0x0  }
0x3a: {  	s15 =	sadd.s32 $0x900, s1;
	s5 =	simm.s32 @!p2 $0x6;
	[sflag:s19] =	ssyncadd.s32 $0xFFFFDC00  }
0x3b: {  	[spmem:s2] =	stream.indirect.scatter.add.f32 [tilespmem:s17], [sflag:$0x4], $0x90, s15, s16, $0xb8;
	[tilespmem:$0x1E180] =	vst v63  }
0x3c: {  	_ =	swait.ge @!p2 [sflag:s5], $0x2400  }
0x3d: {  	[sflag:s5] =	ssyncset.done @!p2 $0x0  }
0x3e: {  	s15 =	sadd.s32 $0x80, s1;
	[sflag:s5] =	ssyncadd.s32 @!p2 $0xFFFFDC00  }
0x3f: {  	[tilespmem:s20], [sflag:$0x3] =	stream.indirect.gather [hbm4b:s4+s16], $0x90, s15, s16, $0xb8;
	[tilespmem:$0x1E180] =	vst v63  }
0x40: {  	_ =	swait.ge [sflag:s21], $0x2400  }
0x41: {  	[sflag:s21] =	ssyncset.done $0x0  }
0x42: {  	s15 =	sadd.s32 $0x940, s1;
	[sflag:s21] =	ssyncadd.s32 $0xFFFFDC00  }
0x43: {  	[spmem:s2] =	stream.indirect.scatter.add.f32 [tilespmem:s18], [sflag:$0x5], $0x90, s15, s16, $0xb8;
	[tilespmem:$0x1E180] =	vst v63  }
0x44: {  	_ =	swait.ge [sflag:s22], $0x2400  }
0x45: {  	[sflag:s22] =	ssyncset.done $0x0  }
0x46: {  	s15 =	sadd.s32 $0xC0, s1;
	[sflag:s22] =	ssyncadd.s32 $0xFFFFDC00  }
0x47: {  	[tilespmem:s17], [sflag:$0x1] =	stream.indirect.gather [hbm4b:s4+s16], $0x90, s15, s16, $0xb8;
	[tilespmem:$0x1E180] =	vst v63  }
0x48: {  	_ =	swait.ge [sflag:s23], $0x2400  }
0x49: {  	[sflag:s23] =	ssyncset.done $0x0  }
0x4a: {  	s15 =	sadd.s32 $0x980, s1;
	[sflag:s23] =	ssyncadd.s32 $0xFFFFDC00  }
0x4b: {  	[spmem:s2] =	stream.indirect.scatter.add.f32 [tilespmem:s20], [sflag:$0x6], $0x90, s15, s16, $0xb8;
	[tilespmem:$0x1E180] =	vst v63  }
0x4c: {  	_ =	swait.ge [sflag:s24], $0x2400  }
0x4d: {  	[sflag:s24] =	ssyncset.done $0x0  }
0x4e: {  	s15 =	sadd.s32 $0x100, s1;
	[sflag:s24] =	ssyncadd.s32 $0xFFFFDC00  }
0x4f: {  	[tilespmem:s18], [sflag:$0x2] =	stream.indirect.gather [hbm4b:s4+s16], $0x90, s15, s16, $0xb8;
	[tilespmem:$0x1E180] =	vst v63  }
0x50: {  	_ =	swait.ge [sflag:s19], $0x2400  }
0x51: {  	[sflag:s19] =	ssyncset.done $0x0  }
0x52: {  	s15 =	sadd.s32 $0x9C0, s1;
	[sflag:s19] =	ssyncadd.s32 $0xFFFFDC00  }
0x53: {  	[spmem:s2] =	stream.indirect.scatter.add.f32 [tilespmem:s17], [sflag:$0x4], $0x90, s15, s16, $0xb8;
	[tilespmem:$0x1E180] =	vst v63  }
0x54: {  	_ =	swait.ge [sflag:s25], $0x2400  }
0x55: {  	[sflag:s25] =	ssyncset.done $0x0  }
0x56: {  	s15 =	sadd.s32 $0x140, s1;
	[sflag:s25] =	ssyncadd.s32 $0xFFFFDC00  }
0x57: {  	[tilespmem:s20], [sflag:$0x3] =	stream.indirect.gather [hbm4b:s4+s16], $0x90, s15, s16, $0xb8;
	[tilespmem:$0x1E180] =	vst v63  }
0x58: {  	_ =	swait.ge [sflag:s21], $0x2400  }
0x59: {  	[sflag:s21] =	ssyncset.done $0x0  }
0x5a: {  	s15 =	sadd.s32 $0xA00, s1;
	[sflag:s21] =	ssyncadd.s32 $0xFFFFDC00  }
0x5b: {  	[spmem:s2] =	stream.indirect.scatter.add.f32 [tilespmem:s18], [sflag:$0x5], $0x90, s15, s16, $0xb8;
	[tilespmem:$0x1E180] =	vst v63  }
0x5c: {  	_ =	swait.ge [sflag:s22], $0x2400  }
0x5d: {  	[sflag:s22] =	ssyncset.done $0x0  }
0x5e: {  	s15 =	sadd.s32 $0x180, s1;
	[sflag:s22] =	ssyncadd.s32 $0xFFFFDC00  }
0x5f: {  	[tilespmem:s17], [sflag:$0x1] =	stream.indirect.gather [hbm4b:s4+s16], $0x90, s15, s16, $0xb8;
	[tilespmem:$0x1E180] =	vst v63  }
0x60: {  	_ =	swait.ge [sflag:s23], $0x2400  }
0x61: {  	[sflag:s23] =	ssyncset.done $0x0  }
0x62: {  	s15 =	sadd.s32 $0xA40, s1;
	[sflag:s23] =	ssyncadd.s32 $0xFFFFDC00  }
0x63: {  	[spmem:s2] =	stream.indirect.scatter.add.f32 [tilespmem:s20], [sflag:$0x6], $0x90, s15, s16, $0xb8;
	[tilespmem:$0x1E180] =	vst v63  }
0x64: {  	_ =	swait.ge [sflag:s24], $0x2400  }
0x65: {  	[sflag:s24] =	ssyncset.done $0x0  }
0x66: {  	s15 =	sadd.s32 $0x1C0, s1;
	[sflag:s24] =	ssyncadd.s32 $0xFFFFDC00  }
0x67: {  	[tilespmem:s18], [sflag:$0x2] =	stream.indirect.gather [hbm4b:s4+s16], $0x90, s15, s16, $0xb8;
	[tilespmem:$0x1E180] =	vst v63  }
0x68: {  	_ =	swait.ge [sflag:s19], $0x2400  }
0x69: {  	[sflag:s19] =	ssyncset.done $0x0  }
0x6a: {  	s15 =	sadd.s32 $0xA80, s1;
	[sflag:s19] =	ssyncadd.s32 $0xFFFFDC00  }
0x6b: {  	[spmem:s2] =	stream.indirect.scatter.add.f32 [tilespmem:s17], [sflag:$0x4], $0x90, s15, s16, $0xb8;
	[tilespmem:$0x1E180] =	vst v63  }
0x6c: {  	_ =	swait.ge [sflag:s25], $0x2400  }
0x6d: {  	[sflag:s25] =	ssyncset.done $0x0  }
0x6e: {  	s15 =	sadd.s32 $0x200, s1;
	[sflag:s25] =	ssyncadd.s32 $0xFFFFDC00  }
0x6f: {  	[tilespmem:s20], [sflag:$0x3] =	stream.indirect.gather [hbm4b:s4+s16], $0x90, s15, s16, $0xb8;
	[tilespmem:$0x1E180] =	vst v63  }
0x70: {  	_ =	swait.ge [sflag:s21], $0x2400  }
0x71: {  	[sflag:s21] =	ssyncset.done $0x0  }
0x72: {  	s15 =	sadd.s32 $0xAC0, s1;
	[sflag:s21] =	ssyncadd.s32 $0xFFFFDC00  }
0x73: {  	[spmem:s2] =	stream.indirect.scatter.add.f32 [tilespmem:s18], [sflag:$0x5], $0x90, s15, s16, $0xb8;
	[tilespmem:$0x1E180] =	vst v63  }
0x74: {  	_ =	swait.ge [sflag:s22], $0x2400  }
0x75: {  	[sflag:s22] =	ssyncset.done $0x0  }
0x76: {  	s15 =	sadd.s32 $0x240, s1;
	[sflag:s22] =	ssyncadd.s32 $0xFFFFDC00  }
0x77: {  	[tilespmem:s17], [sflag:$0x1] =	stream.indirect.gather [hbm4b:s4+s16], $0x90, s15, s16, $0xb8;
	[tilespmem:$0x1E180] =	vst v63  }
0x78: {  	_ =	swait.ge [sflag:s23], $0x2400  }
0x79: {  	[sflag:s23] =	ssyncset.done $0x0  }
0x7a: {  	s15 =	sadd.s32 $0xB00, s1;
	[sflag:s23] =	ssyncadd.s32 $0xFFFFDC00  }
0x7b: {  	[spmem:s2] =	stream.indirect.scatter.add.f32 [tilespmem:s20], [sflag:$0x6], $0x90, s15, s16, $0xb8;
	[tilespmem:$0x1E180] =	vst v63  }
0x7c: {  	_ =	swait.ge [sflag:s24], $0x2400  }
0x7d: {  	[sflag:s24] =	ssyncset.done $0x0  }
0x7e: {  	s15 =	sadd.s32 $0x280, s1;
	[sflag:s24] =	ssyncadd.s32 $0xFFFFDC00  }
0x7f: {  	[tilespmem:s18], [sflag:$0x2] =	stream.indirect.gather [hbm4b:s4+s16], $0x90, s15, s16, $0xb8;
	[tilespmem:$0x1E180] =	vst v63  }
0x80: {  	_ =	swait.ge [sflag:s19], $0x2400  }
0x81: {  	[sflag:s19] =	ssyncset.done $0x0  }
0x82: {  	s15 =	sadd.s32 $0xB40, s1;
	[sflag:s19] =	ssyncadd.s32 $0xFFFFDC00  }
0x83: {  	[spmem:s2] =	stream.indirect.scatter.add.f32 [tilespmem:s17], [sflag:$0x4], $0x90, s15, s16, $0xb8;
	[tilespmem:$0x1E180] =	vst v63  }
0x84: {  	_ =	swait.ge [sflag:s25], $0x2400  }
0x85: {  	[sflag:s25] =	ssyncset.done $0x0  }
0x86: {  	s15 =	sadd.s32 $0x2C0, s1;
	[sflag:s25] =	ssyncadd.s32 $0xFFFFDC00  }
0x87: {  	[tilespmem:s20], [sflag:$0x3] =	stream.indirect.gather [hbm4b:s4+s16], $0x90, s15, s16, $0xb8;
	[tilespmem:$0x1E180] =	vst v63  }
0x88: {  	_ =	swait.ge [sflag:s21], $0x2400  }
0x89: {  	[sflag:s21] =	ssyncset.done $0x0  }
0x8a: {  	s15 =	sadd.s32 $0xB80, s1;
	[sflag:s21] =	ssyncadd.s32 $0xFFFFDC00  }
0x8b: {  	[spmem:s2] =	stream.indirect.scatter.add.f32 [tilespmem:s18], [sflag:$0x5], $0x90, s15, s16, $0xb8;
	[tilespmem:$0x1E180] =	vst v63  }
0x8c: {  	_ =	swait.ge [sflag:s22], $0x2400  }
0x8d: {  	[sflag:s22] =	ssyncset.done $0x0  }
0x8e: {  	s15 =	sadd.s32 $0x300, s1;
	[sflag:s22] =	ssyncadd.s32 $0xFFFFDC00  }
0x8f: {  	[tilespmem:s17], [sflag:$0x1] =	stream.indirect.gather [hbm4b:s4+s16], $0x90, s15, s16, $0xb8;
	[tilespmem:$0x1E180] =	vst v63  }
0x90: {  	_ =	swait.ge [sflag:s23], $0x2400  }
0x91: {  	[sflag:s23] =	ssyncset.done $0x0  }
0x92: {  	s15 =	sadd.s32 $0xBC0, s1;
	[sflag:s23] =	ssyncadd.s32 $0xFFFFDC00  }
0x93: {  	[spmem:s2] =	stream.indirect.scatter.add.f32 [tilespmem:s20], [sflag:$0x6], $0x90, s15, s16, $0xb8;
	[tilespmem:$0x1E180] =	vst v63  }
0x94: {  	_ =	swait.ge [sflag:s24], $0x2400  }
0x95: {  	[sflag:s24] =	ssyncset.done $0x0  }
0x96: {  	s15 =	sadd.s32 $0x340, s1;
	[sflag:s24] =	ssyncadd.s32 $0xFFFFDC00  }
0x97: {  	[tilespmem:s18], [sflag:$0x2] =	stream.indirect.gather [hbm4b:s4+s16], $0x90, s15, s16, $0xb8;
	[tilespmem:$0x1E180] =	vst v63  }
0x98: {  	_ =	swait.ge [sflag:s19], $0x2400  }
0x99: {  	[sflag:s19] =	ssyncset.done $0x0  }
0x9a: {  	s15 =	sadd.s32 $0xC00, s1;
	[sflag:s19] =	ssyncadd.s32 $0xFFFFDC00  }
0x9b: {  	[spmem:s2] =	stream.indirect.scatter.add.f32 [tilespmem:s17], [sflag:$0x4], $0x90, s15, s16, $0xb8;
	[tilespmem:$0x1E180] =	vst v63  }
0x9c: {  	_ =	swait.ge [sflag:s25], $0x2400  }
0x9d: {  	[sflag:s25] =	ssyncset.done $0x0  }
0x9e: {  	s15 =	sadd.s32 $0x380, s1;
	[sflag:s25] =	ssyncadd.s32 $0xFFFFDC00  }
0x9f: {  	[tilespmem:s20], [sflag:$0x3] =	stream.indirect.gather [hbm4b:s4+s16], $0x90, s15, s16, $0xb8;
	[tilespmem:$0x1E180] =	vst v63  }
0xa0: {  	_ =	swait.ge [sflag:s21], $0x2400  }
0xa1: {  	[sflag:s21] =	ssyncset.done $0x0  }
0xa2: {  	s15 =	sadd.s32 $0xC40, s1;
	[sflag:s21] =	ssyncadd.s32 $0xFFFFDC00  }
0xa3: {  	[spmem:s2] =	stream.indirect.scatter.add.f32 [tilespmem:s18], [sflag:$0x5], $0x90, s15, s16, $0xb8;
	[tilespmem:$0x1E180] =	vst v63  }
0xa4: {  	_ =	swait.ge [sflag:s22], $0x2400  }
0xa5: {  	[sflag:s22] =	ssyncset.done $0x0  }
0xa6: {  	s15 =	sadd.s32 $0x3C0, s1;
	[sflag:s22] =	ssyncadd.s32 $0xFFFFDC00  }
0xa7: {  	[tilespmem:s17], [sflag:$0x1] =	stream.indirect.gather [hbm4b:s4+s16], $0x90, s15, s16, $0xb8;
	[tilespmem:$0x1E180] =	vst v63  }
0xa8: {  	_ =	swait.ge [sflag:s23], $0x2400  }
0xa9: {  	[sflag:s23] =	ssyncset.done $0x0  }
0xaa: {  	s15 =	sadd.s32 $0xC80, s1;
	[sflag:s23] =	ssyncadd.s32 $0xFFFFDC00  }
0xab: {  	[spmem:s2] =	stream.indirect.scatter.add.f32 [tilespmem:s20], [sflag:$0x6], $0x90, s15, s16, $0xb8;
	[tilespmem:$0x1E180] =	vst v63  }
0xac: {  	_ =	swait.ge [sflag:s24], $0x2400  }
0xad: {  	[sflag:s24] =	ssyncset.done $0x0  }
0xae: {  	s15 =	sadd.s32 $0x400, s1;
	[sflag:s24] =	ssyncadd.s32 $0xFFFFDC00  }
0xaf: {  	[tilespmem:s18], [sflag:$0x2] =	stream.indirect.gather [hbm4b:s4+s16], $0x90, s15, s16, $0xb8;
	[tilespmem:$0x1E180] =	vst v63  }
0xb0: {  	_ =	swait.ge [sflag:s19], $0x2400  }
0xb1: {  	[sflag:s19] =	ssyncset.done $0x0  }
0xb2: {  	s15 =	sadd.s32 $0xCC0, s1;
	[sflag:s19] =	ssyncadd.s32 $0xFFFFDC00  }
0xb3: {  	[spmem:s2] =	stream.indirect.scatter.add.f32 [tilespmem:s17], [sflag:$0x4], $0x90, s15, s16, $0xb8;
	[tilespmem:$0x1E180] =	vst v63  }
0xb4: {  	_ =	swait.ge [sflag:s25], $0x2400  }
0xb5: {  	[sflag:s25] =	ssyncset.done $0x0  }
0xb6: {  	s15 =	sadd.s32 $0x440, s1;
	[sflag:s25] =	ssyncadd.s32 $0xFFFFDC00  }
0xb7: {  	[tilespmem:s20], [sflag:$0x3] =	stream.indirect.gather [hbm4b:s4+s16], $0x90, s15, s16, $0xb8;
	[tilespmem:$0x1E180] =	vst v63  }
0xb8: {  	_ =	swait.ge [sflag:s21], $0x2400  }
0xb9: {  	[sflag:s21] =	ssyncset.done $0x0  }
0xba: {  	s15 =	sadd.s32 $0xD00, s1;
	[sflag:s21] =	ssyncadd.s32 $0xFFFFDC00  }
0xbb: {  	[spmem:s2] =	stream.indirect.scatter.add.f32 [tilespmem:s18], [sflag:$0x5], $0x90, s15, s16, $0xb8;
	[tilespmem:$0x1E180] =	vst v63  }
.Ltmp2:
0xbc: {  	_ = 	snop;
	(pc) =	sbr.rel @p0 .LBB2_4-.Ltmp2, $4  }
0xbd: {  	_ =	swait.ge [sflag:s23], $0x2400  }
0xbe: {  	[sflag:s23] =	ssyncset.done $0x0  }
0xbf: {  	s1 =	sadd.s32 $0xD40, s1;
	[sflag:s23] =	ssyncadd.s32 $0xFFFFDC00  }
0xc0: {  	[spmem:s2] =	stream.indirect.scatter.add.f32 [tilespmem:s20], [sflag:$0x6], $0x90, s1, s16, $0xb8;
	[tilespmem:$0x1E180] =	vst v63  }
0xc1: {  	_ =	swait.ge [sflag:s26], $0x480  }
0xc2: {  	[sflag:s26] =	ssyncset.done $0x0  }
0xc3: {  	[sflag:s26] =	ssyncadd.s32 $0xFFFFFB80  }
0xc4: {  	_ =	swait.ge [sflag:s26], $0x480  }
0xc5: {  	[sflag:s26] =	ssyncset.done $0x0  }
0xc6: {  	[sflag:s26] =	ssyncadd.s32 $0xFFFFFB80  }
0xc7: {  	s0 =	smul.u32 $0x1200, s0;
	_ =	swait.ge [sflag:s22], $0x2400  }
0xc8: {  	[sflag:s22] =	ssyncset.done $0x0  }
0xc9: {  	s0 =	sshrl.u32 s0, $0x2;
	[sflag:s22] =	ssyncadd.s32 $0xFFFFDC00  }
0xca: {  	[tilespmem:s17], [sflag:$0x1] =	stream.indirect.gather [hbm4b:s4+s16], $0x90, s0, s16, $0xb8;
	[tilespmem:$0x1E180] =	vst v63  }
.Ltmp3:
0xcb: {  	_ = 	snop;
	(pc) =	sbr.rel .LBB2_2-.Ltmp3, $4  }
0xcc: {  	_ =	swait.ge [sflag:s24], $0x2400  }
0xcd: {  	s31 =	sadd.s32 $0x1, s31;
	s30 =	sadd.s32 $0x90, s30;
	[sflag:s24] =	ssyncset.done $0x0  }
0xce: {  	s29 =	sadd.s32 $0x90, s29;
	s0 =	sor.u32 $0x40, s0;
	[sflag:s24] =	ssyncadd.s32 $0xFFFFDC00  }
0xcf: {  	[tilespmem:s18], [sflag:$0x2] =	stream.indirect.gather [hbm4b:s4+s16], $0x90, s0, s16, $0xb8;
	[tilespmem:$0x1E180] =	vst v63  }
.LBB2_5:
0xd0: {  	_ =	sfence.sel $0x180000  }
0xd1: {  	[bflag:$0x0] =	sbarrier.arrive $0xFFFF  }
0xd2: {  	_ =	strace $0x9000004A  }
0xd3: {  	s0 =	stileid.u32;
	[bflag:$0x2] =	sbarrier.arrive $0xFFFF  }
0xd4: {  	p0 =	sne.s32 s0, $0x0;
	s0 =	rddreg [dreg:$0x2]  }
0xd5: {  	s0 =	sadd.s32 @!p0 $0x100000, s0  }
0xd6: {  	[sflag:s0] =	ssyncadd.tile.s32 @!p0 $0x1;
	_ =	shalt  }
.Lfunc_end2:
_tile_overlayer_lowered:
.L_overlay_start_2:
0xd7: {  	(tag) =	ssettag $0x2  }
0xd8: {  	s0 =	rddreg [dreg:$0x0];
	s2 =	stileid.u32  }
0xd9: {  	s1 =	rddreg [dreg:$0x1];
	p0 =	sne.s32 s2, $0x0  }
0xda: {  	s3 =	rddreg [dreg:$0x2];
	[bflag:$0x3] =	sbarrier.arrive $0xFFFF;
	s2 =	simm.s32 @!p0 $0x1C08  }
0xdb: {  	[timem:s3], [sflag:s2] =	dma.local @!p0 [hbm:s0], s1  }
0xdc: {  	s0 =	simm.s32 @!p0 $0x8  }
0xdd: {  	_ =	swait.ge @!p0 [sflag:s0], s1  }
0xde: {  	s1 =	ssub.s32 @!p0 $0x0, s1;
	[sflag:s0] =	ssyncset.done @!p0 $0x0  }
0xdf: {  	[sflag:s0] =	ssyncadd.s32 @!p0 s1  }
0xe0: {  	[bflag:$0x3] =	sbarrier.arrive $0xFFFF  }
0xe1: {  	_ =	shalt  }

// kernel: kernel.18.cloned.1.call-start
scs
__scs_entry_jumppad:
0x0: {  	(pc) =	sbr.rel $0x88, $3  }
0x1: {  	(tag) =	ssettag $0x0;
	lr =	simm.s32 $0x1  }
0x2: {  	[smem:$0x3F8B] =	sst lr;
	_ =	strace $0xD0000000  }
0x3: {  	_ = 	snop  }
0x4: {  	_ = 	snop  }
0x5: {  	_ = 	snop  }
0x6: {  	_ = 	snop  }
0x7: {  	_ = 	snop  }
__scs_overlays_trampoline_lowered:
0x8: {  	[smem:$0x3F9A] =	sst s0  }
0x9: {  	[smem:$0x3F9B] =	sst s1  }
0xa: {  	[smem:$0x3F9C] =	sst s2  }
0xb: {  	[smem:$0x3F9D] =	sst s3  }
0xc: {  	[smem:$0x3F9E] =	sst s4  }
0xd: {  	[smem:$0x3F9F] =	sst s5  }
0xe: {  	[smem:$0x3FA0] =	sst s6  }
0xf: {  	[smem:$0x3FA1] =	sst s7  }
0x10: {  	[smem:$0x3FA2] =	sst s8  }
0x11: {  	[smem:$0x3FA3] =	sst s9;
	s0 =	simm.s32 @!p0 $0x0  }
0x12: {  	s1 =	sld [smem:$0x3F89];
	s0 =	simm.s32 @p0 $0x1  }
0x13: {  	[smem:$0x3FA4] =	sst s0;
	s0 =	simm.s32 @!p1 $0x0  }
0x14: {  	s2 =	sld [smem:$0x3F88];
	s0 =	simm.s32 @p1 $0x1  }
0x15: {  	[smem:$0x3FA5] =	sst s0;
	s0 =	simm.s32 @!p2 $0x0  }
0x16: {  	s3 =	sld [smem:$0x3FDB];
	s0 =	simm.s32 @p2 $0x1  }
0x17: {  	s4 =	simm.s32 $0x1BF5;
	[smem:$0x3FA7] =	sst s0  }
0x18: {  	s0 =	sld [smem:$0x3F8A];
	_ =	swait.ge [sflag:s4], $0x0  }
0x19: {  	s7 =	sld [smem:$0x3F8B]  }
0x1a: {  	s8 =	sadd.s32 $0xFFFFE003, lr  }
0x1b: {  	s9 =	sadd.s32 $0xFFFFFEF7, lr;
	s5 =	simm.s32 $0xFFFFFFFF;
	p2 =	slt.u32 s8, $0xFFFFF086  }
0x1c: {  	p1 =	slt.u32 s9, $0xF7A;
	s5 =	simm.s32 @!p2 $0x0  }
0x1d: {  	s5 =	simm.s32 @p1 $0x1;
	p0 =	seq.s32 s7, s2  }
0x1e: {  	s7 =	smul.u32 @!p0 $0xF7A, s2;
	p2 =	seq.s32 @!p0 s5, $0x0  }
0x1f: {  	s9 =	smul.u32 $0xF7A, s1;
	s8 =	simm.s32 @!p0 $0x1BF5;
	p2 =	por !p2, p0  }
0x20: {  	[sflag:s8] =	ssyncset.s32 @!p0 $0xFFFFF086;
	s6 =	sadd.s32 @!p0 s3, s7;
	s7 =	simm.s32 @!p0 $0x108  }
0x21: {  	s3 =	sadd.s32 s3, s9;
	s6 =	sadd.s32 @!p0 $0x88, s6;
	s7 =	simm.s32 @p2 $0x1082  }
0x22: {  	[simem:s7], [sflag:s8] =	dma.local @!p0 [hbm:s6], $0xF7A  }
0x23: {  	s9 =	sor.u32 $0xD0000000, s2;
	s6 =	simm.s32 $0x108;
	_ =	swait.ge @!p0 [sflag:s8], $0x0  }
0x24: {  	s3 =	sadd.s32 $0x88, s3;
	s6 =	simm.s32 @!p1 $0x1082;
	[sflag:s4] =	ssyncset.s32 $0xFFFFF086  }
0x25: {  	[simem:s6], [sflag:s4] =	dma.local [hbm:s3], $0xF7A  }
0x26: {  	[smem:$0x3F8B] =	sst s1;
	(tag) =	ssettag s2;
	_ =	strace s9  }
0x27: {  	s1 =	sld [smem:$0x3F9B]  }
0x28: {  	s2 =	sld [smem:$0x3F9C]  }
0x29: {  	s4 =	sld [smem:$0x3F9E]  }
0x2a: {  	p0 =	seq.s32 s5, $0x0;
	s5 =	sld [smem:$0x3F9F]  }
0x2b: {  	s6 =	sld [smem:$0x3FA0]  }
0x2c: {  	s7 =	sld [smem:$0x3FA1]  }
0x2d: {  	s3 =	simm.s32 $0x108;
	s8 =	sld [smem:$0x3FA2]  }
0x2e: {  	s3 =	simm.s32 @!p0 $0x1082;
	s9 =	sld [smem:$0x3FA3]  }
0x2f: {  	lr =	sadd.s32 s0, s3;
	s0 =	sld [smem:$0x3F9A]  }
0x30: {  	s3 =	sld [smem:$0x3F9D]  }
0x31: {  	[smem:$0x3FA6] =	sst s10  }
0x32: {  	s10 =	sld [smem:$0x3FA4];
	_ =	sdelay $0x3  }
0x33: {  	p0 =	seq.s32 s10, $0x1;
	s10 =	sld [smem:$0x3FA6];
	_ =	sdelay $0x3  }
0x34: {  	[smem:$0x3FA6] =	sst s10  }
0x35: {  	s10 =	sld [smem:$0x3FA5];
	_ =	sdelay $0x3  }
0x36: {  	p1 =	seq.s32 s10, $0x1;
	s10 =	sld [smem:$0x3FA6];
	_ =	sdelay $0x3  }
0x37: {  	[smem:$0x3FA6] =	sst s10  }
0x38: {  	s10 =	sld [smem:$0x3FA7]  }
0x39: {  	_ = 	snop;
	(pc) =	sbr.ind lr, $3  }
0x3a: {  	_ = 	snop  }
0x3b: {  	_ = 	snop  }
0x3c: {  	p2 =	seq.s32 s10, $0x1;
	s10 =	sld [smem:$0x3FA6]  }
0x3d: {  	_ =	shalt  }
0x3e: {  	_ =	shalt  }
0x3f: {  	_ =	shalt  }
0x40: {  	_ =	shalt  }
0x41: {  	_ =	shalt  }
0x42: {  	_ =	shalt  }
0x43: {  	_ =	shalt  }
0x44: {  	_ =	shalt  }
0x45: {  	_ =	shalt  }
0x46: {  	_ =	shalt  }
0x47: {  	_ =	shalt  }
0x48: {  	_ =	shalt  }
0x49: {  	_ =	shalt  }
0x4a: {  	_ =	shalt  }
0x4b: {  	_ =	shalt  }
0x4c: {  	_ =	shalt  }
0x4d: {  	_ =	shalt  }
0x4e: {  	_ =	shalt  }
0x4f: {  	_ =	shalt  }
0x50: {  	_ =	shalt  }
0x51: {  	_ =	shalt  }
0x52: {  	_ =	shalt  }
0x53: {  	_ =	shalt  }
0x54: {  	_ =	shalt  }
0x55: {  	_ =	shalt  }
0x56: {  	_ =	shalt  }
0x57: {  	_ =	shalt  }
0x58: {  	_ =	shalt  }
0x59: {  	_ =	shalt  }
0x5a: {  	_ =	shalt  }
0x5b: {  	_ =	shalt  }
0x5c: {  	_ =	shalt  }
0x5d: {  	_ =	shalt  }
0x5e: {  	_ =	shalt  }
0x5f: {  	_ =	shalt  }
0x60: {  	_ =	shalt  }
0x61: {  	_ =	shalt  }
0x62: {  	_ =	shalt  }
0x63: {  	_ =	shalt  }
0x64: {  	_ =	shalt  }
0x65: {  	_ =	shalt  }
0x66: {  	_ =	shalt  }
0x67: {  	_ =	shalt  }
0x68: {  	_ =	shalt  }
0x69: {  	_ =	shalt  }
0x6a: {  	_ =	shalt  }
0x6b: {  	_ =	shalt  }
0x6c: {  	_ =	shalt  }
0x6d: {  	_ =	shalt  }
0x6e: {  	_ =	shalt  }
0x6f: {  	_ =	shalt  }
0x70: {  	_ =	shalt  }
0x71: {  	_ =	shalt  }
0x72: {  	_ =	shalt  }
0x73: {  	_ =	shalt  }
0x74: {  	_ =	shalt  }
0x75: {  	_ =	shalt  }
0x76: {  	_ =	shalt  }
0x77: {  	_ =	shalt  }
0x78: {  	_ =	shalt  }
0x79: {  	_ =	shalt  }
0x7a: {  	_ =	shalt  }
0x7b: {  	_ =	shalt  }
0x7c: {  	_ =	shalt  }
0x7d: {  	_ =	shalt  }
0x7e: {  	_ =	shalt  }
0x7f: {  	_ =	shalt  }
0x80: {  	_ =	shalt  }
0x81: {  	_ =	shalt  }
0x82: {  	_ =	shalt  }
0x83: {  	_ =	shalt  }
0x84: {  	_ =	shalt  }
0x85: {  	_ =	shalt  }
0x86: {  	_ =	shalt  }
0x87: {  	_ =	shalt  }
.Lfunc_end0:
.L_simem_size_0:
called_computation.2_lowered:
.L_overlay_start_0:
0x88: {  	s2 =	sld [smem:$0x3FD9]  }
0x89: {  	s3 =	sld [smem:$0x3FFE];
	_ =	sdelay $0x1  }
0x8a: {  	s1 =	srdreg.scid  }
0x8b: {  	s0 =	sand.u32 $0x1, s1  }
0x8c: {  	s16 =	sshll.u32 s0, $0xA;
	s2 =	sadd.s32 s3, s2  }
0x8d: {  	s2 =	sadd.s32 s2, s16  }
0x8e: {  	[smem:$0x3FB2] =	sst s2  }
0x8f: {  	_ = 	snop  }
0x90: {  	(tm) =	ssettm $0x1  }
0x91: {  	s17 =	sld [smem:$0x3FFB];
	_ =	sdelay $0x3  }
0x92: {  	_ =	strace s17  }
0x93: {  	s2 =	sld [smem:$0x3FFC];
	_ =	sdelay $0x3  }
0x94: {  	_ =	strace s2  }
0x95: {  	s2 =	sld [smem:$0x3FFD];
	_ =	sdelay $0x3  }
0x96: {  	_ =	strace s2  }
0x97: {  	_ =	strace $0x8FFFFFFF  }
0x98: {  	s18 =	sld [smem:$0x3FDB];
	_ =	sdelay $0x1  }
0x99: {  	s19 =	simm.s32 $_scs_section_size  }
0x9a: {  	s4 =	simm.s32 $_size__tile_overlayer_lowered;
	s5 =	simm.s32 $_tile_overlayer_lowered  }
0x9b: {  	s22 =	simm.s32 $0x1BFF;
	s21 =	sshll.u32 s5, $0x1;
	s2 =	sadd.s32 s19, s18  }
0x9c: {  	s6 =	simm.s32 $0x0;
	s20 =	sshll.u32 s4, $0x1;
	s4 =	sadd.s32 s21, s2  }
0x9d: {  	[timem:s6], [sflag:s22] =	dma.local [hbm:s4], s20  }
0x9e: {  	_ =	swait.ge [sflag:s22], s20  }
0x9f: {  	s3 =	ssub.s32 $0x0, s20;
	[sflag:s22] =	ssyncset.done $0x0  }
0xa0: {  	[sflag:s22] =	ssyncadd.s32 s3;
	_ =	sdelay $0x1  }
0xa1: {  	s23 =	simm.s32 $0x1B8B  }
0xa2: {  	_ =	swait.ge [sflag:s23], $0x1  }
0xa3: {  	[sflag:s23] =	ssyncset.done $0x0  }
0xa4: {  	s25 =	simm.s32 $0x1B8E;
	s24 =	sld [smem:$0x3FFE];
	[sflag:s23] =	ssyncadd.s32 $0xFFFFFFFF  }
0xa5: {  	s26 =	simm.s32 $execute0_lowered;
	[smem:$0x3FD2] =	sst s25  }
0xa6: {  	s4 =	sshll.u32 s26, $0x1;
	_ =	strace $0x8000004C;
	[dreg:$0x1] =	wrdreg $0xFFFFFFFF  }
0xa7: {  	s28 =	simm.s32 $_size_execute0_lowered;
	s2 =	sadd.s32 s2, s4;
	[dreg:$0x0] =	wrdreg $0x0  }
0xa8: {  	s4 =	sshll.u32 s28, $0x1;
	[dreg:$0x2] =	wrdreg s2  }
0xa9: {  	[dreg:$0x3] =	wrdreg s4  }
0xaa: {  	[dreg:$0x4] =	wrdreg $0xC0  }
0xab: {  	_ =	task [dreg:s6], $0x5FFFF  }
0xac: {  	[dreg:$0x1] =	wrdreg $0xFFFFFFFF  }
0xad: {  	[dreg:$0x0] =	wrdreg $0x60  }
0xae: {  	[dreg:$0x2] =	wrdreg s24  }
0xaf: {  	[dreg:$0x3] =	wrdreg $0x7E000  }
0xb0: {  	[dreg:$0x4] =	wrdreg $0x9  }
0xb1: {  	_ =	task.clear_ibuf [dreg:s6], $0x5FFFF;
	_ =	strace $0x9000004C  }
0xb2: {  	s29 =	simm.s32 $0x9;
	_ =	strace $0x8000004E  }
0xb3: {  	_ =	swait.ge [sflag:s29], $0x1  }
0xb4: {  	[sflag:s29] =	ssyncadd.s32 $0xFFFFFFFF  }
0xb5: {  	_ =	strace $0x9000004E  }
0xb6: {  	_ =	sfence  }
0xb7: {  	s30 =	sld [smem:$0x0];
	_ =	sdelay $0x2  }
0xb8: {  	s31 =	sshll.u32 s1, $0xD;
	s1 =	sshrl.u32 s1, $0x2  }
0xb9: {  	s3 =	sand.u32 $0x4000, s31;
	s1 =	sadd.s32 s1, s30  }
0xba: {  	s0 =	sor.u32 s3, s0;
	s1 =	sshll.u32 s1, $0x11  }
0xbb: {  	s0 =	sor.u32 s1, s0  }
0xbc: {  	s0 =	sadd.s32 $0x8F2B, s0  }
0xbd: {  	[sflag:s0] =	ssyncadd.remote.s32 $0x1  }
0xbe: {  	_ =	sfence.sel $0xFFFF  }
0xbf: {  	[dreg:$0x0] =	wrdreg $0xFFFFFFFF;
	(pc) =	sbr.abs _section_cstart, $3  }
0xc0: {  	[dreg:$0x1] =	wrdreg $0xFFFFFFFF  }
0xc1: {  	_ =	task.clear_ibuf [dreg:s6], $0x2FFFF;
	_ =	strace $0x9FFFFFFF  }
0xc2: {  	(tm) =	ssettm $0x7FFFFFFF  }
0xc3: {  	_ =	shalt  }
tec
execute0_lowered:
.L_overlay_start_1:
0x0: {  	(tag) =	ssettag $0x1  }
0x1: {  	s0 =	rddreg [dreg:$0x0]  }
0x2: {  	s2 =	rddreg [dreg:$0x1];
	s9 =	stileid.u32;
	s3 =	simm.s32 $0x0  }
0x3: {  	s1 =	srdreg.scid;
	s14 =	simm.s32 $0x8;
	s16 =	simm.s32 $0x40  }
0x4: {  	s17 =	simm.s32 $0x1200;
	s18 =	simm.s32 $0x3600;
	s19 =	simm.s32 $0x1  }
0x5: {  	s20 =	simm.s32 $0x5A00;
	s21 =	simm.s32 $0x2;
	s22 =	simm.s32 $0x4  }
0x6: {  	s23 =	simm.s32 $0x3;
	s24 =	simm.s32 $0x5;
	s25 =	simm.s32 $0x6  }
0x7: {  	s28 =	simm.s32 $0x0;
	s5 =	smul.u32 $0xA2, s9;
	[smem:$0x7FF] =	sst s3  }
0x8: {  	s1 =	sand.u32 $0x1, s1;
	s6 =	smul.u32 $0x16380, s9;
	s4 =	sadd.s32 $0x337000, s0  }
0x9: {  	s31 =	sshll.u32 s9, $0x6;
	p0 =	seq.s32 s1, $0x0;
	s8 =	smul.u32 $0x163800, s1  }
0xa: {  	_ =	strace $0x8000004D;
	s1 =	ssub.s32 $0x2, s1;
	s7 =	sadd.s32 $0xA20, s5  }
0xb: {  	s30 =	sshrl.u32 s1, $0x1;
	s13 =	sadd.s32 s6, s2;
	s7 =	smov.u32 @p0 s5  }
0xc: {  	s26 =	sadd.s32 s6, s8;
	s1 =	ssub.s32 s1, s30;
	s6 =	sor.u32 $0x1C08, s31  }
.Ltmp0:
0xd: {  	s5 =	sshll.u32 s7, $0x3;
	s29 =	sshrl.u32 s26, $0x3;
	(pc) =	sbr.rel .LBB2_1-.Ltmp0, $4  }
0xe: {  	s13 =	sshrl.u32 s13, $0x3;
	s12 =	sadd.s32 s5, s0;
	s0 =	sadd.s32 s29, s0  }
0xf: {  	s10 =	smax.u32 s1, $0x1;
	s26 =	simm.s32 $0x7;
	s5 =	sadd.s32 $0xAB000, s0  }
0x10: {  	s7 =	sadd.s32 $0x103E00, s12;
	s8 =	sadd.s32 $0x3DE00, s12;
	s9 =	sadd.s32 $0x48000, s0  }
0x11: {  	s11 =	sadd.s32 $0x3DE90, s12;
	s12 =	sadd.s32 $0x103E90, s12;
	[dreg:$0x3] =	wrdreg s5  }
.LBB2_4:
0x12: {  	_ =	swait.ge [sflag:s22], $0x2400  }
0x13: {  	[sflag:s22] =	ssyncset.done $0x0  }
0x14: {  	[sflag:s22] =	ssyncadd.s32 $0xFFFFDC00  }
0x15: {  	_ =	swait.ge [sflag:s24], $0x2400  }
0x16: {  	[sflag:s24] =	ssyncset.done $0x0  }
0x17: {  	[sflag:s24] =	ssyncadd.s32 $0xFFFFDC00  }
0x18: {  	_ =	swait.ge [sflag:s25], $0x2400  }
0x19: {  	s28 =	sadd.s32 $0x1, s28;
	[sflag:s25] =	ssyncset.done $0x0  }
0x1a: {  	p0 =	sne.s32 s28, s10;
	[sflag:s25] =	ssyncadd.s32 $0xFFFFDC00  }
.Ltmp1:
0x1b: {  	[bflag:$0x0] =	sbarrier.arrive $0xFFFF;
	(pc) =	sbr.rel @!p0 .LBB2_5-.Ltmp1, $4  }
0x1c: {  	[hbm:s9], [sflag:s6] =	dma.local [spmem:s13], $0x2C70  }
0x1d: {  	_ =	swait.ge [sflag:s14], $0x2C70  }
0x1e: {  	[sflag:s14] =	ssyncset.done $0x0  }
0x1f: {  	[sflag:s14] =	ssyncadd.s32 $0xFFFFD390  }
.LBB2_1:
0x20: {  	s0 =	rddreg [dreg:$0x3]  }
0x21: {  	[spmem:s13], [sflag:s6] =	dma.local [hbm:s0], $0x2C70  }
0x22: {  	_ =	swait.ge [sflag:s14], $0x2C70  }
0x23: {  	[sflag:s14] =	ssyncset.done $0x0  }
0x24: {  	[sflag:s14] =	ssyncadd.s32 $0xFFFFD390  }
0x25: {  	[tilespmem:s3], [sflag:$0x8] =	stream.linear.gather [hbm4b:s7+s3], $0x480, $0x38;
	[tilespmem:$0x1E180] =	vst v63  }
0x26: {  	_ =	swait.ge [sflag:s14], $0x480  }
0x27: {  	[sflag:s14] =	ssyncset.done $0x0  }
0x28: {  	s15 =	simm.s32 $0x900;
	[sflag:s14] =	ssyncadd.s32 $0xFFFFFB80  }
0x29: {  	[tilespmem:s15], [sflag:$0x8] =	stream.linear.gather [hbm4b:s8+s3], $0x480, $0x38;
	[tilespmem:$0x1E180] =	vst v63  }
0x2a: {  	_ =	swait.ge [sflag:s14], $0x480  }
0x2b: {  	[sflag:s14] =	ssyncset.done $0x0  }
0x2c: {  	[sflag:s14] =	ssyncadd.s32 $0xFFFFFB80  }
0x2d: {  	[tilespmem:s17], [sflag:$0x1] =	stream.indirect.gather [hbm4b:s4+s16], $0x90, s3, s16, $0xb8;
	[tilespmem:$0x1E180] =	vst v63  }
0x2e: {  	s29 =	smov.u32 s12  }
0x2f: {  	[tilespmem:s18], [sflag:$0x2] =	stream.indirect.gather [hbm4b:s4+s16], $0x90, s16, s16, $0xb8;
	[tilespmem:$0x1E180] =	vst v63  }
0x30: {  	s30 =	smov.u32 s11;
	s31 =	simm.s32 $0x0;
	[bflag:$0x0] =	sbarrier.arrive $0xFFFF  }
.LBB2_2:
0x31: {  	s1 =	sand.u32 $0x1, s31  }
0x32: {  	p0 =	seq.s32 s31, $0x8;
	s0 =	sxor.u32 $0x1, s1  }
0x33: {  	s15 =	smul.u32 @!p0 $0x480, s0  }
0x34: {  	s5 =	simm.s32 @!p0 $0x0  }
0x35: {  	[tilespmem:s15], [sflag:$0x7] =	stream.linear.gather @!p0 [hbm4b:s29+s5], $0x480, $0x38;
	[tilespmem:$0x1E180] =	vst v63  }
0x36: {  	p2 =	por $0x0, $0x0;
	s15 =	sadd.s32 @!p0 $0x900, s15  }
0x37: {  	[tilespmem:s15], [sflag:$0x7] =	stream.linear.gather @!p0 [hbm4b:s30+s5], $0x480, $0x38;
	[tilespmem:$0x1E180] =	vst v63  }
0x38: {  	s1 =	smul.u32 $0x480, s1;
	p1 =	seq.s32 @!p0 s31, $0x0;
	_ =	swait.ge [sflag:s19], $0x2400  }
0x39: {  	p2 =	por @!p0 p1, p1;
	[sflag:s19] =	ssyncset.done $0x0  }
0x3a: {  	s15 =	sadd.s32 $0x900, s1;
	s5 =	simm.s32 @!p2 $0x6;
	[sflag:s19] =	ssyncadd.s32 $0xFFFFDC00  }
0x3b: {  	[spmem:s2] =	stream.indirect.scatter.add.f32 [tilespmem:s17], [sflag:$0x4], $0x90, s15, s16, $0xb8;
	[tilespmem:$0x1E180] =	vst v63  }
0x3c: {  	_ =	swait.ge @!p2 [sflag:s5], $0x2400  }
0x3d: {  	[sflag:s5] =	ssyncset.done @!p2 $0x0  }
0x3e: {  	s15 =	sadd.s32 $0x80, s1;
	[sflag:s5] =	ssyncadd.s32 @!p2 $0xFFFFDC00  }
0x3f: {  	[tilespmem:s20], [sflag:$0x3] =	stream.indirect.gather [hbm4b:s4+s16], $0x90, s15, s16, $0xb8;
	[tilespmem:$0x1E180] =	vst v63  }
0x40: {  	_ =	swait.ge [sflag:s21], $0x2400  }
0x41: {  	[sflag:s21] =	ssyncset.done $0x0  }
0x42: {  	s15 =	sadd.s32 $0x940, s1;
	[sflag:s21] =	ssyncadd.s32 $0xFFFFDC00  }
0x43: {  	[spmem:s2] =	stream.indirect.scatter.add.f32 [tilespmem:s18], [sflag:$0x5], $0x90, s15, s16, $0xb8;
	[tilespmem:$0x1E180] =	vst v63  }
0x44: {  	_ =	swait.ge [sflag:s22], $0x2400  }
0x45: {  	[sflag:s22] =	ssyncset.done $0x0  }
0x46: {  	s15 =	sadd.s32 $0xC0, s1;
	[sflag:s22] =	ssyncadd.s32 $0xFFFFDC00  }
0x47: {  	[tilespmem:s17], [sflag:$0x1] =	stream.indirect.gather [hbm4b:s4+s16], $0x90, s15, s16, $0xb8;
	[tilespmem:$0x1E180] =	vst v63  }
0x48: {  	_ =	swait.ge [sflag:s23], $0x2400  }
0x49: {  	[sflag:s23] =	ssyncset.done $0x0  }
0x4a: {  	s15 =	sadd.s32 $0x980, s1;
	[sflag:s23] =	ssyncadd.s32 $0xFFFFDC00  }
0x4b: {  	[spmem:s2] =	stream.indirect.scatter.add.f32 [tilespmem:s20], [sflag:$0x6], $0x90, s15, s16, $0xb8;
	[tilespmem:$0x1E180] =	vst v63  }
0x4c: {  	_ =	swait.ge [sflag:s24], $0x2400  }
0x4d: {  	[sflag:s24] =	ssyncset.done $0x0  }
0x4e: {  	s15 =	sadd.s32 $0x100, s1;
	[sflag:s24] =	ssyncadd.s32 $0xFFFFDC00  }
0x4f: {  	[tilespmem:s18], [sflag:$0x2] =	stream.indirect.gather [hbm4b:s4+s16], $0x90, s15, s16, $0xb8;
	[tilespmem:$0x1E180] =	vst v63  }
0x50: {  	_ =	swait.ge [sflag:s19], $0x2400  }
0x51: {  	[sflag:s19] =	ssyncset.done $0x0  }
0x52: {  	s15 =	sadd.s32 $0x9C0, s1;
	[sflag:s19] =	ssyncadd.s32 $0xFFFFDC00  }
0x53: {  	[spmem:s2] =	stream.indirect.scatter.add.f32 [tilespmem:s17], [sflag:$0x4], $0x90, s15, s16, $0xb8;
	[tilespmem:$0x1E180] =	vst v63  }
0x54: {  	_ =	swait.ge [sflag:s25], $0x2400  }
0x55: {  	[sflag:s25] =	ssyncset.done $0x0  }
0x56: {  	s15 =	sadd.s32 $0x140, s1;
	[sflag:s25] =	ssyncadd.s32 $0xFFFFDC00  }
0x57: {  	[tilespmem:s20], [sflag:$0x3] =	stream.indirect.gather [hbm4b:s4+s16], $0x90, s15, s16, $0xb8;
	[tilespmem:$0x1E180] =	vst v63  }
0x58: {  	_ =	swait.ge [sflag:s21], $0x2400  }
0x59: {  	[sflag:s21] =	ssyncset.done $0x0  }
0x5a: {  	s15 =	sadd.s32 $0xA00, s1;
	[sflag:s21] =	ssyncadd.s32 $0xFFFFDC00  }
0x5b: {  	[spmem:s2] =	stream.indirect.scatter.add.f32 [tilespmem:s18], [sflag:$0x5], $0x90, s15, s16, $0xb8;
	[tilespmem:$0x1E180] =	vst v63  }
0x5c: {  	_ =	swait.ge [sflag:s22], $0x2400  }
0x5d: {  	[sflag:s22] =	ssyncset.done $0x0  }
0x5e: {  	s15 =	sadd.s32 $0x180, s1;
	[sflag:s22] =	ssyncadd.s32 $0xFFFFDC00  }
0x5f: {  	[tilespmem:s17], [sflag:$0x1] =	stream.indirect.gather [hbm4b:s4+s16], $0x90, s15, s16, $0xb8;
	[tilespmem:$0x1E180] =	vst v63  }
0x60: {  	_ =	swait.ge [sflag:s23], $0x2400  }
0x61: {  	[sflag:s23] =	ssyncset.done $0x0  }
0x62: {  	s15 =	sadd.s32 $0xA40, s1;
	[sflag:s23] =	ssyncadd.s32 $0xFFFFDC00  }
0x63: {  	[spmem:s2] =	stream.indirect.scatter.add.f32 [tilespmem:s20], [sflag:$0x6], $0x90, s15, s16, $0xb8;
	[tilespmem:$0x1E180] =	vst v63  }
0x64: {  	_ =	swait.ge [sflag:s24], $0x2400  }
0x65: {  	[sflag:s24] =	ssyncset.done $0x0  }
0x66: {  	s15 =	sadd.s32 $0x1C0, s1;
	[sflag:s24] =	ssyncadd.s32 $0xFFFFDC00  }
0x67: {  	[tilespmem:s18], [sflag:$0x2] =	stream.indirect.gather [hbm4b:s4+s16], $0x90, s15, s16, $0xb8;
	[tilespmem:$0x1E180] =	vst v63  }
0x68: {  	_ =	swait.ge [sflag:s19], $0x2400  }
0x69: {  	[sflag:s19] =	ssyncset.done $0x0  }
0x6a: {  	s15 =	sadd.s32 $0xA80, s1;
	[sflag:s19] =	ssyncadd.s32 $0xFFFFDC00  }
0x6b: {  	[spmem:s2] =	stream.indirect.scatter.add.f32 [tilespmem:s17], [sflag:$0x4], $0x90, s15, s16, $0xb8;
	[tilespmem:$0x1E180] =	vst v63  }
0x6c: {  	_ =	swait.ge [sflag:s25], $0x2400  }
0x6d: {  	[sflag:s25] =	ssyncset.done $0x0  }
0x6e: {  	s15 =	sadd.s32 $0x200, s1;
	[sflag:s25] =	ssyncadd.s32 $0xFFFFDC00  }
0x6f: {  	[tilespmem:s20], [sflag:$0x3] =	stream.indirect.gather [hbm4b:s4+s16], $0x90, s15, s16, $0xb8;
	[tilespmem:$0x1E180] =	vst v63  }
0x70: {  	_ =	swait.ge [sflag:s21], $0x2400  }
0x71: {  	[sflag:s21] =	ssyncset.done $0x0  }
0x72: {  	s15 =	sadd.s32 $0xAC0, s1;
	[sflag:s21] =	ssyncadd.s32 $0xFFFFDC00  }
0x73: {  	[spmem:s2] =	stream.indirect.scatter.add.f32 [tilespmem:s18], [sflag:$0x5], $0x90, s15, s16, $0xb8;
	[tilespmem:$0x1E180] =	vst v63  }
0x74: {  	_ =	swait.ge [sflag:s22], $0x2400  }
0x75: {  	[sflag:s22] =	ssyncset.done $0x0  }
0x76: {  	s15 =	sadd.s32 $0x240, s1;
	[sflag:s22] =	ssyncadd.s32 $0xFFFFDC00  }
0x77: {  	[tilespmem:s17], [sflag:$0x1] =	stream.indirect.gather [hbm4b:s4+s16], $0x90, s15, s16, $0xb8;
	[tilespmem:$0x1E180] =	vst v63  }
0x78: {  	_ =	swait.ge [sflag:s23], $0x2400  }
0x79: {  	[sflag:s23] =	ssyncset.done $0x0  }
0x7a: {  	s15 =	sadd.s32 $0xB00, s1;
	[sflag:s23] =	ssyncadd.s32 $0xFFFFDC00  }
0x7b: {  	[spmem:s2] =	stream.indirect.scatter.add.f32 [tilespmem:s20], [sflag:$0x6], $0x90, s15, s16, $0xb8;
	[tilespmem:$0x1E180] =	vst v63  }
0x7c: {  	_ =	swait.ge [sflag:s24], $0x2400  }
0x7d: {  	[sflag:s24] =	ssyncset.done $0x0  }
0x7e: {  	s15 =	sadd.s32 $0x280, s1;
	[sflag:s24] =	ssyncadd.s32 $0xFFFFDC00  }
0x7f: {  	[tilespmem:s18], [sflag:$0x2] =	stream.indirect.gather [hbm4b:s4+s16], $0x90, s15, s16, $0xb8;
	[tilespmem:$0x1E180] =	vst v63  }
0x80: {  	_ =	swait.ge [sflag:s19], $0x2400  }
0x81: {  	[sflag:s19] =	ssyncset.done $0x0  }
0x82: {  	s15 =	sadd.s32 $0xB40, s1;
	[sflag:s19] =	ssyncadd.s32 $0xFFFFDC00  }
0x83: {  	[spmem:s2] =	stream.indirect.scatter.add.f32 [tilespmem:s17], [sflag:$0x4], $0x90, s15, s16, $0xb8;
	[tilespmem:$0x1E180] =	vst v63  }
0x84: {  	_ =	swait.ge [sflag:s25], $0x2400  }
0x85: {  	[sflag:s25] =	ssyncset.done $0x0  }
0x86: {  	s15 =	sadd.s32 $0x2C0, s1;
	[sflag:s25] =	ssyncadd.s32 $0xFFFFDC00  }
0x87: {  	[tilespmem:s20], [sflag:$0x3] =	stream.indirect.gather [hbm4b:s4+s16], $0x90, s15, s16, $0xb8;
	[tilespmem:$0x1E180] =	vst v63  }
0x88: {  	_ =	swait.ge [sflag:s21], $0x2400  }
0x89: {  	[sflag:s21] =	ssyncset.done $0x0  }
0x8a: {  	s15 =	sadd.s32 $0xB80, s1;
	[sflag:s21] =	ssyncadd.s32 $0xFFFFDC00  }
0x8b: {  	[spmem:s2] =	stream.indirect.scatter.add.f32 [tilespmem:s18], [sflag:$0x5], $0x90, s15, s16, $0xb8;
	[tilespmem:$0x1E180] =	vst v63  }
0x8c: {  	_ =	swait.ge [sflag:s22], $0x2400  }
0x8d: {  	[sflag:s22] =	ssyncset.done $0x0  }
0x8e: {  	s15 =	sadd.s32 $0x300, s1;
	[sflag:s22] =	ssyncadd.s32 $0xFFFFDC00  }
0x8f: {  	[tilespmem:s17], [sflag:$0x1] =	stream.indirect.gather [hbm4b:s4+s16], $0x90, s15, s16, $0xb8;
	[tilespmem:$0x1E180] =	vst v63  }
0x90: {  	_ =	swait.ge [sflag:s23], $0x2400  }
0x91: {  	[sflag:s23] =	ssyncset.done $0x0  }
0x92: {  	s15 =	sadd.s32 $0xBC0, s1;
	[sflag:s23] =	ssyncadd.s32 $0xFFFFDC00  }
0x93: {  	[spmem:s2] =	stream.indirect.scatter.add.f32 [tilespmem:s20], [sflag:$0x6], $0x90, s15, s16, $0xb8;
	[tilespmem:$0x1E180] =	vst v63  }
0x94: {  	_ =	swait.ge [sflag:s24], $0x2400  }
0x95: {  	[sflag:s24] =	ssyncset.done $0x0  }
0x96: {  	s15 =	sadd.s32 $0x340, s1;
	[sflag:s24] =	ssyncadd.s32 $0xFFFFDC00  }
0x97: {  	[tilespmem:s18], [sflag:$0x2] =	stream.indirect.gather [hbm4b:s4+s16], $0x90, s15, s16, $0xb8;
	[tilespmem:$0x1E180] =	vst v63  }
0x98: {  	_ =	swait.ge [sflag:s19], $0x2400  }
0x99: {  	[sflag:s19] =	ssyncset.done $0x0  }
0x9a: {  	s15 =	sadd.s32 $0xC00, s1;
	[sflag:s19] =	ssyncadd.s32 $0xFFFFDC00  }
0x9b: {  	[spmem:s2] =	stream.indirect.scatter.add.f32 [tilespmem:s17], [sflag:$0x4], $0x90, s15, s16, $0xb8;
	[tilespmem:$0x1E180] =	vst v63  }
0x9c: {  	_ =	swait.ge [sflag:s25], $0x2400  }
0x9d: {  	[sflag:s25] =	ssyncset.done $0x0  }
0x9e: {  	s15 =	sadd.s32 $0x380, s1;
	[sflag:s25] =	ssyncadd.s32 $0xFFFFDC00  }
0x9f: {  	[tilespmem:s20], [sflag:$0x3] =	stream.indirect.gather [hbm4b:s4+s16], $0x90, s15, s16, $0xb8;
	[tilespmem:$0x1E180] =	vst v63  }
0xa0: {  	_ =	swait.ge [sflag:s21], $0x2400  }
0xa1: {  	[sflag:s21] =	ssyncset.done $0x0  }
0xa2: {  	s15 =	sadd.s32 $0xC40, s1;
	[sflag:s21] =	ssyncadd.s32 $0xFFFFDC00  }
0xa3: {  	[spmem:s2] =	stream.indirect.scatter.add.f32 [tilespmem:s18], [sflag:$0x5], $0x90, s15, s16, $0xb8;
	[tilespmem:$0x1E180] =	vst v63  }
0xa4: {  	_ =	swait.ge [sflag:s22], $0x2400  }
0xa5: {  	[sflag:s22] =	ssyncset.done $0x0  }
0xa6: {  	s15 =	sadd.s32 $0x3C0, s1;
	[sflag:s22] =	ssyncadd.s32 $0xFFFFDC00  }
0xa7: {  	[tilespmem:s17], [sflag:$0x1] =	stream.indirect.gather [hbm4b:s4+s16], $0x90, s15, s16, $0xb8;
	[tilespmem:$0x1E180] =	vst v63  }
0xa8: {  	_ =	swait.ge [sflag:s23], $0x2400  }
0xa9: {  	[sflag:s23] =	ssyncset.done $0x0  }
0xaa: {  	s15 =	sadd.s32 $0xC80, s1;
	[sflag:s23] =	ssyncadd.s32 $0xFFFFDC00  }
0xab: {  	[spmem:s2] =	stream.indirect.scatter.add.f32 [tilespmem:s20], [sflag:$0x6], $0x90, s15, s16, $0xb8;
	[tilespmem:$0x1E180] =	vst v63  }
0xac: {  	_ =	swait.ge [sflag:s24], $0x2400  }
0xad: {  	[sflag:s24] =	ssyncset.done $0x0  }
0xae: {  	s15 =	sadd.s32 $0x400, s1;
	[sflag:s24] =	ssyncadd.s32 $0xFFFFDC00  }
0xaf: {  	[tilespmem:s18], [sflag:$0x2] =	stream.indirect.gather [hbm4b:s4+s16], $0x90, s15, s16, $0xb8;
	[tilespmem:$0x1E180] =	vst v63  }
0xb0: {  	_ =	swait.ge [sflag:s19], $0x2400  }
0xb1: {  	[sflag:s19] =	ssyncset.done $0x0  }
0xb2: {  	s15 =	sadd.s32 $0xCC0, s1;
	[sflag:s19] =	ssyncadd.s32 $0xFFFFDC00  }
0xb3: {  	[spmem:s2] =	stream.indirect.scatter.add.f32 [tilespmem:s17], [sflag:$0x4], $0x90, s15, s16, $0xb8;
	[tilespmem:$0x1E180] =	vst v63  }
0xb4: {  	_ =	swait.ge [sflag:s25], $0x2400  }
0xb5: {  	[sflag:s25] =	ssyncset.done $0x0  }
0xb6: {  	s15 =	sadd.s32 $0x440, s1;
	[sflag:s25] =	ssyncadd.s32 $0xFFFFDC00  }
0xb7: {  	[tilespmem:s20], [sflag:$0x3] =	stream.indirect.gather [hbm4b:s4+s16], $0x90, s15, s16, $0xb8;
	[tilespmem:$0x1E180] =	vst v63  }
0xb8: {  	_ =	swait.ge [sflag:s21], $0x2400  }
0xb9: {  	[sflag:s21] =	ssyncset.done $0x0  }
0xba: {  	s15 =	sadd.s32 $0xD00, s1;
	[sflag:s21] =	ssyncadd.s32 $0xFFFFDC00  }
0xbb: {  	[spmem:s2] =	stream.indirect.scatter.add.f32 [tilespmem:s18], [sflag:$0x5], $0x90, s15, s16, $0xb8;
	[tilespmem:$0x1E180] =	vst v63  }
.Ltmp2:
0xbc: {  	_ = 	snop;
	(pc) =	sbr.rel @p0 .LBB2_4-.Ltmp2, $4  }
0xbd: {  	_ =	swait.ge [sflag:s23], $0x2400  }
0xbe: {  	[sflag:s23] =	ssyncset.done $0x0  }
0xbf: {  	s1 =	sadd.s32 $0xD40, s1;
	[sflag:s23] =	ssyncadd.s32 $0xFFFFDC00  }
0xc0: {  	[spmem:s2] =	stream.indirect.scatter.add.f32 [tilespmem:s20], [sflag:$0x6], $0x90, s1, s16, $0xb8;
	[tilespmem:$0x1E180] =	vst v63  }
0xc1: {  	_ =	swait.ge [sflag:s26], $0x480  }
0xc2: {  	[sflag:s26] =	ssyncset.done $0x0  }
0xc3: {  	[sflag:s26] =	ssyncadd.s32 $0xFFFFFB80  }
0xc4: {  	_ =	swait.ge [sflag:s26], $0x480  }
0xc5: {  	[sflag:s26] =	ssyncset.done $0x0  }
0xc6: {  	[sflag:s26] =	ssyncadd.s32 $0xFFFFFB80  }
0xc7: {  	s0 =	smul.u32 $0x1200, s0;
	_ =	swait.ge [sflag:s22], $0x2400  }
0xc8: {  	[sflag:s22] =	ssyncset.done $0x0  }
0xc9: {  	s0 =	sshrl.u32 s0, $0x2;
	[sflag:s22] =	ssyncadd.s32 $0xFFFFDC00  }
0xca: {  	[tilespmem:s17], [sflag:$0x1] =	stream.indirect.gather [hbm4b:s4+s16], $0x90, s0, s16, $0xb8;
	[tilespmem:$0x1E180] =	vst v63  }
.Ltmp3:
0xcb: {  	_ = 	snop;
	(pc) =	sbr.rel .LBB2_2-.Ltmp3, $4  }
0xcc: {  	_ =	swait.ge [sflag:s24], $0x2400  }
0xcd: {  	s31 =	sadd.s32 $0x1, s31;
	s30 =	sadd.s32 $0x90, s30;
	[sflag:s24] =	ssyncset.done $0x0  }
0xce: {  	s29 =	sadd.s32 $0x90, s29;
	s0 =	sor.u32 $0x40, s0;
	[sflag:s24] =	ssyncadd.s32 $0xFFFFDC00  }
0xcf: {  	[tilespmem:s18], [sflag:$0x2] =	stream.indirect.gather [hbm4b:s4+s16], $0x90, s0, s16, $0xb8;
	[tilespmem:$0x1E180] =	vst v63  }
.LBB2_5:
0xd0: {  	_ =	sfence.sel $0x180000  }
0xd1: {  	[bflag:$0x0] =	sbarrier.arrive $0xFFFF  }
0xd2: {  	_ =	strace $0x9000004D  }
0xd3: {  	s0 =	stileid.u32;
	[bflag:$0x2] =	sbarrier.arrive $0xFFFF  }
0xd4: {  	p0 =	sne.s32 s0, $0x0;
	s0 =	rddreg [dreg:$0x2]  }
0xd5: {  	s0 =	sadd.s32 @!p0 $0x100000, s0  }
0xd6: {  	[sflag:s0] =	ssyncadd.tile.s32 @!p0 $0x1;
	_ =	shalt  }
.Lfunc_end2:
_tile_overlayer_lowered:
.L_overlay_start_2:
0xd7: {  	(tag) =	ssettag $0x2  }
0xd8: {  	s0 =	rddreg [dreg:$0x0];
	s2 =	stileid.u32  }
0xd9: {  	s1 =	rddreg [dreg:$0x1];
	p0 =	sne.s32 s2, $0x0  }
0xda: {  	s3 =	rddreg [dreg:$0x2];
	[bflag:$0x3] =	sbarrier.arrive $0xFFFF;
	s2 =	simm.s32 @!p0 $0x1C08  }
0xdb: {  	[timem:s3], [sflag:s2] =	dma.local @!p0 [hbm:s0], s1  }
0xdc: {  	s0 =	simm.s32 @!p0 $0x8  }
0xdd: {  	_ =	swait.ge @!p0 [sflag:s0], s1  }
0xde: {  	s1 =	ssub.s32 @!p0 $0x0, s1;
	[sflag:s0] =	ssyncset.done @!p0 $0x0  }
0xdf: {  	[sflag:s0] =	ssyncadd.s32 @!p0 s1  }
0xe0: {  	[bflag:$0x3] =	sbarrier.arrive $0xFFFF  }
0xe1: {  	_ =	shalt  }

// kernel: kernel.21.cloned.1.call-start
scs
__scs_entry_jumppad:
0x0: {  	(pc) =	sbr.rel $0x88, $3  }
0x1: {  	(tag) =	ssettag $0x0;
	lr =	simm.s32 $0x1  }
0x2: {  	[smem:$0x3F8B] =	sst lr;
	_ =	strace $0xD0000000  }
0x3: {  	_ = 	snop  }
0x4: {  	_ = 	snop  }
0x5: {  	_ = 	snop  }
0x6: {  	_ = 	snop  }
0x7: {  	_ = 	snop  }
__scs_overlays_trampoline_lowered:
0x8: {  	[smem:$0x3F9A] =	sst s0  }
0x9: {  	[smem:$0x3F9B] =	sst s1  }
0xa: {  	[smem:$0x3F9C] =	sst s2  }
0xb: {  	[smem:$0x3F9D] =	sst s3  }
0xc: {  	[smem:$0x3F9E] =	sst s4  }
0xd: {  	[smem:$0x3F9F] =	sst s5  }
0xe: {  	[smem:$0x3FA0] =	sst s6  }
0xf: {  	[smem:$0x3FA1] =	sst s7  }
0x10: {  	[smem:$0x3FA2] =	sst s8  }
0x11: {  	[smem:$0x3FA3] =	sst s9;
	s0 =	simm.s32 @!p0 $0x0  }
0x12: {  	s1 =	sld [smem:$0x3F89];
	s0 =	simm.s32 @p0 $0x1  }
0x13: {  	[smem:$0x3FA4] =	sst s0;
	s0 =	simm.s32 @!p1 $0x0  }
0x14: {  	s2 =	sld [smem:$0x3F88];
	s0 =	simm.s32 @p1 $0x1  }
0x15: {  	[smem:$0x3FA5] =	sst s0;
	s0 =	simm.s32 @!p2 $0x0  }
0x16: {  	s3 =	sld [smem:$0x3FDB];
	s0 =	simm.s32 @p2 $0x1  }
0x17: {  	s4 =	simm.s32 $0x1BF5;
	[smem:$0x3FA7] =	sst s0  }
0x18: {  	s0 =	sld [smem:$0x3F8A];
	_ =	swait.ge [sflag:s4], $0x0  }
0x19: {  	s7 =	sld [smem:$0x3F8B]  }
0x1a: {  	s8 =	sadd.s32 $0xFFFFE003, lr  }
0x1b: {  	s9 =	sadd.s32 $0xFFFFFEF7, lr;
	s5 =	simm.s32 $0xFFFFFFFF;
	p2 =	slt.u32 s8, $0xFFFFF086  }
0x1c: {  	p1 =	slt.u32 s9, $0xF7A;
	s5 =	simm.s32 @!p2 $0x0  }
0x1d: {  	s5 =	simm.s32 @p1 $0x1;
	p0 =	seq.s32 s7, s2  }
0x1e: {  	s7 =	smul.u32 @!p0 $0xF7A, s2;
	p2 =	seq.s32 @!p0 s5, $0x0  }
0x1f: {  	s9 =	smul.u32 $0xF7A, s1;
	s8 =	simm.s32 @!p0 $0x1BF5;
	p2 =	por !p2, p0  }
0x20: {  	[sflag:s8] =	ssyncset.s32 @!p0 $0xFFFFF086;
	s6 =	sadd.s32 @!p0 s3, s7;
	s7 =	simm.s32 @!p0 $0x108  }
0x21: {  	s3 =	sadd.s32 s3, s9;
	s6 =	sadd.s32 @!p0 $0x88, s6;
	s7 =	simm.s32 @p2 $0x1082  }
0x22: {  	[simem:s7], [sflag:s8] =	dma.local @!p0 [hbm:s6], $0xF7A  }
0x23: {  	s9 =	sor.u32 $0xD0000000, s2;
	s6 =	simm.s32 $0x108;
	_ =	swait.ge @!p0 [sflag:s8], $0x0  }
0x24: {  	s3 =	sadd.s32 $0x88, s3;
	s6 =	simm.s32 @!p1 $0x1082;
	[sflag:s4] =	ssyncset.s32 $0xFFFFF086  }
0x25: {  	[simem:s6], [sflag:s4] =	dma.local [hbm:s3], $0xF7A  }
0x26: {  	[smem:$0x3F8B] =	sst s1;
	(tag) =	ssettag s2;
	_ =	strace s9  }
0x27: {  	s1 =	sld [smem:$0x3F9B]  }
0x28: {  	s2 =	sld [smem:$0x3F9C]  }
0x29: {  	s4 =	sld [smem:$0x3F9E]  }
0x2a: {  	p0 =	seq.s32 s5, $0x0;
	s5 =	sld [smem:$0x3F9F]  }
0x2b: {  	s6 =	sld [smem:$0x3FA0]  }
0x2c: {  	s7 =	sld [smem:$0x3FA1]  }
0x2d: {  	s3 =	simm.s32 $0x108;
	s8 =	sld [smem:$0x3FA2]  }
0x2e: {  	s3 =	simm.s32 @!p0 $0x1082;
	s9 =	sld [smem:$0x3FA3]  }
0x2f: {  	lr =	sadd.s32 s0, s3;
	s0 =	sld [smem:$0x3F9A]  }
0x30: {  	s3 =	sld [smem:$0x3F9D]  }
0x31: {  	[smem:$0x3FA6] =	sst s10  }
0x32: {  	s10 =	sld [smem:$0x3FA4];
	_ =	sdelay $0x3  }
0x33: {  	p0 =	seq.s32 s10, $0x1;
	s10 =	sld [smem:$0x3FA6];
	_ =	sdelay $0x3  }
0x34: {  	[smem:$0x3FA6] =	sst s10  }
0x35: {  	s10 =	sld [smem:$0x3FA5];
	_ =	sdelay $0x3  }
0x36: {  	p1 =	seq.s32 s10, $0x1;
	s10 =	sld [smem:$0x3FA6];
	_ =	sdelay $0x3  }
0x37: {  	[smem:$0x3FA6] =	sst s10  }
0x38: {  	s10 =	sld [smem:$0x3FA7]  }
0x39: {  	_ = 	snop;
	(pc) =	sbr.ind lr, $3  }
0x3a: {  	_ = 	snop  }
0x3b: {  	_ = 	snop  }
0x3c: {  	p2 =	seq.s32 s10, $0x1;
	s10 =	sld [smem:$0x3FA6]  }
0x3d: {  	_ =	shalt  }
0x3e: {  	_ =	shalt  }
0x3f: {  	_ =	shalt  }
0x40: {  	_ =	shalt  }
0x41: {  	_ =	shalt  }
0x42: {  	_ =	shalt  }
0x43: {  	_ =	shalt  }
0x44: {  	_ =	shalt  }
0x45: {  	_ =	shalt  }
0x46: {  	_ =	shalt  }
0x47: {  	_ =	shalt  }
0x48: {  	_ =	shalt  }
0x49: {  	_ =	shalt  }
0x4a: {  	_ =	shalt  }
0x4b: {  	_ =	shalt  }
0x4c: {  	_ =	shalt  }
0x4d: {  	_ =	shalt  }
0x4e: {  	_ =	shalt  }
0x4f: {  	_ =	shalt  }
0x50: {  	_ =	shalt  }
0x51: {  	_ =	shalt  }
0x52: {  	_ =	shalt  }
0x53: {  	_ =	shalt  }
0x54: {  	_ =	shalt  }
0x55: {  	_ =	shalt  }
0x56: {  	_ =	shalt  }
0x57: {  	_ =	shalt  }
0x58: {  	_ =	shalt  }
0x59: {  	_ =	shalt  }
0x5a: {  	_ =	shalt  }
0x5b: {  	_ =	shalt  }
0x5c: {  	_ =	shalt  }
0x5d: {  	_ =	shalt  }
0x5e: {  	_ =	shalt  }
0x5f: {  	_ =	shalt  }
0x60: {  	_ =	shalt  }
0x61: {  	_ =	shalt  }
0x62: {  	_ =	shalt  }
0x63: {  	_ =	shalt  }
0x64: {  	_ =	shalt  }
0x65: {  	_ =	shalt  }
0x66: {  	_ =	shalt  }
0x67: {  	_ =	shalt  }
0x68: {  	_ =	shalt  }
0x69: {  	_ =	shalt  }
0x6a: {  	_ =	shalt  }
0x6b: {  	_ =	shalt  }
0x6c: {  	_ =	shalt  }
0x6d: {  	_ =	shalt  }
0x6e: {  	_ =	shalt  }
0x6f: {  	_ =	shalt  }
0x70: {  	_ =	shalt  }
0x71: {  	_ =	shalt  }
0x72: {  	_ =	shalt  }
0x73: {  	_ =	shalt  }
0x74: {  	_ =	shalt  }
0x75: {  	_ =	shalt  }
0x76: {  	_ =	shalt  }
0x77: {  	_ =	shalt  }
0x78: {  	_ =	shalt  }
0x79: {  	_ =	shalt  }
0x7a: {  	_ =	shalt  }
0x7b: {  	_ =	shalt  }
0x7c: {  	_ =	shalt  }
0x7d: {  	_ =	shalt  }
0x7e: {  	_ =	shalt  }
0x7f: {  	_ =	shalt  }
0x80: {  	_ =	shalt  }
0x81: {  	_ =	shalt  }
0x82: {  	_ =	shalt  }
0x83: {  	_ =	shalt  }
0x84: {  	_ =	shalt  }
0x85: {  	_ =	shalt  }
0x86: {  	_ =	shalt  }
0x87: {  	_ =	shalt  }
.Lfunc_end0:
.L_simem_size_0:
called_computation.3_lowered:
.L_overlay_start_0:
0x88: {  	s2 =	sld [smem:$0x3FD9]  }
0x89: {  	s3 =	sld [smem:$0x3FFE];
	_ =	sdelay $0x1  }
0x8a: {  	s1 =	srdreg.scid  }
0x8b: {  	s0 =	sand.u32 $0x1, s1  }
0x8c: {  	s16 =	sshll.u32 s0, $0xA;
	s2 =	sadd.s32 s3, s2  }
0x8d: {  	s2 =	sadd.s32 s2, s16  }
0x8e: {  	[smem:$0x3FB2] =	sst s2  }
0x8f: {  	_ = 	snop  }
0x90: {  	(tm) =	ssettm $0x1  }
0x91: {  	s17 =	sld [smem:$0x3FFB];
	_ =	sdelay $0x3  }
0x92: {  	_ =	strace s17  }
0x93: {  	s2 =	sld [smem:$0x3FFC];
	_ =	sdelay $0x3  }
0x94: {  	_ =	strace s2  }
0x95: {  	s2 =	sld [smem:$0x3FFD];
	_ =	sdelay $0x3  }
0x96: {  	_ =	strace s2  }
0x97: {  	_ =	strace $0x8FFFFFFF  }
0x98: {  	s18 =	sld [smem:$0x3FDB];
	_ =	sdelay $0x1  }
0x99: {  	s19 =	simm.s32 $_scs_section_size  }
0x9a: {  	s4 =	simm.s32 $_size__tile_overlayer_lowered;
	s5 =	simm.s32 $_tile_overlayer_lowered  }
0x9b: {  	s22 =	simm.s32 $0x1BFF;
	s21 =	sshll.u32 s5, $0x1;
	s2 =	sadd.s32 s19, s18  }
0x9c: {  	s6 =	simm.s32 $0x0;
	s20 =	sshll.u32 s4, $0x1;
	s4 =	sadd.s32 s21, s2  }
0x9d: {  	[timem:s6], [sflag:s22] =	dma.local [hbm:s4], s20  }
0x9e: {  	_ =	swait.ge [sflag:s22], s20  }
0x9f: {  	s3 =	ssub.s32 $0x0, s20;
	[sflag:s22] =	ssyncset.done $0x0  }
0xa0: {  	[sflag:s22] =	ssyncadd.s32 s3;
	_ =	sdelay $0x1  }
0xa1: {  	s23 =	simm.s32 $0x1B8B  }
0xa2: {  	_ =	swait.ge [sflag:s23], $0x1  }
0xa3: {  	[sflag:s23] =	ssyncset.done $0x0  }
0xa4: {  	s25 =	simm.s32 $0x1B8E;
	s24 =	sld [smem:$0x3FFE];
	[sflag:s23] =	ssyncadd.s32 $0xFFFFFFFF  }
0xa5: {  	s26 =	simm.s32 $execute0_lowered;
	[smem:$0x3FD2] =	sst s25  }
0xa6: {  	s4 =	sshll.u32 s26, $0x1;
	_ =	strace $0x8000004F;
	[dreg:$0x1] =	wrdreg $0xFFFFFFFF  }
0xa7: {  	s28 =	simm.s32 $_size_execute0_lowered;
	s2 =	sadd.s32 s2, s4;
	[dreg:$0x0] =	wrdreg $0x0  }
0xa8: {  	s4 =	sshll.u32 s28, $0x1;
	[dreg:$0x2] =	wrdreg s2  }
0xa9: {  	[dreg:$0x3] =	wrdreg s4  }
0xaa: {  	[dreg:$0x4] =	wrdreg $0xC0  }
0xab: {  	_ =	task [dreg:s6], $0x5FFFF  }
0xac: {  	[dreg:$0x1] =	wrdreg $0xFFFFFFFF  }
0xad: {  	[dreg:$0x0] =	wrdreg $0x60  }
0xae: {  	[dreg:$0x2] =	wrdreg s24  }
0xaf: {  	[dreg:$0x3] =	wrdreg $0x7E000  }
0xb0: {  	[dreg:$0x4] =	wrdreg $0x9  }
0xb1: {  	_ =	task.clear_ibuf [dreg:s6], $0x5FFFF;
	_ =	strace $0x9000004F  }
0xb2: {  	s29 =	simm.s32 $0x9;
	_ =	strace $0x80000051  }
0xb3: {  	_ =	swait.ge [sflag:s29], $0x1  }
0xb4: {  	[sflag:s29] =	ssyncadd.s32 $0xFFFFFFFF  }
0xb5: {  	_ =	strace $0x90000051  }
0xb6: {  	_ =	sfence  }
0xb7: {  	s30 =	sld [smem:$0x0];
	_ =	sdelay $0x2  }
0xb8: {  	s31 =	sshll.u32 s1, $0xD;
	s1 =	sshrl.u32 s1, $0x2  }
0xb9: {  	s3 =	sand.u32 $0x4000, s31;
	s1 =	sadd.s32 s1, s30  }
0xba: {  	s0 =	sor.u32 s3, s0;
	s1 =	sshll.u32 s1, $0x11  }
0xbb: {  	s0 =	sor.u32 s1, s0  }
0xbc: {  	s0 =	sadd.s32 $0x8F2B, s0  }
0xbd: {  	[sflag:s0] =	ssyncadd.remote.s32 $0x1  }
0xbe: {  	_ =	sfence.sel $0xFFFF  }
0xbf: {  	[dreg:$0x0] =	wrdreg $0xFFFFFFFF;
	(pc) =	sbr.abs _section_cstart, $3  }
0xc0: {  	[dreg:$0x1] =	wrdreg $0xFFFFFFFF  }
0xc1: {  	_ =	task.clear_ibuf [dreg:s6], $0x2FFFF;
	_ =	strace $0x9FFFFFFF  }
0xc2: {  	(tm) =	ssettm $0x7FFFFFFF  }
0xc3: {  	_ =	shalt  }
tec
execute0_lowered:
.L_overlay_start_1:
0x0: {  	(tag) =	ssettag $0x1  }
0x1: {  	s0 =	rddreg [dreg:$0x0]  }
0x2: {  	s2 =	rddreg [dreg:$0x1];
	s9 =	stileid.u32;
	s3 =	simm.s32 $0x0  }
0x3: {  	s1 =	srdreg.scid;
	s14 =	simm.s32 $0x8;
	s16 =	simm.s32 $0x40  }
0x4: {  	s17 =	simm.s32 $0x1200;
	s18 =	simm.s32 $0x3600;
	s19 =	simm.s32 $0x1  }
0x5: {  	s20 =	simm.s32 $0x5A00;
	s21 =	simm.s32 $0x2;
	s22 =	simm.s32 $0x4  }
0x6: {  	s23 =	simm.s32 $0x3;
	s24 =	simm.s32 $0x5;
	s25 =	simm.s32 $0x6  }
0x7: {  	s28 =	simm.s32 $0x0;
	s5 =	smul.u32 $0xA2, s9;
	[smem:$0x7FF] =	sst s3  }
0x8: {  	s1 =	sand.u32 $0x1, s1;
	s6 =	smul.u32 $0x16380, s9;
	s4 =	sadd.s32 $0x337000, s0  }
0x9: {  	s31 =	sshll.u32 s9, $0x6;
	p0 =	seq.s32 s1, $0x0;
	s8 =	smul.u32 $0x163800, s1  }
0xa: {  	_ =	strace $0x80000050;
	s1 =	ssub.s32 $0x2, s1;
	s7 =	sadd.s32 $0xA20, s5  }
0xb: {  	s30 =	sshrl.u32 s1, $0x1;
	s13 =	sadd.s32 s6, s2;
	s7 =	smov.u32 @p0 s5  }
0xc: {  	s26 =	sadd.s32 s6, s8;
	s1 =	ssub.s32 s1, s30;
	s6 =	sor.u32 $0x1C08, s31  }
.Ltmp0:
0xd: {  	s5 =	sshll.u32 s7, $0x3;
	s29 =	sshrl.u32 s26, $0x3;
	(pc) =	sbr.rel .LBB2_1-.Ltmp0, $4  }
0xe: {  	s13 =	sshrl.u32 s13, $0x3;
	s12 =	sadd.s32 s5, s0;
	s0 =	sadd.s32 s29, s0  }
0xf: {  	s10 =	smax.u32 s1, $0x1;
	s26 =	simm.s32 $0x7;
	s5 =	sadd.s32 $0xAB000, s0  }
0x10: {  	s7 =	sadd.s32 $0x103E00, s12;
	s8 =	sadd.s32 $0x3DE00, s12;
	s9 =	sadd.s32 $0x15D000, s0  }
0x11: {  	s11 =	sadd.s32 $0x3DE90, s12;
	s12 =	sadd.s32 $0x103E90, s12;
	[dreg:$0x3] =	wrdreg s5  }
.LBB2_4:
0x12: {  	_ =	swait.ge [sflag:s22], $0x2400  }
0x13: {  	[sflag:s22] =	ssyncset.done $0x0  }
0x14: {  	[sflag:s22] =	ssyncadd.s32 $0xFFFFDC00  }
0x15: {  	_ =	swait.ge [sflag:s24], $0x2400  }
0x16: {  	[sflag:s24] =	ssyncset.done $0x0  }
0x17: {  	[sflag:s24] =	ssyncadd.s32 $0xFFFFDC00  }
0x18: {  	_ =	swait.ge [sflag:s25], $0x2400  }
0x19: {  	s28 =	sadd.s32 $0x1, s28;
	[sflag:s25] =	ssyncset.done $0x0  }
0x1a: {  	p0 =	sne.s32 s28, s10;
	[sflag:s25] =	ssyncadd.s32 $0xFFFFDC00  }
.Ltmp1:
0x1b: {  	[bflag:$0x0] =	sbarrier.arrive $0xFFFF;
	(pc) =	sbr.rel @!p0 .LBB2_5-.Ltmp1, $4  }
0x1c: {  	[hbm:s9], [sflag:s6] =	dma.local [spmem:s13], $0x2C70  }
0x1d: {  	_ =	swait.ge [sflag:s14], $0x2C70  }
0x1e: {  	[sflag:s14] =	ssyncset.done $0x0  }
0x1f: {  	[sflag:s14] =	ssyncadd.s32 $0xFFFFD390  }
.LBB2_1:
0x20: {  	s0 =	rddreg [dreg:$0x3]  }
0x21: {  	[spmem:s13], [sflag:s6] =	dma.local [hbm:s0], $0x2C70  }
0x22: {  	_ =	swait.ge [sflag:s14], $0x2C70  }
0x23: {  	[sflag:s14] =	ssyncset.done $0x0  }
0x24: {  	[sflag:s14] =	ssyncadd.s32 $0xFFFFD390  }
0x25: {  	[tilespmem:s3], [sflag:$0x8] =	stream.linear.gather [hbm4b:s7+s3], $0x480, $0x38;
	[tilespmem:$0x1E180] =	vst v63  }
0x26: {  	_ =	swait.ge [sflag:s14], $0x480  }
0x27: {  	[sflag:s14] =	ssyncset.done $0x0  }
0x28: {  	s15 =	simm.s32 $0x900;
	[sflag:s14] =	ssyncadd.s32 $0xFFFFFB80  }
0x29: {  	[tilespmem:s15], [sflag:$0x8] =	stream.linear.gather [hbm4b:s8+s3], $0x480, $0x38;
	[tilespmem:$0x1E180] =	vst v63  }
0x2a: {  	_ =	swait.ge [sflag:s14], $0x480  }
0x2b: {  	[sflag:s14] =	ssyncset.done $0x0  }
0x2c: {  	[sflag:s14] =	ssyncadd.s32 $0xFFFFFB80  }
0x2d: {  	[tilespmem:s17], [sflag:$0x1] =	stream.indirect.gather [hbm4b:s4+s16], $0x90, s3, s16, $0xb8;
	[tilespmem:$0x1E180] =	vst v63  }
0x2e: {  	s29 =	smov.u32 s12  }
0x2f: {  	[tilespmem:s18], [sflag:$0x2] =	stream.indirect.gather [hbm4b:s4+s16], $0x90, s16, s16, $0xb8;
	[tilespmem:$0x1E180] =	vst v63  }
0x30: {  	s30 =	smov.u32 s11;
	s31 =	simm.s32 $0x0;
	[bflag:$0x0] =	sbarrier.arrive $0xFFFF  }
.LBB2_2:
0x31: {  	s1 =	sand.u32 $0x1, s31  }
0x32: {  	p0 =	seq.s32 s31, $0x8;
	s0 =	sxor.u32 $0x1, s1  }
0x33: {  	s15 =	smul.u32 @!p0 $0x480, s0  }
0x34: {  	s5 =	simm.s32 @!p0 $0x0  }
0x35: {  	[tilespmem:s15], [sflag:$0x7] =	stream.linear.gather @!p0 [hbm4b:s29+s5], $0x480, $0x38;
	[tilespmem:$0x1E180] =	vst v63  }
0x36: {  	p2 =	por $0x0, $0x0;
	s15 =	sadd.s32 @!p0 $0x900, s15  }
0x37: {  	[tilespmem:s15], [sflag:$0x7] =	stream.linear.gather @!p0 [hbm4b:s30+s5], $0x480, $0x38;
	[tilespmem:$0x1E180] =	vst v63  }
0x38: {  	s1 =	smul.u32 $0x480, s1;
	p1 =	seq.s32 @!p0 s31, $0x0;
	_ =	swait.ge [sflag:s19], $0x2400  }
0x39: {  	p2 =	por @!p0 p1, p1;
	[sflag:s19] =	ssyncset.done $0x0  }
0x3a: {  	s15 =	sadd.s32 $0x900, s1;
	s5 =	simm.s32 @!p2 $0x6;
	[sflag:s19] =	ssyncadd.s32 $0xFFFFDC00  }
0x3b: {  	[spmem:s2] =	stream.indirect.scatter.add.f32 [tilespmem:s17], [sflag:$0x4], $0x90, s15, s16, $0xb8;
	[tilespmem:$0x1E180] =	vst v63  }
0x3c: {  	_ =	swait.ge @!p2 [sflag:s5], $0x2400  }
0x3d: {  	[sflag:s5] =	ssyncset.done @!p2 $0x0  }
0x3e: {  	s15 =	sadd.s32 $0x80, s1;
	[sflag:s5] =	ssyncadd.s32 @!p2 $0xFFFFDC00  }
0x3f: {  	[tilespmem:s20], [sflag:$0x3] =	stream.indirect.gather [hbm4b:s4+s16], $0x90, s15, s16, $0xb8;
	[tilespmem:$0x1E180] =	vst v63  }
0x40: {  	_ =	swait.ge [sflag:s21], $0x2400  }
0x41: {  	[sflag:s21] =	ssyncset.done $0x0  }
0x42: {  	s15 =	sadd.s32 $0x940, s1;
	[sflag:s21] =	ssyncadd.s32 $0xFFFFDC00  }
0x43: {  	[spmem:s2] =	stream.indirect.scatter.add.f32 [tilespmem:s18], [sflag:$0x5], $0x90, s15, s16, $0xb8;
	[tilespmem:$0x1E180] =	vst v63  }
0x44: {  	_ =	swait.ge [sflag:s22], $0x2400  }
0x45: {  	[sflag:s22] =	ssyncset.done $0x0  }
0x46: {  	s15 =	sadd.s32 $0xC0, s1;
	[sflag:s22] =	ssyncadd.s32 $0xFFFFDC00  }
0x47: {  	[tilespmem:s17], [sflag:$0x1] =	stream.indirect.gather [hbm4b:s4+s16], $0x90, s15, s16, $0xb8;
	[tilespmem:$0x1E180] =	vst v63  }
0x48: {  	_ =	swait.ge [sflag:s23], $0x2400  }
0x49: {  	[sflag:s23] =	ssyncset.done $0x0  }
0x4a: {  	s15 =	sadd.s32 $0x980, s1;
	[sflag:s23] =	ssyncadd.s32 $0xFFFFDC00  }
0x4b: {  	[spmem:s2] =	stream.indirect.scatter.add.f32 [tilespmem:s20], [sflag:$0x6], $0x90, s15, s16, $0xb8;
	[tilespmem:$0x1E180] =	vst v63  }
0x4c: {  	_ =	swait.ge [sflag:s24], $0x2400  }
0x4d: {  	[sflag:s24] =	ssyncset.done $0x0  }
0x4e: {  	s15 =	sadd.s32 $0x100, s1;
	[sflag:s24] =	ssyncadd.s32 $0xFFFFDC00  }
0x4f: {  	[tilespmem:s18], [sflag:$0x2] =	stream.indirect.gather [hbm4b:s4+s16], $0x90, s15, s16, $0xb8;
	[tilespmem:$0x1E180] =	vst v63  }
0x50: {  	_ =	swait.ge [sflag:s19], $0x2400  }
0x51: {  	[sflag:s19] =	ssyncset.done $0x0  }
0x52: {  	s15 =	sadd.s32 $0x9C0, s1;
	[sflag:s19] =	ssyncadd.s32 $0xFFFFDC00  }
0x53: {  	[spmem:s2] =	stream.indirect.scatter.add.f32 [tilespmem:s17], [sflag:$0x4], $0x90, s15, s16, $0xb8;
	[tilespmem:$0x1E180] =	vst v63  }
0x54: {  	_ =	swait.ge [sflag:s25], $0x2400  }
0x55: {  	[sflag:s25] =	ssyncset.done $0x0  }
0x56: {  	s15 =	sadd.s32 $0x140, s1;
	[sflag:s25] =	ssyncadd.s32 $0xFFFFDC00  }
0x57: {  	[tilespmem:s20], [sflag:$0x3] =	stream.indirect.gather [hbm4b:s4+s16], $0x90, s15, s16, $0xb8;
	[tilespmem:$0x1E180] =	vst v63  }
0x58: {  	_ =	swait.ge [sflag:s21], $0x2400  }
0x59: {  	[sflag:s21] =	ssyncset.done $0x0  }
0x5a: {  	s15 =	sadd.s32 $0xA00, s1;
	[sflag:s21] =	ssyncadd.s32 $0xFFFFDC00  }
0x5b: {  	[spmem:s2] =	stream.indirect.scatter.add.f32 [tilespmem:s18], [sflag:$0x5], $0x90, s15, s16, $0xb8;
	[tilespmem:$0x1E180] =	vst v63  }
0x5c: {  	_ =	swait.ge [sflag:s22], $0x2400  }
0x5d: {  	[sflag:s22] =	ssyncset.done $0x0  }
0x5e: {  	s15 =	sadd.s32 $0x180, s1;
	[sflag:s22] =	ssyncadd.s32 $0xFFFFDC00  }
0x5f: {  	[tilespmem:s17], [sflag:$0x1] =	stream.indirect.gather [hbm4b:s4+s16], $0x90, s15, s16, $0xb8;
	[tilespmem:$0x1E180] =	vst v63  }
0x60: {  	_ =	swait.ge [sflag:s23], $0x2400  }
0x61: {  	[sflag:s23] =	ssyncset.done $0x0  }
0x62: {  	s15 =	sadd.s32 $0xA40, s1;
	[sflag:s23] =	ssyncadd.s32 $0xFFFFDC00  }
0x63: {  	[spmem:s2] =	stream.indirect.scatter.add.f32 [tilespmem:s20], [sflag:$0x6], $0x90, s15, s16, $0xb8;
	[tilespmem:$0x1E180] =	vst v63  }
0x64: {  	_ =	swait.ge [sflag:s24], $0x2400  }
0x65: {  	[sflag:s24] =	ssyncset.done $0x0  }
0x66: {  	s15 =	sadd.s32 $0x1C0, s1;
	[sflag:s24] =	ssyncadd.s32 $0xFFFFDC00  }
0x67: {  	[tilespmem:s18], [sflag:$0x2] =	stream.indirect.gather [hbm4b:s4+s16], $0x90, s15, s16, $0xb8;
	[tilespmem:$0x1E180] =	vst v63  }
0x68: {  	_ =	swait.ge [sflag:s19], $0x2400  }
0x69: {  	[sflag:s19] =	ssyncset.done $0x0  }
0x6a: {  	s15 =	sadd.s32 $0xA80, s1;
	[sflag:s19] =	ssyncadd.s32 $0xFFFFDC00  }
0x6b: {  	[spmem:s2] =	stream.indirect.scatter.add.f32 [tilespmem:s17], [sflag:$0x4], $0x90, s15, s16, $0xb8;
	[tilespmem:$0x1E180] =	vst v63  }
0x6c: {  	_ =	swait.ge [sflag:s25], $0x2400  }
0x6d: {  	[sflag:s25] =	ssyncset.done $0x0  }
0x6e: {  	s15 =	sadd.s32 $0x200, s1;
	[sflag:s25] =	ssyncadd.s32 $0xFFFFDC00  }
0x6f: {  	[tilespmem:s20], [sflag:$0x3] =	stream.indirect.gather [hbm4b:s4+s16], $0x90, s15, s16, $0xb8;
	[tilespmem:$0x1E180] =	vst v63  }
0x70: {  	_ =	swait.ge [sflag:s21], $0x2400  }
0x71: {  	[sflag:s21] =	ssyncset.done $0x0  }
0x72: {  	s15 =	sadd.s32 $0xAC0, s1;
	[sflag:s21] =	ssyncadd.s32 $0xFFFFDC00  }
0x73: {  	[spmem:s2] =	stream.indirect.scatter.add.f32 [tilespmem:s18], [sflag:$0x5], $0x90, s15, s16, $0xb8;
	[tilespmem:$0x1E180] =	vst v63  }
0x74: {  	_ =	swait.ge [sflag:s22], $0x2400  }
0x75: {  	[sflag:s22] =	ssyncset.done $0x0  }
0x76: {  	s15 =	sadd.s32 $0x240, s1;
	[sflag:s22] =	ssyncadd.s32 $0xFFFFDC00  }
0x77: {  	[tilespmem:s17], [sflag:$0x1] =	stream.indirect.gather [hbm4b:s4+s16], $0x90, s15, s16, $0xb8;
	[tilespmem:$0x1E180] =	vst v63  }
0x78: {  	_ =	swait.ge [sflag:s23], $0x2400  }
0x79: {  	[sflag:s23] =	ssyncset.done $0x0  }
0x7a: {  	s15 =	sadd.s32 $0xB00, s1;
	[sflag:s23] =	ssyncadd.s32 $0xFFFFDC00  }
0x7b: {  	[spmem:s2] =	stream.indirect.scatter.add.f32 [tilespmem:s20], [sflag:$0x6], $0x90, s15, s16, $0xb8;
	[tilespmem:$0x1E180] =	vst v63  }
0x7c: {  	_ =	swait.ge [sflag:s24], $0x2400  }
0x7d: {  	[sflag:s24] =	ssyncset.done $0x0  }
0x7e: {  	s15 =	sadd.s32 $0x280, s1;
	[sflag:s24] =	ssyncadd.s32 $0xFFFFDC00  }
0x7f: {  	[tilespmem:s18], [sflag:$0x2] =	stream.indirect.gather [hbm4b:s4+s16], $0x90, s15, s16, $0xb8;
	[tilespmem:$0x1E180] =	vst v63  }
0x80: {  	_ =	swait.ge [sflag:s19], $0x2400  }
0x81: {  	[sflag:s19] =	ssyncset.done $0x0  }
0x82: {  	s15 =	sadd.s32 $0xB40, s1;
	[sflag:s19] =	ssyncadd.s32 $0xFFFFDC00  }
0x83: {  	[spmem:s2] =	stream.indirect.scatter.add.f32 [tilespmem:s17], [sflag:$0x4], $0x90, s15, s16, $0xb8;
	[tilespmem:$0x1E180] =	vst v63  }
0x84: {  	_ =	swait.ge [sflag:s25], $0x2400  }
0x85: {  	[sflag:s25] =	ssyncset.done $0x0  }
0x86: {  	s15 =	sadd.s32 $0x2C0, s1;
	[sflag:s25] =	ssyncadd.s32 $0xFFFFDC00  }
0x87: {  	[tilespmem:s20], [sflag:$0x3] =	stream.indirect.gather [hbm4b:s4+s16], $0x90, s15, s16, $0xb8;
	[tilespmem:$0x1E180] =	vst v63  }
0x88: {  	_ =	swait.ge [sflag:s21], $0x2400  }
0x89: {  	[sflag:s21] =	ssyncset.done $0x0  }
0x8a: {  	s15 =	sadd.s32 $0xB80, s1;
	[sflag:s21] =	ssyncadd.s32 $0xFFFFDC00  }
0x8b: {  	[spmem:s2] =	stream.indirect.scatter.add.f32 [tilespmem:s18], [sflag:$0x5], $0x90, s15, s16, $0xb8;
	[tilespmem:$0x1E180] =	vst v63  }
0x8c: {  	_ =	swait.ge [sflag:s22], $0x2400  }
0x8d: {  	[sflag:s22] =	ssyncset.done $0x0  }
0x8e: {  	s15 =	sadd.s32 $0x300, s1;
	[sflag:s22] =	ssyncadd.s32 $0xFFFFDC00  }
0x8f: {  	[tilespmem:s17], [sflag:$0x1] =	stream.indirect.gather [hbm4b:s4+s16], $0x90, s15, s16, $0xb8;
	[tilespmem:$0x1E180] =	vst v63  }
0x90: {  	_ =	swait.ge [sflag:s23], $0x2400  }
0x91: {  	[sflag:s23] =	ssyncset.done $0x0  }
0x92: {  	s15 =	sadd.s32 $0xBC0, s1;
	[sflag:s23] =	ssyncadd.s32 $0xFFFFDC00  }
0x93: {  	[spmem:s2] =	stream.indirect.scatter.add.f32 [tilespmem:s20], [sflag:$0x6], $0x90, s15, s16, $0xb8;
	[tilespmem:$0x1E180] =	vst v63  }
0x94: {  	_ =	swait.ge [sflag:s24], $0x2400  }
0x95: {  	[sflag:s24] =	ssyncset.done $0x0  }
0x96: {  	s15 =	sadd.s32 $0x340, s1;
	[sflag:s24] =	ssyncadd.s32 $0xFFFFDC00  }
0x97: {  	[tilespmem:s18], [sflag:$0x2] =	stream.indirect.gather [hbm4b:s4+s16], $0x90, s15, s16, $0xb8;
	[tilespmem:$0x1E180] =	vst v63  }
0x98: {  	_ =	swait.ge [sflag:s19], $0x2400  }
0x99: {  	[sflag:s19] =	ssyncset.done $0x0  }
0x9a: {  	s15 =	sadd.s32 $0xC00, s1;
	[sflag:s19] =	ssyncadd.s32 $0xFFFFDC00  }
0x9b: {  	[spmem:s2] =	stream.indirect.scatter.add.f32 [tilespmem:s17], [sflag:$0x4], $0x90, s15, s16, $0xb8;
	[tilespmem:$0x1E180] =	vst v63  }
0x9c: {  	_ =	swait.ge [sflag:s25], $0x2400  }
0x9d: {  	[sflag:s25] =	ssyncset.done $0x0  }
0x9e: {  	s15 =	sadd.s32 $0x380, s1;
	[sflag:s25] =	ssyncadd.s32 $0xFFFFDC00  }
0x9f: {  	[tilespmem:s20], [sflag:$0x3] =	stream.indirect.gather [hbm4b:s4+s16], $0x90, s15, s16, $0xb8;
	[tilespmem:$0x1E180] =	vst v63  }
0xa0: {  	_ =	swait.ge [sflag:s21], $0x2400  }
0xa1: {  	[sflag:s21] =	ssyncset.done $0x0  }
0xa2: {  	s15 =	sadd.s32 $0xC40, s1;
	[sflag:s21] =	ssyncadd.s32 $0xFFFFDC00  }
0xa3: {  	[spmem:s2] =	stream.indirect.scatter.add.f32 [tilespmem:s18], [sflag:$0x5], $0x90, s15, s16, $0xb8;
	[tilespmem:$0x1E180] =	vst v63  }
0xa4: {  	_ =	swait.ge [sflag:s22], $0x2400  }
0xa5: {  	[sflag:s22] =	ssyncset.done $0x0  }
0xa6: {  	s15 =	sadd.s32 $0x3C0, s1;
	[sflag:s22] =	ssyncadd.s32 $0xFFFFDC00  }
0xa7: {  	[tilespmem:s17], [sflag:$0x1] =	stream.indirect.gather [hbm4b:s4+s16], $0x90, s15, s16, $0xb8;
	[tilespmem:$0x1E180] =	vst v63  }
0xa8: {  	_ =	swait.ge [sflag:s23], $0x2400  }
0xa9: {  	[sflag:s23] =	ssyncset.done $0x0  }
0xaa: {  	s15 =	sadd.s32 $0xC80, s1;
	[sflag:s23] =	ssyncadd.s32 $0xFFFFDC00  }
0xab: {  	[spmem:s2] =	stream.indirect.scatter.add.f32 [tilespmem:s20], [sflag:$0x6], $0x90, s15, s16, $0xb8;
	[tilespmem:$0x1E180] =	vst v63  }
0xac: {  	_ =	swait.ge [sflag:s24], $0x2400  }
0xad: {  	[sflag:s24] =	ssyncset.done $0x0  }
0xae: {  	s15 =	sadd.s32 $0x400, s1;
	[sflag:s24] =	ssyncadd.s32 $0xFFFFDC00  }
0xaf: {  	[tilespmem:s18], [sflag:$0x2] =	stream.indirect.gather [hbm4b:s4+s16], $0x90, s15, s16, $0xb8;
	[tilespmem:$0x1E180] =	vst v63  }
0xb0: {  	_ =	swait.ge [sflag:s19], $0x2400  }
0xb1: {  	[sflag:s19] =	ssyncset.done $0x0  }
0xb2: {  	s15 =	sadd.s32 $0xCC0, s1;
	[sflag:s19] =	ssyncadd.s32 $0xFFFFDC00  }
0xb3: {  	[spmem:s2] =	stream.indirect.scatter.add.f32 [tilespmem:s17], [sflag:$0x4], $0x90, s15, s16, $0xb8;
	[tilespmem:$0x1E180] =	vst v63  }
0xb4: {  	_ =	swait.ge [sflag:s25], $0x2400  }
0xb5: {  	[sflag:s25] =	ssyncset.done $0x0  }
0xb6: {  	s15 =	sadd.s32 $0x440, s1;
	[sflag:s25] =	ssyncadd.s32 $0xFFFFDC00  }
0xb7: {  	[tilespmem:s20], [sflag:$0x3] =	stream.indirect.gather [hbm4b:s4+s16], $0x90, s15, s16, $0xb8;
	[tilespmem:$0x1E180] =	vst v63  }
0xb8: {  	_ =	swait.ge [sflag:s21], $0x2400  }
0xb9: {  	[sflag:s21] =	ssyncset.done $0x0  }
0xba: {  	s15 =	sadd.s32 $0xD00, s1;
	[sflag:s21] =	ssyncadd.s32 $0xFFFFDC00  }
0xbb: {  	[spmem:s2] =	stream.indirect.scatter.add.f32 [tilespmem:s18], [sflag:$0x5], $0x90, s15, s16, $0xb8;
	[tilespmem:$0x1E180] =	vst v63  }
.Ltmp2:
0xbc: {  	_ = 	snop;
	(pc) =	sbr.rel @p0 .LBB2_4-.Ltmp2, $4  }
0xbd: {  	_ =	swait.ge [sflag:s23], $0x2400  }
0xbe: {  	[sflag:s23] =	ssyncset.done $0x0  }
0xbf: {  	s1 =	sadd.s32 $0xD40, s1;
	[sflag:s23] =	ssyncadd.s32 $0xFFFFDC00  }
0xc0: {  	[spmem:s2] =	stream.indirect.scatter.add.f32 [tilespmem:s20], [sflag:$0x6], $0x90, s1, s16, $0xb8;
	[tilespmem:$0x1E180] =	vst v63  }
0xc1: {  	_ =	swait.ge [sflag:s26], $0x480  }
0xc2: {  	[sflag:s26] =	ssyncset.done $0x0  }
0xc3: {  	[sflag:s26] =	ssyncadd.s32 $0xFFFFFB80  }
0xc4: {  	_ =	swait.ge [sflag:s26], $0x480  }
0xc5: {  	[sflag:s26] =	ssyncset.done $0x0  }
0xc6: {  	[sflag:s26] =	ssyncadd.s32 $0xFFFFFB80  }
0xc7: {  	s0 =	smul.u32 $0x1200, s0;
	_ =	swait.ge [sflag:s22], $0x2400  }
0xc8: {  	[sflag:s22] =	ssyncset.done $0x0  }
0xc9: {  	s0 =	sshrl.u32 s0, $0x2;
	[sflag:s22] =	ssyncadd.s32 $0xFFFFDC00  }
0xca: {  	[tilespmem:s17], [sflag:$0x1] =	stream.indirect.gather [hbm4b:s4+s16], $0x90, s0, s16, $0xb8;
	[tilespmem:$0x1E180] =	vst v63  }
.Ltmp3:
0xcb: {  	_ = 	snop;
	(pc) =	sbr.rel .LBB2_2-.Ltmp3, $4  }
0xcc: {  	_ =	swait.ge [sflag:s24], $0x2400  }
0xcd: {  	s31 =	sadd.s32 $0x1, s31;
	s30 =	sadd.s32 $0x90, s30;
	[sflag:s24] =	ssyncset.done $0x0  }
0xce: {  	s29 =	sadd.s32 $0x90, s29;
	s0 =	sor.u32 $0x40, s0;
	[sflag:s24] =	ssyncadd.s32 $0xFFFFDC00  }
0xcf: {  	[tilespmem:s18], [sflag:$0x2] =	stream.indirect.gather [hbm4b:s4+s16], $0x90, s0, s16, $0xb8;
	[tilespmem:$0x1E180] =	vst v63  }
.LBB2_5:
0xd0: {  	_ =	sfence.sel $0x180000  }
0xd1: {  	[bflag:$0x0] =	sbarrier.arrive $0xFFFF  }
0xd2: {  	_ =	strace $0x90000050  }
0xd3: {  	s0 =	stileid.u32;
	[bflag:$0x2] =	sbarrier.arrive $0xFFFF  }
0xd4: {  	p0 =	sne.s32 s0, $0x0;
	s0 =	rddreg [dreg:$0x2]  }
0xd5: {  	s0 =	sadd.s32 @!p0 $0x100000, s0  }
0xd6: {  	[sflag:s0] =	ssyncadd.tile.s32 @!p0 $0x1;
	_ =	shalt  }
.Lfunc_end2:
_tile_overlayer_lowered:
.L_overlay_start_2:
0xd7: {  	(tag) =	ssettag $0x2  }
0xd8: {  	s0 =	rddreg [dreg:$0x0];
	s2 =	stileid.u32  }
0xd9: {  	s1 =	rddreg [dreg:$0x1];
	p0 =	sne.s32 s2, $0x0  }
0xda: {  	s3 =	rddreg [dreg:$0x2];
	[bflag:$0x3] =	sbarrier.arrive $0xFFFF;
	s2 =	simm.s32 @!p0 $0x1C08  }
0xdb: {  	[timem:s3], [sflag:s2] =	dma.local @!p0 [hbm:s0], s1  }
0xdc: {  	s0 =	simm.s32 @!p0 $0x8  }
0xdd: {  	_ =	swait.ge @!p0 [sflag:s0], s1  }
0xde: {  	s1 =	ssub.s32 @!p0 $0x0, s1;
	[sflag:s0] =	ssyncset.done @!p0 $0x0  }
0xdf: {  	[sflag:s0] =	ssyncadd.s32 @!p0 s1  }
0xe0: {  	[bflag:$0x3] =	sbarrier.arrive $0xFFFF  }
0xe1: {  	_ =	shalt  }

</sc_bundles>
